<compile_context>
chip_gen: v7x
topology: tpu7x:2x2x1
jax: 0.10.2.dev20260603
libtpu: 0.0.44.dev20260713+nightly
codegen_flags: <defaults>
</compile_context>

<pallas_src>
import functools

import jax
import jax.numpy as jnp
from jax import lax
from jax.experimental import pallas as pl
from jax.experimental.pallas import tpu as pltpu
from jax.experimental.pallas import tpu_sc as plsc

N = 100000
E = 6400000
LANES = 128
ROWS = 784
NP = ROWS * LANES
NC = 2
NS = 16
NW = NC * NS
PT = NP // NS
CA = 5120
CB = 1280
NCH_A = E // CA
NCH_B = E // CB
ZCH = 1568
L = 16
RING = 4

_mesh = plsc.VectorSubcoreMesh(core_axis_name="c", subcore_axis_name="s")
_sc_params = pltpu.CompilerParams(needs_layout_passes=False)


def _zero_shared(buf, acc_sh, s):

    def fill(i, carry):
        buf[pl.ds(i * L, L)] = jnp.zeros((L,), jnp.float32)
        return carry

    lax.fori_loop(0, ZCH // L, fill, 0)
    for q in range(4):
        pltpu.sync_copy(buf.at[pl.ds(0, ZCH)],
                        acc_sh.at[pl.ds(s * PT + q * ZCH, ZCH)])


@functools.partial(
    pl.kernel,
    out_type=jax.ShapeDtypeStruct((NW, PT), jnp.float32),
    mesh=_mesh,
    compiler_params=_sc_params,
    scratch_types=[
        [pltpu.VMEM((2, CA), jnp.int32) for _ in range(RING)],
        [pltpu.VMEM((CA,), jnp.float32) for _ in range(RING)],
        [pltpu.VMEM((CA,), jnp.int32) for _ in range(RING)],
        pltpu.VMEM_SHARED((NP,), jnp.float32),
        [pltpu.SemaphoreType.DMA for _ in range(RING)],
        [pltpu.SemaphoreType.DMA for _ in range(RING)],
    ],
)
def _degree(ei_hbm, w_hbm, out, e_b, w_b, col_c, acc_sh, in_sems, sc_sems):
    c = lax.axis_index("c")
    s = lax.axis_index("s")
    wid = c * NS + s
    nch_w = jnp.where(wid < NCH_A % NW, NCH_A // NW + 1, NCH_A // NW)

    def in_start(k, r):
        base = pl.multiple_of((wid + NW * k) * CA, LANES)
        pltpu.async_copy(ei_hbm.at[pl.ds(0, 2), pl.ds(base, CA)],
                         e_b[r], in_sems[r])
        pltpu.async_copy(w_hbm.at[pl.ds(base, CA)], w_b[r], in_sems[r])

    def in_wait(r):
        pltpu.make_async_copy(ei_hbm.at[pl.ds(0, 2), pl.ds(0, CA)],
                              e_b[r], in_sems[r]).wait()
        pltpu.make_async_copy(w_hbm.at[pl.ds(0, CA)], w_b[r], in_sems[r]).wait()

    def sc_wait(r):
        pltpu.make_async_copy(w_b[r], acc_sh.at[col_c[r]], sc_sems[r]).wait()

    in_start(0, 0)
    in_start(1, 1)
    _zero_shared(w_b[3], acc_sh, s)
    plsc.subcore_barrier()

    def step(t, carry):
        for u in range(RING):
            k = t * RING + u

            @pl.when(k < nch_w)
            def _():
                in_wait(u)

                @plsc.parallel_loop(0, CA // L, unroll=8)
                def cpy(j):
                    sl = pl.ds(j * L, L)
                    col_c[u][sl] = e_b[u][1, sl]

                pltpu.async_copy(w_b[u], acc_sh.at[col_c[u]],
                                 sc_sems[u], add=True)
                nxt = (u + 2) % RING

                @pl.when(k >= 2)
                def _():
                    sc_wait(nxt)

                @pl.when(k + 2 < nch_w)
                def _():
                    in_start(k + 2, nxt)

        return carry

    lax.fori_loop(0, (NCH_A // NW + 1 + RING - 1) // RING, step, 0)
    for u in range(RING):
        @pl.when((nch_w - 1 - u) % RING <= 1)
        def _():
            sc_wait(u)
    plsc.subcore_barrier()
    pltpu.sync_copy(acc_sh.at[pl.ds(s * PT, PT)], out.at[wid])


@functools.partial(
    pl.kernel,
    out_type=jax.ShapeDtypeStruct((NW, PT), jnp.float32),
    mesh=_mesh,
    compiler_params=_sc_params,
    scratch_types=[
        pltpu.VMEM((NP,), jnp.float32),
        [pltpu.VMEM((2, CB), jnp.int32) for _ in range(RING)],
        [pltpu.VMEM((CB,), jnp.float32) for _ in range(RING)],
        [pltpu.VMEM((CB,), jnp.int32) for _ in range(RING)],
        pltpu.VMEM_SHARED((NP,), jnp.float32),
        [pltpu.SemaphoreType.DMA for _ in range(RING)],
        [pltpu.SemaphoreType.DMA for _ in range(RING)],
    ],
)
def _prop(ei_hbm, w_hbm, table_hbm, out,
          table_v, e_b, w_b, col_c, acc_sh, in_sems, sc_sems):
    c = lax.axis_index("c")
    s = lax.axis_index("s")
    wid = c * NS + s
    nch_w = jnp.where(wid < NCH_B % NW, NCH_B // NW + 1, NCH_B // NW)

    def in_start(k, r):
        base = pl.multiple_of((wid + NW * k) * CB, LANES)
        pltpu.async_copy(ei_hbm.at[pl.ds(0, 2), pl.ds(base, CB)],
                         e_b[r], in_sems[r])
        pltpu.async_copy(w_hbm.at[pl.ds(base, CB)], w_b[r], in_sems[r])

    def in_wait(r):
        pltpu.make_async_copy(ei_hbm.at[pl.ds(0, 2), pl.ds(0, CB)],
                              e_b[r], in_sems[r]).wait()
        pltpu.make_async_copy(w_hbm.at[pl.ds(0, CB)], w_b[r], in_sems[r]).wait()

    def sc_wait(r):
        pltpu.make_async_copy(w_b[r], acc_sh.at[col_c[r]], sc_sems[r]).wait()

    in_start(0, 0)
    in_start(1, 1)
    pltpu.sync_copy(table_hbm, table_v)
    _zero_shared(w_b[3], acc_sh, s)
    plsc.subcore_barrier()

    def step(t, carry):
        for u in range(RING):
            k = t * RING + u

            @pl.when(k < nch_w)
            def _():
                in_wait(u)

                @plsc.parallel_loop(0, CB // L, unroll=8)
                def grp(j):
                    sl = pl.ds(j * L, L)
                    g = plsc.load_gather(table_v, [e_b[u][0, sl]])
                    w_b[u][sl] = g * w_b[u][sl]
                    col_c[u][sl] = e_b[u][1, sl]

                pltpu.async_copy(w_b[u], acc_sh.at[col_c[u]],
                                 sc_sems[u], add=True)
                nxt = (u + 2) % RING

                @pl.when(k >= 2)
                def _():
                    sc_wait(nxt)

                @pl.when(k + 2 < nch_w)
                def _():
                    in_start(k + 2, nxt)

        return carry

    lax.fori_loop(0, (NCH_B // NW + 1 + RING - 1) // RING, step, 0)
    for u in range(RING):
        @pl.when((nch_w - 1 - u) % RING <= 1)
        def _():
            sc_wait(u)
    plsc.subcore_barrier()
    pltpu.sync_copy(acc_sh.at[pl.ds(s * PT, PT)], out.at[wid])


def _stage1_body(d0, d1, x0, x1, wv, dinv_o, a0_o, ua1_o, u2_o):
    deg = d0[...] + d1[...]
    pos = deg > 0.0
    safe = jnp.where(pos, deg, 1.0)
    dinv = jnp.where(pos, lax.rsqrt(safe), 0.0)
    dinv_o[...] = dinv
    a0_o[...] = x0[...] * wv[0] + x1[...] * wv[1]
    ua1_o[...] = dinv * (x0[...] * wv[2] + x1[...] * wv[3])
    u2_o[...] = dinv * (x0[...] * wv[4] + x1[...] * wv[5])


def _stage2_body(t0, t1, dinv, ua1, um_o):
    dv = dinv[...]
    um_o[...] = ua1[...] + dv * dv * (t0[...] + t1[...])


def _stage3_body(s0, s1, dinv, a0, wv, out_o):
    out_o[...] = jnp.maximum(
        a0[...] + dinv[...] * (s0[...] + s1[...]) + wv[6], 0.0)


_vspec = pl.BlockSpec(memory_space=pltpu.VMEM)
_sspec = pl.BlockSpec(memory_space=pltpu.SMEM)
_nshape = jax.ShapeDtypeStruct((ROWS, LANES), jnp.float32)

_stage1 = pl.pallas_call(
    _stage1_body,
    out_shape=(_nshape, _nshape, _nshape, _nshape),
    in_specs=[_vspec, _vspec, _vspec, _vspec, _sspec],
    out_specs=(_vspec, _vspec, _vspec, _vspec),
)

_stage2 = pl.pallas_call(
    _stage2_body,
    out_shape=_nshape,
    in_specs=[_vspec, _vspec, _vspec, _vspec],
    out_specs=_vspec,
)

_stage3 = pl.pallas_call(
    _stage3_body,
    out_shape=_nshape,
    in_specs=[_vspec, _vspec, _vspec, _vspec, _sspec],
    out_specs=_vspec,
)


def _halves(parts):
    p = parts.reshape(NC, ROWS, LANES)
    return p[0], p[1]


def kernel(x, edge_index, edge_weight, W0, W1, W2, b):
    pad = NP - N
    x0 = jnp.pad(x[:, 0], (0, pad)).reshape(ROWS, LANES)
    x1 = jnp.pad(x[:, 1], (0, pad)).reshape(ROWS, LANES)
    wv = jnp.stack([W0[0, 0], W0[1, 0], W1[0, 0], W1[1, 0],
                    W2[0, 0], W2[1, 0], b[0], b[0]])

    deg_parts = _degree(edge_index, edge_weight)
    d0, d1 = _halves(deg_parts)

    dinv, a0, ua1, u2 = _stage1(d0, d1, x0, x1, wv)

    t_parts = _prop(edge_index, edge_weight, u2.reshape(NP))
    t0, t1 = _halves(t_parts)
    um = _stage2(t0, t1, dinv, ua1)

    s_parts = _prop(edge_index, edge_weight, um.reshape(NP))
    s0, s1 = _halves(s_parts)
    out = _stage3(s0, s1, dinv, a0, wv)

    return out.reshape(NP, 1)[:N]

# --- scband reference (transcript-rebuilt; emitter-appended) ---
"""Pipeline reference for scband-gnn-35699768165187 (READ-ONLY COPY).

The authoritative reference and input builder live on the scoring server;
editing this copy changes nothing except your own understanding.
"""

import jax, jax.numpy as jnp
import numpy as np

N = 100000
E = 6400000
D_IN = 2
D_OUT = 1
K = 2

def setup_inputs(seed: int = 0) -> dict:
    key = jax.random.key(seed)
    ks = jax.random.split(key, 8)
    x = jax.random.normal(ks[0], (N, D_IN), dtype=jnp.float32)
    edge_index = jax.random.randint(ks[1], (2, E), 0, N, dtype=jnp.int32)
    edge_weight = jax.random.uniform(ks[2], (E,), dtype=jnp.float32)
    s = 1.0 / np.sqrt(D_IN)
    W0 = jax.random.uniform(ks[3], (D_IN, D_OUT), minval=-s, maxval=s, dtype=jnp.float32)
    W1 = jax.random.uniform(ks[4], (D_IN, D_OUT), minval=-s, maxval=s, dtype=jnp.float32)
    W2 = jax.random.uniform(ks[5], (D_IN, D_OUT), minval=-s, maxval=s, dtype=jnp.float32)
    b = jnp.zeros((D_OUT,), dtype=jnp.float32)
    return {"x": x, "edge_index": edge_index, "edge_weight": edge_weight,
            "W0": W0, "W1": W1, "W2": W2, "b": b}

def reference(x, edge_index, edge_weight, W0, W1, W2, b):
    # TAGConv(in=2, out=1, K=2) with gcn_norm (add_self_loops=False), then ReLU.
    row = edge_index[0]
    col = edge_index[1]
    # symmetric normalization: deg over target nodes (col), norm = d^-1/2[row] * w * d^-1/2[col]
    deg = jnp.zeros((N,), dtype=x.dtype).at[col].add(edge_weight)
    safe_deg = jnp.where(deg > 0, deg, 1.0)
    dinv = jnp.where(deg > 0, 1.0 / jnp.sqrt(safe_deg), 0.0)
    norm = dinv[row] * edge_weight * dinv[col]

    def prop(h):
        msg = h[row] * norm[:, None]            # gather over source nodes
        return jnp.zeros_like(h).at[col].add(msg)  # scatter-add to target nodes

    h0 = x
    h1 = prop(h0)
    h2 = prop(h1)
    out = h0 @ W0 + h1 @ W1 + h2 @ W2 + b
    return jax.nn.relu(out)

if __name__ == "__main__":
    import jax
    _d = setup_inputs()
    print(jax.jit(kernel)(*tuple(_d.values())))

</pallas_src>

<mosaic_0001>
#map = affine_map<(d0, d1) -> (0, 0)>
#map1 = affine_map<(d0, d1) -> (0)>
module attributes {stable_mosaic.version = 14 : i64} {
  func.func @_degree(%arg0: i32, %arg1: i32, %arg2: memref<2x6400000xi32, #tpu.memory_space<hbm>>, %arg3: memref<6400000xf32, #tpu.memory_space<hbm>>, %arg4: memref<32x6272xf32, #tpu.memory_space<hbm>>, %arg5: memref<2x5120xi32, #tpu.memory_space<vmem>>, %arg6: memref<2x5120xi32, #tpu.memory_space<vmem>>, %arg7: memref<2x5120xi32, #tpu.memory_space<vmem>>, %arg8: memref<2x5120xi32, #tpu.memory_space<vmem>>, %arg9: memref<5120xf32, #tpu.memory_space<vmem>>, %arg10: memref<5120xf32, #tpu.memory_space<vmem>>, %arg11: memref<5120xf32, #tpu.memory_space<vmem>>, %arg12: memref<5120xf32, #tpu.memory_space<vmem>>, %arg13: memref<5120xi32, #tpu.memory_space<vmem>>, %arg14: memref<5120xi32, #tpu.memory_space<vmem>>, %arg15: memref<5120xi32, #tpu.memory_space<vmem>>, %arg16: memref<5120xi32, #tpu.memory_space<vmem>>, %arg17: memref<100352xf32, #tpu.memory_space<vmem_shared>>, %arg18: memref<!tpu.dma_semaphore, #tpu.memory_space<semaphore_mem>>, %arg19: memref<!tpu.dma_semaphore, #tpu.memory_space<semaphore_mem>>, %arg20: memref<!tpu.dma_semaphore, #tpu.memory_space<semaphore_mem>>, %arg21: memref<!tpu.dma_semaphore, #tpu.memory_space<semaphore_mem>>, %arg22: memref<!tpu.dma_semaphore, #tpu.memory_space<semaphore_mem>>, %arg23: memref<!tpu.dma_semaphore, #tpu.memory_space<semaphore_mem>>, %arg24: memref<!tpu.dma_semaphore, #tpu.memory_space<semaphore_mem>>, %arg25: memref<!tpu.dma_semaphore, #tpu.memory_space<semaphore_mem>>) attributes {dimension_semantics = [#tpu.dimension_semantics<core_parallel>, #tpu.dimension_semantics<subcore_parallel>], iteration_bounds = array<i64: 2, 16>, scalar_prefetch = 0 : i64, scratch_operands = 21 : i64, tpu.core_type = #tpu.core_type<sc_vector_subcore>, window_params = [{transform_indices = #map}, {transform_indices = #map1}, {transform_indices = #map}]} {
    %mul3A = arith.constant 16 : i32
    %mul3A_0 = arith.muli %arg0, %mul3A : i32
    %add3A = arith.addi %mul3A_0, %arg1 : i32
    %lt3A = arith.constant 2 : i32
    %lt3A_1 = arith.cmpi slt, %add3A, %lt3A : i32
    %jit3A = arith.constant 40 : i32
    %jit3A_2 = arith.constant 39 : i32
    %select_n3A = arith.select %lt3A_1, %jit3A, %jit3A_2 : i32
    %add3A_3 = arith.constant 0 : i32
    %add3A_4 = arith.addi %add3A, %add3A_3 : i32
    %mul3A_5 = arith.constant 5120 : i32
    %mul3A_6 = arith.muli %add3A_4, %mul3A_5 : i32
    %multiple_of3A = tpu.assume_multiple %mul3A_6, 128 : i32
    %dma_start3A = arith.constant 0 : i32
    %dma_start3A_7 = tpu.memref_slice %arg2[%dma_start3A, %multiple_of3A] : memref<2x6400000xi32, #tpu.memory_space<hbm>> -> memref<2x5120xi32, #tpu.memory_space<hbm>>
    %dma_start3A_8 = arith.constant 0 : i32
    %dma_start3A_9 = tpu.memref_slice %arg2[%dma_start3A_8, %multiple_of3A] : memref<2x6400000xi32, #tpu.memory_space<hbm>> -> memref<2x5120xi32, #tpu.memory_space<hbm>>
    tpu.enqueue_dma source(%dma_start3A_9 : memref<2x5120xi32, #tpu.memory_space<hbm>>) target(%arg5 : memref<2x5120xi32, #tpu.memory_space<vmem>>) target_semaphore(%arg18 : memref<!tpu.dma_semaphore, #tpu.memory_space<semaphore_mem>>)
    %dma_start3A_10 = tpu.memref_slice %arg3[%multiple_of3A] : memref<6400000xf32, #tpu.memory_space<hbm>> -> memref<5120xf32, #tpu.memory_space<hbm>>
    %dma_start3A_11 = tpu.memref_slice %arg3[%multiple_of3A] : memref<6400000xf32, #tpu.memory_space<hbm>> -> memref<5120xf32, #tpu.memory_space<hbm>>
    tpu.enqueue_dma source(%dma_start3A_11 : memref<5120xf32, #tpu.memory_space<hbm>>) target(%arg9 : memref<5120xf32, #tpu.memory_space<vmem>>) target_semaphore(%arg18 : memref<!tpu.dma_semaphore, #tpu.memory_space<semaphore_mem>>)
    %add3A_12 = arith.constant 32 : i32
    %add3A_13 = arith.addi %add3A, %add3A_12 : i32
    %mul3A_14 = arith.constant 5120 : i32
    %mul3A_15 = arith.muli %add3A_13, %mul3A_14 : i32
    %multiple_of3A_16 = tpu.assume_multiple %mul3A_15, 128 : i32
    %dma_start3A_17 = arith.constant 0 : i32
    %dma_start3A_18 = tpu.memref_slice %arg2[%dma_start3A_17, %multiple_of3A_16] : memref<2x6400000xi32, #tpu.memory_space<hbm>> -> memref<2x5120xi32, #tpu.memory_space<hbm>>
    %dma_start3A_19 = arith.constant 0 : i32
    %dma_start3A_20 = tpu.memref_slice %arg2[%dma_start3A_19, %multiple_of3A_16] : memref<2x6400000xi32, #tpu.memory_space<hbm>> -> memref<2x5120xi32, #tpu.memory_space<hbm>>
    tpu.enqueue_dma source(%dma_start3A_20 : memref<2x5120xi32, #tpu.memory_space<hbm>>) target(%arg6 : memref<2x5120xi32, #tpu.memory_space<vmem>>) target_semaphore(%arg19 : memref<!tpu.dma_semaphore, #tpu.memory_space<semaphore_mem>>)
    %dma_start3A_21 = tpu.memref_slice %arg3[%multiple_of3A_16] : memref<6400000xf32, #tpu.memory_space<hbm>> -> memref<5120xf32, #tpu.memory_space<hbm>>
    %dma_start3A_22 = tpu.memref_slice %arg3[%multiple_of3A_16] : memref<6400000xf32, #tpu.memory_space<hbm>> -> memref<5120xf32, #tpu.memory_space<hbm>>
    tpu.enqueue_dma source(%dma_start3A_22 : memref<5120xf32, #tpu.memory_space<hbm>>) target(%arg10 : memref<5120xf32, #tpu.memory_space<vmem>>) target_semaphore(%arg19 : memref<!tpu.dma_semaphore, #tpu.memory_space<semaphore_mem>>)
    %scan3A = arith.constant 0 : i32
    %scan3A_23 = arith.constant 0 : i32
    %scan3A_24 = arith.constant 98 : i32
    %scan3A_25 = arith.addi %scan3A_23, %scan3A_24 : i32
    %scan3A_26 = arith.constant 1 : i32
    scf.for %scan3A_145 = %scan3A_23 to %scan3A_25 step %scan3A_26  : i32 {
      %broadcast_in_dim3A = arith.constant 0.000000e+00 : f32
      %broadcast_in_dim3A_146 = vector.broadcast %broadcast_in_dim3A : f32 to vector<16xf32>
      %mul3A_147 = arith.constant 16 : i32
      %mul3A_148 = arith.muli %scan3A_145, %mul3A_147 : i32
      %swap3A = arith.index_cast %mul3A_148 : i32 to index
      %swap3A_149 = tpu.vector_load %arg12[%swap3A] {strides = array<i32>} : memref<5120xf32, #tpu.memory_space<vmem>>, vector<16xf32>,
      tpu.vector_store %arg12[%swap3A], %broadcast_in_dim3A_146 {strides = array<i32>} : memref<5120xf32, #tpu.memory_space<vmem>>, vector<16xf32>,
    }
    %scan3A_27 = arith.constant 98 : i32
    %mul3A_28 = arith.constant 6272 : i32
    %mul3A_29 = arith.muli %arg1, %mul3A_28 : i32
    %add3A_30 = arith.constant 0 : i32
    %add3A_31 = arith.addi %mul3A_29, %add3A_30 : i32
    "tpu.region"() ({
      %run_scoped3A = tpu.sem_alloc : memref<!tpu.dma_semaphore, #tpu.memory_space<semaphore_mem>>
      %dma_start3A_145 = arith.constant 0 : i32
      %dma_start3A_146 = tpu.memref_slice %arg12[%dma_start3A_145] : memref<5120xf32, #tpu.memory_space<vmem>> -> memref<1568xf32, #tpu.memory_space<vmem>>
      %dma_start3A_147 = tpu.memref_slice %arg17[%add3A_31] : memref<100352xf32, #tpu.memory_space<vmem_shared>> -> memref<1568xf32, #tpu.memory_space<vmem_shared>>
      %dma_start3A_148 = tpu.memref_slice %arg17[%add3A_31] : memref<100352xf32, #tpu.memory_space<vmem_shared>> -> memref<1568xf32, #tpu.memory_space<vmem_shared>>
      %dma_start3A_149 = arith.constant 0 : i32
      %dma_start3A_150 = tpu.memref_slice %arg12[%dma_start3A_149] : memref<5120xf32, #tpu.memory_space<vmem>> -> memref<1568xf32, #tpu.memory_space<vmem>>
      tpu.enqueue_dma source(%dma_start3A_150 : memref<1568xf32, #tpu.memory_space<vmem>>) target(%dma_start3A_148 : memref<1568xf32, #tpu.memory_space<vmem_shared>>) target_semaphore(%run_scoped3A : memref<!tpu.dma_semaphore, #tpu.memory_space<semaphore_mem>>)
      %dma_wait3A = arith.constant 0 : i32
      %dma_wait3A_151 = tpu.memref_slice %arg12[%dma_wait3A] : memref<5120xf32, #tpu.memory_space<vmem>> -> memref<1568xf32, #tpu.memory_space<vmem>>
      %dma_wait3A_152 = tpu.memref_slice %arg17[%add3A_31] : memref<100352xf32, #tpu.memory_space<vmem_shared>> -> memref<1568xf32, #tpu.memory_space<vmem_shared>>
      %dma_wait3A_153 = tpu.memref_slice %arg17[%add3A_31] : memref<100352xf32, #tpu.memory_space<vmem_shared>> -> memref<1568xf32, #tpu.memory_space<vmem_shared>>
      %dma_wait3A_154 = arith.constant 0 : i32
      %dma_wait3A_155 = tpu.memref_slice %arg12[%dma_wait3A_154] : memref<5120xf32, #tpu.memory_space<vmem>> -> memref<1568xf32, #tpu.memory_space<vmem>>
      tpu.wait_dma2 semaphore(%run_scoped3A : memref<!tpu.dma_semaphore, #tpu.memory_space<semaphore_mem>>) src(%dma_wait3A_155 : memref<1568xf32, #tpu.memory_space<vmem>>) dst(%dma_wait3A_153 : memref<1568xf32, #tpu.memory_space<vmem_shared>>)
      tpu.yield
    }) : () -> ()
    %mul3A_32 = arith.constant 6272 : i32
    %mul3A_33 = arith.muli %arg1, %mul3A_32 : i32
    %add3A_34 = arith.constant 1568 : i32
    %add3A_35 = arith.addi %mul3A_33, %add3A_34 : i32
    "tpu.region"() ({
      %run_scoped3A = tpu.sem_alloc : memref<!tpu.dma_semaphore, #tpu.memory_space<semaphore_mem>>
      %dma_start3A_145 = arith.constant 0 : i32
      %dma_start3A_146 = tpu.memref_slice %arg12[%dma_start3A_145] : memref<5120xf32, #tpu.memory_space<vmem>> -> memref<1568xf32, #tpu.memory_space<vmem>>
      %dma_start3A_147 = tpu.memref_slice %arg17[%add3A_35] : memref<100352xf32, #tpu.memory_space<vmem_shared>> -> memref<1568xf32, #tpu.memory_space<vmem_shared>>
      %dma_start3A_148 = tpu.memref_slice %arg17[%add3A_35] : memref<100352xf32, #tpu.memory_space<vmem_shared>> -> memref<1568xf32, #tpu.memory_space<vmem_shared>>
      %dma_start3A_149 = arith.constant 0 : i32
      %dma_start3A_150 = tpu.memref_slice %arg12[%dma_start3A_149] : memref<5120xf32, #tpu.memory_space<vmem>> -> memref<1568xf32, #tpu.memory_space<vmem>>
      tpu.enqueue_dma source(%dma_start3A_150 : memref<1568xf32, #tpu.memory_space<vmem>>) target(%dma_start3A_148 : memref<1568xf32, #tpu.memory_space<vmem_shared>>) target_semaphore(%run_scoped3A : memref<!tpu.dma_semaphore, #tpu.memory_space<semaphore_mem>>)
      %dma_wait3A = arith.constant 0 : i32
      %dma_wait3A_151 = tpu.memref_slice %arg12[%dma_wait3A] : memref<5120xf32, #tpu.memory_space<vmem>> -> memref<1568xf32, #tpu.memory_space<vmem>>
      %dma_wait3A_152 = tpu.memref_slice %arg17[%add3A_35] : memref<100352xf32, #tpu.memory_space<vmem_shared>> -> memref<1568xf32, #tpu.memory_space<vmem_shared>>
      %dma_wait3A_153 = tpu.memref_slice %arg17[%add3A_35] : memref<100352xf32, #tpu.memory_space<vmem_shared>> -> memref<1568xf32, #tpu.memory_space<vmem_shared>>
      %dma_wait3A_154 = arith.constant 0 : i32
      %dma_wait3A_155 = tpu.memref_slice %arg12[%dma_wait3A_154] : memref<5120xf32, #tpu.memory_space<vmem>> -> memref<1568xf32, #tpu.memory_space<vmem>>
      tpu.wait_dma2 semaphore(%run_scoped3A : memref<!tpu.dma_semaphore, #tpu.memory_space<semaphore_mem>>) src(%dma_wait3A_155 : memref<1568xf32, #tpu.memory_space<vmem>>) dst(%dma_wait3A_153 : memref<1568xf32, #tpu.memory_space<vmem_shared>>)
      tpu.yield
    }) : () -> ()
    %mul3A_36 = arith.constant 6272 : i32
    %mul3A_37 = arith.muli %arg1, %mul3A_36 : i32
    %add3A_38 = arith.constant 3136 : i32
    %add3A_39 = arith.addi %mul3A_37, %add3A_38 : i32
    "tpu.region"() ({
      %run_scoped3A = tpu.sem_alloc : memref<!tpu.dma_semaphore, #tpu.memory_space<semaphore_mem>>
      %dma_start3A_145 = arith.constant 0 : i32
      %dma_start3A_146 = tpu.memref_slice %arg12[%dma_start3A_145] : memref<5120xf32, #tpu.memory_space<vmem>> -> memref<1568xf32, #tpu.memory_space<vmem>>
      %dma_start3A_147 = tpu.memref_slice %arg17[%add3A_39] : memref<100352xf32, #tpu.memory_space<vmem_shared>> -> memref<1568xf32, #tpu.memory_space<vmem_shared>>
      %dma_start3A_148 = tpu.memref_slice %arg17[%add3A_39] : memref<100352xf32, #tpu.memory_space<vmem_shared>> -> memref<1568xf32, #tpu.memory_space<vmem_shared>>
      %dma_start3A_149 = arith.constant 0 : i32
      %dma_start3A_150 = tpu.memref_slice %arg12[%dma_start3A_149] : memref<5120xf32, #tpu.memory_space<vmem>> -> memref<1568xf32, #tpu.memory_space<vmem>>
      tpu.enqueue_dma source(%dma_start3A_150 : memref<1568xf32, #tpu.memory_space<vmem>>) target(%dma_start3A_148 : memref<1568xf32, #tpu.memory_space<vmem_shared>>) target_semaphore(%run_scoped3A : memref<!tpu.dma_semaphore, #tpu.memory_space<semaphore_mem>>)
      %dma_wait3A = arith.constant 0 : i32
      %dma_wait3A_151 = tpu.memref_slice %arg12[%dma_wait3A] : memref<5120xf32, #tpu.memory_space<vmem>> -> memref<1568xf32, #tpu.memory_space<vmem>>
      %dma_wait3A_152 = tpu.memref_slice %arg17[%add3A_39] : memref<100352xf32, #tpu.memory_space<vmem_shared>> -> memref<1568xf32, #tpu.memory_space<vmem_shared>>
      %dma_wait3A_153 = tpu.memref_slice %arg17[%add3A_39] : memref<100352xf32, #tpu.memory_space<vmem_shared>> -> memref<1568xf32, #tpu.memory_space<vmem_shared>>
      %dma_wait3A_154 = arith.constant 0 : i32
      %dma_wait3A_155 = tpu.memref_slice %arg12[%dma_wait3A_154] : memref<5120xf32, #tpu.memory_space<vmem>> -> memref<1568xf32, #tpu.memory_space<vmem>>
      tpu.wait_dma2 semaphore(%run_scoped3A : memref<!tpu.dma_semaphore, #tpu.memory_space<semaphore_mem>>) src(%dma_wait3A_155 : memref<1568xf32, #tpu.memory_space<vmem>>) dst(%dma_wait3A_153 : memref<1568xf32, #tpu.memory_space<vmem_shared>>)
      tpu.yield
    }) : () -> ()
    %mul3A_40 = arith.constant 6272 : i32
    %mul3A_41 = arith.muli %arg1, %mul3A_40 : i32
    %add3A_42 = arith.constant 4704 : i32
    %add3A_43 = arith.addi %mul3A_41, %add3A_42 : i32
    "tpu.region"() ({
      %run_scoped3A = tpu.sem_alloc : memref<!tpu.dma_semaphore, #tpu.memory_space<semaphore_mem>>
      %dma_start3A_145 = arith.constant 0 : i32
      %dma_start3A_146 = tpu.memref_slice %arg12[%dma_start3A_145] : memref<5120xf32, #tpu.memory_space<vmem>> -> memref<1568xf32, #tpu.memory_space<vmem>>
      %dma_start3A_147 = tpu.memref_slice %arg17[%add3A_43] : memref<100352xf32, #tpu.memory_space<vmem_shared>> -> memref<1568xf32, #tpu.memory_space<vmem_shared>>
      %dma_start3A_148 = tpu.memref_slice %arg17[%add3A_43] : memref<100352xf32, #tpu.memory_space<vmem_shared>> -> memref<1568xf32, #tpu.memory_space<vmem_shared>>
      %dma_start3A_149 = arith.constant 0 : i32
      %dma_start3A_150 = tpu.memref_slice %arg12[%dma_start3A_149] : memref<5120xf32, #tpu.memory_space<vmem>> -> memref<1568xf32, #tpu.memory_space<vmem>>
      tpu.enqueue_dma source(%dma_start3A_150 : memref<1568xf32, #tpu.memory_space<vmem>>) target(%dma_start3A_148 : memref<1568xf32, #tpu.memory_space<vmem_shared>>) target_semaphore(%run_scoped3A : memref<!tpu.dma_semaphore, #tpu.memory_space<semaphore_mem>>)
      %dma_wait3A = arith.constant 0 : i32
      %dma_wait3A_151 = tpu.memref_slice %arg12[%dma_wait3A] : memref<5120xf32, #tpu.memory_space<vmem>> -> memref<1568xf32, #tpu.memory_space<vmem>>
      %dma_wait3A_152 = tpu.memref_slice %arg17[%add3A_43] : memref<100352xf32, #tpu.memory_space<vmem_shared>> -> memref<1568xf32, #tpu.memory_space<vmem_shared>>
      %dma_wait3A_153 = tpu.memref_slice %arg17[%add3A_43] : memref<100352xf32, #tpu.memory_space<vmem_shared>> -> memref<1568xf32, #tpu.memory_space<vmem_shared>>
      %dma_wait3A_154 = arith.constant 0 : i32
      %dma_wait3A_155 = tpu.memref_slice %arg12[%dma_wait3A_154] : memref<5120xf32, #tpu.memory_space<vmem>> -> memref<1568xf32, #tpu.memory_space<vmem>>
      tpu.wait_dma2 semaphore(%run_scoped3A : memref<!tpu.dma_semaphore, #tpu.memory_space<semaphore_mem>>) src(%dma_wait3A_155 : memref<1568xf32, #tpu.memory_space<vmem>>) dst(%dma_wait3A_153 : memref<1568xf32, #tpu.memory_space<vmem_shared>>)
      tpu.yield
    }) : () -> ()
    %barrier3A = arith.constant 0 : index
    tpu.barrier barrier_id(%barrier3A)
    %scan3A_44 = arith.constant 0 : i32
    %scan3A_45 = arith.constant 0 : i32
    %scan3A_46 = arith.constant 10 : i32
    %scan3A_47 = arith.addi %scan3A_45, %scan3A_46 : i32
    %scan3A_48 = arith.constant 1 : i32
    scf.for %scan3A_145 = %scan3A_45 to %scan3A_47 step %scan3A_48  : i32 {
      %mul3A_146 = arith.constant 4 : i32
      %mul3A_147 = arith.muli %scan3A_145, %mul3A_146 : i32
      %add3A_148 = arith.constant 0 : i32
      %add3A_149 = arith.addi %mul3A_147, %add3A_148 : i32
      %lt3A_150 = arith.cmpi slt, %add3A_149, %select_n3A : i32
      %convert_element_type3A_151 = arith.extui %lt3A_150 : i1 to i32
      %cond3A_152 = arith.constant 0 : i32
      %cond3A_153 = arith.cmpi ne, %convert_element_type3A_151, %cond3A_152 : i32
      scf.if %cond3A_153 {
        %dma_wait3A = arith.constant 0 : i32
        %dma_wait3A_178 = arith.constant 0 : i32
        %dma_wait3A_179 = tpu.memref_slice %arg2[%dma_wait3A, %dma_wait3A_178] : memref<2x6400000xi32, #tpu.memory_space<hbm>> -> memref<2x5120xi32, #tpu.memory_space<hbm>>
        %dma_wait3A_180 = arith.constant 0 : i32
        %dma_wait3A_181 = arith.constant 0 : i32
        %dma_wait3A_182 = tpu.memref_slice %arg2[%dma_wait3A_180, %dma_wait3A_181] : memref<2x6400000xi32, #tpu.memory_space<hbm>> -> memref<2x5120xi32, #tpu.memory_space<hbm>>
        tpu.wait_dma2 semaphore(%arg18 : memref<!tpu.dma_semaphore, #tpu.memory_space<semaphore_mem>>) src(%dma_wait3A_182 : memref<2x5120xi32, #tpu.memory_space<hbm>>) dst(%arg5 : memref<2x5120xi32, #tpu.memory_space<vmem>>)
        %dma_wait3A_183 = arith.constant 0 : i32
        %dma_wait3A_184 = tpu.memref_slice %arg3[%dma_wait3A_183] : memref<6400000xf32, #tpu.memory_space<hbm>> -> memref<5120xf32, #tpu.memory_space<hbm>>
        %dma_wait3A_185 = arith.constant 0 : i32
        %dma_wait3A_186 = tpu.memref_slice %arg3[%dma_wait3A_185] : memref<6400000xf32, #tpu.memory_space<hbm>> -> memref<5120xf32, #tpu.memory_space<hbm>>
        tpu.wait_dma2 semaphore(%arg18 : memref<!tpu.dma_semaphore, #tpu.memory_space<semaphore_mem>>) src(%dma_wait3A_186 : memref<5120xf32, #tpu.memory_space<hbm>>) dst(%arg9 : memref<5120xf32, #tpu.memory_space<vmem>>)
        %parallel_loop3A = arith.constant 0 : i32
        %parallel_loop3A_187 = arith.constant 320 : i32
        %parallel_loop3A_188 = arith.constant 1 : i32
        scf.for %parallel_loop3A_201 = %parallel_loop3A to %parallel_loop3A_187 step %parallel_loop3A_188  : i32 {
          %parallel_loop3A_202 = arith.constant 16 : i32
          %parallel_loop3A_203 = arith.muli %parallel_loop3A_201, %parallel_loop3A_202 : i32
          %parallel_loop3A_204 = arith.constant 1 : i32
          %parallel_loop3A_205 = arith.index_cast %parallel_loop3A_204 : i32 to index
          %parallel_loop3A_206 = arith.index_cast %parallel_loop3A_203 : i32 to index
          %parallel_loop3A_207 = tpu.vector_load %arg5[%parallel_loop3A_205, %parallel_loop3A_206] {strides = array<i32>} : memref<2x5120xi32, #tpu.memory_space<vmem>>, vector<16xi32>,
          %parallel_loop3A_208 = arith.index_cast %parallel_loop3A_203 : i32 to index
          %parallel_loop3A_209 = tpu.vector_load %arg13[%parallel_loop3A_208] {strides = array<i32>} : memref<5120xi32, #tpu.memory_space<vmem>>, vector<16xi32>,
          tpu.vector_store %arg13[%parallel_loop3A_208], %parallel_loop3A_207 {strides = array<i32>} : memref<5120xi32, #tpu.memory_space<vmem>>, vector<16xi32>,
        } {sc.loop_unroll_factor = 8 : i64, sc.parallel_access}
        %dma_start3A_189 = arith.constant 0 : i32
        %dma_start3A_190 = tpu.memref_slice %arg17[%dma_start3A_189] : memref<100352xf32, #tpu.memory_space<vmem_shared>> -> memref<100352xf32, #tpu.memory_space<vmem_shared>>
        tpu.enqueue_indirect_dma source(%arg9 : memref<5120xf32, #tpu.memory_space<vmem>>) target(%dma_start3A_190 : memref<100352xf32, #tpu.memory_space<vmem_shared>>) offsets(%arg13 : memref<5120xi32, #tpu.memory_space<vmem>>) semaphore(%arg22 : memref<!tpu.dma_semaphore, #tpu.memory_space<semaphore_mem>>) {add = true}
        %ge3A = arith.constant 2 : i32
        %ge3A_191 = arith.cmpi sge, %add3A_149, %ge3A : i32
        %convert_element_type3A_192 = arith.extui %ge3A_191 : i1 to i32
        %cond3A_193 = arith.constant 0 : i32
        %cond3A_194 = arith.cmpi ne, %convert_element_type3A_192, %cond3A_193 : i32
        scf.if %cond3A_194 {
          %dma_wait3A_201 = arith.constant 0 : i32
          %dma_wait3A_202 = tpu.memref_slice %arg17[%dma_wait3A_201] : memref<100352xf32, #tpu.memory_space<vmem_shared>> -> memref<100352xf32, #tpu.memory_space<vmem_shared>>
          tpu.wait_indirect_dma semaphore(%arg24 : memref<!tpu.dma_semaphore, #tpu.memory_space<semaphore_mem>>) src(%arg11 : memref<5120xf32, #tpu.memory_space<vmem>>) dst(%dma_wait3A_202 : memref<100352xf32, #tpu.memory_space<vmem_shared>>)
        } else {
        }
        %add3A_195 = arith.constant 2 : i32
        %add3A_196 = arith.addi %add3A_149, %add3A_195 : i32
        %lt3A_197 = arith.cmpi slt, %add3A_196, %select_n3A : i32
        %convert_element_type3A_198 = arith.extui %lt3A_197 : i1 to i32
        %cond3A_199 = arith.constant 0 : i32
        %cond3A_200 = arith.cmpi ne, %convert_element_type3A_198, %cond3A_199 : i32
        scf.if %cond3A_200 {
          %add3A_201 = arith.constant 2 : i32
          %add3A_202 = arith.addi %add3A_149, %add3A_201 : i32
          %mul3A_203 = arith.constant 32 : i32
          %mul3A_204 = arith.muli %mul3A_203, %add3A_202 : i32
          %add3A_205 = arith.addi %add3A, %mul3A_204 : i32
          %mul3A_206 = arith.constant 5120 : i32
          %mul3A_207 = arith.muli %add3A_205, %mul3A_206 : i32
          %multiple_of3A_208 = tpu.assume_multiple %mul3A_207, 128 : i32
          %dma_start3A_209 = arith.constant 0 : i32
          %dma_start3A_210 = tpu.memref_slice %arg2[%dma_start3A_209, %multiple_of3A_208] : memref<2x6400000xi32, #tpu.memory_space<hbm>> -> memref<2x5120xi32, #tpu.memory_space<hbm>>
          %dma_start3A_211 = arith.constant 0 : i32
          %dma_start3A_212 = tpu.memref_slice %arg2[%dma_start3A_211, %multiple_of3A_208] : memref<2x6400000xi32, #tpu.memory_space<hbm>> -> memref<2x5120xi32, #tpu.memory_space<hbm>>
          tpu.enqueue_dma source(%dma_start3A_212 : memref<2x5120xi32, #tpu.memory_space<hbm>>) target(%arg7 : memref<2x5120xi32, #tpu.memory_space<vmem>>) target_semaphore(%arg20 : memref<!tpu.dma_semaphore, #tpu.memory_space<semaphore_mem>>)
          %dma_start3A_213 = tpu.memref_slice %arg3[%multiple_of3A_208] : memref<6400000xf32, #tpu.memory_space<hbm>> -> memref<5120xf32, #tpu.memory_space<hbm>>
          %dma_start3A_214 = tpu.memref_slice %arg3[%multiple_of3A_208] : memref<6400000xf32, #tpu.memory_space<hbm>> -> memref<5120xf32, #tpu.memory_space<hbm>>
          tpu.enqueue_dma source(%dma_start3A_214 : memref<5120xf32, #tpu.memory_space<hbm>>) target(%arg11 : memref<5120xf32, #tpu.memory_space<vmem>>) target_semaphore(%arg20 : memref<!tpu.dma_semaphore, #tpu.memory_space<semaphore_mem>>)
        } else {
        }
      } else {
      }
      %mul3A_154 = arith.constant 4 : i32
      %mul3A_155 = arith.muli %scan3A_145, %mul3A_154 : i32
      %add3A_156 = arith.constant 1 : i32
      %add3A_157 = arith.addi %mul3A_155, %add3A_156 : i32
      %lt3A_158 = arith.cmpi slt, %add3A_157, %select_n3A : i32
      %convert_element_type3A_159 = arith.extui %lt3A_158 : i1 to i32
      %cond3A_160 = arith.constant 0 : i32
      %cond3A_161 = arith.cmpi ne, %convert_element_type3A_159, %cond3A_160 : i32
      scf.if %cond3A_161 {
        %dma_wait3A = arith.constant 0 : i32
        %dma_wait3A_178 = arith.constant 0 : i32
        %dma_wait3A_179 = tpu.memref_slice %arg2[%dma_wait3A, %dma_wait3A_178] : memref<2x6400000xi32, #tpu.memory_space<hbm>> -> memref<2x5120xi32, #tpu.memory_space<hbm>>
        %dma_wait3A_180 = arith.constant 0 : i32
        %dma_wait3A_181 = arith.constant 0 : i32
        %dma_wait3A_182 = tpu.memref_slice %arg2[%dma_wait3A_180, %dma_wait3A_181] : memref<2x6400000xi32, #tpu.memory_space<hbm>> -> memref<2x5120xi32, #tpu.memory_space<hbm>>
        tpu.wait_dma2 semaphore(%arg19 : memref<!tpu.dma_semaphore, #tpu.memory_space<semaphore_mem>>) src(%dma_wait3A_182 : memref<2x5120xi32, #tpu.memory_space<hbm>>) dst(%arg6 : memref<2x5120xi32, #tpu.memory_space<vmem>>)
        %dma_wait3A_183 = arith.constant 0 : i32
        %dma_wait3A_184 = tpu.memref_slice %arg3[%dma_wait3A_183] : memref<6400000xf32, #tpu.memory_space<hbm>> -> memref<5120xf32, #tpu.memory_space<hbm>>
        %dma_wait3A_185 = arith.constant 0 : i32
        %dma_wait3A_186 = tpu.memref_slice %arg3[%dma_wait3A_185] : memref<6400000xf32, #tpu.memory_space<hbm>> -> memref<5120xf32, #tpu.memory_space<hbm>>
        tpu.wait_dma2 semaphore(%arg19 : memref<!tpu.dma_semaphore, #tpu.memory_space<semaphore_mem>>) src(%dma_wait3A_186 : memref<5120xf32, #tpu.memory_space<hbm>>) dst(%arg10 : memref<5120xf32, #tpu.memory_space<vmem>>)
        %parallel_loop3A = arith.constant 0 : i32
        %parallel_loop3A_187 = arith.constant 320 : i32
        %parallel_loop3A_188 = arith.constant 1 : i32
        scf.for %parallel_loop3A_201 = %parallel_loop3A to %parallel_loop3A_187 step %parallel_loop3A_188  : i32 {
          %parallel_loop3A_202 = arith.constant 16 : i32
          %parallel_loop3A_203 = arith.muli %parallel_loop3A_201, %parallel_loop3A_202 : i32
          %parallel_loop3A_204 = arith.constant 1 : i32
          %parallel_loop3A_205 = arith.index_cast %parallel_loop3A_204 : i32 to index
          %parallel_loop3A_206 = arith.index_cast %parallel_loop3A_203 : i32 to index
          %parallel_loop3A_207 = tpu.vector_load %arg6[%parallel_loop3A_205, %parallel_loop3A_206] {strides = array<i32>} : memref<2x5120xi32, #tpu.memory_space<vmem>>, vector<16xi32>,
          %parallel_loop3A_208 = arith.index_cast %parallel_loop3A_203 : i32 to index
          %parallel_loop3A_209 = tpu.vector_load %arg14[%parallel_loop3A_208] {strides = array<i32>} : memref<5120xi32, #tpu.memory_space<vmem>>, vector<16xi32>,
          tpu.vector_store %arg14[%parallel_loop3A_208], %parallel_loop3A_207 {strides = array<i32>} : memref<5120xi32, #tpu.memory_space<vmem>>, vector<16xi32>,
        } {sc.loop_unroll_factor = 8 : i64, sc.parallel_access}
        %dma_start3A_189 = arith.constant 0 : i32
        %dma_start3A_190 = tpu.memref_slice %arg17[%dma_start3A_189] : memref<100352xf32, #tpu.memory_space<vmem_shared>> -> memref<100352xf32, #tpu.memory_space<vmem_shared>>
        tpu.enqueue_indirect_dma source(%arg10 : memref<5120xf32, #tpu.memory_space<vmem>>) target(%dma_start3A_190 : memref<100352xf32, #tpu.memory_space<vmem_shared>>) offsets(%arg14 : memref<5120xi32, #tpu.memory_space<vmem>>) semaphore(%arg23 : memref<!tpu.dma_semaphore, #tpu.memory_space<semaphore_mem>>) {add = true}
        %ge3A = arith.constant 2 : i32
        %ge3A_191 = arith.cmpi sge, %add3A_157, %ge3A : i32
        %convert_element_type3A_192 = arith.extui %ge3A_191 : i1 to i32
        %cond3A_193 = arith.constant 0 : i32
        %cond3A_194 = arith.cmpi ne, %convert_element_type3A_192, %cond3A_193 : i32
        scf.if %cond3A_194 {
          %dma_wait3A_201 = arith.constant 0 : i32
          %dma_wait3A_202 = tpu.memref_slice %arg17[%dma_wait3A_201] : memref<100352xf32, #tpu.memory_space<vmem_shared>> -> memref<100352xf32, #tpu.memory_space<vmem_shared>>
          tpu.wait_indirect_dma semaphore(%arg25 : memref<!tpu.dma_semaphore, #tpu.memory_space<semaphore_mem>>) src(%arg12 : memref<5120xf32, #tpu.memory_space<vmem>>) dst(%dma_wait3A_202 : memref<100352xf32, #tpu.memory_space<vmem_shared>>)
        } else {
        }
        %add3A_195 = arith.constant 2 : i32
        %add3A_196 = arith.addi %add3A_157, %add3A_195 : i32
        %lt3A_197 = arith.cmpi slt, %add3A_196, %select_n3A : i32
        %convert_element_type3A_198 = arith.extui %lt3A_197 : i1 to i32
        %cond3A_199 = arith.constant 0 : i32
        %cond3A_200 = arith.cmpi ne, %convert_element_type3A_198, %cond3A_199 : i32
        scf.if %cond3A_200 {
          %add3A_201 = arith.constant 2 : i32
          %add3A_202 = arith.addi %add3A_157, %add3A_201 : i32
          %mul3A_203 = arith.constant 32 : i32
          %mul3A_204 = arith.muli %mul3A_203, %add3A_202 : i32
          %add3A_205 = arith.addi %add3A, %mul3A_204 : i32
          %mul3A_206 = arith.constant 5120 : i32
          %mul3A_207 = arith.muli %add3A_205, %mul3A_206 : i32
          %multiple_of3A_208 = tpu.assume_multiple %mul3A_207, 128 : i32
          %dma_start3A_209 = arith.constant 0 : i32
          %dma_start3A_210 = tpu.memref_slice %arg2[%dma_start3A_209, %multiple_of3A_208] : memref<2x6400000xi32, #tpu.memory_space<hbm>> -> memref<2x5120xi32, #tpu.memory_space<hbm>>
          %dma_start3A_211 = arith.constant 0 : i32
          %dma_start3A_212 = tpu.memref_slice %arg2[%dma_start3A_211, %multiple_of3A_208] : memref<2x6400000xi32, #tpu.memory_space<hbm>> -> memref<2x5120xi32, #tpu.memory_space<hbm>>
          tpu.enqueue_dma source(%dma_start3A_212 : memref<2x5120xi32, #tpu.memory_space<hbm>>) target(%arg8 : memref<2x5120xi32, #tpu.memory_space<vmem>>) target_semaphore(%arg21 : memref<!tpu.dma_semaphore, #tpu.memory_space<semaphore_mem>>)
          %dma_start3A_213 = tpu.memref_slice %arg3[%multiple_of3A_208] : memref<6400000xf32, #tpu.memory_space<hbm>> -> memref<5120xf32, #tpu.memory_space<hbm>>
          %dma_start3A_214 = tpu.memref_slice %arg3[%multiple_of3A_208] : memref<6400000xf32, #tpu.memory_space<hbm>> -> memref<5120xf32, #tpu.memory_space<hbm>>
          tpu.enqueue_dma source(%dma_start3A_214 : memref<5120xf32, #tpu.memory_space<hbm>>) target(%arg12 : memref<5120xf32, #tpu.memory_space<vmem>>) target_semaphore(%arg21 : memref<!tpu.dma_semaphore, #tpu.memory_space<semaphore_mem>>)
        } else {
        }
      } else {
      }
      %mul3A_162 = arith.constant 4 : i32
      %mul3A_163 = arith.muli %scan3A_145, %mul3A_162 : i32
      %add3A_164 = arith.constant 2 : i32
      %add3A_165 = arith.addi %mul3A_163, %add3A_164 : i32
      %lt3A_166 = arith.cmpi slt, %add3A_165, %select_n3A : i32
      %convert_element_type3A_167 = arith.extui %lt3A_166 : i1 to i32
      %cond3A_168 = arith.constant 0 : i32
      %cond3A_169 = arith.cmpi ne, %convert_element_type3A_167, %cond3A_168 : i32
      scf.if %cond3A_169 {
        %dma_wait3A = arith.constant 0 : i32
        %dma_wait3A_178 = arith.constant 0 : i32
        %dma_wait3A_179 = tpu.memref_slice %arg2[%dma_wait3A, %dma_wait3A_178] : memref<2x6400000xi32, #tpu.memory_space<hbm>> -> memref<2x5120xi32, #tpu.memory_space<hbm>>
        %dma_wait3A_180 = arith.constant 0 : i32
        %dma_wait3A_181 = arith.constant 0 : i32
        %dma_wait3A_182 = tpu.memref_slice %arg2[%dma_wait3A_180, %dma_wait3A_181] : memref<2x6400000xi32, #tpu.memory_space<hbm>> -> memref<2x5120xi32, #tpu.memory_space<hbm>>
        tpu.wait_dma2 semaphore(%arg20 : memref<!tpu.dma_semaphore, #tpu.memory_space<semaphore_mem>>) src(%dma_wait3A_182 : memref<2x5120xi32, #tpu.memory_space<hbm>>) dst(%arg7 : memref<2x5120xi32, #tpu.memory_space<vmem>>)
        %dma_wait3A_183 = arith.constant 0 : i32
        %dma_wait3A_184 = tpu.memref_slice %arg3[%dma_wait3A_183] : memref<6400000xf32, #tpu.memory_space<hbm>> -> memref<5120xf32, #tpu.memory_space<hbm>>
        %dma_wait3A_185 = arith.constant 0 : i32
        %dma_wait3A_186 = tpu.memref_slice %arg3[%dma_wait3A_185] : memref<6400000xf32, #tpu.memory_space<hbm>> -> memref<5120xf32, #tpu.memory_space<hbm>>
        tpu.wait_dma2 semaphore(%arg20 : memref<!tpu.dma_semaphore, #tpu.memory_space<semaphore_mem>>) src(%dma_wait3A_186 : memref<5120xf32, #tpu.memory_space<hbm>>) dst(%arg11 : memref<5120xf32, #tpu.memory_space<vmem>>)
        %parallel_loop3A = arith.constant 0 : i32
        %parallel_loop3A_187 = arith.constant 320 : i32
        %parallel_loop3A_188 = arith.constant 1 : i32
        scf.for %parallel_loop3A_201 = %parallel_loop3A to %parallel_loop3A_187 step %parallel_loop3A_188  : i32 {
          %parallel_loop3A_202 = arith.constant 16 : i32
          %parallel_loop3A_203 = arith.muli %parallel_loop3A_201, %parallel_loop3A_202 : i32
          %parallel_loop3A_204 = arith.constant 1 : i32
          %parallel_loop3A_205 = arith.index_cast %parallel_loop3A_204 : i32 to index
          %parallel_loop3A_206 = arith.index_cast %parallel_loop3A_203 : i32 to index
          %parallel_loop3A_207 = tpu.vector_load %arg7[%parallel_loop3A_205, %parallel_loop3A_206] {strides = array<i32>} : memref<2x5120xi32, #tpu.memory_space<vmem>>, vector<16xi32>,
          %parallel_loop3A_208 = arith.index_cast %parallel_loop3A_203 : i32 to index
          %parallel_loop3A_209 = tpu.vector_load %arg15[%parallel_loop3A_208] {strides = array<i32>} : memref<5120xi32, #tpu.memory_space<vmem>>, vector<16xi32>,
          tpu.vector_store %arg15[%parallel_loop3A_208], %parallel_loop3A_207 {strides = array<i32>} : memref<5120xi32, #tpu.memory_space<vmem>>, vector<16xi32>,
        } {sc.loop_unroll_factor = 8 : i64, sc.parallel_access}
        %dma_start3A_189 = arith.constant 0 : i32
        %dma_start3A_190 = tpu.memref_slice %arg17[%dma_start3A_189] : memref<100352xf32, #tpu.memory_space<vmem_shared>> -> memref<100352xf32, #tpu.memory_space<vmem_shared>>
        tpu.enqueue_indirect_dma source(%arg11 : memref<5120xf32, #tpu.memory_space<vmem>>) target(%dma_start3A_190 : memref<100352xf32, #tpu.memory_space<vmem_shared>>) offsets(%arg15 : memref<5120xi32, #tpu.memory_space<vmem>>) semaphore(%arg24 : memref<!tpu.dma_semaphore, #tpu.memory_space<semaphore_mem>>) {add = true}
        %ge3A = arith.constant 2 : i32
        %ge3A_191 = arith.cmpi sge, %add3A_165, %ge3A : i32
        %convert_element_type3A_192 = arith.extui %ge3A_191 : i1 to i32
        %cond3A_193 = arith.constant 0 : i32
        %cond3A_194 = arith.cmpi ne, %convert_element_type3A_192, %cond3A_193 : i32
        scf.if %cond3A_194 {
          %dma_wait3A_201 = arith.constant 0 : i32
          %dma_wait3A_202 = tpu.memref_slice %arg17[%dma_wait3A_201] : memref<100352xf32, #tpu.memory_space<vmem_shared>> -> memref<100352xf32, #tpu.memory_space<vmem_shared>>
          tpu.wait_indirect_dma semaphore(%arg22 : memref<!tpu.dma_semaphore, #tpu.memory_space<semaphore_mem>>) src(%arg9 : memref<5120xf32, #tpu.memory_space<vmem>>) dst(%dma_wait3A_202 : memref<100352xf32, #tpu.memory_space<vmem_shared>>)
        } else {
        }
        %add3A_195 = arith.constant 2 : i32
        %add3A_196 = arith.addi %add3A_165, %add3A_195 : i32
        %lt3A_197 = arith.cmpi slt, %add3A_196, %select_n3A : i32
        %convert_element_type3A_198 = arith.extui %lt3A_197 : i1 to i32
        %cond3A_199 = arith.constant 0 : i32
        %cond3A_200 = arith.cmpi ne, %convert_element_type3A_198, %cond3A_199 : i32
        scf.if %cond3A_200 {
          %add3A_201 = arith.constant 2 : i32
          %add3A_202 = arith.addi %add3A_165, %add3A_201 : i32
          %mul3A_203 = arith.constant 32 : i32
          %mul3A_204 = arith.muli %mul3A_203, %add3A_202 : i32
          %add3A_205 = arith.addi %add3A, %mul3A_204 : i32
          %mul3A_206 = arith.constant 5120 : i32
          %mul3A_207 = arith.muli %add3A_205, %mul3A_206 : i32
          %multiple_of3A_208 = tpu.assume_multiple %mul3A_207, 128 : i32
          %dma_start3A_209 = arith.constant 0 : i32
          %dma_start3A_210 = tpu.memref_slice %arg2[%dma_start3A_209, %multiple_of3A_208] : memref<2x6400000xi32, #tpu.memory_space<hbm>> -> memref<2x5120xi32, #tpu.memory_space<hbm>>
          %dma_start3A_211 = arith.constant 0 : i32
          %dma_start3A_212 = tpu.memref_slice %arg2[%dma_start3A_211, %multiple_of3A_208] : memref<2x6400000xi32, #tpu.memory_space<hbm>> -> memref<2x5120xi32, #tpu.memory_space<hbm>>
          tpu.enqueue_dma source(%dma_start3A_212 : memref<2x5120xi32, #tpu.memory_space<hbm>>) target(%arg5 : memref<2x5120xi32, #tpu.memory_space<vmem>>) target_semaphore(%arg18 : memref<!tpu.dma_semaphore, #tpu.memory_space<semaphore_mem>>)
          %dma_start3A_213 = tpu.memref_slice %arg3[%multiple_of3A_208] : memref<6400000xf32, #tpu.memory_space<hbm>> -> memref<5120xf32, #tpu.memory_space<hbm>>
          %dma_start3A_214 = tpu.memref_slice %arg3[%multiple_of3A_208] : memref<6400000xf32, #tpu.memory_space<hbm>> -> memref<5120xf32, #tpu.memory_space<hbm>>
          tpu.enqueue_dma source(%dma_start3A_214 : memref<5120xf32, #tpu.memory_space<hbm>>) target(%arg9 : memref<5120xf32, #tpu.memory_space<vmem>>) target_semaphore(%arg18 : memref<!tpu.dma_semaphore, #tpu.memory_space<semaphore_mem>>)
        } else {
        }
      } else {
      }
      %mul3A_170 = arith.constant 4 : i32
      %mul3A_171 = arith.muli %scan3A_145, %mul3A_170 : i32
      %add3A_172 = arith.constant 3 : i32
      %add3A_173 = arith.addi %mul3A_171, %add3A_172 : i32
      %lt3A_174 = arith.cmpi slt, %add3A_173, %select_n3A : i32
      %convert_element_type3A_175 = arith.extui %lt3A_174 : i1 to i32
      %cond3A_176 = arith.constant 0 : i32
      %cond3A_177 = arith.cmpi ne, %convert_element_type3A_175, %cond3A_176 : i32
      scf.if %cond3A_177 {
        %dma_wait3A = arith.constant 0 : i32
        %dma_wait3A_178 = arith.constant 0 : i32
        %dma_wait3A_179 = tpu.memref_slice %arg2[%dma_wait3A, %dma_wait3A_178] : memref<2x6400000xi32, #tpu.memory_space<hbm>> -> memref<2x5120xi32, #tpu.memory_space<hbm>>
        %dma_wait3A_180 = arith.constant 0 : i32
        %dma_wait3A_181 = arith.constant 0 : i32
        %dma_wait3A_182 = tpu.memref_slice %arg2[%dma_wait3A_180, %dma_wait3A_181] : memref<2x6400000xi32, #tpu.memory_space<hbm>> -> memref<2x5120xi32, #tpu.memory_space<hbm>>
        tpu.wait_dma2 semaphore(%arg21 : memref<!tpu.dma_semaphore, #tpu.memory_space<semaphore_mem>>) src(%dma_wait3A_182 : memref<2x5120xi32, #tpu.memory_space<hbm>>) dst(%arg8 : memref<2x5120xi32, #tpu.memory_space<vmem>>)
        %dma_wait3A_183 = arith.constant 0 : i32
        %dma_wait3A_184 = tpu.memref_slice %arg3[%dma_wait3A_183] : memref<6400000xf32, #tpu.memory_space<hbm>> -> memref<5120xf32, #tpu.memory_space<hbm>>
        %dma_wait3A_185 = arith.constant 0 : i32
        %dma_wait3A_186 = tpu.memref_slice %arg3[%dma_wait3A_185] : memref<6400000xf32, #tpu.memory_space<hbm>> -> memref<5120xf32, #tpu.memory_space<hbm>>
        tpu.wait_dma2 semaphore(%arg21 : memref<!tpu.dma_semaphore, #tpu.memory_space<semaphore_mem>>) src(%dma_wait3A_186 : memref<5120xf32, #tpu.memory_space<hbm>>) dst(%arg12 : memref<5120xf32, #tpu.memory_space<vmem>>)
        %parallel_loop3A = arith.constant 0 : i32
        %parallel_loop3A_187 = arith.constant 320 : i32
        %parallel_loop3A_188 = arith.constant 1 : i32
        scf.for %parallel_loop3A_201 = %parallel_loop3A to %parallel_loop3A_187 step %parallel_loop3A_188  : i32 {
          %parallel_loop3A_202 = arith.constant 16 : i32
          %parallel_loop3A_203 = arith.muli %parallel_loop3A_201, %parallel_loop3A_202 : i32
          %parallel_loop3A_204 = arith.constant 1 : i32
          %parallel_loop3A_205 = arith.index_cast %parallel_loop3A_204 : i32 to index
          %parallel_loop3A_206 = arith.index_cast %parallel_loop3A_203 : i32 to index
          %parallel_loop3A_207 = tpu.vector_load %arg8[%parallel_loop3A_205, %parallel_loop3A_206] {strides = array<i32>} : memref<2x5120xi32, #tpu.memory_space<vmem>>, vector<16xi32>,
          %parallel_loop3A_208 = arith.index_cast %parallel_loop3A_203 : i32 to index
          %parallel_loop3A_209 = tpu.vector_load %arg16[%parallel_loop3A_208] {strides = array<i32>} : memref<5120xi32, #tpu.memory_space<vmem>>, vector<16xi32>,
          tpu.vector_store %arg16[%parallel_loop3A_208], %parallel_loop3A_207 {strides = array<i32>} : memref<5120xi32, #tpu.memory_space<vmem>>, vector<16xi32>,
        } {sc.loop_unroll_factor = 8 : i64, sc.parallel_access}
        %dma_start3A_189 = arith.constant 0 : i32
        %dma_start3A_190 = tpu.memref_slice %arg17[%dma_start3A_189] : memref<100352xf32, #tpu.memory_space<vmem_shared>> -> memref<100352xf32, #tpu.memory_space<vmem_shared>>
        tpu.enqueue_indirect_dma source(%arg12 : memref<5120xf32, #tpu.memory_space<vmem>>) target(%dma_start3A_190 : memref<100352xf32, #tpu.memory_space<vmem_shared>>) offsets(%arg16 : memref<5120xi32, #tpu.memory_space<vmem>>) semaphore(%arg25 : memref<!tpu.dma_semaphore, #tpu.memory_space<semaphore_mem>>) {add = true}
        %ge3A = arith.constant 2 : i32
        %ge3A_191 = arith.cmpi sge, %add3A_173, %ge3A : i32
        %convert_element_type3A_192 = arith.extui %ge3A_191 : i1 to i32
        %cond3A_193 = arith.constant 0 : i32
        %cond3A_194 = arith.cmpi ne, %convert_element_type3A_192, %cond3A_193 : i32
        scf.if %cond3A_194 {
          %dma_wait3A_201 = arith.constant 0 : i32
          %dma_wait3A_202 = tpu.memref_slice %arg17[%dma_wait3A_201] : memref<100352xf32, #tpu.memory_space<vmem_shared>> -> memref<100352xf32, #tpu.memory_space<vmem_shared>>
          tpu.wait_indirect_dma semaphore(%arg23 : memref<!tpu.dma_semaphore, #tpu.memory_space<semaphore_mem>>) src(%arg10 : memref<5120xf32, #tpu.memory_space<vmem>>) dst(%dma_wait3A_202 : memref<100352xf32, #tpu.memory_space<vmem_shared>>)
        } else {
        }
        %add3A_195 = arith.constant 2 : i32
        %add3A_196 = arith.addi %add3A_173, %add3A_195 : i32
        %lt3A_197 = arith.cmpi slt, %add3A_196, %select_n3A : i32
        %convert_element_type3A_198 = arith.extui %lt3A_197 : i1 to i32
        %cond3A_199 = arith.constant 0 : i32
        %cond3A_200 = arith.cmpi ne, %convert_element_type3A_198, %cond3A_199 : i32
        scf.if %cond3A_200 {
          %add3A_201 = arith.constant 2 : i32
          %add3A_202 = arith.addi %add3A_173, %add3A_201 : i32
          %mul3A_203 = arith.constant 32 : i32
          %mul3A_204 = arith.muli %mul3A_203, %add3A_202 : i32
          %add3A_205 = arith.addi %add3A, %mul3A_204 : i32
          %mul3A_206 = arith.constant 5120 : i32
          %mul3A_207 = arith.muli %add3A_205, %mul3A_206 : i32
          %multiple_of3A_208 = tpu.assume_multiple %mul3A_207, 128 : i32
          %dma_start3A_209 = arith.constant 0 : i32
          %dma_start3A_210 = tpu.memref_slice %arg2[%dma_start3A_209, %multiple_of3A_208] : memref<2x6400000xi32, #tpu.memory_space<hbm>> -> memref<2x5120xi32, #tpu.memory_space<hbm>>
          %dma_start3A_211 = arith.constant 0 : i32
          %dma_start3A_212 = tpu.memref_slice %arg2[%dma_start3A_211, %multiple_of3A_208] : memref<2x6400000xi32, #tpu.memory_space<hbm>> -> memref<2x5120xi32, #tpu.memory_space<hbm>>
          tpu.enqueue_dma source(%dma_start3A_212 : memref<2x5120xi32, #tpu.memory_space<hbm>>) target(%arg6 : memref<2x5120xi32, #tpu.memory_space<vmem>>) target_semaphore(%arg19 : memref<!tpu.dma_semaphore, #tpu.memory_space<semaphore_mem>>)
          %dma_start3A_213 = tpu.memref_slice %arg3[%multiple_of3A_208] : memref<6400000xf32, #tpu.memory_space<hbm>> -> memref<5120xf32, #tpu.memory_space<hbm>>
          %dma_start3A_214 = tpu.memref_slice %arg3[%multiple_of3A_208] : memref<6400000xf32, #tpu.memory_space<hbm>> -> memref<5120xf32, #tpu.memory_space<hbm>>
          tpu.enqueue_dma source(%dma_start3A_214 : memref<5120xf32, #tpu.memory_space<hbm>>) target(%arg10 : memref<5120xf32, #tpu.memory_space<vmem>>) target_semaphore(%arg19 : memref<!tpu.dma_semaphore, #tpu.memory_space<semaphore_mem>>)
        } else {
        }
      } else {
      }
    }
    %scan3A_49 = arith.constant 10 : i32
    %sub3A = arith.constant 1 : i32
    %sub3A_50 = arith.subi %select_n3A, %sub3A : i32
    %sub3A_51 = arith.constant 0 : i32
    %sub3A_52 = arith.subi %sub3A_50, %sub3A_51 : i32
    %jit3A_53 = arith.constant 4 : i32
    %eq3A = arith.constant 0 : i32
    %eq3A_54 = arith.cmpi eq, %jit3A_53, %eq3A : i32
    %jit3A_55 = arith.constant 1 : i32
    %select_n3A_56 = arith.select %eq3A_54, %jit3A_55, %jit3A_53 : i32
    %rem3A = arith.remsi %sub3A_52, %select_n3A_56 : i32
    %ne3A = arith.constant 0 : i32
    %ne3A_57 = arith.cmpi ne, %rem3A, %ne3A : i32
    %lt3A_58 = arith.constant 0 : i32
    %lt3A_59 = arith.cmpi slt, %rem3A, %lt3A_58 : i32
    %lt3A_60 = arith.constant 0 : i32
    %lt3A_61 = arith.cmpi slt, %select_n3A_56, %lt3A_60 : i32
    %ne3A_62 = arith.xori %lt3A_59, %lt3A_61 : i1
    %and3A = arith.andi %ne3A_62, %ne3A_57 : i1
    %add3A_63 = arith.addi %rem3A, %select_n3A_56 : i32
    %select_n3A_64 = arith.select %and3A, %add3A_63, %rem3A : i32
    %le3A = arith.constant 1 : i32
    %le3A_65 = arith.cmpi sle, %select_n3A_64, %le3A : i32
    %convert_element_type3A = arith.extui %le3A_65 : i1 to i32
    %cond3A = arith.constant 0 : i32
    %cond3A_66 = arith.cmpi ne, %convert_element_type3A, %cond3A : i32
    scf.if %cond3A_66 {
      %dma_wait3A = arith.constant 0 : i32
      %dma_wait3A_145 = tpu.memref_slice %arg17[%dma_wait3A] : memref<100352xf32, #tpu.memory_space<vmem_shared>> -> memref<100352xf32, #tpu.memory_space<vmem_shared>>
      tpu.wait_indirect_dma semaphore(%arg22 : memref<!tpu.dma_semaphore, #tpu.memory_space<semaphore_mem>>) src(%arg9 : memref<5120xf32, #tpu.memory_space<vmem>>) dst(%dma_wait3A_145 : memref<100352xf32, #tpu.memory_space<vmem_shared>>)
    } else {
    }
    %sub3A_67 = arith.constant 1 : i32
    %sub3A_68 = arith.subi %select_n3A, %sub3A_67 : i32
    %sub3A_69 = arith.constant 1 : i32
    %sub3A_70 = arith.subi %sub3A_68, %sub3A_69 : i32
    %jit3A_71 = arith.constant 4 : i32
    %eq3A_72 = arith.constant 0 : i32
    %eq3A_73 = arith.cmpi eq, %jit3A_71, %eq3A_72 : i32
    %jit3A_74 = arith.constant 1 : i32
    %select_n3A_75 = arith.select %eq3A_73, %jit3A_74, %jit3A_71 : i32
    %rem3A_76 = arith.remsi %sub3A_70, %select_n3A_75 : i32
    %ne3A_77 = arith.constant 0 : i32
    %ne3A_78 = arith.cmpi ne, %rem3A_76, %ne3A_77 : i32
    %lt3A_79 = arith.constant 0 : i32
    %lt3A_80 = arith.cmpi slt, %rem3A_76, %lt3A_79 : i32
    %lt3A_81 = arith.constant 0 : i32
    %lt3A_82 = arith.cmpi slt, %select_n3A_75, %lt3A_81 : i32
    %ne3A_83 = arith.xori %lt3A_80, %lt3A_82 : i1
    %and3A_84 = arith.andi %ne3A_83, %ne3A_78 : i1
    %add3A_85 = arith.addi %rem3A_76, %select_n3A_75 : i32
    %select_n3A_86 = arith.select %and3A_84, %add3A_85, %rem3A_76 : i32
    %le3A_87 = arith.constant 1 : i32
    %le3A_88 = arith.cmpi sle, %select_n3A_86, %le3A_87 : i32
    %convert_element_type3A_89 = arith.extui %le3A_88 : i1 to i32
    %cond3A_90 = arith.constant 0 : i32
    %cond3A_91 = arith.cmpi ne, %convert_element_type3A_89, %cond3A_90 : i32
    scf.if %cond3A_91 {
      %dma_wait3A = arith.constant 0 : i32
      %dma_wait3A_145 = tpu.memref_slice %arg17[%dma_wait3A] : memref<100352xf32, #tpu.memory_space<vmem_shared>> -> memref<100352xf32, #tpu.memory_space<vmem_shared>>
      tpu.wait_indirect_dma semaphore(%arg23 : memref<!tpu.dma_semaphore, #tpu.memory_space<semaphore_mem>>) src(%arg10 : memref<5120xf32, #tpu.memory_space<vmem>>) dst(%dma_wait3A_145 : memref<100352xf32, #tpu.memory_space<vmem_shared>>)
    } else {
    }
    %sub3A_92 = arith.constant 1 : i32
    %sub3A_93 = arith.subi %select_n3A, %sub3A_92 : i32
    %sub3A_94 = arith.constant 2 : i32
    %sub3A_95 = arith.subi %sub3A_93, %sub3A_94 : i32
    %jit3A_96 = arith.constant 4 : i32
    %eq3A_97 = arith.constant 0 : i32
    %eq3A_98 = arith.cmpi eq, %jit3A_96, %eq3A_97 : i32
    %jit3A_99 = arith.constant 1 : i32
    %select_n3A_100 = arith.select %eq3A_98, %jit3A_99, %jit3A_96 : i32
    %rem3A_101 = arith.remsi %sub3A_95, %select_n3A_100 : i32
    %ne3A_102 = arith.constant 0 : i32
    %ne3A_103 = arith.cmpi ne, %rem3A_101, %ne3A_102 : i32
    %lt3A_104 = arith.constant 0 : i32
    %lt3A_105 = arith.cmpi slt, %rem3A_101, %lt3A_104 : i32
    %lt3A_106 = arith.constant 0 : i32
    %lt3A_107 = arith.cmpi slt, %select_n3A_100, %lt3A_106 : i32
    %ne3A_108 = arith.xori %lt3A_105, %lt3A_107 : i1
    %and3A_109 = arith.andi %ne3A_108, %ne3A_103 : i1
    %add3A_110 = arith.addi %rem3A_101, %select_n3A_100 : i32
    %select_n3A_111 = arith.select %and3A_109, %add3A_110, %rem3A_101 : i32
    %le3A_112 = arith.constant 1 : i32
    %le3A_113 = arith.cmpi sle, %select_n3A_111, %le3A_112 : i32
    %convert_element_type3A_114 = arith.extui %le3A_113 : i1 to i32
    %cond3A_115 = arith.constant 0 : i32
    %cond3A_116 = arith.cmpi ne, %convert_element_type3A_114, %cond3A_115 : i32
    scf.if %cond3A_116 {
      %dma_wait3A = arith.constant 0 : i32
      %dma_wait3A_145 = tpu.memref_slice %arg17[%dma_wait3A] : memref<100352xf32, #tpu.memory_space<vmem_shared>> -> memref<100352xf32, #tpu.memory_space<vmem_shared>>
      tpu.wait_indirect_dma semaphore(%arg24 : memref<!tpu.dma_semaphore, #tpu.memory_space<semaphore_mem>>) src(%arg11 : memref<5120xf32, #tpu.memory_space<vmem>>) dst(%dma_wait3A_145 : memref<100352xf32, #tpu.memory_space<vmem_shared>>)
    } else {
    }
    %sub3A_117 = arith.constant 1 : i32
    %sub3A_118 = arith.subi %select_n3A, %sub3A_117 : i32
    %sub3A_119 = arith.constant 3 : i32
    %sub3A_120 = arith.subi %sub3A_118, %sub3A_119 : i32
    %jit3A_121 = arith.constant 4 : i32
    %eq3A_122 = arith.constant 0 : i32
    %eq3A_123 = arith.cmpi eq, %jit3A_121, %eq3A_122 : i32
    %jit3A_124 = arith.constant 1 : i32
    %select_n3A_125 = arith.select %eq3A_123, %jit3A_124, %jit3A_121 : i32
    %rem3A_126 = arith.remsi %sub3A_120, %select_n3A_125 : i32
    %ne3A_127 = arith.constant 0 : i32
    %ne3A_128 = arith.cmpi ne, %rem3A_126, %ne3A_127 : i32
    %lt3A_129 = arith.constant 0 : i32
    %lt3A_130 = arith.cmpi slt, %rem3A_126, %lt3A_129 : i32
    %lt3A_131 = arith.constant 0 : i32
    %lt3A_132 = arith.cmpi slt, %select_n3A_125, %lt3A_131 : i32
    %ne3A_133 = arith.xori %lt3A_130, %lt3A_132 : i1
    %and3A_134 = arith.andi %ne3A_133, %ne3A_128 : i1
    %add3A_135 = arith.addi %rem3A_126, %select_n3A_125 : i32
    %select_n3A_136 = arith.select %and3A_134, %add3A_135, %rem3A_126 : i32
    %le3A_137 = arith.constant 1 : i32
    %le3A_138 = arith.cmpi sle, %select_n3A_136, %le3A_137 : i32
    %convert_element_type3A_139 = arith.extui %le3A_138 : i1 to i32
    %cond3A_140 = arith.constant 0 : i32
    %cond3A_141 = arith.cmpi ne, %convert_element_type3A_139, %cond3A_140 : i32
    scf.if %cond3A_141 {
      %dma_wait3A = arith.constant 0 : i32
      %dma_wait3A_145 = tpu.memref_slice %arg17[%dma_wait3A] : memref<100352xf32, #tpu.memory_space<vmem_shared>> -> memref<100352xf32, #tpu.memory_space<vmem_shared>>
      tpu.wait_indirect_dma semaphore(%arg25 : memref<!tpu.dma_semaphore, #tpu.memory_space<semaphore_mem>>) src(%arg12 : memref<5120xf32, #tpu.memory_space<vmem>>) dst(%dma_wait3A_145 : memref<100352xf32, #tpu.memory_space<vmem_shared>>)
    } else {
    }
    %barrier3A_142 = arith.constant 0 : index
    tpu.barrier barrier_id(%barrier3A_142)
    %mul3A_143 = arith.constant 6272 : i32
    %mul3A_144 = arith.muli %arg1, %mul3A_143 : i32
    "tpu.region"() ({
      %run_scoped3A = tpu.sem_alloc : memref<!tpu.dma_semaphore, #tpu.memory_space<semaphore_mem>>
      %dma_start3A_145 = arith.constant 0 : i32
      %dma_start3A_146 = tpu.memref_slice %arg4[%add3A, %dma_start3A_145] : memref<32x6272xf32, #tpu.memory_space<hbm>> -> memref<1x6272xf32, #tpu.memory_space<hbm>>
      %dma_start3A_147 = tpu.memref_squeeze %dma_start3A_146 : memref<1x6272xf32, #tpu.memory_space<hbm>> -> memref<6272xf32, #tpu.memory_space<hbm>>
      %dma_start3A_148 = tpu.memref_slice %arg17[%mul3A_144] : memref<100352xf32, #tpu.memory_space<vmem_shared>> -> memref<6272xf32, #tpu.memory_space<vmem_shared>>
      tpu.enqueue_dma source(%dma_start3A_148 : memref<6272xf32, #tpu.memory_space<vmem_shared>>) target(%dma_start3A_147 : memref<6272xf32, #tpu.memory_space<hbm>>) target_semaphore(%run_scoped3A : memref<!tpu.dma_semaphore, #tpu.memory_space<semaphore_mem>>)
      %dma_wait3A = arith.constant 0 : i32
      %dma_wait3A_149 = tpu.memref_slice %arg4[%add3A, %dma_wait3A] : memref<32x6272xf32, #tpu.memory_space<hbm>> -> memref<1x6272xf32, #tpu.memory_space<hbm>>
      %dma_wait3A_150 = tpu.memref_squeeze %dma_wait3A_149 : memref<1x6272xf32, #tpu.memory_space<hbm>> -> memref<6272xf32, #tpu.memory_space<hbm>>
      %dma_wait3A_151 = tpu.memref_slice %arg17[%mul3A_144] : memref<100352xf32, #tpu.memory_space<vmem_shared>> -> memref<6272xf32, #tpu.memory_space<vmem_shared>>
      tpu.wait_dma2 semaphore(%run_scoped3A : memref<!tpu.dma_semaphore, #tpu.memory_space<semaphore_mem>>) src(%dma_wait3A_151 : memref<6272xf32, #tpu.memory_space<vmem_shared>>) dst(%dma_wait3A_150 : memref<6272xf32, #tpu.memory_space<hbm>>)
      tpu.yield
    }) : () -> ()
    return
  }
}

#map = affine_map<(d0, d1) -> (0, 0)>
#map1 = affine_map<(d0, d1) -> (0)>
module attributes {stable_mosaic.version = 14 : i64} {
  func.func @_prop(%arg0: i32, %arg1: i32, %arg2: memref<2x6400000xi32, #tpu.memory_space<hbm>>, %arg3: memref<6400000xf32, #tpu.memory_space<hbm>>, %arg4: memref<100352xf32, #tpu.memory_space<hbm>>, %arg5: memref<32x6272xf32, #tpu.memory_space<hbm>>, %arg6: memref<100352xf32, #tpu.memory_space<vmem>>, %arg7: memref<2x1280xi32, #tpu.memory_space<vmem>>, %arg8: memref<2x1280xi32, #tpu.memory_space<vmem>>, %arg9: memref<2x1280xi32, #tpu.memory_space<vmem>>, %arg10: memref<2x1280xi32, #tpu.memory_space<vmem>>, %arg11: memref<1280xf32, #tpu.memory_space<vmem>>, %arg12: memref<1280xf32, #tpu.memory_space<vmem>>, %arg13: memref<1280xf32, #tpu.memory_space<vmem>>, %arg14: memref<1280xf32, #tpu.memory_space<vmem>>, %arg15: memref<1280xi32, #tpu.memory_space<vmem>>, %arg16: memref<1280xi32, #tpu.memory_space<vmem>>, %arg17: memref<1280xi32, #tpu.memory_space<vmem>>, %arg18: memref<1280xi32, #tpu.memory_space<vmem>>, %arg19: memref<100352xf32, #tpu.memory_space<vmem_shared>>, %arg20: memref<!tpu.dma_semaphore, #tpu.memory_space<semaphore_mem>>, %arg21: memref<!tpu.dma_semaphore, #tpu.memory_space<semaphore_mem>>, %arg22: memref<!tpu.dma_semaphore, #tpu.memory_space<semaphore_mem>>, %arg23: memref<!tpu.dma_semaphore, #tpu.memory_space<semaphore_mem>>, %arg24: memref<!tpu.dma_semaphore, #tpu.memory_space<semaphore_mem>>, %arg25: memref<!tpu.dma_semaphore, #tpu.memory_space<semaphore_mem>>, %arg26: memref<!tpu.dma_semaphore, #tpu.memory_space<semaphore_mem>>, %arg27: memref<!tpu.dma_semaphore, #tpu.memory_space<semaphore_mem>>) attributes {dimension_semantics = [#tpu.dimension_semantics<core_parallel>, #tpu.dimension_semantics<subcore_parallel>], iteration_bounds = array<i64: 2, 16>, scalar_prefetch = 0 : i64, scratch_operands = 22 : i64, tpu.core_type = #tpu.core_type<sc_vector_subcore>, window_params = [{transform_indices = #map}, {transform_indices = #map1}, {transform_indices = #map1}, {transform_indices = #map}]} {
    %mul3A = arith.constant 16 : i32
    %mul3A_0 = arith.muli %arg0, %mul3A : i32
    %add3A = arith.addi %mul3A_0, %arg1 : i32
    %lt3A = arith.constant 8 : i32
    %lt3A_1 = arith.cmpi slt, %add3A, %lt3A : i32
    %jit3A = arith.constant 157 : i32
    %jit3A_2 = arith.constant 156 : i32
    %select_n3A = arith.select %lt3A_1, %jit3A, %jit3A_2 : i32
    %add3A_3 = arith.constant 0 : i32
    %add3A_4 = arith.addi %add3A, %add3A_3 : i32
    %mul3A_5 = arith.constant 1280 : i32
    %mul3A_6 = arith.muli %add3A_4, %mul3A_5 : i32
    %multiple_of3A = tpu.assume_multiple %mul3A_6, 128 : i32
    %dma_start3A = arith.constant 0 : i32
    %dma_start3A_7 = tpu.memref_slice %arg2[%dma_start3A, %multiple_of3A] : memref<2x6400000xi32, #tpu.memory_space<hbm>> -> memref<2x1280xi32, #tpu.memory_space<hbm>>
    %dma_start3A_8 = arith.constant 0 : i32
    %dma_start3A_9 = tpu.memref_slice %arg2[%dma_start3A_8, %multiple_of3A] : memref<2x6400000xi32, #tpu.memory_space<hbm>> -> memref<2x1280xi32, #tpu.memory_space<hbm>>
    tpu.enqueue_dma source(%dma_start3A_9 : memref<2x1280xi32, #tpu.memory_space<hbm>>) target(%arg7 : memref<2x1280xi32, #tpu.memory_space<vmem>>) target_semaphore(%arg20 : memref<!tpu.dma_semaphore, #tpu.memory_space<semaphore_mem>>)
    %dma_start3A_10 = tpu.memref_slice %arg3[%multiple_of3A] : memref<6400000xf32, #tpu.memory_space<hbm>> -> memref<1280xf32, #tpu.memory_space<hbm>>
    %dma_start3A_11 = tpu.memref_slice %arg3[%multiple_of3A] : memref<6400000xf32, #tpu.memory_space<hbm>> -> memref<1280xf32, #tpu.memory_space<hbm>>
    tpu.enqueue_dma source(%dma_start3A_11 : memref<1280xf32, #tpu.memory_space<hbm>>) target(%arg11 : memref<1280xf32, #tpu.memory_space<vmem>>) target_semaphore(%arg20 : memref<!tpu.dma_semaphore, #tpu.memory_space<semaphore_mem>>)
    %add3A_12 = arith.constant 32 : i32
    %add3A_13 = arith.addi %add3A, %add3A_12 : i32
    %mul3A_14 = arith.constant 1280 : i32
    %mul3A_15 = arith.muli %add3A_13, %mul3A_14 : i32
    %multiple_of3A_16 = tpu.assume_multiple %mul3A_15, 128 : i32
    %dma_start3A_17 = arith.constant 0 : i32
    %dma_start3A_18 = tpu.memref_slice %arg2[%dma_start3A_17, %multiple_of3A_16] : memref<2x6400000xi32, #tpu.memory_space<hbm>> -> memref<2x1280xi32, #tpu.memory_space<hbm>>
    %dma_start3A_19 = arith.constant 0 : i32
    %dma_start3A_20 = tpu.memref_slice %arg2[%dma_start3A_19, %multiple_of3A_16] : memref<2x6400000xi32, #tpu.memory_space<hbm>> -> memref<2x1280xi32, #tpu.memory_space<hbm>>
    tpu.enqueue_dma source(%dma_start3A_20 : memref<2x1280xi32, #tpu.memory_space<hbm>>) target(%arg8 : memref<2x1280xi32, #tpu.memory_space<vmem>>) target_semaphore(%arg21 : memref<!tpu.dma_semaphore, #tpu.memory_space<semaphore_mem>>)
    %dma_start3A_21 = tpu.memref_slice %arg3[%multiple_of3A_16] : memref<6400000xf32, #tpu.memory_space<hbm>> -> memref<1280xf32, #tpu.memory_space<hbm>>
    %dma_start3A_22 = tpu.memref_slice %arg3[%multiple_of3A_16] : memref<6400000xf32, #tpu.memory_space<hbm>> -> memref<1280xf32, #tpu.memory_space<hbm>>
    tpu.enqueue_dma source(%dma_start3A_22 : memref<1280xf32, #tpu.memory_space<hbm>>) target(%arg12 : memref<1280xf32, #tpu.memory_space<vmem>>) target_semaphore(%arg21 : memref<!tpu.dma_semaphore, #tpu.memory_space<semaphore_mem>>)
    "tpu.region"() ({
      %run_scoped3A = tpu.sem_alloc : memref<!tpu.dma_semaphore, #tpu.memory_space<semaphore_mem>>
      tpu.enqueue_dma source(%arg4 : memref<100352xf32, #tpu.memory_space<hbm>>) target(%arg6 : memref<100352xf32, #tpu.memory_space<vmem>>) target_semaphore(%run_scoped3A : memref<!tpu.dma_semaphore, #tpu.memory_space<semaphore_mem>>)
      tpu.wait_dma2 semaphore(%run_scoped3A : memref<!tpu.dma_semaphore, #tpu.memory_space<semaphore_mem>>) src(%arg4 : memref<100352xf32, #tpu.memory_space<hbm>>) dst(%arg6 : memref<100352xf32, #tpu.memory_space<vmem>>)
      tpu.yield
    }) : () -> ()
    %scan3A = arith.constant 0 : i32
    %scan3A_23 = arith.constant 0 : i32
    %scan3A_24 = arith.constant 98 : i32
    %scan3A_25 = arith.addi %scan3A_23, %scan3A_24 : i32
    %scan3A_26 = arith.constant 1 : i32
    scf.for %scan3A_145 = %scan3A_23 to %scan3A_25 step %scan3A_26  : i32 {
      %broadcast_in_dim3A = arith.constant 0.000000e+00 : f32
      %broadcast_in_dim3A_146 = vector.broadcast %broadcast_in_dim3A : f32 to vector<16xf32>
      %mul3A_147 = arith.constant 16 : i32
      %mul3A_148 = arith.muli %scan3A_145, %mul3A_147 : i32
      %swap3A = arith.index_cast %mul3A_148 : i32 to index
      %swap3A_149 = tpu.vector_load %arg14[%swap3A] {strides = array<i32>} : memref<1280xf32, #tpu.memory_space<vmem>>, vector<16xf32>,
      tpu.vector_store %arg14[%swap3A], %broadcast_in_dim3A_146 {strides = array<i32>} : memref<1280xf32, #tpu.memory_space<vmem>>, vector<16xf32>,
    }
    %scan3A_27 = arith.constant 98 : i32
    %mul3A_28 = arith.constant 6272 : i32
    %mul3A_29 = arith.muli %arg1, %mul3A_28 : i32
    %add3A_30 = arith.constant 0 : i32
    %add3A_31 = arith.addi %mul3A_29, %add3A_30 : i32
    "tpu.region"() ({
      %run_scoped3A = tpu.sem_alloc : memref<!tpu.dma_semaphore, #tpu.memory_space<semaphore_mem>>
      %dma_start3A_145 = arith.constant 0 : i32
      %dma_start3A_146 = tpu.memref_slice %arg14[%dma_start3A_145] : memref<1280xf32, #tpu.memory_space<vmem>> -> memref<1568xf32, #tpu.memory_space<vmem>>
      %dma_start3A_147 = tpu.memref_slice %arg19[%add3A_31] : memref<100352xf32, #tpu.memory_space<vmem_shared>> -> memref<1568xf32, #tpu.memory_space<vmem_shared>>
      %dma_start3A_148 = tpu.memref_slice %arg19[%add3A_31] : memref<100352xf32, #tpu.memory_space<vmem_shared>> -> memref<1568xf32, #tpu.memory_space<vmem_shared>>
      %dma_start3A_149 = arith.constant 0 : i32
      %dma_start3A_150 = tpu.memref_slice %arg14[%dma_start3A_149] : memref<1280xf32, #tpu.memory_space<vmem>> -> memref<1568xf32, #tpu.memory_space<vmem>>
      tpu.enqueue_dma source(%dma_start3A_150 : memref<1568xf32, #tpu.memory_space<vmem>>) target(%dma_start3A_148 : memref<1568xf32, #tpu.memory_space<vmem_shared>>) target_semaphore(%run_scoped3A : memref<!tpu.dma_semaphore, #tpu.memory_space<semaphore_mem>>)
      %dma_wait3A = arith.constant 0 : i32
      %dma_wait3A_151 = tpu.memref_slice %arg14[%dma_wait3A] : memref<1280xf32, #tpu.memory_space<vmem>> -> memref<1568xf32, #tpu.memory_space<vmem>>
      %dma_wait3A_152 = tpu.memref_slice %arg19[%add3A_31] : memref<100352xf32, #tpu.memory_space<vmem_shared>> -> memref<1568xf32, #tpu.memory_space<vmem_shared>>
      %dma_wait3A_153 = tpu.memref_slice %arg19[%add3A_31] : memref<100352xf32, #tpu.memory_space<vmem_shared>> -> memref<1568xf32, #tpu.memory_space<vmem_shared>>
      %dma_wait3A_154 = arith.constant 0 : i32
      %dma_wait3A_155 = tpu.memref_slice %arg14[%dma_wait3A_154] : memref<1280xf32, #tpu.memory_space<vmem>> -> memref<1568xf32, #tpu.memory_space<vmem>>
      tpu.wait_dma2 semaphore(%run_scoped3A : memref<!tpu.dma_semaphore, #tpu.memory_space<semaphore_mem>>) src(%dma_wait3A_155 : memref<1568xf32, #tpu.memory_space<vmem>>) dst(%dma_wait3A_153 : memref<1568xf32, #tpu.memory_space<vmem_shared>>)
      tpu.yield
    }) : () -> ()
    %mul3A_32 = arith.constant 6272 : i32
    %mul3A_33 = arith.muli %arg1, %mul3A_32 : i32
    %add3A_34 = arith.constant 1568 : i32
    %add3A_35 = arith.addi %mul3A_33, %add3A_34 : i32
    "tpu.region"() ({
      %run_scoped3A = tpu.sem_alloc : memref<!tpu.dma_semaphore, #tpu.memory_space<semaphore_mem>>
      %dma_start3A_145 = arith.constant 0 : i32
      %dma_start3A_146 = tpu.memref_slice %arg14[%dma_start3A_145] : memref<1280xf32, #tpu.memory_space<vmem>> -> memref<1568xf32, #tpu.memory_space<vmem>>
      %dma_start3A_147 = tpu.memref_slice %arg19[%add3A_35] : memref<100352xf32, #tpu.memory_space<vmem_shared>> -> memref<1568xf32, #tpu.memory_space<vmem_shared>>
      %dma_start3A_148 = tpu.memref_slice %arg19[%add3A_35] : memref<100352xf32, #tpu.memory_space<vmem_shared>> -> memref<1568xf32, #tpu.memory_space<vmem_shared>>
      %dma_start3A_149 = arith.constant 0 : i32
      %dma_start3A_150 = tpu.memref_slice %arg14[%dma_start3A_149] : memref<1280xf32, #tpu.memory_space<vmem>> -> memref<1568xf32, #tpu.memory_space<vmem>>
      tpu.enqueue_dma source(%dma_start3A_150 : memref<1568xf32, #tpu.memory_space<vmem>>) target(%dma_start3A_148 : memref<1568xf32, #tpu.memory_space<vmem_shared>>) target_semaphore(%run_scoped3A : memref<!tpu.dma_semaphore, #tpu.memory_space<semaphore_mem>>)
      %dma_wait3A = arith.constant 0 : i32
      %dma_wait3A_151 = tpu.memref_slice %arg14[%dma_wait3A] : memref<1280xf32, #tpu.memory_space<vmem>> -> memref<1568xf32, #tpu.memory_space<vmem>>
      %dma_wait3A_152 = tpu.memref_slice %arg19[%add3A_35] : memref<100352xf32, #tpu.memory_space<vmem_shared>> -> memref<1568xf32, #tpu.memory_space<vmem_shared>>
      %dma_wait3A_153 = tpu.memref_slice %arg19[%add3A_35] : memref<100352xf32, #tpu.memory_space<vmem_shared>> -> memref<1568xf32, #tpu.memory_space<vmem_shared>>
      %dma_wait3A_154 = arith.constant 0 : i32
      %dma_wait3A_155 = tpu.memref_slice %arg14[%dma_wait3A_154] : memref<1280xf32, #tpu.memory_space<vmem>> -> memref<1568xf32, #tpu.memory_space<vmem>>
      tpu.wait_dma2 semaphore(%run_scoped3A : memref<!tpu.dma_semaphore, #tpu.memory_space<semaphore_mem>>) src(%dma_wait3A_155 : memref<1568xf32, #tpu.memory_space<vmem>>) dst(%dma_wait3A_153 : memref<1568xf32, #tpu.memory_space<vmem_shared>>)
      tpu.yield
    }) : () -> ()
    %mul3A_36 = arith.constant 6272 : i32
    %mul3A_37 = arith.muli %arg1, %mul3A_36 : i32
    %add3A_38 = arith.constant 3136 : i32
    %add3A_39 = arith.addi %mul3A_37, %add3A_38 : i32
    "tpu.region"() ({
      %run_scoped3A = tpu.sem_alloc : memref<!tpu.dma_semaphore, #tpu.memory_space<semaphore_mem>>
      %dma_start3A_145 = arith.constant 0 : i32
      %dma_start3A_146 = tpu.memref_slice %arg14[%dma_start3A_145] : memref<1280xf32, #tpu.memory_space<vmem>> -> memref<1568xf32, #tpu.memory_space<vmem>>
      %dma_start3A_147 = tpu.memref_slice %arg19[%add3A_39] : memref<100352xf32, #tpu.memory_space<vmem_shared>> -> memref<1568xf32, #tpu.memory_space<vmem_shared>>
      %dma_start3A_148 = tpu.memref_slice %arg19[%add3A_39] : memref<100352xf32, #tpu.memory_space<vmem_shared>> -> memref<1568xf32, #tpu.memory_space<vmem_shared>>
      %dma_start3A_149 = arith.constant 0 : i32
      %dma_start3A_150 = tpu.memref_slice %arg14[%dma_start3A_149] : memref<1280xf32, #tpu.memory_space<vmem>> -> memref<1568xf32, #tpu.memory_space<vmem>>
      tpu.enqueue_dma source(%dma_start3A_150 : memref<1568xf32, #tpu.memory_space<vmem>>) target(%dma_start3A_148 : memref<1568xf32, #tpu.memory_space<vmem_shared>>) target_semaphore(%run_scoped3A : memref<!tpu.dma_semaphore, #tpu.memory_space<semaphore_mem>>)
      %dma_wait3A = arith.constant 0 : i32
      %dma_wait3A_151 = tpu.memref_slice %arg14[%dma_wait3A] : memref<1280xf32, #tpu.memory_space<vmem>> -> memref<1568xf32, #tpu.memory_space<vmem>>
      %dma_wait3A_152 = tpu.memref_slice %arg19[%add3A_39] : memref<100352xf32, #tpu.memory_space<vmem_shared>> -> memref<1568xf32, #tpu.memory_space<vmem_shared>>
      %dma_wait3A_153 = tpu.memref_slice %arg19[%add3A_39] : memref<100352xf32, #tpu.memory_space<vmem_shared>> -> memref<1568xf32, #tpu.memory_space<vmem_shared>>
      %dma_wait3A_154 = arith.constant 0 : i32
      %dma_wait3A_155 = tpu.memref_slice %arg14[%dma_wait3A_154] : memref<1280xf32, #tpu.memory_space<vmem>> -> memref<1568xf32, #tpu.memory_space<vmem>>
      tpu.wait_dma2 semaphore(%run_scoped3A : memref<!tpu.dma_semaphore, #tpu.memory_space<semaphore_mem>>) src(%dma_wait3A_155 : memref<1568xf32, #tpu.memory_space<vmem>>) dst(%dma_wait3A_153 : memref<1568xf32, #tpu.memory_space<vmem_shared>>)
      tpu.yield
    }) : () -> ()
    %mul3A_40 = arith.constant 6272 : i32
    %mul3A_41 = arith.muli %arg1, %mul3A_40 : i32
    %add3A_42 = arith.constant 4704 : i32
    %add3A_43 = arith.addi %mul3A_41, %add3A_42 : i32
    "tpu.region"() ({
      %run_scoped3A = tpu.sem_alloc : memref<!tpu.dma_semaphore, #tpu.memory_space<semaphore_mem>>
      %dma_start3A_145 = arith.constant 0 : i32
      %dma_start3A_146 = tpu.memref_slice %arg14[%dma_start3A_145] : memref<1280xf32, #tpu.memory_space<vmem>> -> memref<1568xf32, #tpu.memory_space<vmem>>
      %dma_start3A_147 = tpu.memref_slice %arg19[%add3A_43] : memref<100352xf32, #tpu.memory_space<vmem_shared>> -> memref<1568xf32, #tpu.memory_space<vmem_shared>>
      %dma_start3A_148 = tpu.memref_slice %arg19[%add3A_43] : memref<100352xf32, #tpu.memory_space<vmem_shared>> -> memref<1568xf32, #tpu.memory_space<vmem_shared>>
      %dma_start3A_149 = arith.constant 0 : i32
      %dma_start3A_150 = tpu.memref_slice %arg14[%dma_start3A_149] : memref<1280xf32, #tpu.memory_space<vmem>> -> memref<1568xf32, #tpu.memory_space<vmem>>
      tpu.enqueue_dma source(%dma_start3A_150 : memref<1568xf32, #tpu.memory_space<vmem>>) target(%dma_start3A_148 : memref<1568xf32, #tpu.memory_space<vmem_shared>>) target_semaphore(%run_scoped3A : memref<!tpu.dma_semaphore, #tpu.memory_space<semaphore_mem>>)
      %dma_wait3A = arith.constant 0 : i32
      %dma_wait3A_151 = tpu.memref_slice %arg14[%dma_wait3A] : memref<1280xf32, #tpu.memory_space<vmem>> -> memref<1568xf32, #tpu.memory_space<vmem>>
      %dma_wait3A_152 = tpu.memref_slice %arg19[%add3A_43] : memref<100352xf32, #tpu.memory_space<vmem_shared>> -> memref<1568xf32, #tpu.memory_space<vmem_shared>>
      %dma_wait3A_153 = tpu.memref_slice %arg19[%add3A_43] : memref<100352xf32, #tpu.memory_space<vmem_shared>> -> memref<1568xf32, #tpu.memory_space<vmem_shared>>
      %dma_wait3A_154 = arith.constant 0 : i32
      %dma_wait3A_155 = tpu.memref_slice %arg14[%dma_wait3A_154] : memref<1280xf32, #tpu.memory_space<vmem>> -> memref<1568xf32, #tpu.memory_space<vmem>>
      tpu.wait_dma2 semaphore(%run_scoped3A : memref<!tpu.dma_semaphore, #tpu.memory_space<semaphore_mem>>) src(%dma_wait3A_155 : memref<1568xf32, #tpu.memory_space<vmem>>) dst(%dma_wait3A_153 : memref<1568xf32, #tpu.memory_space<vmem_shared>>)
      tpu.yield
    }) : () -> ()
    %barrier3A = arith.constant 0 : index
    tpu.barrier barrier_id(%barrier3A)
    %scan3A_44 = arith.constant 0 : i32
    %scan3A_45 = arith.constant 0 : i32
    %scan3A_46 = arith.constant 40 : i32
    %scan3A_47 = arith.addi %scan3A_45, %scan3A_46 : i32
    %scan3A_48 = arith.constant 1 : i32
    scf.for %scan3A_145 = %scan3A_45 to %scan3A_47 step %scan3A_48  : i32 {
      %mul3A_146 = arith.constant 4 : i32
      %mul3A_147 = arith.muli %scan3A_145, %mul3A_146 : i32
      %add3A_148 = arith.constant 0 : i32
      %add3A_149 = arith.addi %mul3A_147, %add3A_148 : i32
      %lt3A_150 = arith.cmpi slt, %add3A_149, %select_n3A : i32
      %convert_element_type3A_151 = arith.extui %lt3A_150 : i1 to i32
      %cond3A_152 = arith.constant 0 : i32
      %cond3A_153 = arith.cmpi ne, %convert_element_type3A_151, %cond3A_152 : i32
      scf.if %cond3A_153 {
        %dma_wait3A = arith.constant 0 : i32
        %dma_wait3A_178 = arith.constant 0 : i32
        %dma_wait3A_179 = tpu.memref_slice %arg2[%dma_wait3A, %dma_wait3A_178] : memref<2x6400000xi32, #tpu.memory_space<hbm>> -> memref<2x1280xi32, #tpu.memory_space<hbm>>
        %dma_wait3A_180 = arith.constant 0 : i32
        %dma_wait3A_181 = arith.constant 0 : i32
        %dma_wait3A_182 = tpu.memref_slice %arg2[%dma_wait3A_180, %dma_wait3A_181] : memref<2x6400000xi32, #tpu.memory_space<hbm>> -> memref<2x1280xi32, #tpu.memory_space<hbm>>
        tpu.wait_dma2 semaphore(%arg20 : memref<!tpu.dma_semaphore, #tpu.memory_space<semaphore_mem>>) src(%dma_wait3A_182 : memref<2x1280xi32, #tpu.memory_space<hbm>>) dst(%arg7 : memref<2x1280xi32, #tpu.memory_space<vmem>>)
        %dma_wait3A_183 = arith.constant 0 : i32
        %dma_wait3A_184 = tpu.memref_slice %arg3[%dma_wait3A_183] : memref<6400000xf32, #tpu.memory_space<hbm>> -> memref<1280xf32, #tpu.memory_space<hbm>>
        %dma_wait3A_185 = arith.constant 0 : i32
        %dma_wait3A_186 = tpu.memref_slice %arg3[%dma_wait3A_185] : memref<6400000xf32, #tpu.memory_space<hbm>> -> memref<1280xf32, #tpu.memory_space<hbm>>
        tpu.wait_dma2 semaphore(%arg20 : memref<!tpu.dma_semaphore, #tpu.memory_space<semaphore_mem>>) src(%dma_wait3A_186 : memref<1280xf32, #tpu.memory_space<hbm>>) dst(%arg11 : memref<1280xf32, #tpu.memory_space<vmem>>)
        %parallel_loop3A = arith.constant 0 : i32
        %parallel_loop3A_187 = arith.constant 80 : i32
        %parallel_loop3A_188 = arith.constant 1 : i32
        scf.for %parallel_loop3A_201 = %parallel_loop3A to %parallel_loop3A_187 step %parallel_loop3A_188  : i32 {
          %parallel_loop3A_202 = arith.constant 16 : i32
          %parallel_loop3A_203 = arith.muli %parallel_loop3A_201, %parallel_loop3A_202 : i32
          %parallel_loop3A_204 = arith.constant 0 : i32
          %parallel_loop3A_205 = arith.index_cast %parallel_loop3A_204 : i32 to index
          %parallel_loop3A_206 = arith.index_cast %parallel_loop3A_203 : i32 to index
          %parallel_loop3A_207 = tpu.vector_load %arg7[%parallel_loop3A_205, %parallel_loop3A_206] {strides = array<i32>} : memref<2x1280xi32, #tpu.memory_space<vmem>>, vector<16xi32>,
          %parallel_loop3A_208 = tpu.vector_load_idx %arg6[%parallel_loop3A_207] : memref<100352xf32, #tpu.memory_space<vmem>>[vector<16xi32>], vector<16xf32>,
          %parallel_loop3A_209 = arith.index_cast %parallel_loop3A_203 : i32 to index
          %parallel_loop3A_210 = tpu.vector_load %arg11[%parallel_loop3A_209] {strides = array<i32>} : memref<1280xf32, #tpu.memory_space<vmem>>, vector<16xf32>,
          %parallel_loop3A_211 = arith.mulf %parallel_loop3A_208, %parallel_loop3A_210 : vector<16xf32>
          %parallel_loop3A_212 = arith.index_cast %parallel_loop3A_203 : i32 to index
          %parallel_loop3A_213 = tpu.vector_load %arg11[%parallel_loop3A_212] {strides = array<i32>} : memref<1280xf32, #tpu.memory_space<vmem>>, vector<16xf32>,
          tpu.vector_store %arg11[%parallel_loop3A_212], %parallel_loop3A_211 {strides = array<i32>} : memref<1280xf32, #tpu.memory_space<vmem>>, vector<16xf32>,
          %parallel_loop3A_214 = arith.constant 1 : i32
          %parallel_loop3A_215 = arith.index_cast %parallel_loop3A_214 : i32 to index
          %parallel_loop3A_216 = arith.index_cast %parallel_loop3A_203 : i32 to index
          %parallel_loop3A_217 = tpu.vector_load %arg7[%parallel_loop3A_215, %parallel_loop3A_216] {strides = array<i32>} : memref<2x1280xi32, #tpu.memory_space<vmem>>, vector<16xi32>,
          %parallel_loop3A_218 = arith.index_cast %parallel_loop3A_203 : i32 to index
          %parallel_loop3A_219 = tpu.vector_load %arg15[%parallel_loop3A_218] {strides = array<i32>} : memref<1280xi32, #tpu.memory_space<vmem>>, vector<16xi32>,
          tpu.vector_store %arg15[%parallel_loop3A_218], %parallel_loop3A_217 {strides = array<i32>} : memref<1280xi32, #tpu.memory_space<vmem>>, vector<16xi32>,
        } {sc.loop_unroll_factor = 8 : i64, sc.parallel_access}
        %dma_start3A_189 = arith.constant 0 : i32
        %dma_start3A_190 = tpu.memref_slice %arg19[%dma_start3A_189] : memref<100352xf32, #tpu.memory_space<vmem_shared>> -> memref<100352xf32, #tpu.memory_space<vmem_shared>>
        tpu.enqueue_indirect_dma source(%arg11 : memref<1280xf32, #tpu.memory_space<vmem>>) target(%dma_start3A_190 : memref<100352xf32, #tpu.memory_space<vmem_shared>>) offsets(%arg15 : memref<1280xi32, #tpu.memory_space<vmem>>) semaphore(%arg24 : memref<!tpu.dma_semaphore, #tpu.memory_space<semaphore_mem>>) {add = true}
        %ge3A = arith.constant 2 : i32
        %ge3A_191 = arith.cmpi sge, %add3A_149, %ge3A : i32
        %convert_element_type3A_192 = arith.extui %ge3A_191 : i1 to i32
        %cond3A_193 = arith.constant 0 : i32
        %cond3A_194 = arith.cmpi ne, %convert_element_type3A_192, %cond3A_193 : i32
        scf.if %cond3A_194 {
          %dma_wait3A_201 = arith.constant 0 : i32
          %dma_wait3A_202 = tpu.memref_slice %arg19[%dma_wait3A_201] : memref<100352xf32, #tpu.memory_space<vmem_shared>> -> memref<100352xf32, #tpu.memory_space<vmem_shared>>
          tpu.wait_indirect_dma semaphore(%arg26 : memref<!tpu.dma_semaphore, #tpu.memory_space<semaphore_mem>>) src(%arg13 : memref<1280xf32, #tpu.memory_space<vmem>>) dst(%dma_wait3A_202 : memref<100352xf32, #tpu.memory_space<vmem_shared>>)
        } else {
        }
        %add3A_195 = arith.constant 2 : i32
        %add3A_196 = arith.addi %add3A_149, %add3A_195 : i32
        %lt3A_197 = arith.cmpi slt, %add3A_196, %select_n3A : i32
        %convert_element_type3A_198 = arith.extui %lt3A_197 : i1 to i32
        %cond3A_199 = arith.constant 0 : i32
        %cond3A_200 = arith.cmpi ne, %convert_element_type3A_198, %cond3A_199 : i32
        scf.if %cond3A_200 {
          %add3A_201 = arith.constant 2 : i32
          %add3A_202 = arith.addi %add3A_149, %add3A_201 : i32
          %mul3A_203 = arith.constant 32 : i32
          %mul3A_204 = arith.muli %mul3A_203, %add3A_202 : i32
          %add3A_205 = arith.addi %add3A, %mul3A_204 : i32
          %mul3A_206 = arith.constant 1280 : i32
          %mul3A_207 = arith.muli %add3A_205, %mul3A_206 : i32
          %multiple_of3A_208 = tpu.assume_multiple %mul3A_207, 128 : i32
          %dma_start3A_209 = arith.constant 0 : i32
          %dma_start3A_210 = tpu.memref_slice %arg2[%dma_start3A_209, %multiple_of3A_208] : memref<2x6400000xi32, #tpu.memory_space<hbm>> -> memref<2x1280xi32, #tpu.memory_space<hbm>>
          %dma_start3A_211 = arith.constant 0 : i32
          %dma_start3A_212 = tpu.memref_slice %arg2[%dma_start3A_211, %multiple_of3A_208] : memref<2x6400000xi32, #tpu.memory_space<hbm>> -> memref<2x1280xi32, #tpu.memory_space<hbm>>
          tpu.enqueue_dma source(%dma_start3A_212 : memref<2x1280xi32, #tpu.memory_space<hbm>>) target(%arg9 : memref<2x1280xi32, #tpu.memory_space<vmem>>) target_semaphore(%arg22 : memref<!tpu.dma_semaphore, #tpu.memory_space<semaphore_mem>>)
          %dma_start3A_213 = tpu.memref_slice %arg3[%multiple_of3A_208] : memref<6400000xf32, #tpu.memory_space<hbm>> -> memref<1280xf32, #tpu.memory_space<hbm>>
          %dma_start3A_214 = tpu.memref_slice %arg3[%multiple_of3A_208] : memref<6400000xf32, #tpu.memory_space<hbm>> -> memref<1280xf32, #tpu.memory_space<hbm>>
          tpu.enqueue_dma source(%dma_start3A_214 : memref<1280xf32, #tpu.memory_space<hbm>>) target(%arg13 : memref<1280xf32, #tpu.memory_space<vmem>>) target_semaphore(%arg22 : memref<!tpu.dma_semaphore, #tpu.memory_space<semaphore_mem>>)
        } else {
        }
      } else {
      }
      %mul3A_154 = arith.constant 4 : i32
      %mul3A_155 = arith.muli %scan3A_145, %mul3A_154 : i32
      %add3A_156 = arith.constant 1 : i32
      %add3A_157 = arith.addi %mul3A_155, %add3A_156 : i32
      %lt3A_158 = arith.cmpi slt, %add3A_157, %select_n3A : i32
      %convert_element_type3A_159 = arith.extui %lt3A_158 : i1 to i32
      %cond3A_160 = arith.constant 0 : i32
      %cond3A_161 = arith.cmpi ne, %convert_element_type3A_159, %cond3A_160 : i32
      scf.if %cond3A_161 {
        %dma_wait3A = arith.constant 0 : i32
        %dma_wait3A_178 = arith.constant 0 : i32
        %dma_wait3A_179 = tpu.memref_slice %arg2[%dma_wait3A, %dma_wait3A_178] : memref<2x6400000xi32, #tpu.memory_space<hbm>> -> memref<2x1280xi32, #tpu.memory_space<hbm>>
        %dma_wait3A_180 = arith.constant 0 : i32
        %dma_wait3A_181 = arith.constant 0 : i32
        %dma_wait3A_182 = tpu.memref_slice %arg2[%dma_wait3A_180, %dma_wait3A_181] : memref<2x6400000xi32, #tpu.memory_space<hbm>> -> memref<2x1280xi32, #tpu.memory_space<hbm>>
        tpu.wait_dma2 semaphore(%arg21 : memref<!tpu.dma_semaphore, #tpu.memory_space<semaphore_mem>>) src(%dma_wait3A_182 : memref<2x1280xi32, #tpu.memory_space<hbm>>) dst(%arg8 : memref<2x1280xi32, #tpu.memory_space<vmem>>)
        %dma_wait3A_183 = arith.constant 0 : i32
        %dma_wait3A_184 = tpu.memref_slice %arg3[%dma_wait3A_183] : memref<6400000xf32, #tpu.memory_space<hbm>> -> memref<1280xf32, #tpu.memory_space<hbm>>
        %dma_wait3A_185 = arith.constant 0 : i32
        %dma_wait3A_186 = tpu.memref_slice %arg3[%dma_wait3A_185] : memref<6400000xf32, #tpu.memory_space<hbm>> -> memref<1280xf32, #tpu.memory_space<hbm>>
        tpu.wait_dma2 semaphore(%arg21 : memref<!tpu.dma_semaphore, #tpu.memory_space<semaphore_mem>>) src(%dma_wait3A_186 : memref<1280xf32, #tpu.memory_space<hbm>>) dst(%arg12 : memref<1280xf32, #tpu.memory_space<vmem>>)
        %parallel_loop3A = arith.constant 0 : i32
        %parallel_loop3A_187 = arith.constant 80 : i32
        %parallel_loop3A_188 = arith.constant 1 : i32
        scf.for %parallel_loop3A_201 = %parallel_loop3A to %parallel_loop3A_187 step %parallel_loop3A_188  : i32 {
          %parallel_loop3A_202 = arith.constant 16 : i32
          %parallel_loop3A_203 = arith.muli %parallel_loop3A_201, %parallel_loop3A_202 : i32
          %parallel_loop3A_204 = arith.constant 0 : i32
          %parallel_loop3A_205 = arith.index_cast %parallel_loop3A_204 : i32 to index
          %parallel_loop3A_206 = arith.index_cast %parallel_loop3A_203 : i32 to index
          %parallel_loop3A_207 = tpu.vector_load %arg8[%parallel_loop3A_205, %parallel_loop3A_206] {strides = array<i32>} : memref<2x1280xi32, #tpu.memory_space<vmem>>, vector<16xi32>,
          %parallel_loop3A_208 = tpu.vector_load_idx %arg6[%parallel_loop3A_207] : memref<100352xf32, #tpu.memory_space<vmem>>[vector<16xi32>], vector<16xf32>,
          %parallel_loop3A_209 = arith.index_cast %parallel_loop3A_203 : i32 to index
          %parallel_loop3A_210 = tpu.vector_load %arg12[%parallel_loop3A_209] {strides = array<i32>} : memref<1280xf32, #tpu.memory_space<vmem>>, vector<16xf32>,
          %parallel_loop3A_211 = arith.mulf %parallel_loop3A_208, %parallel_loop3A_210 : vector<16xf32>
          %parallel_loop3A_212 = arith.index_cast %parallel_loop3A_203 : i32 to index
          %parallel_loop3A_213 = tpu.vector_load %arg12[%parallel_loop3A_212] {strides = array<i32>} : memref<1280xf32, #tpu.memory_space<vmem>>, vector<16xf32>,
          tpu.vector_store %arg12[%parallel_loop3A_212], %parallel_loop3A_211 {strides = array<i32>} : memref<1280xf32, #tpu.memory_space<vmem>>, vector<16xf32>,
          %parallel_loop3A_214 = arith.constant 1 : i32
          %parallel_loop3A_215 = arith.index_cast %parallel_loop3A_214 : i32 to index
          %parallel_loop3A_216 = arith.index_cast %parallel_loop3A_203 : i32 to index
          %parallel_loop3A_217 = tpu.vector_load %arg8[%parallel_loop3A_215, %parallel_loop3A_216] {strides = array<i32>} : memref<2x1280xi32, #tpu.memory_space<vmem>>, vector<16xi32>,
          %parallel_loop3A_218 = arith.index_cast %parallel_loop3A_203 : i32 to index
          %parallel_loop3A_219 = tpu.vector_load %arg16[%parallel_loop3A_218] {strides = array<i32>} : memref<1280xi32, #tpu.memory_space<vmem>>, vector<16xi32>,
          tpu.vector_store %arg16[%parallel_loop3A_218], %parallel_loop3A_217 {strides = array<i32>} : memref<1280xi32, #tpu.memory_space<vmem>>, vector<16xi32>,
        } {sc.loop_unroll_factor = 8 : i64, sc.parallel_access}
        %dma_start3A_189 = arith.constant 0 : i32
        %dma_start3A_190 = tpu.memref_slice %arg19[%dma_start3A_189] : memref<100352xf32, #tpu.memory_space<vmem_shared>> -> memref<100352xf32, #tpu.memory_space<vmem_shared>>
        tpu.enqueue_indirect_dma source(%arg12 : memref<1280xf32, #tpu.memory_space<vmem>>) target(%dma_start3A_190 : memref<100352xf32, #tpu.memory_space<vmem_shared>>) offsets(%arg16 : memref<1280xi32, #tpu.memory_space<vmem>>) semaphore(%arg25 : memref<!tpu.dma_semaphore, #tpu.memory_space<semaphore_mem>>) {add = true}
        %ge3A = arith.constant 2 : i32
        %ge3A_191 = arith.cmpi sge, %add3A_157, %ge3A : i32
        %convert_element_type3A_192 = arith.extui %ge3A_191 : i1 to i32
        %cond3A_193 = arith.constant 0 : i32
        %cond3A_194 = arith.cmpi ne, %convert_element_type3A_192, %cond3A_193 : i32
        scf.if %cond3A_194 {
          %dma_wait3A_201 = arith.constant 0 : i32
          %dma_wait3A_202 = tpu.memref_slice %arg19[%dma_wait3A_201] : memref<100352xf32, #tpu.memory_space<vmem_shared>> -> memref<100352xf32, #tpu.memory_space<vmem_shared>>
          tpu.wait_indirect_dma semaphore(%arg27 : memref<!tpu.dma_semaphore, #tpu.memory_space<semaphore_mem>>) src(%arg14 : memref<1280xf32, #tpu.memory_space<vmem>>) dst(%dma_wait3A_202 : memref<100352xf32, #tpu.memory_space<vmem_shared>>)
        } else {
        }
        %add3A_195 = arith.constant 2 : i32
        %add3A_196 = arith.addi %add3A_157, %add3A_195 : i32
        %lt3A_197 = arith.cmpi slt, %add3A_196, %select_n3A : i32
        %convert_element_type3A_198 = arith.extui %lt3A_197 : i1 to i32
        %cond3A_199 = arith.constant 0 : i32
        %cond3A_200 = arith.cmpi ne, %convert_element_type3A_198, %cond3A_199 : i32
        scf.if %cond3A_200 {
          %add3A_201 = arith.constant 2 : i32
          %add3A_202 = arith.addi %add3A_157, %add3A_201 : i32
          %mul3A_203 = arith.constant 32 : i32
          %mul3A_204 = arith.muli %mul3A_203, %add3A_202 : i32
          %add3A_205 = arith.addi %add3A, %mul3A_204 : i32
          %mul3A_206 = arith.constant 1280 : i32
          %mul3A_207 = arith.muli %add3A_205, %mul3A_206 : i32
          %multiple_of3A_208 = tpu.assume_multiple %mul3A_207, 128 : i32
          %dma_start3A_209 = arith.constant 0 : i32
          %dma_start3A_210 = tpu.memref_slice %arg2[%dma_start3A_209, %multiple_of3A_208] : memref<2x6400000xi32, #tpu.memory_space<hbm>> -> memref<2x1280xi32, #tpu.memory_space<hbm>>
          %dma_start3A_211 = arith.constant 0 : i32
          %dma_start3A_212 = tpu.memref_slice %arg2[%dma_start3A_211, %multiple_of3A_208] : memref<2x6400000xi32, #tpu.memory_space<hbm>> -> memref<2x1280xi32, #tpu.memory_space<hbm>>
          tpu.enqueue_dma source(%dma_start3A_212 : memref<2x1280xi32, #tpu.memory_space<hbm>>) target(%arg10 : memref<2x1280xi32, #tpu.memory_space<vmem>>) target_semaphore(%arg23 : memref<!tpu.dma_semaphore, #tpu.memory_space<semaphore_mem>>)
          %dma_start3A_213 = tpu.memref_slice %arg3[%multiple_of3A_208] : memref<6400000xf32, #tpu.memory_space<hbm>> -> memref<1280xf32, #tpu.memory_space<hbm>>
          %dma_start3A_214 = tpu.memref_slice %arg3[%multiple_of3A_208] : memref<6400000xf32, #tpu.memory_space<hbm>> -> memref<1280xf32, #tpu.memory_space<hbm>>
          tpu.enqueue_dma source(%dma_start3A_214 : memref<1280xf32, #tpu.memory_space<hbm>>) target(%arg14 : memref<1280xf32, #tpu.memory_space<vmem>>) target_semaphore(%arg23 : memref<!tpu.dma_semaphore, #tpu.memory_space<semaphore_mem>>)
        } else {
        }
      } else {
      }
      %mul3A_162 = arith.constant 4 : i32
      %mul3A_163 = arith.muli %scan3A_145, %mul3A_162 : i32
      %add3A_164 = arith.constant 2 : i32
      %add3A_165 = arith.addi %mul3A_163, %add3A_164 : i32
      %lt3A_166 = arith.cmpi slt, %add3A_165, %select_n3A : i32
      %convert_element_type3A_167 = arith.extui %lt3A_166 : i1 to i32
      %cond3A_168 = arith.constant 0 : i32
      %cond3A_169 = arith.cmpi ne, %convert_element_type3A_167, %cond3A_168 : i32
      scf.if %cond3A_169 {
        %dma_wait3A = arith.constant 0 : i32
        %dma_wait3A_178 = arith.constant 0 : i32
        %dma_wait3A_179 = tpu.memref_slice %arg2[%dma_wait3A, %dma_wait3A_178] : memref<2x6400000xi32, #tpu.memory_space<hbm>> -> memref<2x1280xi32, #tpu.memory_space<hbm>>
        %dma_wait3A_180 = arith.constant 0 : i32
        %dma_wait3A_181 = arith.constant 0 : i32
        %dma_wait3A_182 = tpu.memref_slice %arg2[%dma_wait3A_180, %dma_wait3A_181] : memref<2x6400000xi32, #tpu.memory_space<hbm>> -> memref<2x1280xi32, #tpu.memory_space<hbm>>
        tpu.wait_dma2 semaphore(%arg22 : memref<!tpu.dma_semaphore, #tpu.memory_space<semaphore_mem>>) src(%dma_wait3A_182 : memref<2x1280xi32, #tpu.memory_space<hbm>>) dst(%arg9 : memref<2x1280xi32, #tpu.memory_space<vmem>>)
        %dma_wait3A_183 = arith.constant 0 : i32
        %dma_wait3A_184 = tpu.memref_slice %arg3[%dma_wait3A_183] : memref<6400000xf32, #tpu.memory_space<hbm>> -> memref<1280xf32, #tpu.memory_space<hbm>>
        %dma_wait3A_185 = arith.constant 0 : i32
        %dma_wait3A_186 = tpu.memref_slice %arg3[%dma_wait3A_185] : memref<6400000xf32, #tpu.memory_space<hbm>> -> memref<1280xf32, #tpu.memory_space<hbm>>
        tpu.wait_dma2 semaphore(%arg22 : memref<!tpu.dma_semaphore, #tpu.memory_space<semaphore_mem>>) src(%dma_wait3A_186 : memref<1280xf32, #tpu.memory_space<hbm>>) dst(%arg13 : memref<1280xf32, #tpu.memory_space<vmem>>)
        %parallel_loop3A = arith.constant 0 : i32
        %parallel_loop3A_187 = arith.constant 80 : i32
        %parallel_loop3A_188 = arith.constant 1 : i32
        scf.for %parallel_loop3A_201 = %parallel_loop3A to %parallel_loop3A_187 step %parallel_loop3A_188  : i32 {
          %parallel_loop3A_202 = arith.constant 16 : i32
          %parallel_loop3A_203 = arith.muli %parallel_loop3A_201, %parallel_loop3A_202 : i32
          %parallel_loop3A_204 = arith.constant 0 : i32
          %parallel_loop3A_205 = arith.index_cast %parallel_loop3A_204 : i32 to index
          %parallel_loop3A_206 = arith.index_cast %parallel_loop3A_203 : i32 to index
          %parallel_loop3A_207 = tpu.vector_load %arg9[%parallel_loop3A_205, %parallel_loop3A_206] {strides = array<i32>} : memref<2x1280xi32, #tpu.memory_space<vmem>>, vector<16xi32>,
          %parallel_loop3A_208 = tpu.vector_load_idx %arg6[%parallel_loop3A_207] : memref<100352xf32, #tpu.memory_space<vmem>>[vector<16xi32>], vector<16xf32>,
          %parallel_loop3A_209 = arith.index_cast %parallel_loop3A_203 : i32 to index
          %parallel_loop3A_210 = tpu.vector_load %arg13[%parallel_loop3A_209] {strides = array<i32>} : memref<1280xf32, #tpu.memory_space<vmem>>, vector<16xf32>,
          %parallel_loop3A_211 = arith.mulf %parallel_loop3A_208, %parallel_loop3A_210 : vector<16xf32>
          %parallel_loop3A_212 = arith.index_cast %parallel_loop3A_203 : i32 to index
          %parallel_loop3A_213 = tpu.vector_load %arg13[%parallel_loop3A_212] {strides = array<i32>} : memref<1280xf32, #tpu.memory_space<vmem>>, vector<16xf32>,
          tpu.vector_store %arg13[%parallel_loop3A_212], %parallel_loop3A_211 {strides = array<i32>} : memref<1280xf32, #tpu.memory_space<vmem>>, vector<16xf32>,
          %parallel_loop3A_214 = arith.constant 1 : i32
          %parallel_loop3A_215 = arith.index_cast %parallel_loop3A_214 : i32 to index
          %parallel_loop3A_216 = arith.index_cast %parallel_loop3A_203 : i32 to index
          %parallel_loop3A_217 = tpu.vector_load %arg9[%parallel_loop3A_215, %parallel_loop3A_216] {strides = array<i32>} : memref<2x1280xi32, #tpu.memory_space<vmem>>, vector<16xi32>,
          %parallel_loop3A_218 = arith.index_cast %parallel_loop3A_203 : i32 to index
          %parallel_loop3A_219 = tpu.vector_load %arg17[%parallel_loop3A_218] {strides = array<i32>} : memref<1280xi32, #tpu.memory_space<vmem>>, vector<16xi32>,
          tpu.vector_store %arg17[%parallel_loop3A_218], %parallel_loop3A_217 {strides = array<i32>} : memref<1280xi32, #tpu.memory_space<vmem>>, vector<16xi32>,
        } {sc.loop_unroll_factor = 8 : i64, sc.parallel_access}
        %dma_start3A_189 = arith.constant 0 : i32
        %dma_start3A_190 = tpu.memref_slice %arg19[%dma_start3A_189] : memref<100352xf32, #tpu.memory_space<vmem_shared>> -> memref<100352xf32, #tpu.memory_space<vmem_shared>>
        tpu.enqueue_indirect_dma source(%arg13 : memref<1280xf32, #tpu.memory_space<vmem>>) target(%dma_start3A_190 : memref<100352xf32, #tpu.memory_space<vmem_shared>>) offsets(%arg17 : memref<1280xi32, #tpu.memory_space<vmem>>) semaphore(%arg26 : memref<!tpu.dma_semaphore, #tpu.memory_space<semaphore_mem>>) {add = true}
        %ge3A = arith.constant 2 : i32
        %ge3A_191 = arith.cmpi sge, %add3A_165, %ge3A : i32
        %convert_element_type3A_192 = arith.extui %ge3A_191 : i1 to i32
        %cond3A_193 = arith.constant 0 : i32
        %cond3A_194 = arith.cmpi ne, %convert_element_type3A_192, %cond3A_193 : i32
        scf.if %cond3A_194 {
          %dma_wait3A_201 = arith.constant 0 : i32
          %dma_wait3A_202 = tpu.memref_slice %arg19[%dma_wait3A_201] : memref<100352xf32, #tpu.memory_space<vmem_shared>> -> memref<100352xf32, #tpu.memory_space<vmem_shared>>
          tpu.wait_indirect_dma semaphore(%arg24 : memref<!tpu.dma_semaphore, #tpu.memory_space<semaphore_mem>>) src(%arg11 : memref<1280xf32, #tpu.memory_space<vmem>>) dst(%dma_wait3A_202 : memref<100352xf32, #tpu.memory_space<vmem_shared>>)
        } else {
        }
        %add3A_195 = arith.constant 2 : i32
        %add3A_196 = arith.addi %add3A_165, %add3A_195 : i32
        %lt3A_197 = arith.cmpi slt, %add3A_196, %select_n3A : i32
        %convert_element_type3A_198 = arith.extui %lt3A_197 : i1 to i32
        %cond3A_199 = arith.constant 0 : i32
        %cond3A_200 = arith.cmpi ne, %convert_element_type3A_198, %cond3A_199 : i32
        scf.if %cond3A_200 {
          %add3A_201 = arith.constant 2 : i32
          %add3A_202 = arith.addi %add3A_165, %add3A_201 : i32
          %mul3A_203 = arith.constant 32 : i32
          %mul3A_204 = arith.muli %mul3A_203, %add3A_202 : i32
          %add3A_205 = arith.addi %add3A, %mul3A_204 : i32
          %mul3A_206 = arith.constant 1280 : i32
          %mul3A_207 = arith.muli %add3A_205, %mul3A_206 : i32
          %multiple_of3A_208 = tpu.assume_multiple %mul3A_207, 128 : i32
          %dma_start3A_209 = arith.constant 0 : i32
          %dma_start3A_210 = tpu.memref_slice %arg2[%dma_start3A_209, %multiple_of3A_208] : memref<2x6400000xi32, #tpu.memory_space<hbm>> -> memref<2x1280xi32, #tpu.memory_space<hbm>>
          %dma_start3A_211 = arith.constant 0 : i32
          %dma_start3A_212 = tpu.memref_slice %arg2[%dma_start3A_211, %multiple_of3A_208] : memref<2x6400000xi32, #tpu.memory_space<hbm>> -> memref<2x1280xi32, #tpu.memory_space<hbm>>
          tpu.enqueue_dma source(%dma_start3A_212 : memref<2x1280xi32, #tpu.memory_space<hbm>>) target(%arg7 : memref<2x1280xi32, #tpu.memory_space<vmem>>) target_semaphore(%arg20 : memref<!tpu.dma_semaphore, #tpu.memory_space<semaphore_mem>>)
          %dma_start3A_213 = tpu.memref_slice %arg3[%multiple_of3A_208] : memref<6400000xf32, #tpu.memory_space<hbm>> -> memref<1280xf32, #tpu.memory_space<hbm>>
          %dma_start3A_214 = tpu.memref_slice %arg3[%multiple_of3A_208] : memref<6400000xf32, #tpu.memory_space<hbm>> -> memref<1280xf32, #tpu.memory_space<hbm>>
          tpu.enqueue_dma source(%dma_start3A_214 : memref<1280xf32, #tpu.memory_space<hbm>>) target(%arg11 : memref<1280xf32, #tpu.memory_space<vmem>>) target_semaphore(%arg20 : memref<!tpu.dma_semaphore, #tpu.memory_space<semaphore_mem>>)
        } else {
        }
      } else {
      }
      %mul3A_170 = arith.constant 4 : i32
      %mul3A_171 = arith.muli %scan3A_145, %mul3A_170 : i32
      %add3A_172 = arith.constant 3 : i32
      %add3A_173 = arith.addi %mul3A_171, %add3A_172 : i32
      %lt3A_174 = arith.cmpi slt, %add3A_173, %select_n3A : i32
      %convert_element_type3A_175 = arith.extui %lt3A_174 : i1 to i32
      %cond3A_176 = arith.constant 0 : i32
      %cond3A_177 = arith.cmpi ne, %convert_element_type3A_175, %cond3A_176 : i32
      scf.if %cond3A_177 {
        %dma_wait3A = arith.constant 0 : i32
        %dma_wait3A_178 = arith.constant 0 : i32
        %dma_wait3A_179 = tpu.memref_slice %arg2[%dma_wait3A, %dma_wait3A_178] : memref<2x6400000xi32, #tpu.memory_space<hbm>> -> memref<2x1280xi32, #tpu.memory_space<hbm>>
        %dma_wait3A_180 = arith.constant 0 : i32
        %dma_wait3A_181 = arith.constant 0 : i32
        %dma_wait3A_182 = tpu.memref_slice %arg2[%dma_wait3A_180, %dma_wait3A_181] : memref<2x6400000xi32, #tpu.memory_space<hbm>> -> memref<2x1280xi32, #tpu.memory_space<hbm>>
        tpu.wait_dma2 semaphore(%arg23 : memref<!tpu.dma_semaphore, #tpu.memory_space<semaphore_mem>>) src(%dma_wait3A_182 : memref<2x1280xi32, #tpu.memory_space<hbm>>) dst(%arg10 : memref<2x1280xi32, #tpu.memory_space<vmem>>)
        %dma_wait3A_183 = arith.constant 0 : i32
        %dma_wait3A_184 = tpu.memref_slice %arg3[%dma_wait3A_183] : memref<6400000xf32, #tpu.memory_space<hbm>> -> memref<1280xf32, #tpu.memory_space<hbm>>
        %dma_wait3A_185 = arith.constant 0 : i32
        %dma_wait3A_186 = tpu.memref_slice %arg3[%dma_wait3A_185] : memref<6400000xf32, #tpu.memory_space<hbm>> -> memref<1280xf32, #tpu.memory_space<hbm>>
        tpu.wait_dma2 semaphore(%arg23 : memref<!tpu.dma_semaphore, #tpu.memory_space<semaphore_mem>>) src(%dma_wait3A_186 : memref<1280xf32, #tpu.memory_space<hbm>>) dst(%arg14 : memref<1280xf32, #tpu.memory_space<vmem>>)
        %parallel_loop3A = arith.constant 0 : i32
        %parallel_loop3A_187 = arith.constant 80 : i32
        %parallel_loop3A_188 = arith.constant 1 : i32
        scf.for %parallel_loop3A_201 = %parallel_loop3A to %parallel_loop3A_187 step %parallel_loop3A_188  : i32 {
          %parallel_loop3A_202 = arith.constant 16 : i32
          %parallel_loop3A_203 = arith.muli %parallel_loop3A_201, %parallel_loop3A_202 : i32
          %parallel_loop3A_204 = arith.constant 0 : i32
          %parallel_loop3A_205 = arith.index_cast %parallel_loop3A_204 : i32 to index
          %parallel_loop3A_206 = arith.index_cast %parallel_loop3A_203 : i32 to index
          %parallel_loop3A_207 = tpu.vector_load %arg10[%parallel_loop3A_205, %parallel_loop3A_206] {strides = array<i32>} : memref<2x1280xi32, #tpu.memory_space<vmem>>, vector<16xi32>,
          %parallel_loop3A_208 = tpu.vector_load_idx %arg6[%parallel_loop3A_207] : memref<100352xf32, #tpu.memory_space<vmem>>[vector<16xi32>], vector<16xf32>,
          %parallel_loop3A_209 = arith.index_cast %parallel_loop3A_203 : i32 to index
          %parallel_loop3A_210 = tpu.vector_load %arg14[%parallel_loop3A_209] {strides = array<i32>} : memref<1280xf32, #tpu.memory_space<vmem>>, vector<16xf32>,
          %parallel_loop3A_211 = arith.mulf %parallel_loop3A_208, %parallel_loop3A_210 : vector<16xf32>
          %parallel_loop3A_212 = arith.index_cast %parallel_loop3A_203 : i32 to index
          %parallel_loop3A_213 = tpu.vector_load %arg14[%parallel_loop3A_212] {strides = array<i32>} : memref<1280xf32, #tpu.memory_space<vmem>>, vector<16xf32>,
          tpu.vector_store %arg14[%parallel_loop3A_212], %parallel_loop3A_211 {strides = array<i32>} : memref<1280xf32, #tpu.memory_space<vmem>>, vector<16xf32>,
          %parallel_loop3A_214 = arith.constant 1 : i32
          %parallel_loop3A_215 = arith.index_cast %parallel_loop3A_214 : i32 to index
          %parallel_loop3A_216 = arith.index_cast %parallel_loop3A_203 : i32 to index
          %parallel_loop3A_217 = tpu.vector_load %arg10[%parallel_loop3A_215, %parallel_loop3A_216] {strides = array<i32>} : memref<2x1280xi32, #tpu.memory_space<vmem>>, vector<16xi32>,
          %parallel_loop3A_218 = arith.index_cast %parallel_loop3A_203 : i32 to index
          %parallel_loop3A_219 = tpu.vector_load %arg18[%parallel_loop3A_218] {strides = array<i32>} : memref<1280xi32, #tpu.memory_space<vmem>>, vector<16xi32>,
          tpu.vector_store %arg18[%parallel_loop3A_218], %parallel_loop3A_217 {strides = array<i32>} : memref<1280xi32, #tpu.memory_space<vmem>>, vector<16xi32>,
        } {sc.loop_unroll_factor = 8 : i64, sc.parallel_access}
        %dma_start3A_189 = arith.constant 0 : i32
        %dma_start3A_190 = tpu.memref_slice %arg19[%dma_start3A_189] : memref<100352xf32, #tpu.memory_space<vmem_shared>> -> memref<100352xf32, #tpu.memory_space<vmem_shared>>
        tpu.enqueue_indirect_dma source(%arg14 : memref<1280xf32, #tpu.memory_space<vmem>>) target(%dma_start3A_190 : memref<100352xf32, #tpu.memory_space<vmem_shared>>) offsets(%arg18 : memref<1280xi32, #tpu.memory_space<vmem>>) semaphore(%arg27 : memref<!tpu.dma_semaphore, #tpu.memory_space<semaphore_mem>>) {add = true}
        %ge3A = arith.constant 2 : i32
        %ge3A_191 = arith.cmpi sge, %add3A_173, %ge3A : i32
        %convert_element_type3A_192 = arith.extui %ge3A_191 : i1 to i32
        %cond3A_193 = arith.constant 0 : i32
        %cond3A_194 = arith.cmpi ne, %convert_element_type3A_192, %cond3A_193 : i32
        scf.if %cond3A_194 {
          %dma_wait3A_201 = arith.constant 0 : i32
          %dma_wait3A_202 = tpu.memref_slice %arg19[%dma_wait3A_201] : memref<100352xf32, #tpu.memory_space<vmem_shared>> -> memref<100352xf32, #tpu.memory_space<vmem_shared>>
          tpu.wait_indirect_dma semaphore(%arg25 : memref<!tpu.dma_semaphore, #tpu.memory_space<semaphore_mem>>) src(%arg12 : memref<1280xf32, #tpu.memory_space<vmem>>) dst(%dma_wait3A_202 : memref<100352xf32, #tpu.memory_space<vmem_shared>>)
        } else {
        }
        %add3A_195 = arith.constant 2 : i32
        %add3A_196 = arith.addi %add3A_173, %add3A_195 : i32
        %lt3A_197 = arith.cmpi slt, %add3A_196, %select_n3A : i32
        %convert_element_type3A_198 = arith.extui %lt3A_197 : i1 to i32
        %cond3A_199 = arith.constant 0 : i32
        %cond3A_200 = arith.cmpi ne, %convert_element_type3A_198, %cond3A_199 : i32
        scf.if %cond3A_200 {
          %add3A_201 = arith.constant 2 : i32
          %add3A_202 = arith.addi %add3A_173, %add3A_201 : i32
          %mul3A_203 = arith.constant 32 : i32
          %mul3A_204 = arith.muli %mul3A_203, %add3A_202 : i32
          %add3A_205 = arith.addi %add3A, %mul3A_204 : i32
          %mul3A_206 = arith.constant 1280 : i32
          %mul3A_207 = arith.muli %add3A_205, %mul3A_206 : i32
          %multiple_of3A_208 = tpu.assume_multiple %mul3A_207, 128 : i32
          %dma_start3A_209 = arith.constant 0 : i32
          %dma_start3A_210 = tpu.memref_slice %arg2[%dma_start3A_209, %multiple_of3A_208] : memref<2x6400000xi32, #tpu.memory_space<hbm>> -> memref<2x1280xi32, #tpu.memory_space<hbm>>
          %dma_start3A_211 = arith.constant 0 : i32
          %dma_start3A_212 = tpu.memref_slice %arg2[%dma_start3A_211, %multiple_of3A_208] : memref<2x6400000xi32, #tpu.memory_space<hbm>> -> memref<2x1280xi32, #tpu.memory_space<hbm>>
          tpu.enqueue_dma source(%dma_start3A_212 : memref<2x1280xi32, #tpu.memory_space<hbm>>) target(%arg8 : memref<2x1280xi32, #tpu.memory_space<vmem>>) target_semaphore(%arg21 : memref<!tpu.dma_semaphore, #tpu.memory_space<semaphore_mem>>)
          %dma_start3A_213 = tpu.memref_slice %arg3[%multiple_of3A_208] : memref<6400000xf32, #tpu.memory_space<hbm>> -> memref<1280xf32, #tpu.memory_space<hbm>>
          %dma_start3A_214 = tpu.memref_slice %arg3[%multiple_of3A_208] : memref<6400000xf32, #tpu.memory_space<hbm>> -> memref<1280xf32, #tpu.memory_space<hbm>>
          tpu.enqueue_dma source(%dma_start3A_214 : memref<1280xf32, #tpu.memory_space<hbm>>) target(%arg12 : memref<1280xf32, #tpu.memory_space<vmem>>) target_semaphore(%arg21 : memref<!tpu.dma_semaphore, #tpu.memory_space<semaphore_mem>>)
        } else {
        }
      } else {
      }
    }
    %scan3A_49 = arith.constant 40 : i32
    %sub3A = arith.constant 1 : i32
    %sub3A_50 = arith.subi %select_n3A, %sub3A : i32
    %sub3A_51 = arith.constant 0 : i32
    %sub3A_52 = arith.subi %sub3A_50, %sub3A_51 : i32
    %jit3A_53 = arith.constant 4 : i32
    %eq3A = arith.constant 0 : i32
    %eq3A_54 = arith.cmpi eq, %jit3A_53, %eq3A : i32
    %jit3A_55 = arith.constant 1 : i32
    %select_n3A_56 = arith.select %eq3A_54, %jit3A_55, %jit3A_53 : i32
    %rem3A = arith.remsi %sub3A_52, %select_n3A_56 : i32
    %ne3A = arith.constant 0 : i32
    %ne3A_57 = arith.cmpi ne, %rem3A, %ne3A : i32
    %lt3A_58 = arith.constant 0 : i32
    %lt3A_59 = arith.cmpi slt, %rem3A, %lt3A_58 : i32
    %lt3A_60 = arith.constant 0 : i32
    %lt3A_61 = arith.cmpi slt, %select_n3A_56, %lt3A_60 : i32
    %ne3A_62 = arith.xori %lt3A_59, %lt3A_61 : i1
    %and3A = arith.andi %ne3A_62, %ne3A_57 : i1
    %add3A_63 = arith.addi %rem3A, %select_n3A_56 : i32
    %select_n3A_64 = arith.select %and3A, %add3A_63, %rem3A : i32
    %le3A = arith.constant 1 : i32
    %le3A_65 = arith.cmpi sle, %select_n3A_64, %le3A : i32
    %convert_element_type3A = arith.extui %le3A_65 : i1 to i32
    %cond3A = arith.constant 0 : i32
    %cond3A_66 = arith.cmpi ne, %convert_element_type3A, %cond3A : i32
    scf.if %cond3A_66 {
      %dma_wait3A = arith.constant 0 : i32
      %dma_wait3A_145 = tpu.memref_slice %arg19[%dma_wait3A] : memref<100352xf32, #tpu.memory_space<vmem_shared>> -> memref<100352xf32, #tpu.memory_space<vmem_shared>>
      tpu.wait_indirect_dma semaphore(%arg24 : memref<!tpu.dma_semaphore, #tpu.memory_space<semaphore_mem>>) src(%arg11 : memref<1280xf32, #tpu.memory_space<vmem>>) dst(%dma_wait3A_145 : memref<100352xf32, #tpu.memory_space<vmem_shared>>)
    } else {
    }
    %sub3A_67 = arith.constant 1 : i32
    %sub3A_68 = arith.subi %select_n3A, %sub3A_67 : i32
    %sub3A_69 = arith.constant 1 : i32
    %sub3A_70 = arith.subi %sub3A_68, %sub3A_69 : i32
    %jit3A_71 = arith.constant 4 : i32
    %eq3A_72 = arith.constant 0 : i32
    %eq3A_73 = arith.cmpi eq, %jit3A_71, %eq3A_72 : i32
    %jit3A_74 = arith.constant 1 : i32
    %select_n3A_75 = arith.select %eq3A_73, %jit3A_74, %jit3A_71 : i32
    %rem3A_76 = arith.remsi %sub3A_70, %select_n3A_75 : i32
    %ne3A_77 = arith.constant 0 : i32
    %ne3A_78 = arith.cmpi ne, %rem3A_76, %ne3A_77 : i32
    %lt3A_79 = arith.constant 0 : i32
    %lt3A_80 = arith.cmpi slt, %rem3A_76, %lt3A_79 : i32
    %lt3A_81 = arith.constant 0 : i32
    %lt3A_82 = arith.cmpi slt, %select_n3A_75, %lt3A_81 : i32
    %ne3A_83 = arith.xori %lt3A_80, %lt3A_82 : i1
    %and3A_84 = arith.andi %ne3A_83, %ne3A_78 : i1
    %add3A_85 = arith.addi %rem3A_76, %select_n3A_75 : i32
    %select_n3A_86 = arith.select %and3A_84, %add3A_85, %rem3A_76 : i32
    %le3A_87 = arith.constant 1 : i32
    %le3A_88 = arith.cmpi sle, %select_n3A_86, %le3A_87 : i32
    %convert_element_type3A_89 = arith.extui %le3A_88 : i1 to i32
    %cond3A_90 = arith.constant 0 : i32
    %cond3A_91 = arith.cmpi ne, %convert_element_type3A_89, %cond3A_90 : i32
    scf.if %cond3A_91 {
      %dma_wait3A = arith.constant 0 : i32
      %dma_wait3A_145 = tpu.memref_slice %arg19[%dma_wait3A] : memref<100352xf32, #tpu.memory_space<vmem_shared>> -> memref<100352xf32, #tpu.memory_space<vmem_shared>>
      tpu.wait_indirect_dma semaphore(%arg25 : memref<!tpu.dma_semaphore, #tpu.memory_space<semaphore_mem>>) src(%arg12 : memref<1280xf32, #tpu.memory_space<vmem>>) dst(%dma_wait3A_145 : memref<100352xf32, #tpu.memory_space<vmem_shared>>)
    } else {
    }
    %sub3A_92 = arith.constant 1 : i32
    %sub3A_93 = arith.subi %select_n3A, %sub3A_92 : i32
    %sub3A_94 = arith.constant 2 : i32
    %sub3A_95 = arith.subi %sub3A_93, %sub3A_94 : i32
    %jit3A_96 = arith.constant 4 : i32
    %eq3A_97 = arith.constant 0 : i32
    %eq3A_98 = arith.cmpi eq, %jit3A_96, %eq3A_97 : i32
    %jit3A_99 = arith.constant 1 : i32
    %select_n3A_100 = arith.select %eq3A_98, %jit3A_99, %jit3A_96 : i32
    %rem3A_101 = arith.remsi %sub3A_95, %select_n3A_100 : i32
    %ne3A_102 = arith.constant 0 : i32
    %ne3A_103 = arith.cmpi ne, %rem3A_101, %ne3A_102 : i32
    %lt3A_104 = arith.constant 0 : i32
    %lt3A_105 = arith.cmpi slt, %rem3A_101, %lt3A_104 : i32
    %lt3A_106 = arith.constant 0 : i32
    %lt3A_107 = arith.cmpi slt, %select_n3A_100, %lt3A_106 : i32
    %ne3A_108 = arith.xori %lt3A_105, %lt3A_107 : i1
    %and3A_109 = arith.andi %ne3A_108, %ne3A_103 : i1
    %add3A_110 = arith.addi %rem3A_101, %select_n3A_100 : i32
    %select_n3A_111 = arith.select %and3A_109, %add3A_110, %rem3A_101 : i32
    %le3A_112 = arith.constant 1 : i32
    %le3A_113 = arith.cmpi sle, %select_n3A_111, %le3A_112 : i32
    %convert_element_type3A_114 = arith.extui %le3A_113 : i1 to i32
    %cond3A_115 = arith.constant 0 : i32
    %cond3A_116 = arith.cmpi ne, %convert_element_type3A_114, %cond3A_115 : i32
    scf.if %cond3A_116 {
      %dma_wait3A = arith.constant 0 : i32
      %dma_wait3A_145 = tpu.memref_slice %arg19[%dma_wait3A] : memref<100352xf32, #tpu.memory_space<vmem_shared>> -> memref<100352xf32, #tpu.memory_space<vmem_shared>>
      tpu.wait_indirect_dma semaphore(%arg26 : memref<!tpu.dma_semaphore, #tpu.memory_space<semaphore_mem>>) src(%arg13 : memref<1280xf32, #tpu.memory_space<vmem>>) dst(%dma_wait3A_145 : memref<100352xf32, #tpu.memory_space<vmem_shared>>)
    } else {
    }
    %sub3A_117 = arith.constant 1 : i32
    %sub3A_118 = arith.subi %select_n3A, %sub3A_117 : i32
    %sub3A_119 = arith.constant 3 : i32
    %sub3A_120 = arith.subi %sub3A_118, %sub3A_119 : i32
    %jit3A_121 = arith.constant 4 : i32
    %eq3A_122 = arith.constant 0 : i32
    %eq3A_123 = arith.cmpi eq, %jit3A_121, %eq3A_122 : i32
    %jit3A_124 = arith.constant 1 : i32
    %select_n3A_125 = arith.select %eq3A_123, %jit3A_124, %jit3A_121 : i32
    %rem3A_126 = arith.remsi %sub3A_120, %select_n3A_125 : i32
    %ne3A_127 = arith.constant 0 : i32
    %ne3A_128 = arith.cmpi ne, %rem3A_126, %ne3A_127 : i32
    %lt3A_129 = arith.constant 0 : i32
    %lt3A_130 = arith.cmpi slt, %rem3A_126, %lt3A_129 : i32
    %lt3A_131 = arith.constant 0 : i32
    %lt3A_132 = arith.cmpi slt, %select_n3A_125, %lt3A_131 : i32
    %ne3A_133 = arith.xori %lt3A_130, %lt3A_132 : i1
    %and3A_134 = arith.andi %ne3A_133, %ne3A_128 : i1
    %add3A_135 = arith.addi %rem3A_126, %select_n3A_125 : i32
    %select_n3A_136 = arith.select %and3A_134, %add3A_135, %rem3A_126 : i32
    %le3A_137 = arith.constant 1 : i32
    %le3A_138 = arith.cmpi sle, %select_n3A_136, %le3A_137 : i32
    %convert_element_type3A_139 = arith.extui %le3A_138 : i1 to i32
    %cond3A_140 = arith.constant 0 : i32
    %cond3A_141 = arith.cmpi ne, %convert_element_type3A_139, %cond3A_140 : i32
    scf.if %cond3A_141 {
      %dma_wait3A = arith.constant 0 : i32
      %dma_wait3A_145 = tpu.memref_slice %arg19[%dma_wait3A] : memref<100352xf32, #tpu.memory_space<vmem_shared>> -> memref<100352xf32, #tpu.memory_space<vmem_shared>>
      tpu.wait_indirect_dma semaphore(%arg27 : memref<!tpu.dma_semaphore, #tpu.memory_space<semaphore_mem>>) src(%arg14 : memref<1280xf32, #tpu.memory_space<vmem>>) dst(%dma_wait3A_145 : memref<100352xf32, #tpu.memory_space<vmem_shared>>)
    } else {
    }
    %barrier3A_142 = arith.constant 0 : index
    tpu.barrier barrier_id(%barrier3A_142)
    %mul3A_143 = arith.constant 6272 : i32
    %mul3A_144 = arith.muli %arg1, %mul3A_143 : i32
    "tpu.region"() ({
      %run_scoped3A = tpu.sem_alloc : memref<!tpu.dma_semaphore, #tpu.memory_space<semaphore_mem>>
      %dma_start3A_145 = arith.constant 0 : i32
      %dma_start3A_146 = tpu.memref_slice %arg5[%add3A, %dma_start3A_145] : memref<32x6272xf32, #tpu.memory_space<hbm>> -> memref<1x6272xf32, #tpu.memory_space<hbm>>
      %dma_start3A_147 = tpu.memref_squeeze %dma_start3A_146 : memref<1x6272xf32, #tpu.memory_space<hbm>> -> memref<6272xf32, #tpu.memory_space<hbm>>
      %dma_start3A_148 = tpu.memref_slice %arg19[%mul3A_144] : memref<100352xf32, #tpu.memory_space<vmem_shared>> -> memref<6272xf32, #tpu.memory_space<vmem_shared>>
      tpu.enqueue_dma source(%dma_start3A_148 : memref<6272xf32, #tpu.memory_space<vmem_shared>>) target(%dma_start3A_147 : memref<6272xf32, #tpu.memory_space<hbm>>) target_semaphore(%run_scoped3A : memref<!tpu.dma_semaphore, #tpu.memory_space<semaphore_mem>>)
      %dma_wait3A = arith.constant 0 : i32
      %dma_wait3A_149 = tpu.memref_slice %arg5[%add3A, %dma_wait3A] : memref<32x6272xf32, #tpu.memory_space<hbm>> -> memref<1x6272xf32, #tpu.memory_space<hbm>>
      %dma_wait3A_150 = tpu.memref_squeeze %dma_wait3A_149 : memref<1x6272xf32, #tpu.memory_space<hbm>> -> memref<6272xf32, #tpu.memory_space<hbm>>
      %dma_wait3A_151 = tpu.memref_slice %arg19[%mul3A_144] : memref<100352xf32, #tpu.memory_space<vmem_shared>> -> memref<6272xf32, #tpu.memory_space<vmem_shared>>
      tpu.wait_dma2 semaphore(%run_scoped3A : memref<!tpu.dma_semaphore, #tpu.memory_space<semaphore_mem>>) src(%dma_wait3A_151 : memref<6272xf32, #tpu.memory_space<vmem_shared>>) dst(%dma_wait3A_150 : memref<6272xf32, #tpu.memory_space<hbm>>)
      tpu.yield
    }) : () -> ()
    return
  }
}

#map = affine_map<(d0, d1) -> (0, 0)>
#map1 = affine_map<(d0, d1) -> (0)>
module attributes {stable_mosaic.version = 14 : i64} {
  func.func @_prop(%arg0: i32, %arg1: i32, %arg2: memref<2x6400000xi32, #tpu.memory_space<hbm>>, %arg3: memref<6400000xf32, #tpu.memory_space<hbm>>, %arg4: memref<100352xf32, #tpu.memory_space<hbm>>, %arg5: memref<32x6272xf32, #tpu.memory_space<hbm>>, %arg6: memref<100352xf32, #tpu.memory_space<vmem>>, %arg7: memref<2x1280xi32, #tpu.memory_space<vmem>>, %arg8: memref<2x1280xi32, #tpu.memory_space<vmem>>, %arg9: memref<2x1280xi32, #tpu.memory_space<vmem>>, %arg10: memref<2x1280xi32, #tpu.memory_space<vmem>>, %arg11: memref<1280xf32, #tpu.memory_space<vmem>>, %arg12: memref<1280xf32, #tpu.memory_space<vmem>>, %arg13: memref<1280xf32, #tpu.memory_space<vmem>>, %arg14: memref<1280xf32, #tpu.memory_space<vmem>>, %arg15: memref<1280xi32, #tpu.memory_space<vmem>>, %arg16: memref<1280xi32, #tpu.memory_space<vmem>>, %arg17: memref<1280xi32, #tpu.memory_space<vmem>>, %arg18: memref<1280xi32, #tpu.memory_space<vmem>>, %arg19: memref<100352xf32, #tpu.memory_space<vmem_shared>>, %arg20: memref<!tpu.dma_semaphore, #tpu.memory_space<semaphore_mem>>, %arg21: memref<!tpu.dma_semaphore, #tpu.memory_space<semaphore_mem>>, %arg22: memref<!tpu.dma_semaphore, #tpu.memory_space<semaphore_mem>>, %arg23: memref<!tpu.dma_semaphore, #tpu.memory_space<semaphore_mem>>, %arg24: memref<!tpu.dma_semaphore, #tpu.memory_space<semaphore_mem>>, %arg25: memref<!tpu.dma_semaphore, #tpu.memory_space<semaphore_mem>>, %arg26: memref<!tpu.dma_semaphore, #tpu.memory_space<semaphore_mem>>, %arg27: memref<!tpu.dma_semaphore, #tpu.memory_space<semaphore_mem>>) attributes {dimension_semantics = [#tpu.dimension_semantics<core_parallel>, #tpu.dimension_semantics<subcore_parallel>], iteration_bounds = array<i64: 2, 16>, scalar_prefetch = 0 : i64, scratch_operands = 22 : i64, tpu.core_type = #tpu.core_type<sc_vector_subcore>, window_params = [{transform_indices = #map}, {transform_indices = #map1}, {transform_indices = #map1}, {transform_indices = #map}]} {
    %mul3A = arith.constant 16 : i32
    %mul3A_0 = arith.muli %arg0, %mul3A : i32
    %add3A = arith.addi %mul3A_0, %arg1 : i32
    %lt3A = arith.constant 8 : i32
    %lt3A_1 = arith.cmpi slt, %add3A, %lt3A : i32
    %jit3A = arith.constant 157 : i32
    %jit3A_2 = arith.constant 156 : i32
    %select_n3A = arith.select %lt3A_1, %jit3A, %jit3A_2 : i32
    %add3A_3 = arith.constant 0 : i32
    %add3A_4 = arith.addi %add3A, %add3A_3 : i32
    %mul3A_5 = arith.constant 1280 : i32
    %mul3A_6 = arith.muli %add3A_4, %mul3A_5 : i32
    %multiple_of3A = tpu.assume_multiple %mul3A_6, 128 : i32
    %dma_start3A = arith.constant 0 : i32
    %dma_start3A_7 = tpu.memref_slice %arg2[%dma_start3A, %multiple_of3A] : memref<2x6400000xi32, #tpu.memory_space<hbm>> -> memref<2x1280xi32, #tpu.memory_space<hbm>>
    %dma_start3A_8 = arith.constant 0 : i32
    %dma_start3A_9 = tpu.memref_slice %arg2[%dma_start3A_8, %multiple_of3A] : memref<2x6400000xi32, #tpu.memory_space<hbm>> -> memref<2x1280xi32, #tpu.memory_space<hbm>>
    tpu.enqueue_dma source(%dma_start3A_9 : memref<2x1280xi32, #tpu.memory_space<hbm>>) target(%arg7 : memref<2x1280xi32, #tpu.memory_space<vmem>>) target_semaphore(%arg20 : memref<!tpu.dma_semaphore, #tpu.memory_space<semaphore_mem>>)
    %dma_start3A_10 = tpu.memref_slice %arg3[%multiple_of3A] : memref<6400000xf32, #tpu.memory_space<hbm>> -> memref<1280xf32, #tpu.memory_space<hbm>>
    %dma_start3A_11 = tpu.memref_slice %arg3[%multiple_of3A] : memref<6400000xf32, #tpu.memory_space<hbm>> -> memref<1280xf32, #tpu.memory_space<hbm>>
    tpu.enqueue_dma source(%dma_start3A_11 : memref<1280xf32, #tpu.memory_space<hbm>>) target(%arg11 : memref<1280xf32, #tpu.memory_space<vmem>>) target_semaphore(%arg20 : memref<!tpu.dma_semaphore, #tpu.memory_space<semaphore_mem>>)
    %add3A_12 = arith.constant 32 : i32
    %add3A_13 = arith.addi %add3A, %add3A_12 : i32
    %mul3A_14 = arith.constant 1280 : i32
    %mul3A_15 = arith.muli %add3A_13, %mul3A_14 : i32
    %multiple_of3A_16 = tpu.assume_multiple %mul3A_15, 128 : i32
    %dma_start3A_17 = arith.constant 0 : i32
    %dma_start3A_18 = tpu.memref_slice %arg2[%dma_start3A_17, %multiple_of3A_16] : memref<2x6400000xi32, #tpu.memory_space<hbm>> -> memref<2x1280xi32, #tpu.memory_space<hbm>>
    %dma_start3A_19 = arith.constant 0 : i32
    %dma_start3A_20 = tpu.memref_slice %arg2[%dma_start3A_19, %multiple_of3A_16] : memref<2x6400000xi32, #tpu.memory_space<hbm>> -> memref<2x1280xi32, #tpu.memory_space<hbm>>
    tpu.enqueue_dma source(%dma_start3A_20 : memref<2x1280xi32, #tpu.memory_space<hbm>>) target(%arg8 : memref<2x1280xi32, #tpu.memory_space<vmem>>) target_semaphore(%arg21 : memref<!tpu.dma_semaphore, #tpu.memory_space<semaphore_mem>>)
    %dma_start3A_21 = tpu.memref_slice %arg3[%multiple_of3A_16] : memref<6400000xf32, #tpu.memory_space<hbm>> -> memref<1280xf32, #tpu.memory_space<hbm>>
    %dma_start3A_22 = tpu.memref_slice %arg3[%multiple_of3A_16] : memref<6400000xf32, #tpu.memory_space<hbm>> -> memref<1280xf32, #tpu.memory_space<hbm>>
    tpu.enqueue_dma source(%dma_start3A_22 : memref<1280xf32, #tpu.memory_space<hbm>>) target(%arg12 : memref<1280xf32, #tpu.memory_space<vmem>>) target_semaphore(%arg21 : memref<!tpu.dma_semaphore, #tpu.memory_space<semaphore_mem>>)
    "tpu.region"() ({
      %run_scoped3A = tpu.sem_alloc : memref<!tpu.dma_semaphore, #tpu.memory_space<semaphore_mem>>
      tpu.enqueue_dma source(%arg4 : memref<100352xf32, #tpu.memory_space<hbm>>) target(%arg6 : memref<100352xf32, #tpu.memory_space<vmem>>) target_semaphore(%run_scoped3A : memref<!tpu.dma_semaphore, #tpu.memory_space<semaphore_mem>>)
      tpu.wait_dma2 semaphore(%run_scoped3A : memref<!tpu.dma_semaphore, #tpu.memory_space<semaphore_mem>>) src(%arg4 : memref<100352xf32, #tpu.memory_space<hbm>>) dst(%arg6 : memref<100352xf32, #tpu.memory_space<vmem>>)
      tpu.yield
    }) : () -> ()
    %scan3A = arith.constant 0 : i32
    %scan3A_23 = arith.constant 0 : i32
    %scan3A_24 = arith.constant 98 : i32
    %scan3A_25 = arith.addi %scan3A_23, %scan3A_24 : i32
    %scan3A_26 = arith.constant 1 : i32
    scf.for %scan3A_145 = %scan3A_23 to %scan3A_25 step %scan3A_26  : i32 {
      %broadcast_in_dim3A = arith.constant 0.000000e+00 : f32
      %broadcast_in_dim3A_146 = vector.broadcast %broadcast_in_dim3A : f32 to vector<16xf32>
      %mul3A_147 = arith.constant 16 : i32
      %mul3A_148 = arith.muli %scan3A_145, %mul3A_147 : i32
      %swap3A = arith.index_cast %mul3A_148 : i32 to index
      %swap3A_149 = tpu.vector_load %arg14[%swap3A] {strides = array<i32>} : memref<1280xf32, #tpu.memory_space<vmem>>, vector<16xf32>,
      tpu.vector_store %arg14[%swap3A], %broadcast_in_dim3A_146 {strides = array<i32>} : memref<1280xf32, #tpu.memory_space<vmem>>, vector<16xf32>,
    }
    %scan3A_27 = arith.constant 98 : i32
    %mul3A_28 = arith.constant 6272 : i32
    %mul3A_29 = arith.muli %arg1, %mul3A_28 : i32
    %add3A_30 = arith.constant 0 : i32
    %add3A_31 = arith.addi %mul3A_29, %add3A_30 : i32
    "tpu.region"() ({
      %run_scoped3A = tpu.sem_alloc : memref<!tpu.dma_semaphore, #tpu.memory_space<semaphore_mem>>
      %dma_start3A_145 = arith.constant 0 : i32
      %dma_start3A_146 = tpu.memref_slice %arg14[%dma_start3A_145] : memref<1280xf32, #tpu.memory_space<vmem>> -> memref<1568xf32, #tpu.memory_space<vmem>>
      %dma_start3A_147 = tpu.memref_slice %arg19[%add3A_31] : memref<100352xf32, #tpu.memory_space<vmem_shared>> -> memref<1568xf32, #tpu.memory_space<vmem_shared>>
      %dma_start3A_148 = tpu.memref_slice %arg19[%add3A_31] : memref<100352xf32, #tpu.memory_space<vmem_shared>> -> memref<1568xf32, #tpu.memory_space<vmem_shared>>
      %dma_start3A_149 = arith.constant 0 : i32
      %dma_start3A_150 = tpu.memref_slice %arg14[%dma_start3A_149] : memref<1280xf32, #tpu.memory_space<vmem>> -> memref<1568xf32, #tpu.memory_space<vmem>>
      tpu.enqueue_dma source(%dma_start3A_150 : memref<1568xf32, #tpu.memory_space<vmem>>) target(%dma_start3A_148 : memref<1568xf32, #tpu.memory_space<vmem_shared>>) target_semaphore(%run_scoped3A : memref<!tpu.dma_semaphore, #tpu.memory_space<semaphore_mem>>)
      %dma_wait3A = arith.constant 0 : i32
      %dma_wait3A_151 = tpu.memref_slice %arg14[%dma_wait3A] : memref<1280xf32, #tpu.memory_space<vmem>> -> memref<1568xf32, #tpu.memory_space<vmem>>
      %dma_wait3A_152 = tpu.memref_slice %arg19[%add3A_31] : memref<100352xf32, #tpu.memory_space<vmem_shared>> -> memref<1568xf32, #tpu.memory_space<vmem_shared>>
      %dma_wait3A_153 = tpu.memref_slice %arg19[%add3A_31] : memref<100352xf32, #tpu.memory_space<vmem_shared>> -> memref<1568xf32, #tpu.memory_space<vmem_shared>>
      %dma_wait3A_154 = arith.constant 0 : i32
      %dma_wait3A_155 = tpu.memref_slice %arg14[%dma_wait3A_154] : memref<1280xf32, #tpu.memory_space<vmem>> -> memref<1568xf32, #tpu.memory_space<vmem>>
      tpu.wait_dma2 semaphore(%run_scoped3A : memref<!tpu.dma_semaphore, #tpu.memory_space<semaphore_mem>>) src(%dma_wait3A_155 : memref<1568xf32, #tpu.memory_space<vmem>>) dst(%dma_wait3A_153 : memref<1568xf32, #tpu.memory_space<vmem_shared>>)
      tpu.yield
    }) : () -> ()
    %mul3A_32 = arith.constant 6272 : i32
    %mul3A_33 = arith.muli %arg1, %mul3A_32 : i32
    %add3A_34 = arith.constant 1568 : i32
    %add3A_35 = arith.addi %mul3A_33, %add3A_34 : i32
    "tpu.region"() ({
      %run_scoped3A = tpu.sem_alloc : memref<!tpu.dma_semaphore, #tpu.memory_space<semaphore_mem>>
      %dma_start3A_145 = arith.constant 0 : i32
      %dma_start3A_146 = tpu.memref_slice %arg14[%dma_start3A_145] : memref<1280xf32, #tpu.memory_space<vmem>> -> memref<1568xf32, #tpu.memory_space<vmem>>
      %dma_start3A_147 = tpu.memref_slice %arg19[%add3A_35] : memref<100352xf32, #tpu.memory_space<vmem_shared>> -> memref<1568xf32, #tpu.memory_space<vmem_shared>>
      %dma_start3A_148 = tpu.memref_slice %arg19[%add3A_35] : memref<100352xf32, #tpu.memory_space<vmem_shared>> -> memref<1568xf32, #tpu.memory_space<vmem_shared>>
      %dma_start3A_149 = arith.constant 0 : i32
      %dma_start3A_150 = tpu.memref_slice %arg14[%dma_start3A_149] : memref<1280xf32, #tpu.memory_space<vmem>> -> memref<1568xf32, #tpu.memory_space<vmem>>
      tpu.enqueue_dma source(%dma_start3A_150 : memref<1568xf32, #tpu.memory_space<vmem>>) target(%dma_start3A_148 : memref<1568xf32, #tpu.memory_space<vmem_shared>>) target_semaphore(%run_scoped3A : memref<!tpu.dma_semaphore, #tpu.memory_space<semaphore_mem>>)
      %dma_wait3A = arith.constant 0 : i32
      %dma_wait3A_151 = tpu.memref_slice %arg14[%dma_wait3A] : memref<1280xf32, #tpu.memory_space<vmem>> -> memref<1568xf32, #tpu.memory_space<vmem>>
      %dma_wait3A_152 = tpu.memref_slice %arg19[%add3A_35] : memref<100352xf32, #tpu.memory_space<vmem_shared>> -> memref<1568xf32, #tpu.memory_space<vmem_shared>>
      %dma_wait3A_153 = tpu.memref_slice %arg19[%add3A_35] : memref<100352xf32, #tpu.memory_space<vmem_shared>> -> memref<1568xf32, #tpu.memory_space<vmem_shared>>
      %dma_wait3A_154 = arith.constant 0 : i32
      %dma_wait3A_155 = tpu.memref_slice %arg14[%dma_wait3A_154] : memref<1280xf32, #tpu.memory_space<vmem>> -> memref<1568xf32, #tpu.memory_space<vmem>>
      tpu.wait_dma2 semaphore(%run_scoped3A : memref<!tpu.dma_semaphore, #tpu.memory_space<semaphore_mem>>) src(%dma_wait3A_155 : memref<1568xf32, #tpu.memory_space<vmem>>) dst(%dma_wait3A_153 : memref<1568xf32, #tpu.memory_space<vmem_shared>>)
      tpu.yield
    }) : () -> ()
    %mul3A_36 = arith.constant 6272 : i32
    %mul3A_37 = arith.muli %arg1, %mul3A_36 : i32
    %add3A_38 = arith.constant 3136 : i32
    %add3A_39 = arith.addi %mul3A_37, %add3A_38 : i32
    "tpu.region"() ({
      %run_scoped3A = tpu.sem_alloc : memref<!tpu.dma_semaphore, #tpu.memory_space<semaphore_mem>>
      %dma_start3A_145 = arith.constant 0 : i32
      %dma_start3A_146 = tpu.memref_slice %arg14[%dma_start3A_145] : memref<1280xf32, #tpu.memory_space<vmem>> -> memref<1568xf32, #tpu.memory_space<vmem>>
      %dma_start3A_147 = tpu.memref_slice %arg19[%add3A_39] : memref<100352xf32, #tpu.memory_space<vmem_shared>> -> memref<1568xf32, #tpu.memory_space<vmem_shared>>
      %dma_start3A_148 = tpu.memref_slice %arg19[%add3A_39] : memref<100352xf32, #tpu.memory_space<vmem_shared>> -> memref<1568xf32, #tpu.memory_space<vmem_shared>>
      %dma_start3A_149 = arith.constant 0 : i32
      %dma_start3A_150 = tpu.memref_slice %arg14[%dma_start3A_149] : memref<1280xf32, #tpu.memory_space<vmem>> -> memref<1568xf32, #tpu.memory_space<vmem>>
      tpu.enqueue_dma source(%dma_start3A_150 : memref<1568xf32, #tpu.memory_space<vmem>>) target(%dma_start3A_148 : memref<1568xf32, #tpu.memory_space<vmem_shared>>) target_semaphore(%run_scoped3A : memref<!tpu.dma_semaphore, #tpu.memory_space<semaphore_mem>>)
      %dma_wait3A = arith.constant 0 : i32
      %dma_wait3A_151 = tpu.memref_slice %arg14[%dma_wait3A] : memref<1280xf32, #tpu.memory_space<vmem>> -> memref<1568xf32, #tpu.memory_space<vmem>>
      %dma_wait3A_152 = tpu.memref_slice %arg19[%add3A_39] : memref<100352xf32, #tpu.memory_space<vmem_shared>> -> memref<1568xf32, #tpu.memory_space<vmem_shared>>
      %dma_wait3A_153 = tpu.memref_slice %arg19[%add3A_39] : memref<100352xf32, #tpu.memory_space<vmem_shared>> -> memref<1568xf32, #tpu.memory_space<vmem_shared>>
      %dma_wait3A_154 = arith.constant 0 : i32
      %dma_wait3A_155 = tpu.memref_slice %arg14[%dma_wait3A_154] : memref<1280xf32, #tpu.memory_space<vmem>> -> memref<1568xf32, #tpu.memory_space<vmem>>
      tpu.wait_dma2 semaphore(%run_scoped3A : memref<!tpu.dma_semaphore, #tpu.memory_space<semaphore_mem>>) src(%dma_wait3A_155 : memref<1568xf32, #tpu.memory_space<vmem>>) dst(%dma_wait3A_153 : memref<1568xf32, #tpu.memory_space<vmem_shared>>)
      tpu.yield
    }) : () -> ()
    %mul3A_40 = arith.constant 6272 : i32
    %mul3A_41 = arith.muli %arg1, %mul3A_40 : i32
    %add3A_42 = arith.constant 4704 : i32
    %add3A_43 = arith.addi %mul3A_41, %add3A_42 : i32
    "tpu.region"() ({
      %run_scoped3A = tpu.sem_alloc : memref<!tpu.dma_semaphore, #tpu.memory_space<semaphore_mem>>
      %dma_start3A_145 = arith.constant 0 : i32
      %dma_start3A_146 = tpu.memref_slice %arg14[%dma_start3A_145] : memref<1280xf32, #tpu.memory_space<vmem>> -> memref<1568xf32, #tpu.memory_space<vmem>>
      %dma_start3A_147 = tpu.memref_slice %arg19[%add3A_43] : memref<100352xf32, #tpu.memory_space<vmem_shared>> -> memref<1568xf32, #tpu.memory_space<vmem_shared>>
      %dma_start3A_148 = tpu.memref_slice %arg19[%add3A_43] : memref<100352xf32, #tpu.memory_space<vmem_shared>> -> memref<1568xf32, #tpu.memory_space<vmem_shared>>
      %dma_start3A_149 = arith.constant 0 : i32
      %dma_start3A_150 = tpu.memref_slice %arg14[%dma_start3A_149] : memref<1280xf32, #tpu.memory_space<vmem>> -> memref<1568xf32, #tpu.memory_space<vmem>>
      tpu.enqueue_dma source(%dma_start3A_150 : memref<1568xf32, #tpu.memory_space<vmem>>) target(%dma_start3A_148 : memref<1568xf32, #tpu.memory_space<vmem_shared>>) target_semaphore(%run_scoped3A : memref<!tpu.dma_semaphore, #tpu.memory_space<semaphore_mem>>)
      %dma_wait3A = arith.constant 0 : i32
      %dma_wait3A_151 = tpu.memref_slice %arg14[%dma_wait3A] : memref<1280xf32, #tpu.memory_space<vmem>> -> memref<1568xf32, #tpu.memory_space<vmem>>
      %dma_wait3A_152 = tpu.memref_slice %arg19[%add3A_43] : memref<100352xf32, #tpu.memory_space<vmem_shared>> -> memref<1568xf32, #tpu.memory_space<vmem_shared>>
      %dma_wait3A_153 = tpu.memref_slice %arg19[%add3A_43] : memref<100352xf32, #tpu.memory_space<vmem_shared>> -> memref<1568xf32, #tpu.memory_space<vmem_shared>>
      %dma_wait3A_154 = arith.constant 0 : i32
      %dma_wait3A_155 = tpu.memref_slice %arg14[%dma_wait3A_154] : memref<1280xf32, #tpu.memory_space<vmem>> -> memref<1568xf32, #tpu.memory_space<vmem>>
      tpu.wait_dma2 semaphore(%run_scoped3A : memref<!tpu.dma_semaphore, #tpu.memory_space<semaphore_mem>>) src(%dma_wait3A_155 : memref<1568xf32, #tpu.memory_space<vmem>>) dst(%dma_wait3A_153 : memref<1568xf32, #tpu.memory_space<vmem_shared>>)
      tpu.yield
    }) : () -> ()
    %barrier3A = arith.constant 0 : index
    tpu.barrier barrier_id(%barrier3A)
    %scan3A_44 = arith.constant 0 : i32
    %scan3A_45 = arith.constant 0 : i32
    %scan3A_46 = arith.constant 40 : i32
    %scan3A_47 = arith.addi %scan3A_45, %scan3A_46 : i32
    %scan3A_48 = arith.constant 1 : i32
    scf.for %scan3A_145 = %scan3A_45 to %scan3A_47 step %scan3A_48  : i32 {
      %mul3A_146 = arith.constant 4 : i32
      %mul3A_147 = arith.muli %scan3A_145, %mul3A_146 : i32
      %add3A_148 = arith.constant 0 : i32
      %add3A_149 = arith.addi %mul3A_147, %add3A_148 : i32
      %lt3A_150 = arith.cmpi slt, %add3A_149, %select_n3A : i32
      %convert_element_type3A_151 = arith.extui %lt3A_150 : i1 to i32
      %cond3A_152 = arith.constant 0 : i32
      %cond3A_153 = arith.cmpi ne, %convert_element_type3A_151, %cond3A_152 : i32
      scf.if %cond3A_153 {
        %dma_wait3A = arith.constant 0 : i32
        %dma_wait3A_178 = arith.constant 0 : i32
        %dma_wait3A_179 = tpu.memref_slice %arg2[%dma_wait3A, %dma_wait3A_178] : memref<2x6400000xi32, #tpu.memory_space<hbm>> -> memref<2x1280xi32, #tpu.memory_space<hbm>>
        %dma_wait3A_180 = arith.constant 0 : i32
        %dma_wait3A_181 = arith.constant 0 : i32
        %dma_wait3A_182 = tpu.memref_slice %arg2[%dma_wait3A_180, %dma_wait3A_181] : memref<2x6400000xi32, #tpu.memory_space<hbm>> -> memref<2x1280xi32, #tpu.memory_space<hbm>>
        tpu.wait_dma2 semaphore(%arg20 : memref<!tpu.dma_semaphore, #tpu.memory_space<semaphore_mem>>) src(%dma_wait3A_182 : memref<2x1280xi32, #tpu.memory_space<hbm>>) dst(%arg7 : memref<2x1280xi32, #tpu.memory_space<vmem>>)
        %dma_wait3A_183 = arith.constant 0 : i32
        %dma_wait3A_184 = tpu.memref_slice %arg3[%dma_wait3A_183] : memref<6400000xf32, #tpu.memory_space<hbm>> -> memref<1280xf32, #tpu.memory_space<hbm>>
        %dma_wait3A_185 = arith.constant 0 : i32
        %dma_wait3A_186 = tpu.memref_slice %arg3[%dma_wait3A_185] : memref<6400000xf32, #tpu.memory_space<hbm>> -> memref<1280xf32, #tpu.memory_space<hbm>>
        tpu.wait_dma2 semaphore(%arg20 : memref<!tpu.dma_semaphore, #tpu.memory_space<semaphore_mem>>) src(%dma_wait3A_186 : memref<1280xf32, #tpu.memory_space<hbm>>) dst(%arg11 : memref<1280xf32, #tpu.memory_space<vmem>>)
        %parallel_loop3A = arith.constant 0 : i32
        %parallel_loop3A_187 = arith.constant 80 : i32
        %parallel_loop3A_188 = arith.constant 1 : i32
        scf.for %parallel_loop3A_201 = %parallel_loop3A to %parallel_loop3A_187 step %parallel_loop3A_188  : i32 {
          %parallel_loop3A_202 = arith.constant 16 : i32
          %parallel_loop3A_203 = arith.muli %parallel_loop3A_201, %parallel_loop3A_202 : i32
          %parallel_loop3A_204 = arith.constant 0 : i32
          %parallel_loop3A_205 = arith.index_cast %parallel_loop3A_204 : i32 to index
          %parallel_loop3A_206 = arith.index_cast %parallel_loop3A_203 : i32 to index
          %parallel_loop3A_207 = tpu.vector_load %arg7[%parallel_loop3A_205, %parallel_loop3A_206] {strides = array<i32>} : memref<2x1280xi32, #tpu.memory_space<vmem>>, vector<16xi32>,
          %parallel_loop3A_208 = tpu.vector_load_idx %arg6[%parallel_loop3A_207] : memref<100352xf32, #tpu.memory_space<vmem>>[vector<16xi32>], vector<16xf32>,
          %parallel_loop3A_209 = arith.index_cast %parallel_loop3A_203 : i32 to index
          %parallel_loop3A_210 = tpu.vector_load %arg11[%parallel_loop3A_209] {strides = array<i32>} : memref<1280xf32, #tpu.memory_space<vmem>>, vector<16xf32>,
          %parallel_loop3A_211 = arith.mulf %parallel_loop3A_208, %parallel_loop3A_210 : vector<16xf32>
          %parallel_loop3A_212 = arith.index_cast %parallel_loop3A_203 : i32 to index
          %parallel_loop3A_213 = tpu.vector_load %arg11[%parallel_loop3A_212] {strides = array<i32>} : memref<1280xf32, #tpu.memory_space<vmem>>, vector<16xf32>,
          tpu.vector_store %arg11[%parallel_loop3A_212], %parallel_loop3A_211 {strides = array<i32>} : memref<1280xf32, #tpu.memory_space<vmem>>, vector<16xf32>,
          %parallel_loop3A_214 = arith.constant 1 : i32
          %parallel_loop3A_215 = arith.index_cast %parallel_loop3A_214 : i32 to index
          %parallel_loop3A_216 = arith.index_cast %parallel_loop3A_203 : i32 to index
          %parallel_loop3A_217 = tpu.vector_load %arg7[%parallel_loop3A_215, %parallel_loop3A_216] {strides = array<i32>} : memref<2x1280xi32, #tpu.memory_space<vmem>>, vector<16xi32>,
          %parallel_loop3A_218 = arith.index_cast %parallel_loop3A_203 : i32 to index
          %parallel_loop3A_219 = tpu.vector_load %arg15[%parallel_loop3A_218] {strides = array<i32>} : memref<1280xi32, #tpu.memory_space<vmem>>, vector<16xi32>,
          tpu.vector_store %arg15[%parallel_loop3A_218], %parallel_loop3A_217 {strides = array<i32>} : memref<1280xi32, #tpu.memory_space<vmem>>, vector<16xi32>,
        } {sc.loop_unroll_factor = 8 : i64, sc.parallel_access}
        %dma_start3A_189 = arith.constant 0 : i32
        %dma_start3A_190 = tpu.memref_slice %arg19[%dma_start3A_189] : memref<100352xf32, #tpu.memory_space<vmem_shared>> -> memref<100352xf32, #tpu.memory_space<vmem_shared>>
        tpu.enqueue_indirect_dma source(%arg11 : memref<1280xf32, #tpu.memory_space<vmem>>) target(%dma_start3A_190 : memref<100352xf32, #tpu.memory_space<vmem_shared>>) offsets(%arg15 : memref<1280xi32, #tpu.memory_space<vmem>>) semaphore(%arg24 : memref<!tpu.dma_semaphore, #tpu.memory_space<semaphore_mem>>) {add = true}
        %ge3A = arith.constant 2 : i32
        %ge3A_191 = arith.cmpi sge, %add3A_149, %ge3A : i32
        %convert_element_type3A_192 = arith.extui %ge3A_191 : i1 to i32
        %cond3A_193 = arith.constant 0 : i32
        %cond3A_194 = arith.cmpi ne, %convert_element_type3A_192, %cond3A_193 : i32
        scf.if %cond3A_194 {
          %dma_wait3A_201 = arith.constant 0 : i32
          %dma_wait3A_202 = tpu.memref_slice %arg19[%dma_wait3A_201] : memref<100352xf32, #tpu.memory_space<vmem_shared>> -> memref<100352xf32, #tpu.memory_space<vmem_shared>>
          tpu.wait_indirect_dma semaphore(%arg26 : memref<!tpu.dma_semaphore, #tpu.memory_space<semaphore_mem>>) src(%arg13 : memref<1280xf32, #tpu.memory_space<vmem>>) dst(%dma_wait3A_202 : memref<100352xf32, #tpu.memory_space<vmem_shared>>)
        } else {
        }
        %add3A_195 = arith.constant 2 : i32
        %add3A_196 = arith.addi %add3A_149, %add3A_195 : i32
        %lt3A_197 = arith.cmpi slt, %add3A_196, %select_n3A : i32
        %convert_element_type3A_198 = arith.extui %lt3A_197 : i1 to i32
        %cond3A_199 = arith.constant 0 : i32
        %cond3A_200 = arith.cmpi ne, %convert_element_type3A_198, %cond3A_199 : i32
        scf.if %cond3A_200 {
          %add3A_201 = arith.constant 2 : i32
          %add3A_202 = arith.addi %add3A_149, %add3A_201 : i32
          %mul3A_203 = arith.constant 32 : i32
          %mul3A_204 = arith.muli %mul3A_203, %add3A_202 : i32
          %add3A_205 = arith.addi %add3A, %mul3A_204 : i32
          %mul3A_206 = arith.constant 1280 : i32
          %mul3A_207 = arith.muli %add3A_205, %mul3A_206 : i32
          %multiple_of3A_208 = tpu.assume_multiple %mul3A_207, 128 : i32
          %dma_start3A_209 = arith.constant 0 : i32
          %dma_start3A_210 = tpu.memref_slice %arg2[%dma_start3A_209, %multiple_of3A_208] : memref<2x6400000xi32, #tpu.memory_space<hbm>> -> memref<2x1280xi32, #tpu.memory_space<hbm>>
          %dma_start3A_211 = arith.constant 0 : i32
          %dma_start3A_212 = tpu.memref_slice %arg2[%dma_start3A_211, %multiple_of3A_208] : memref<2x6400000xi32, #tpu.memory_space<hbm>> -> memref<2x1280xi32, #tpu.memory_space<hbm>>
          tpu.enqueue_dma source(%dma_start3A_212 : memref<2x1280xi32, #tpu.memory_space<hbm>>) target(%arg9 : memref<2x1280xi32, #tpu.memory_space<vmem>>) target_semaphore(%arg22 : memref<!tpu.dma_semaphore, #tpu.memory_space<semaphore_mem>>)
          %dma_start3A_213 = tpu.memref_slice %arg3[%multiple_of3A_208] : memref<6400000xf32, #tpu.memory_space<hbm>> -> memref<1280xf32, #tpu.memory_space<hbm>>
          %dma_start3A_214 = tpu.memref_slice %arg3[%multiple_of3A_208] : memref<6400000xf32, #tpu.memory_space<hbm>> -> memref<1280xf32, #tpu.memory_space<hbm>>
          tpu.enqueue_dma source(%dma_start3A_214 : memref<1280xf32, #tpu.memory_space<hbm>>) target(%arg13 : memref<1280xf32, #tpu.memory_space<vmem>>) target_semaphore(%arg22 : memref<!tpu.dma_semaphore, #tpu.memory_space<semaphore_mem>>)
        } else {
        }
      } else {
      }
      %mul3A_154 = arith.constant 4 : i32
      %mul3A_155 = arith.muli %scan3A_145, %mul3A_154 : i32
      %add3A_156 = arith.constant 1 : i32
      %add3A_157 = arith.addi %mul3A_155, %add3A_156 : i32
      %lt3A_158 = arith.cmpi slt, %add3A_157, %select_n3A : i32
      %convert_element_type3A_159 = arith.extui %lt3A_158 : i1 to i32
      %cond3A_160 = arith.constant 0 : i32
      %cond3A_161 = arith.cmpi ne, %convert_element_type3A_159, %cond3A_160 : i32
      scf.if %cond3A_161 {
        %dma_wait3A = arith.constant 0 : i32
        %dma_wait3A_178 = arith.constant 0 : i32
        %dma_wait3A_179 = tpu.memref_slice %arg2[%dma_wait3A, %dma_wait3A_178] : memref<2x6400000xi32, #tpu.memory_space<hbm>> -> memref<2x1280xi32, #tpu.memory_space<hbm>>
        %dma_wait3A_180 = arith.constant 0 : i32
        %dma_wait3A_181 = arith.constant 0 : i32
        %dma_wait3A_182 = tpu.memref_slice %arg2[%dma_wait3A_180, %dma_wait3A_181] : memref<2x6400000xi32, #tpu.memory_space<hbm>> -> memref<2x1280xi32, #tpu.memory_space<hbm>>
        tpu.wait_dma2 semaphore(%arg21 : memref<!tpu.dma_semaphore, #tpu.memory_space<semaphore_mem>>) src(%dma_wait3A_182 : memref<2x1280xi32, #tpu.memory_space<hbm>>) dst(%arg8 : memref<2x1280xi32, #tpu.memory_space<vmem>>)
        %dma_wait3A_183 = arith.constant 0 : i32
        %dma_wait3A_184 = tpu.memref_slice %arg3[%dma_wait3A_183] : memref<6400000xf32, #tpu.memory_space<hbm>> -> memref<1280xf32, #tpu.memory_space<hbm>>
        %dma_wait3A_185 = arith.constant 0 : i32
        %dma_wait3A_186 = tpu.memref_slice %arg3[%dma_wait3A_185] : memref<6400000xf32, #tpu.memory_space<hbm>> -> memref<1280xf32, #tpu.memory_space<hbm>>
        tpu.wait_dma2 semaphore(%arg21 : memref<!tpu.dma_semaphore, #tpu.memory_space<semaphore_mem>>) src(%dma_wait3A_186 : memref<1280xf32, #tpu.memory_space<hbm>>) dst(%arg12 : memref<1280xf32, #tpu.memory_space<vmem>>)
        %parallel_loop3A = arith.constant 0 : i32
        %parallel_loop3A_187 = arith.constant 80 : i32
        %parallel_loop3A_188 = arith.constant 1 : i32
        scf.for %parallel_loop3A_201 = %parallel_loop3A to %parallel_loop3A_187 step %parallel_loop3A_188  : i32 {
          %parallel_loop3A_202 = arith.constant 16 : i32
          %parallel_loop3A_203 = arith.muli %parallel_loop3A_201, %parallel_loop3A_202 : i32
          %parallel_loop3A_204 = arith.constant 0 : i32
          %parallel_loop3A_205 = arith.index_cast %parallel_loop3A_204 : i32 to index
          %parallel_loop3A_206 = arith.index_cast %parallel_loop3A_203 : i32 to index
          %parallel_loop3A_207 = tpu.vector_load %arg8[%parallel_loop3A_205, %parallel_loop3A_206] {strides = array<i32>} : memref<2x1280xi32, #tpu.memory_space<vmem>>, vector<16xi32>,
          %parallel_loop3A_208 = tpu.vector_load_idx %arg6[%parallel_loop3A_207] : memref<100352xf32, #tpu.memory_space<vmem>>[vector<16xi32>], vector<16xf32>,
          %parallel_loop3A_209 = arith.index_cast %parallel_loop3A_203 : i32 to index
          %parallel_loop3A_210 = tpu.vector_load %arg12[%parallel_loop3A_209] {strides = array<i32>} : memref<1280xf32, #tpu.memory_space<vmem>>, vector<16xf32>,
          %parallel_loop3A_211 = arith.mulf %parallel_loop3A_208, %parallel_loop3A_210 : vector<16xf32>
          %parallel_loop3A_212 = arith.index_cast %parallel_loop3A_203 : i32 to index
          %parallel_loop3A_213 = tpu.vector_load %arg12[%parallel_loop3A_212] {strides = array<i32>} : memref<1280xf32, #tpu.memory_space<vmem>>, vector<16xf32>,
          tpu.vector_store %arg12[%parallel_loop3A_212], %parallel_loop3A_211 {strides = array<i32>} : memref<1280xf32, #tpu.memory_space<vmem>>, vector<16xf32>,
          %parallel_loop3A_214 = arith.constant 1 : i32
          %parallel_loop3A_215 = arith.index_cast %parallel_loop3A_214 : i32 to index
          %parallel_loop3A_216 = arith.index_cast %parallel_loop3A_203 : i32 to index
          %parallel_loop3A_217 = tpu.vector_load %arg8[%parallel_loop3A_215, %parallel_loop3A_216] {strides = array<i32>} : memref<2x1280xi32, #tpu.memory_space<vmem>>, vector<16xi32>,
          %parallel_loop3A_218 = arith.index_cast %parallel_loop3A_203 : i32 to index
          %parallel_loop3A_219 = tpu.vector_load %arg16[%parallel_loop3A_218] {strides = array<i32>} : memref<1280xi32, #tpu.memory_space<vmem>>, vector<16xi32>,
          tpu.vector_store %arg16[%parallel_loop3A_218], %parallel_loop3A_217 {strides = array<i32>} : memref<1280xi32, #tpu.memory_space<vmem>>, vector<16xi32>,
        } {sc.loop_unroll_factor = 8 : i64, sc.parallel_access}
        %dma_start3A_189 = arith.constant 0 : i32
        %dma_start3A_190 = tpu.memref_slice %arg19[%dma_start3A_189] : memref<100352xf32, #tpu.memory_space<vmem_shared>> -> memref<100352xf32, #tpu.memory_space<vmem_shared>>
        tpu.enqueue_indirect_dma source(%arg12 : memref<1280xf32, #tpu.memory_space<vmem>>) target(%dma_start3A_190 : memref<100352xf32, #tpu.memory_space<vmem_shared>>) offsets(%arg16 : memref<1280xi32, #tpu.memory_space<vmem>>) semaphore(%arg25 : memref<!tpu.dma_semaphore, #tpu.memory_space<semaphore_mem>>) {add = true}
        %ge3A = arith.constant 2 : i32
        %ge3A_191 = arith.cmpi sge, %add3A_157, %ge3A : i32
        %convert_element_type3A_192 = arith.extui %ge3A_191 : i1 to i32
        %cond3A_193 = arith.constant 0 : i32
        %cond3A_194 = arith.cmpi ne, %convert_element_type3A_192, %cond3A_193 : i32
        scf.if %cond3A_194 {
          %dma_wait3A_201 = arith.constant 0 : i32
          %dma_wait3A_202 = tpu.memref_slice %arg19[%dma_wait3A_201] : memref<100352xf32, #tpu.memory_space<vmem_shared>> -> memref<100352xf32, #tpu.memory_space<vmem_shared>>
          tpu.wait_indirect_dma semaphore(%arg27 : memref<!tpu.dma_semaphore, #tpu.memory_space<semaphore_mem>>) src(%arg14 : memref<1280xf32, #tpu.memory_space<vmem>>) dst(%dma_wait3A_202 : memref<100352xf32, #tpu.memory_space<vmem_shared>>)
        } else {
        }
        %add3A_195 = arith.constant 2 : i32
        %add3A_196 = arith.addi %add3A_157, %add3A_195 : i32
        %lt3A_197 = arith.cmpi slt, %add3A_196, %select_n3A : i32
        %convert_element_type3A_198 = arith.extui %lt3A_197 : i1 to i32
        %cond3A_199 = arith.constant 0 : i32
        %cond3A_200 = arith.cmpi ne, %convert_element_type3A_198, %cond3A_199 : i32
        scf.if %cond3A_200 {
          %add3A_201 = arith.constant 2 : i32
          %add3A_202 = arith.addi %add3A_157, %add3A_201 : i32
          %mul3A_203 = arith.constant 32 : i32
          %mul3A_204 = arith.muli %mul3A_203, %add3A_202 : i32
          %add3A_205 = arith.addi %add3A, %mul3A_204 : i32
          %mul3A_206 = arith.constant 1280 : i32
          %mul3A_207 = arith.muli %add3A_205, %mul3A_206 : i32
          %multiple_of3A_208 = tpu.assume_multiple %mul3A_207, 128 : i32
          %dma_start3A_209 = arith.constant 0 : i32
          %dma_start3A_210 = tpu.memref_slice %arg2[%dma_start3A_209, %multiple_of3A_208] : memref<2x6400000xi32, #tpu.memory_space<hbm>> -> memref<2x1280xi32, #tpu.memory_space<hbm>>
          %dma_start3A_211 = arith.constant 0 : i32
          %dma_start3A_212 = tpu.memref_slice %arg2[%dma_start3A_211, %multiple_of3A_208] : memref<2x6400000xi32, #tpu.memory_space<hbm>> -> memref<2x1280xi32, #tpu.memory_space<hbm>>
          tpu.enqueue_dma source(%dma_start3A_212 : memref<2x1280xi32, #tpu.memory_space<hbm>>) target(%arg10 : memref<2x1280xi32, #tpu.memory_space<vmem>>) target_semaphore(%arg23 : memref<!tpu.dma_semaphore, #tpu.memory_space<semaphore_mem>>)
          %dma_start3A_213 = tpu.memref_slice %arg3[%multiple_of3A_208] : memref<6400000xf32, #tpu.memory_space<hbm>> -> memref<1280xf32, #tpu.memory_space<hbm>>
          %dma_start3A_214 = tpu.memref_slice %arg3[%multiple_of3A_208] : memref<6400000xf32, #tpu.memory_space<hbm>> -> memref<1280xf32, #tpu.memory_space<hbm>>
          tpu.enqueue_dma source(%dma_start3A_214 : memref<1280xf32, #tpu.memory_space<hbm>>) target(%arg14 : memref<1280xf32, #tpu.memory_space<vmem>>) target_semaphore(%arg23 : memref<!tpu.dma_semaphore, #tpu.memory_space<semaphore_mem>>)
        } else {
        }
      } else {
      }
      %mul3A_162 = arith.constant 4 : i32
      %mul3A_163 = arith.muli %scan3A_145, %mul3A_162 : i32
      %add3A_164 = arith.constant 2 : i32
      %add3A_165 = arith.addi %mul3A_163, %add3A_164 : i32
      %lt3A_166 = arith.cmpi slt, %add3A_165, %select_n3A : i32
      %convert_element_type3A_167 = arith.extui %lt3A_166 : i1 to i32
      %cond3A_168 = arith.constant 0 : i32
      %cond3A_169 = arith.cmpi ne, %convert_element_type3A_167, %cond3A_168 : i32
      scf.if %cond3A_169 {
        %dma_wait3A = arith.constant 0 : i32
        %dma_wait3A_178 = arith.constant 0 : i32
        %dma_wait3A_179 = tpu.memref_slice %arg2[%dma_wait3A, %dma_wait3A_178] : memref<2x6400000xi32, #tpu.memory_space<hbm>> -> memref<2x1280xi32, #tpu.memory_space<hbm>>
        %dma_wait3A_180 = arith.constant 0 : i32
        %dma_wait3A_181 = arith.constant 0 : i32
        %dma_wait3A_182 = tpu.memref_slice %arg2[%dma_wait3A_180, %dma_wait3A_181] : memref<2x6400000xi32, #tpu.memory_space<hbm>> -> memref<2x1280xi32, #tpu.memory_space<hbm>>
        tpu.wait_dma2 semaphore(%arg22 : memref<!tpu.dma_semaphore, #tpu.memory_space<semaphore_mem>>) src(%dma_wait3A_182 : memref<2x1280xi32, #tpu.memory_space<hbm>>) dst(%arg9 : memref<2x1280xi32, #tpu.memory_space<vmem>>)
        %dma_wait3A_183 = arith.constant 0 : i32
        %dma_wait3A_184 = tpu.memref_slice %arg3[%dma_wait3A_183] : memref<6400000xf32, #tpu.memory_space<hbm>> -> memref<1280xf32, #tpu.memory_space<hbm>>
        %dma_wait3A_185 = arith.constant 0 : i32
        %dma_wait3A_186 = tpu.memref_slice %arg3[%dma_wait3A_185] : memref<6400000xf32, #tpu.memory_space<hbm>> -> memref<1280xf32, #tpu.memory_space<hbm>>
        tpu.wait_dma2 semaphore(%arg22 : memref<!tpu.dma_semaphore, #tpu.memory_space<semaphore_mem>>) src(%dma_wait3A_186 : memref<1280xf32, #tpu.memory_space<hbm>>) dst(%arg13 : memref<1280xf32, #tpu.memory_space<vmem>>)
        %parallel_loop3A = arith.constant 0 : i32
        %parallel_loop3A_187 = arith.constant 80 : i32
        %parallel_loop3A_188 = arith.constant 1 : i32
        scf.for %parallel_loop3A_201 = %parallel_loop3A to %parallel_loop3A_187 step %parallel_loop3A_188  : i32 {
          %parallel_loop3A_202 = arith.constant 16 : i32
          %parallel_loop3A_203 = arith.muli %parallel_loop3A_201, %parallel_loop3A_202 : i32
          %parallel_loop3A_204 = arith.constant 0 : i32
          %parallel_loop3A_205 = arith.index_cast %parallel_loop3A_204 : i32 to index
          %parallel_loop3A_206 = arith.index_cast %parallel_loop3A_203 : i32 to index
          %parallel_loop3A_207 = tpu.vector_load %arg9[%parallel_loop3A_205, %parallel_loop3A_206] {strides = array<i32>} : memref<2x1280xi32, #tpu.memory_space<vmem>>, vector<16xi32>,
          %parallel_loop3A_208 = tpu.vector_load_idx %arg6[%parallel_loop3A_207] : memref<100352xf32, #tpu.memory_space<vmem>>[vector<16xi32>], vector<16xf32>,
          %parallel_loop3A_209 = arith.index_cast %parallel_loop3A_203 : i32 to index
          %parallel_loop3A_210 = tpu.vector_load %arg13[%parallel_loop3A_209] {strides = array<i32>} : memref<1280xf32, #tpu.memory_space<vmem>>, vector<16xf32>,
          %parallel_loop3A_211 = arith.mulf %parallel_loop3A_208, %parallel_loop3A_210 : vector<16xf32>
          %parallel_loop3A_212 = arith.index_cast %parallel_loop3A_203 : i32 to index
          %parallel_loop3A_213 = tpu.vector_load %arg13[%parallel_loop3A_212] {strides = array<i32>} : memref<1280xf32, #tpu.memory_space<vmem>>, vector<16xf32>,
          tpu.vector_store %arg13[%parallel_loop3A_212], %parallel_loop3A_211 {strides = array<i32>} : memref<1280xf32, #tpu.memory_space<vmem>>, vector<16xf32>,
          %parallel_loop3A_214 = arith.constant 1 : i32
          %parallel_loop3A_215 = arith.index_cast %parallel_loop3A_214 : i32 to index
          %parallel_loop3A_216 = arith.index_cast %parallel_loop3A_203 : i32 to index
          %parallel_loop3A_217 = tpu.vector_load %arg9[%parallel_loop3A_215, %parallel_loop3A_216] {strides = array<i32>} : memref<2x1280xi32, #tpu.memory_space<vmem>>, vector<16xi32>,
          %parallel_loop3A_218 = arith.index_cast %parallel_loop3A_203 : i32 to index
          %parallel_loop3A_219 = tpu.vector_load %arg17[%parallel_loop3A_218] {strides = array<i32>} : memref<1280xi32, #tpu.memory_space<vmem>>, vector<16xi32>,
          tpu.vector_store %arg17[%parallel_loop3A_218], %parallel_loop3A_217 {strides = array<i32>} : memref<1280xi32, #tpu.memory_space<vmem>>, vector<16xi32>,
        } {sc.loop_unroll_factor = 8 : i64, sc.parallel_access}
        %dma_start3A_189 = arith.constant 0 : i32
        %dma_start3A_190 = tpu.memref_slice %arg19[%dma_start3A_189] : memref<100352xf32, #tpu.memory_space<vmem_shared>> -> memref<100352xf32, #tpu.memory_space<vmem_shared>>
        tpu.enqueue_indirect_dma source(%arg13 : memref<1280xf32, #tpu.memory_space<vmem>>) target(%dma_start3A_190 : memref<100352xf32, #tpu.memory_space<vmem_shared>>) offsets(%arg17 : memref<1280xi32, #tpu.memory_space<vmem>>) semaphore(%arg26 : memref<!tpu.dma_semaphore, #tpu.memory_space<semaphore_mem>>) {add = true}
        %ge3A = arith.constant 2 : i32
        %ge3A_191 = arith.cmpi sge, %add3A_165, %ge3A : i32
        %convert_element_type3A_192 = arith.extui %ge3A_191 : i1 to i32
        %cond3A_193 = arith.constant 0 : i32
        %cond3A_194 = arith.cmpi ne, %convert_element_type3A_192, %cond3A_193 : i32
        scf.if %cond3A_194 {
          %dma_wait3A_201 = arith.constant 0 : i32
          %dma_wait3A_202 = tpu.memref_slice %arg19[%dma_wait3A_201] : memref<100352xf32, #tpu.memory_space<vmem_shared>> -> memref<100352xf32, #tpu.memory_space<vmem_shared>>
          tpu.wait_indirect_dma semaphore(%arg24 : memref<!tpu.dma_semaphore, #tpu.memory_space<semaphore_mem>>) src(%arg11 : memref<1280xf32, #tpu.memory_space<vmem>>) dst(%dma_wait3A_202 : memref<100352xf32, #tpu.memory_space<vmem_shared>>)
        } else {
        }
        %add3A_195 = arith.constant 2 : i32
        %add3A_196 = arith.addi %add3A_165, %add3A_195 : i32
        %lt3A_197 = arith.cmpi slt, %add3A_196, %select_n3A : i32
        %convert_element_type3A_198 = arith.extui %lt3A_197 : i1 to i32
        %cond3A_199 = arith.constant 0 : i32
        %cond3A_200 = arith.cmpi ne, %convert_element_type3A_198, %cond3A_199 : i32
        scf.if %cond3A_200 {
          %add3A_201 = arith.constant 2 : i32
          %add3A_202 = arith.addi %add3A_165, %add3A_201 : i32
          %mul3A_203 = arith.constant 32 : i32
          %mul3A_204 = arith.muli %mul3A_203, %add3A_202 : i32
          %add3A_205 = arith.addi %add3A, %mul3A_204 : i32
          %mul3A_206 = arith.constant 1280 : i32
          %mul3A_207 = arith.muli %add3A_205, %mul3A_206 : i32
          %multiple_of3A_208 = tpu.assume_multiple %mul3A_207, 128 : i32
          %dma_start3A_209 = arith.constant 0 : i32
          %dma_start3A_210 = tpu.memref_slice %arg2[%dma_start3A_209, %multiple_of3A_208] : memref<2x6400000xi32, #tpu.memory_space<hbm>> -> memref<2x1280xi32, #tpu.memory_space<hbm>>
          %dma_start3A_211 = arith.constant 0 : i32
          %dma_start3A_212 = tpu.memref_slice %arg2[%dma_start3A_211, %multiple_of3A_208] : memref<2x6400000xi32, #tpu.memory_space<hbm>> -> memref<2x1280xi32, #tpu.memory_space<hbm>>
          tpu.enqueue_dma source(%dma_start3A_212 : memref<2x1280xi32, #tpu.memory_space<hbm>>) target(%arg7 : memref<2x1280xi32, #tpu.memory_space<vmem>>) target_semaphore(%arg20 : memref<!tpu.dma_semaphore, #tpu.memory_space<semaphore_mem>>)
          %dma_start3A_213 = tpu.memref_slice %arg3[%multiple_of3A_208] : memref<6400000xf32, #tpu.memory_space<hbm>> -> memref<1280xf32, #tpu.memory_space<hbm>>
          %dma_start3A_214 = tpu.memref_slice %arg3[%multiple_of3A_208] : memref<6400000xf32, #tpu.memory_space<hbm>> -> memref<1280xf32, #tpu.memory_space<hbm>>
          tpu.enqueue_dma source(%dma_start3A_214 : memref<1280xf32, #tpu.memory_space<hbm>>) target(%arg11 : memref<1280xf32, #tpu.memory_space<vmem>>) target_semaphore(%arg20 : memref<!tpu.dma_semaphore, #tpu.memory_space<semaphore_mem>>)
        } else {
        }
      } else {
      }
      %mul3A_170 = arith.constant 4 : i32
      %mul3A_171 = arith.muli %scan3A_145, %mul3A_170 : i32
      %add3A_172 = arith.constant 3 : i32
      %add3A_173 = arith.addi %mul3A_171, %add3A_172 : i32
      %lt3A_174 = arith.cmpi slt, %add3A_173, %select_n3A : i32
      %convert_element_type3A_175 = arith.extui %lt3A_174 : i1 to i32
      %cond3A_176 = arith.constant 0 : i32
      %cond3A_177 = arith.cmpi ne, %convert_element_type3A_175, %cond3A_176 : i32
      scf.if %cond3A_177 {
        %dma_wait3A = arith.constant 0 : i32
        %dma_wait3A_178 = arith.constant 0 : i32
        %dma_wait3A_179 = tpu.memref_slice %arg2[%dma_wait3A, %dma_wait3A_178] : memref<2x6400000xi32, #tpu.memory_space<hbm>> -> memref<2x1280xi32, #tpu.memory_space<hbm>>
        %dma_wait3A_180 = arith.constant 0 : i32
        %dma_wait3A_181 = arith.constant 0 : i32
        %dma_wait3A_182 = tpu.memref_slice %arg2[%dma_wait3A_180, %dma_wait3A_181] : memref<2x6400000xi32, #tpu.memory_space<hbm>> -> memref<2x1280xi32, #tpu.memory_space<hbm>>
        tpu.wait_dma2 semaphore(%arg23 : memref<!tpu.dma_semaphore, #tpu.memory_space<semaphore_mem>>) src(%dma_wait3A_182 : memref<2x1280xi32, #tpu.memory_space<hbm>>) dst(%arg10 : memref<2x1280xi32, #tpu.memory_space<vmem>>)
        %dma_wait3A_183 = arith.constant 0 : i32
        %dma_wait3A_184 = tpu.memref_slice %arg3[%dma_wait3A_183] : memref<6400000xf32, #tpu.memory_space<hbm>> -> memref<1280xf32, #tpu.memory_space<hbm>>
        %dma_wait3A_185 = arith.constant 0 : i32
        %dma_wait3A_186 = tpu.memref_slice %arg3[%dma_wait3A_185] : memref<6400000xf32, #tpu.memory_space<hbm>> -> memref<1280xf32, #tpu.memory_space<hbm>>
        tpu.wait_dma2 semaphore(%arg23 : memref<!tpu.dma_semaphore, #tpu.memory_space<semaphore_mem>>) src(%dma_wait3A_186 : memref<1280xf32, #tpu.memory_space<hbm>>) dst(%arg14 : memref<1280xf32, #tpu.memory_space<vmem>>)
        %parallel_loop3A = arith.constant 0 : i32
        %parallel_loop3A_187 = arith.constant 80 : i32
        %parallel_loop3A_188 = arith.constant 1 : i32
        scf.for %parallel_loop3A_201 = %parallel_loop3A to %parallel_loop3A_187 step %parallel_loop3A_188  : i32 {
          %parallel_loop3A_202 = arith.constant 16 : i32
          %parallel_loop3A_203 = arith.muli %parallel_loop3A_201, %parallel_loop3A_202 : i32
          %parallel_loop3A_204 = arith.constant 0 : i32
          %parallel_loop3A_205 = arith.index_cast %parallel_loop3A_204 : i32 to index
          %parallel_loop3A_206 = arith.index_cast %parallel_loop3A_203 : i32 to index
          %parallel_loop3A_207 = tpu.vector_load %arg10[%parallel_loop3A_205, %parallel_loop3A_206] {strides = array<i32>} : memref<2x1280xi32, #tpu.memory_space<vmem>>, vector<16xi32>,
          %parallel_loop3A_208 = tpu.vector_load_idx %arg6[%parallel_loop3A_207] : memref<100352xf32, #tpu.memory_space<vmem>>[vector<16xi32>], vector<16xf32>,
          %parallel_loop3A_209 = arith.index_cast %parallel_loop3A_203 : i32 to index
          %parallel_loop3A_210 = tpu.vector_load %arg14[%parallel_loop3A_209] {strides = array<i32>} : memref<1280xf32, #tpu.memory_space<vmem>>, vector<16xf32>,
          %parallel_loop3A_211 = arith.mulf %parallel_loop3A_208, %parallel_loop3A_210 : vector<16xf32>
          %parallel_loop3A_212 = arith.index_cast %parallel_loop3A_203 : i32 to index
          %parallel_loop3A_213 = tpu.vector_load %arg14[%parallel_loop3A_212] {strides = array<i32>} : memref<1280xf32, #tpu.memory_space<vmem>>, vector<16xf32>,
          tpu.vector_store %arg14[%parallel_loop3A_212], %parallel_loop3A_211 {strides = array<i32>} : memref<1280xf32, #tpu.memory_space<vmem>>, vector<16xf32>,
          %parallel_loop3A_214 = arith.constant 1 : i32
          %parallel_loop3A_215 = arith.index_cast %parallel_loop3A_214 : i32 to index
          %parallel_loop3A_216 = arith.index_cast %parallel_loop3A_203 : i32 to index
          %parallel_loop3A_217 = tpu.vector_load %arg10[%parallel_loop3A_215, %parallel_loop3A_216] {strides = array<i32>} : memref<2x1280xi32, #tpu.memory_space<vmem>>, vector<16xi32>,
          %parallel_loop3A_218 = arith.index_cast %parallel_loop3A_203 : i32 to index
          %parallel_loop3A_219 = tpu.vector_load %arg18[%parallel_loop3A_218] {strides = array<i32>} : memref<1280xi32, #tpu.memory_space<vmem>>, vector<16xi32>,
          tpu.vector_store %arg18[%parallel_loop3A_218], %parallel_loop3A_217 {strides = array<i32>} : memref<1280xi32, #tpu.memory_space<vmem>>, vector<16xi32>,
        } {sc.loop_unroll_factor = 8 : i64, sc.parallel_access}
        %dma_start3A_189 = arith.constant 0 : i32
        %dma_start3A_190 = tpu.memref_slice %arg19[%dma_start3A_189] : memref<100352xf32, #tpu.memory_space<vmem_shared>> -> memref<100352xf32, #tpu.memory_space<vmem_shared>>
        tpu.enqueue_indirect_dma source(%arg14 : memref<1280xf32, #tpu.memory_space<vmem>>) target(%dma_start3A_190 : memref<100352xf32, #tpu.memory_space<vmem_shared>>) offsets(%arg18 : memref<1280xi32, #tpu.memory_space<vmem>>) semaphore(%arg27 : memref<!tpu.dma_semaphore, #tpu.memory_space<semaphore_mem>>) {add = true}
        %ge3A = arith.constant 2 : i32
        %ge3A_191 = arith.cmpi sge, %add3A_173, %ge3A : i32
        %convert_element_type3A_192 = arith.extui %ge3A_191 : i1 to i32
        %cond3A_193 = arith.constant 0 : i32
        %cond3A_194 = arith.cmpi ne, %convert_element_type3A_192, %cond3A_193 : i32
        scf.if %cond3A_194 {
          %dma_wait3A_201 = arith.constant 0 : i32
          %dma_wait3A_202 = tpu.memref_slice %arg19[%dma_wait3A_201] : memref<100352xf32, #tpu.memory_space<vmem_shared>> -> memref<100352xf32, #tpu.memory_space<vmem_shared>>
          tpu.wait_indirect_dma semaphore(%arg25 : memref<!tpu.dma_semaphore, #tpu.memory_space<semaphore_mem>>) src(%arg12 : memref<1280xf32, #tpu.memory_space<vmem>>) dst(%dma_wait3A_202 : memref<100352xf32, #tpu.memory_space<vmem_shared>>)
        } else {
        }
        %add3A_195 = arith.constant 2 : i32
        %add3A_196 = arith.addi %add3A_173, %add3A_195 : i32
        %lt3A_197 = arith.cmpi slt, %add3A_196, %select_n3A : i32
        %convert_element_type3A_198 = arith.extui %lt3A_197 : i1 to i32
        %cond3A_199 = arith.constant 0 : i32
        %cond3A_200 = arith.cmpi ne, %convert_element_type3A_198, %cond3A_199 : i32
        scf.if %cond3A_200 {
          %add3A_201 = arith.constant 2 : i32
          %add3A_202 = arith.addi %add3A_173, %add3A_201 : i32
          %mul3A_203 = arith.constant 32 : i32
          %mul3A_204 = arith.muli %mul3A_203, %add3A_202 : i32
          %add3A_205 = arith.addi %add3A, %mul3A_204 : i32
          %mul3A_206 = arith.constant 1280 : i32
          %mul3A_207 = arith.muli %add3A_205, %mul3A_206 : i32
          %multiple_of3A_208 = tpu.assume_multiple %mul3A_207, 128 : i32
          %dma_start3A_209 = arith.constant 0 : i32
          %dma_start3A_210 = tpu.memref_slice %arg2[%dma_start3A_209, %multiple_of3A_208] : memref<2x6400000xi32, #tpu.memory_space<hbm>> -> memref<2x1280xi32, #tpu.memory_space<hbm>>
          %dma_start3A_211 = arith.constant 0 : i32
          %dma_start3A_212 = tpu.memref_slice %arg2[%dma_start3A_211, %multiple_of3A_208] : memref<2x6400000xi32, #tpu.memory_space<hbm>> -> memref<2x1280xi32, #tpu.memory_space<hbm>>
          tpu.enqueue_dma source(%dma_start3A_212 : memref<2x1280xi32, #tpu.memory_space<hbm>>) target(%arg8 : memref<2x1280xi32, #tpu.memory_space<vmem>>) target_semaphore(%arg21 : memref<!tpu.dma_semaphore, #tpu.memory_space<semaphore_mem>>)
          %dma_start3A_213 = tpu.memref_slice %arg3[%multiple_of3A_208] : memref<6400000xf32, #tpu.memory_space<hbm>> -> memref<1280xf32, #tpu.memory_space<hbm>>
          %dma_start3A_214 = tpu.memref_slice %arg3[%multiple_of3A_208] : memref<6400000xf32, #tpu.memory_space<hbm>> -> memref<1280xf32, #tpu.memory_space<hbm>>
          tpu.enqueue_dma source(%dma_start3A_214 : memref<1280xf32, #tpu.memory_space<hbm>>) target(%arg12 : memref<1280xf32, #tpu.memory_space<vmem>>) target_semaphore(%arg21 : memref<!tpu.dma_semaphore, #tpu.memory_space<semaphore_mem>>)
        } else {
        }
      } else {
      }
    }
    %scan3A_49 = arith.constant 40 : i32
    %sub3A = arith.constant 1 : i32
    %sub3A_50 = arith.subi %select_n3A, %sub3A : i32
    %sub3A_51 = arith.constant 0 : i32
    %sub3A_52 = arith.subi %sub3A_50, %sub3A_51 : i32
    %jit3A_53 = arith.constant 4 : i32
    %eq3A = arith.constant 0 : i32
    %eq3A_54 = arith.cmpi eq, %jit3A_53, %eq3A : i32
    %jit3A_55 = arith.constant 1 : i32
    %select_n3A_56 = arith.select %eq3A_54, %jit3A_55, %jit3A_53 : i32
    %rem3A = arith.remsi %sub3A_52, %select_n3A_56 : i32
    %ne3A = arith.constant 0 : i32
    %ne3A_57 = arith.cmpi ne, %rem3A, %ne3A : i32
    %lt3A_58 = arith.constant 0 : i32
    %lt3A_59 = arith.cmpi slt, %rem3A, %lt3A_58 : i32
    %lt3A_60 = arith.constant 0 : i32
    %lt3A_61 = arith.cmpi slt, %select_n3A_56, %lt3A_60 : i32
    %ne3A_62 = arith.xori %lt3A_59, %lt3A_61 : i1
    %and3A = arith.andi %ne3A_62, %ne3A_57 : i1
    %add3A_63 = arith.addi %rem3A, %select_n3A_56 : i32
    %select_n3A_64 = arith.select %and3A, %add3A_63, %rem3A : i32
    %le3A = arith.constant 1 : i32
    %le3A_65 = arith.cmpi sle, %select_n3A_64, %le3A : i32
    %convert_element_type3A = arith.extui %le3A_65 : i1 to i32
    %cond3A = arith.constant 0 : i32
    %cond3A_66 = arith.cmpi ne, %convert_element_type3A, %cond3A : i32
    scf.if %cond3A_66 {
      %dma_wait3A = arith.constant 0 : i32
      %dma_wait3A_145 = tpu.memref_slice %arg19[%dma_wait3A] : memref<100352xf32, #tpu.memory_space<vmem_shared>> -> memref<100352xf32, #tpu.memory_space<vmem_shared>>
      tpu.wait_indirect_dma semaphore(%arg24 : memref<!tpu.dma_semaphore, #tpu.memory_space<semaphore_mem>>) src(%arg11 : memref<1280xf32, #tpu.memory_space<vmem>>) dst(%dma_wait3A_145 : memref<100352xf32, #tpu.memory_space<vmem_shared>>)
    } else {
    }
    %sub3A_67 = arith.constant 1 : i32
    %sub3A_68 = arith.subi %select_n3A, %sub3A_67 : i32
    %sub3A_69 = arith.constant 1 : i32
    %sub3A_70 = arith.subi %sub3A_68, %sub3A_69 : i32
    %jit3A_71 = arith.constant 4 : i32
    %eq3A_72 = arith.constant 0 : i32
    %eq3A_73 = arith.cmpi eq, %jit3A_71, %eq3A_72 : i32
    %jit3A_74 = arith.constant 1 : i32
    %select_n3A_75 = arith.select %eq3A_73, %jit3A_74, %jit3A_71 : i32
    %rem3A_76 = arith.remsi %sub3A_70, %select_n3A_75 : i32
    %ne3A_77 = arith.constant 0 : i32
    %ne3A_78 = arith.cmpi ne, %rem3A_76, %ne3A_77 : i32
    %lt3A_79 = arith.constant 0 : i32
    %lt3A_80 = arith.cmpi slt, %rem3A_76, %lt3A_79 : i32
    %lt3A_81 = arith.constant 0 : i32
    %lt3A_82 = arith.cmpi slt, %select_n3A_75, %lt3A_81 : i32
    %ne3A_83 = arith.xori %lt3A_80, %lt3A_82 : i1
    %and3A_84 = arith.andi %ne3A_83, %ne3A_78 : i1
    %add3A_85 = arith.addi %rem3A_76, %select_n3A_75 : i32
    %select_n3A_86 = arith.select %and3A_84, %add3A_85, %rem3A_76 : i32
    %le3A_87 = arith.constant 1 : i32
    %le3A_88 = arith.cmpi sle, %select_n3A_86, %le3A_87 : i32
    %convert_element_type3A_89 = arith.extui %le3A_88 : i1 to i32
    %cond3A_90 = arith.constant 0 : i32
    %cond3A_91 = arith.cmpi ne, %convert_element_type3A_89, %cond3A_90 : i32
    scf.if %cond3A_91 {
      %dma_wait3A = arith.constant 0 : i32
      %dma_wait3A_145 = tpu.memref_slice %arg19[%dma_wait3A] : memref<100352xf32, #tpu.memory_space<vmem_shared>> -> memref<100352xf32, #tpu.memory_space<vmem_shared>>
      tpu.wait_indirect_dma semaphore(%arg25 : memref<!tpu.dma_semaphore, #tpu.memory_space<semaphore_mem>>) src(%arg12 : memref<1280xf32, #tpu.memory_space<vmem>>) dst(%dma_wait3A_145 : memref<100352xf32, #tpu.memory_space<vmem_shared>>)
    } else {
    }
    %sub3A_92 = arith.constant 1 : i32
    %sub3A_93 = arith.subi %select_n3A, %sub3A_92 : i32
    %sub3A_94 = arith.constant 2 : i32
    %sub3A_95 = arith.subi %sub3A_93, %sub3A_94 : i32
    %jit3A_96 = arith.constant 4 : i32
    %eq3A_97 = arith.constant 0 : i32
    %eq3A_98 = arith.cmpi eq, %jit3A_96, %eq3A_97 : i32
    %jit3A_99 = arith.constant 1 : i32
    %select_n3A_100 = arith.select %eq3A_98, %jit3A_99, %jit3A_96 : i32
    %rem3A_101 = arith.remsi %sub3A_95, %select_n3A_100 : i32
    %ne3A_102 = arith.constant 0 : i32
    %ne3A_103 = arith.cmpi ne, %rem3A_101, %ne3A_102 : i32
    %lt3A_104 = arith.constant 0 : i32
    %lt3A_105 = arith.cmpi slt, %rem3A_101, %lt3A_104 : i32
    %lt3A_106 = arith.constant 0 : i32
    %lt3A_107 = arith.cmpi slt, %select_n3A_100, %lt3A_106 : i32
    %ne3A_108 = arith.xori %lt3A_105, %lt3A_107 : i1
    %and3A_109 = arith.andi %ne3A_108, %ne3A_103 : i1
    %add3A_110 = arith.addi %rem3A_101, %select_n3A_100 : i32
    %select_n3A_111 = arith.select %and3A_109, %add3A_110, %rem3A_101 : i32
    %le3A_112 = arith.constant 1 : i32
    %le3A_113 = arith.cmpi sle, %select_n3A_111, %le3A_112 : i32
    %convert_element_type3A_114 = arith.extui %le3A_113 : i1 to i32
    %cond3A_115 = arith.constant 0 : i32
    %cond3A_116 = arith.cmpi ne, %convert_element_type3A_114, %cond3A_115 : i32
    scf.if %cond3A_116 {
      %dma_wait3A = arith.constant 0 : i32
      %dma_wait3A_145 = tpu.memref_slice %arg19[%dma_wait3A] : memref<100352xf32, #tpu.memory_space<vmem_shared>> -> memref<100352xf32, #tpu.memory_space<vmem_shared>>
      tpu.wait_indirect_dma semaphore(%arg26 : memref<!tpu.dma_semaphore, #tpu.memory_space<semaphore_mem>>) src(%arg13 : memref<1280xf32, #tpu.memory_space<vmem>>) dst(%dma_wait3A_145 : memref<100352xf32, #tpu.memory_space<vmem_shared>>)
    } else {
    }
    %sub3A_117 = arith.constant 1 : i32
    %sub3A_118 = arith.subi %select_n3A, %sub3A_117 : i32
    %sub3A_119 = arith.constant 3 : i32
    %sub3A_120 = arith.subi %sub3A_118, %sub3A_119 : i32
    %jit3A_121 = arith.constant 4 : i32
    %eq3A_122 = arith.constant 0 : i32
    %eq3A_123 = arith.cmpi eq, %jit3A_121, %eq3A_122 : i32
    %jit3A_124 = arith.constant 1 : i32
    %select_n3A_125 = arith.select %eq3A_123, %jit3A_124, %jit3A_121 : i32
    %rem3A_126 = arith.remsi %sub3A_120, %select_n3A_125 : i32
    %ne3A_127 = arith.constant 0 : i32
    %ne3A_128 = arith.cmpi ne, %rem3A_126, %ne3A_127 : i32
    %lt3A_129 = arith.constant 0 : i32
    %lt3A_130 = arith.cmpi slt, %rem3A_126, %lt3A_129 : i32
    %lt3A_131 = arith.constant 0 : i32
    %lt3A_132 = arith.cmpi slt, %select_n3A_125, %lt3A_131 : i32
    %ne3A_133 = arith.xori %lt3A_130, %lt3A_132 : i1
    %and3A_134 = arith.andi %ne3A_133, %ne3A_128 : i1
    %add3A_135 = arith.addi %rem3A_126, %select_n3A_125 : i32
    %select_n3A_136 = arith.select %and3A_134, %add3A_135, %rem3A_126 : i32
    %le3A_137 = arith.constant 1 : i32
    %le3A_138 = arith.cmpi sle, %select_n3A_136, %le3A_137 : i32
    %convert_element_type3A_139 = arith.extui %le3A_138 : i1 to i32
    %cond3A_140 = arith.constant 0 : i32
    %cond3A_141 = arith.cmpi ne, %convert_element_type3A_139, %cond3A_140 : i32
    scf.if %cond3A_141 {
      %dma_wait3A = arith.constant 0 : i32
      %dma_wait3A_145 = tpu.memref_slice %arg19[%dma_wait3A] : memref<100352xf32, #tpu.memory_space<vmem_shared>> -> memref<100352xf32, #tpu.memory_space<vmem_shared>>
      tpu.wait_indirect_dma semaphore(%arg27 : memref<!tpu.dma_semaphore, #tpu.memory_space<semaphore_mem>>) src(%arg14 : memref<1280xf32, #tpu.memory_space<vmem>>) dst(%dma_wait3A_145 : memref<100352xf32, #tpu.memory_space<vmem_shared>>)
    } else {
    }
    %barrier3A_142 = arith.constant 0 : index
    tpu.barrier barrier_id(%barrier3A_142)
    %mul3A_143 = arith.constant 6272 : i32
    %mul3A_144 = arith.muli %arg1, %mul3A_143 : i32
    "tpu.region"() ({
      %run_scoped3A = tpu.sem_alloc : memref<!tpu.dma_semaphore, #tpu.memory_space<semaphore_mem>>
      %dma_start3A_145 = arith.constant 0 : i32
      %dma_start3A_146 = tpu.memref_slice %arg5[%add3A, %dma_start3A_145] : memref<32x6272xf32, #tpu.memory_space<hbm>> -> memref<1x6272xf32, #tpu.memory_space<hbm>>
      %dma_start3A_147 = tpu.memref_squeeze %dma_start3A_146 : memref<1x6272xf32, #tpu.memory_space<hbm>> -> memref<6272xf32, #tpu.memory_space<hbm>>
      %dma_start3A_148 = tpu.memref_slice %arg19[%mul3A_144] : memref<100352xf32, #tpu.memory_space<vmem_shared>> -> memref<6272xf32, #tpu.memory_space<vmem_shared>>
      tpu.enqueue_dma source(%dma_start3A_148 : memref<6272xf32, #tpu.memory_space<vmem_shared>>) target(%dma_start3A_147 : memref<6272xf32, #tpu.memory_space<hbm>>) target_semaphore(%run_scoped3A : memref<!tpu.dma_semaphore, #tpu.memory_space<semaphore_mem>>)
      %dma_wait3A = arith.constant 0 : i32
      %dma_wait3A_149 = tpu.memref_slice %arg5[%add3A, %dma_wait3A] : memref<32x6272xf32, #tpu.memory_space<hbm>> -> memref<1x6272xf32, #tpu.memory_space<hbm>>
      %dma_wait3A_150 = tpu.memref_squeeze %dma_wait3A_149 : memref<1x6272xf32, #tpu.memory_space<hbm>> -> memref<6272xf32, #tpu.memory_space<hbm>>
      %dma_wait3A_151 = tpu.memref_slice %arg19[%mul3A_144] : memref<100352xf32, #tpu.memory_space<vmem_shared>> -> memref<6272xf32, #tpu.memory_space<vmem_shared>>
      tpu.wait_dma2 semaphore(%run_scoped3A : memref<!tpu.dma_semaphore, #tpu.memory_space<semaphore_mem>>) src(%dma_wait3A_151 : memref<6272xf32, #tpu.memory_space<vmem_shared>>) dst(%dma_wait3A_150 : memref<6272xf32, #tpu.memory_space<hbm>>)
      tpu.yield
    }) : () -> ()
    return
  }
}

module attributes {stable_mosaic.version = 14 : i64} {
  func.func @_stage3_body(%arg0: memref<784x128xf32, #tpu.memory_space<vmem>>, %arg1: memref<784x128xf32, #tpu.memory_space<vmem>>, %arg2: memref<784x128xf32, #tpu.memory_space<vmem>>, %arg3: memref<784x128xf32, #tpu.memory_space<vmem>>, %arg4: memref<8xf32, #tpu.memory_space<smem>>, %arg5: memref<784x128xf32, #tpu.memory_space<vmem>>) attributes {dimension_semantics = [], scalar_prefetch = 0 : i64, scratch_operands = 0 : i64, tpu.core_type = #tpu.core_type<tc>} {
    %get3A = arith.constant 0 : index
    %get3A_0 = arith.constant 0 : index
    %get3A_1 = vector.load %arg3[%get3A, %get3A_0] : memref<784x128xf32, #tpu.memory_space<vmem>>, vector<784x128xf32>
    %get3A_2 = arith.constant 0 : index
    %get3A_3 = arith.constant 0 : index
    %get3A_4 = vector.load %arg2[%get3A_2, %get3A_3] : memref<784x128xf32, #tpu.memory_space<vmem>>, vector<784x128xf32>
    %get3A_5 = arith.constant 0 : index
    %get3A_6 = arith.constant 0 : index
    %get3A_7 = vector.load %arg0[%get3A_5, %get3A_6] : memref<784x128xf32, #tpu.memory_space<vmem>>, vector<784x128xf32>
    %get3A_8 = arith.constant 0 : index
    %get3A_9 = arith.constant 0 : index
    %get3A_10 = vector.load %arg1[%get3A_8, %get3A_9] : memref<784x128xf32, #tpu.memory_space<vmem>>, vector<784x128xf32>
    %add3A = arith.addf %get3A_7, %get3A_10 : vector<784x128xf32>
    %mul3A = arith.mulf %get3A_4, %add3A : vector<784x128xf32>
    %add3A_11 = arith.addf %get3A_1, %mul3A : vector<784x128xf32>
    %get3A_12 = arith.constant 6 : index
    %get3A_13 = memref.load %arg4[%get3A_12] : memref<8xf32, #tpu.memory_space<smem>>
    %add3A_14 = vector.broadcast %get3A_13 : f32 to vector<784x128xf32>
    %add3A_15 = arith.addf %add3A_11, %add3A_14 : vector<784x128xf32>
    %max3A = arith.constant 0.000000e+00 : f32
    %max3A_16 = vector.broadcast %max3A : f32 to vector<784x128xf32>
    %max3A_17 = arith.maximumf %add3A_15, %max3A_16 : vector<784x128xf32>
    %swap3A = arith.constant 0 : index
    %swap3A_18 = arith.constant 0 : index
    %swap3A_19 = vector.load %arg5[%swap3A, %swap3A_18] : memref<784x128xf32, #tpu.memory_space<vmem>>, vector<784x128xf32>
    tpu.vector_store %arg5[%swap3A, %swap3A_18], %max3A_17 {strides = array<i32>} : memref<784x128xf32, #tpu.memory_space<vmem>>, vector<784x128xf32>,
    return
  }
}

module attributes {stable_mosaic.version = 14 : i64} {
  func.func @_stage1_body(%arg0: memref<784x128xf32, #tpu.memory_space<vmem>>, %arg1: memref<784x128xf32, #tpu.memory_space<vmem>>, %arg2: memref<784x128xf32, #tpu.memory_space<vmem>>, %arg3: memref<784x128xf32, #tpu.memory_space<vmem>>, %arg4: memref<8xf32, #tpu.memory_space<smem>>, %arg5: memref<784x128xf32, #tpu.memory_space<vmem>>, %arg6: memref<784x128xf32, #tpu.memory_space<vmem>>, %arg7: memref<784x128xf32, #tpu.memory_space<vmem>>, %arg8: memref<784x128xf32, #tpu.memory_space<vmem>>) attributes {dimension_semantics = [], scalar_prefetch = 0 : i64, scratch_operands = 0 : i64, tpu.core_type = #tpu.core_type<tc>} {
    %get3A = arith.constant 0 : index
    %get3A_0 = arith.constant 0 : index
    %get3A_1 = vector.load %arg0[%get3A, %get3A_0] : memref<784x128xf32, #tpu.memory_space<vmem>>, vector<784x128xf32>
    %get3A_2 = arith.constant 0 : index
    %get3A_3 = arith.constant 0 : index
    %get3A_4 = vector.load %arg1[%get3A_2, %get3A_3] : memref<784x128xf32, #tpu.memory_space<vmem>>, vector<784x128xf32>
    %add3A = arith.addf %get3A_1, %get3A_4 : vector<784x128xf32>
    %gt3A = arith.constant 0.000000e+00 : f32
    %gt3A_5 = vector.broadcast %gt3A : f32 to vector<784x128xf32>
    %gt3A_6 = arith.cmpf ogt, %add3A, %gt3A_5 : vector<784x128xf32>
    %jit3A = arith.constant 1.000000e+00 : f32
    %broadcast_in_dim3A = vector.broadcast %jit3A : f32 to vector<784x128xf32>
    %select_n3A = arith.select %gt3A_6, %add3A, %broadcast_in_dim3A : vector<784x128xi1>, vector<784x128xf32>
    %rsqrt3A = math.rsqrt %select_n3A : vector<784x128xf32>
    %jit3A_7 = arith.constant 0.000000e+00 : f32
    %broadcast_in_dim3A_8 = vector.broadcast %jit3A_7 : f32 to vector<784x128xf32>
    %select_n3A_9 = arith.select %gt3A_6, %rsqrt3A, %broadcast_in_dim3A_8 : vector<784x128xi1>, vector<784x128xf32>
    %swap3A = arith.constant 0 : index
    %swap3A_10 = arith.constant 0 : index
    %swap3A_11 = vector.load %arg5[%swap3A, %swap3A_10] : memref<784x128xf32, #tpu.memory_space<vmem>>, vector<784x128xf32>
    tpu.vector_store %arg5[%swap3A, %swap3A_10], %select_n3A_9 {strides = array<i32>} : memref<784x128xf32, #tpu.memory_space<vmem>>, vector<784x128xf32>,
    %get3A_12 = arith.constant 0 : index
    %get3A_13 = arith.constant 0 : index
    %get3A_14 = vector.load %arg2[%get3A_12, %get3A_13] : memref<784x128xf32, #tpu.memory_space<vmem>>, vector<784x128xf32>
    %get3A_15 = arith.constant 0 : index
    %get3A_16 = memref.load %arg4[%get3A_15] : memref<8xf32, #tpu.memory_space<smem>>
    %mul3A = vector.broadcast %get3A_16 : f32 to vector<784x128xf32>
    %mul3A_17 = arith.mulf %get3A_14, %mul3A : vector<784x128xf32>
    %get3A_18 = arith.constant 0 : index
    %get3A_19 = arith.constant 0 : index
    %get3A_20 = vector.load %arg3[%get3A_18, %get3A_19] : memref<784x128xf32, #tpu.memory_space<vmem>>, vector<784x128xf32>
    %get3A_21 = arith.constant 1 : index
    %get3A_22 = memref.load %arg4[%get3A_21] : memref<8xf32, #tpu.memory_space<smem>>
    %mul3A_23 = vector.broadcast %get3A_22 : f32 to vector<784x128xf32>
    %mul3A_24 = arith.mulf %get3A_20, %mul3A_23 : vector<784x128xf32>
    %add3A_25 = arith.addf %mul3A_17, %mul3A_24 : vector<784x128xf32>
    %swap3A_26 = arith.constant 0 : index
    %swap3A_27 = arith.constant 0 : index
    %swap3A_28 = vector.load %arg6[%swap3A_26, %swap3A_27] : memref<784x128xf32, #tpu.memory_space<vmem>>, vector<784x128xf32>
    tpu.vector_store %arg6[%swap3A_26, %swap3A_27], %add3A_25 {strides = array<i32>} : memref<784x128xf32, #tpu.memory_space<vmem>>, vector<784x128xf32>,
    %get3A_29 = arith.constant 0 : index
    %get3A_30 = arith.constant 0 : index
    %get3A_31 = vector.load %arg2[%get3A_29, %get3A_30] : memref<784x128xf32, #tpu.memory_space<vmem>>, vector<784x128xf32>
    %get3A_32 = arith.constant 2 : index
    %get3A_33 = memref.load %arg4[%get3A_32] : memref<8xf32, #tpu.memory_space<smem>>
    %mul3A_34 = vector.broadcast %get3A_33 : f32 to vector<784x128xf32>
    %mul3A_35 = arith.mulf %get3A_31, %mul3A_34 : vector<784x128xf32>
    %get3A_36 = arith.constant 0 : index
    %get3A_37 = arith.constant 0 : index
    %get3A_38 = vector.load %arg3[%get3A_36, %get3A_37] : memref<784x128xf32, #tpu.memory_space<vmem>>, vector<784x128xf32>
    %get3A_39 = arith.constant 3 : index
    %get3A_40 = memref.load %arg4[%get3A_39] : memref<8xf32, #tpu.memory_space<smem>>
    %mul3A_41 = vector.broadcast %get3A_40 : f32 to vector<784x128xf32>
    %mul3A_42 = arith.mulf %get3A_38, %mul3A_41 : vector<784x128xf32>
    %add3A_43 = arith.addf %mul3A_35, %mul3A_42 : vector<784x128xf32>
    %mul3A_44 = arith.mulf %select_n3A_9, %add3A_43 : vector<784x128xf32>
    %swap3A_45 = arith.constant 0 : index
    %swap3A_46 = arith.constant 0 : index
    %swap3A_47 = vector.load %arg7[%swap3A_45, %swap3A_46] : memref<784x128xf32, #tpu.memory_space<vmem>>, vector<784x128xf32>
    tpu.vector_store %arg7[%swap3A_45, %swap3A_46], %mul3A_44 {strides = array<i32>} : memref<784x128xf32, #tpu.memory_space<vmem>>, vector<784x128xf32>,
    %get3A_48 = arith.constant 0 : index
    %get3A_49 = arith.constant 0 : index
    %get3A_50 = vector.load %arg2[%get3A_48, %get3A_49] : memref<784x128xf32, #tpu.memory_space<vmem>>, vector<784x128xf32>
    %get3A_51 = arith.constant 4 : index
    %get3A_52 = memref.load %arg4[%get3A_51] : memref<8xf32, #tpu.memory_space<smem>>
    %mul3A_53 = vector.broadcast %get3A_52 : f32 to vector<784x128xf32>
    %mul3A_54 = arith.mulf %get3A_50, %mul3A_53 : vector<784x128xf32>
    %get3A_55 = arith.constant 0 : index
    %get3A_56 = arith.constant 0 : index
    %get3A_57 = vector.load %arg3[%get3A_55, %get3A_56] : memref<784x128xf32, #tpu.memory_space<vmem>>, vector<784x128xf32>
    %get3A_58 = arith.constant 5 : index
    %get3A_59 = memref.load %arg4[%get3A_58] : memref<8xf32, #tpu.memory_space<smem>>
    %mul3A_60 = vector.broadcast %get3A_59 : f32 to vector<784x128xf32>
    %mul3A_61 = arith.mulf %get3A_57, %mul3A_60 : vector<784x128xf32>
    %add3A_62 = arith.addf %mul3A_54, %mul3A_61 : vector<784x128xf32>
    %mul3A_63 = arith.mulf %select_n3A_9, %add3A_62 : vector<784x128xf32>
    %swap3A_64 = arith.constant 0 : index
    %swap3A_65 = arith.constant 0 : index
    %swap3A_66 = vector.load %arg8[%swap3A_64, %swap3A_65] : memref<784x128xf32, #tpu.memory_space<vmem>>, vector<784x128xf32>
    tpu.vector_store %arg8[%swap3A_64, %swap3A_65], %mul3A_63 {strides = array<i32>} : memref<784x128xf32, #tpu.memory_space<vmem>>, vector<784x128xf32>,
    return
  }
}

module attributes {stable_mosaic.version = 14 : i64} {
  func.func @_stage2_body(%arg0: memref<784x128xf32, #tpu.memory_space<vmem>>, %arg1: memref<784x128xf32, #tpu.memory_space<vmem>>, %arg2: memref<784x128xf32, #tpu.memory_space<vmem>>, %arg3: memref<784x128xf32, #tpu.memory_space<vmem>>, %arg4: memref<784x128xf32, #tpu.memory_space<vmem>>) attributes {dimension_semantics = [], scalar_prefetch = 0 : i64, scratch_operands = 0 : i64, tpu.core_type = #tpu.core_type<tc>} {
    %get3A = arith.constant 0 : index
    %get3A_0 = arith.constant 0 : index
    %get3A_1 = vector.load %arg2[%get3A, %get3A_0] : memref<784x128xf32, #tpu.memory_space<vmem>>, vector<784x128xf32>
    %get3A_2 = arith.constant 0 : index
    %get3A_3 = arith.constant 0 : index
    %get3A_4 = vector.load %arg3[%get3A_2, %get3A_3] : memref<784x128xf32, #tpu.memory_space<vmem>>, vector<784x128xf32>
    %mul3A = arith.mulf %get3A_1, %get3A_1 : vector<784x128xf32>
    %get3A_5 = arith.constant 0 : index
    %get3A_6 = arith.constant 0 : index
    %get3A_7 = vector.load %arg0[%get3A_5, %get3A_6] : memref<784x128xf32, #tpu.memory_space<vmem>>, vector<784x128xf32>
    %get3A_8 = arith.constant 0 : index
    %get3A_9 = arith.constant 0 : index
    %get3A_10 = vector.load %arg1[%get3A_8, %get3A_9] : memref<784x128xf32, #tpu.memory_space<vmem>>, vector<784x128xf32>
    %add3A = arith.addf %get3A_7, %get3A_10 : vector<784x128xf32>
    %mul3A_11 = arith.mulf %mul3A, %add3A : vector<784x128xf32>
    %add3A_12 = arith.addf %get3A_4, %mul3A_11 : vector<784x128xf32>
    %swap3A = arith.constant 0 : index
    %swap3A_13 = arith.constant 0 : index
    %swap3A_14 = vector.load %arg4[%swap3A, %swap3A_13] : memref<784x128xf32, #tpu.memory_space<vmem>>, vector<784x128xf32>
    tpu.vector_store %arg4[%swap3A, %swap3A_13], %add3A_12 {strides = array<i32>} : memref<784x128xf32, #tpu.memory_space<vmem>>, vector<784x128xf32>,
    return
  }
}

</mosaic_0001>

<sc_bundles>
// kernel: kernel.11.cloned.1.call-start
scs
__scs_entry_jumppad:
0x0: {  	(pc) =	sbr.rel $0x88, $3  }
0x1: {  	(tag) =	ssettag $0x0;
	lr =	simm.s32 $0x1  }
0x2: {  	[smem:$0x3F9A] =	sst lr;
	_ =	strace $0xD0000000  }
0x3: {  	_ = 	snop  }
0x4: {  	_ = 	snop  }
0x5: {  	_ = 	snop  }
0x6: {  	_ = 	snop  }
0x7: {  	_ = 	snop  }
__scs_overlays_trampoline_lowered:
0x8: {  	[smem:$0x3FA9] =	sst s0  }
0x9: {  	[smem:$0x3FAA] =	sst s1  }
0xa: {  	[smem:$0x3FAB] =	sst s2  }
0xb: {  	[smem:$0x3FAC] =	sst s3  }
0xc: {  	[smem:$0x3FAD] =	sst s4  }
0xd: {  	[smem:$0x3FAE] =	sst s5  }
0xe: {  	[smem:$0x3FAF] =	sst s6  }
0xf: {  	[smem:$0x3FB0] =	sst s7  }
0x10: {  	[smem:$0x3FB1] =	sst s8  }
0x11: {  	[smem:$0x3FB2] =	sst s9;
	s0 =	simm.s32 @!p0 $0x0  }
0x12: {  	s1 =	sld [smem:$0x3F98];
	s0 =	simm.s32 @p0 $0x1  }
0x13: {  	[smem:$0x3FB3] =	sst s0;
	s0 =	simm.s32 @!p1 $0x0  }
0x14: {  	s2 =	sld [smem:$0x3F97];
	s0 =	simm.s32 @p1 $0x1  }
0x15: {  	[smem:$0x3FB4] =	sst s0;
	s0 =	simm.s32 @!p2 $0x0  }
0x16: {  	s3 =	sld [smem:$0x3FDB];
	s0 =	simm.s32 @p2 $0x1  }
0x17: {  	s4 =	simm.s32 $0x1BF5;
	[smem:$0x3FB6] =	sst s0  }
0x18: {  	s0 =	sld [smem:$0x3F99];
	_ =	swait.ge [sflag:s4], $0x0  }
0x19: {  	s7 =	sld [smem:$0x3F9A]  }
0x1a: {  	s8 =	sadd.s32 $0xFFFFE003, lr  }
0x1b: {  	s9 =	sadd.s32 $0xFFFFFEF7, lr;
	s5 =	simm.s32 $0xFFFFFFFF;
	p2 =	slt.u32 s8, $0xFFFFF086  }
0x1c: {  	p1 =	slt.u32 s9, $0xF7A;
	s5 =	simm.s32 @!p2 $0x0  }
0x1d: {  	s5 =	simm.s32 @p1 $0x1;
	p0 =	seq.s32 s7, s2  }
0x1e: {  	s7 =	smul.u32 @!p0 $0xF7A, s2;
	p2 =	seq.s32 @!p0 s5, $0x0  }
0x1f: {  	s9 =	smul.u32 $0xF7A, s1;
	s8 =	simm.s32 @!p0 $0x1BF5;
	p2 =	por !p2, p0  }
0x20: {  	[sflag:s8] =	ssyncset.s32 @!p0 $0xFFFFF086;
	s6 =	sadd.s32 @!p0 s3, s7;
	s7 =	simm.s32 @!p0 $0x108  }
0x21: {  	s3 =	sadd.s32 s3, s9;
	s6 =	sadd.s32 @!p0 $0x88, s6;
	s7 =	simm.s32 @p2 $0x1082  }
0x22: {  	[simem:s7], [sflag:s8] =	dma.local @!p0 [hbm:s6], $0xF7A  }
0x23: {  	s9 =	sor.u32 $0xD0000000, s2;
	s6 =	simm.s32 $0x108;
	_ =	swait.ge @!p0 [sflag:s8], $0x0  }
0x24: {  	s3 =	sadd.s32 $0x88, s3;
	s6 =	simm.s32 @!p1 $0x1082;
	[sflag:s4] =	ssyncset.s32 $0xFFFFF086  }
0x25: {  	[simem:s6], [sflag:s4] =	dma.local [hbm:s3], $0xF7A  }
0x26: {  	[smem:$0x3F9A] =	sst s1;
	(tag) =	ssettag s2;
	_ =	strace s9  }
0x27: {  	s1 =	sld [smem:$0x3FAA]  }
0x28: {  	s2 =	sld [smem:$0x3FAB]  }
0x29: {  	s4 =	sld [smem:$0x3FAD]  }
0x2a: {  	p0 =	seq.s32 s5, $0x0;
	s5 =	sld [smem:$0x3FAE]  }
0x2b: {  	s6 =	sld [smem:$0x3FAF]  }
0x2c: {  	s7 =	sld [smem:$0x3FB0]  }
0x2d: {  	s3 =	simm.s32 $0x108;
	s8 =	sld [smem:$0x3FB1]  }
0x2e: {  	s3 =	simm.s32 @!p0 $0x1082;
	s9 =	sld [smem:$0x3FB2]  }
0x2f: {  	lr =	sadd.s32 s0, s3;
	s0 =	sld [smem:$0x3FA9]  }
0x30: {  	s3 =	sld [smem:$0x3FAC]  }
0x31: {  	[smem:$0x3FB5] =	sst s10  }
0x32: {  	s10 =	sld [smem:$0x3FB3];
	_ =	sdelay $0x3  }
0x33: {  	p0 =	seq.s32 s10, $0x1;
	s10 =	sld [smem:$0x3FB5];
	_ =	sdelay $0x3  }
0x34: {  	[smem:$0x3FB5] =	sst s10  }
0x35: {  	s10 =	sld [smem:$0x3FB4];
	_ =	sdelay $0x3  }
0x36: {  	p1 =	seq.s32 s10, $0x1;
	s10 =	sld [smem:$0x3FB5];
	_ =	sdelay $0x3  }
0x37: {  	[smem:$0x3FB5] =	sst s10  }
0x38: {  	s10 =	sld [smem:$0x3FB6]  }
0x39: {  	_ = 	snop;
	(pc) =	sbr.ind lr, $3  }
0x3a: {  	_ = 	snop  }
0x3b: {  	_ = 	snop  }
0x3c: {  	p2 =	seq.s32 s10, $0x1;
	s10 =	sld [smem:$0x3FB5]  }
0x3d: {  	_ =	shalt  }
0x3e: {  	_ =	shalt  }
0x3f: {  	_ =	shalt  }
0x40: {  	_ =	shalt  }
0x41: {  	_ =	shalt  }
0x42: {  	_ =	shalt  }
0x43: {  	_ =	shalt  }
0x44: {  	_ =	shalt  }
0x45: {  	_ =	shalt  }
0x46: {  	_ =	shalt  }
0x47: {  	_ =	shalt  }
0x48: {  	_ =	shalt  }
0x49: {  	_ =	shalt  }
0x4a: {  	_ =	shalt  }
0x4b: {  	_ =	shalt  }
0x4c: {  	_ =	shalt  }
0x4d: {  	_ =	shalt  }
0x4e: {  	_ =	shalt  }
0x4f: {  	_ =	shalt  }
0x50: {  	_ =	shalt  }
0x51: {  	_ =	shalt  }
0x52: {  	_ =	shalt  }
0x53: {  	_ =	shalt  }
0x54: {  	_ =	shalt  }
0x55: {  	_ =	shalt  }
0x56: {  	_ =	shalt  }
0x57: {  	_ =	shalt  }
0x58: {  	_ =	shalt  }
0x59: {  	_ =	shalt  }
0x5a: {  	_ =	shalt  }
0x5b: {  	_ =	shalt  }
0x5c: {  	_ =	shalt  }
0x5d: {  	_ =	shalt  }
0x5e: {  	_ =	shalt  }
0x5f: {  	_ =	shalt  }
0x60: {  	_ =	shalt  }
0x61: {  	_ =	shalt  }
0x62: {  	_ =	shalt  }
0x63: {  	_ =	shalt  }
0x64: {  	_ =	shalt  }
0x65: {  	_ =	shalt  }
0x66: {  	_ =	shalt  }
0x67: {  	_ =	shalt  }
0x68: {  	_ =	shalt  }
0x69: {  	_ =	shalt  }
0x6a: {  	_ =	shalt  }
0x6b: {  	_ =	shalt  }
0x6c: {  	_ =	shalt  }
0x6d: {  	_ =	shalt  }
0x6e: {  	_ =	shalt  }
0x6f: {  	_ =	shalt  }
0x70: {  	_ =	shalt  }
0x71: {  	_ =	shalt  }
0x72: {  	_ =	shalt  }
0x73: {  	_ =	shalt  }
0x74: {  	_ =	shalt  }
0x75: {  	_ =	shalt  }
0x76: {  	_ =	shalt  }
0x77: {  	_ =	shalt  }
0x78: {  	_ =	shalt  }
0x79: {  	_ =	shalt  }
0x7a: {  	_ =	shalt  }
0x7b: {  	_ =	shalt  }
0x7c: {  	_ =	shalt  }
0x7d: {  	_ =	shalt  }
0x7e: {  	_ =	shalt  }
0x7f: {  	_ =	shalt  }
0x80: {  	_ =	shalt  }
0x81: {  	_ =	shalt  }
0x82: {  	_ =	shalt  }
0x83: {  	_ =	shalt  }
0x84: {  	_ =	shalt  }
0x85: {  	_ =	shalt  }
0x86: {  	_ =	shalt  }
0x87: {  	_ =	shalt  }
.Lfunc_end0:
.L_simem_size_0:
called_computation.1_lowered:
.L_overlay_start_0:
0x88: {  	s2 =	sld [smem:$0x3FD9]  }
0x89: {  	s3 =	sld [smem:$0x3FFE];
	_ =	sdelay $0x1  }
0x8a: {  	s1 =	srdreg.scid  }
0x8b: {  	s0 =	sand.u32 $0x1, s1  }
0x8c: {  	s17 =	sshll.u32 s0, $0xA;
	s2 =	sadd.s32 s3, s2  }
0x8d: {  	s2 =	sadd.s32 s2, s17  }
0x8e: {  	[smem:$0x3FC1] =	sst s2  }
0x8f: {  	_ = 	snop  }
0x90: {  	s2 =	sld [smem:$0x3FC8]  }
0x91: {  	s18 =	sld [smem:$0x3FC7];
	(tm) =	ssettm $0x1  }
0x92: {  	s4 =	sld [smem:$0x3FFB];
	_ =	sdelay $0x3  }
0x93: {  	_ =	strace s4  }
0x94: {  	s4 =	sld [smem:$0x3FFC];
	_ =	sdelay $0x3  }
0x95: {  	_ =	strace s4  }
0x96: {  	s4 =	sld [smem:$0x3FFD];
	_ =	sdelay $0x3  }
0x97: {  	_ =	strace s4  }
0x98: {  	_ =	strace $0x8FFFFFFF  }
0x99: {  	s19 =	sld [smem:$0x3FDB];
	_ =	sdelay $0x1  }
0x9a: {  	s5 =	simm.s32 $_scs_section_size  }
0x9b: {  	s6 =	simm.s32 $_size__tile_overlayer_lowered;
	s7 =	simm.s32 $_tile_overlayer_lowered  }
0x9c: {  	s22 =	simm.s32 $0x1BFF;
	s21 =	sshll.u32 s7, $0x1;
	s4 =	sadd.s32 s5, s19  }
0x9d: {  	s8 =	simm.s32 $0x0;
	s20 =	sshll.u32 s6, $0x1;
	s6 =	sadd.s32 s21, s4  }
0x9e: {  	[timem:s8], [sflag:s22] =	dma.local [hbm:s6], s20  }
0x9f: {  	_ =	swait.ge [sflag:s22], s20  }
0xa0: {  	s5 =	ssub.s32 $0x0, s20;
	[sflag:s22] =	ssyncset.done $0x0  }
0xa1: {  	[sflag:s22] =	ssyncadd.s32 s5;
	_ =	sdelay $0x1  }
0xa2: {  	s23 =	simm.s32 $0x1B8B  }
0xa3: {  	_ =	swait.ge [sflag:s23], $0x1  }
0xa4: {  	[sflag:s23] =	ssyncset.done $0x0  }
0xa5: {  	s25 =	simm.s32 $0x1B8E;
	s24 =	sld [smem:$0x3FFE];
	[sflag:s23] =	ssyncadd.s32 $0xFFFFFFFF  }
0xa6: {  	s26 =	simm.s32 $execute0_lowered;
	[smem:$0x3FD2] =	sst s25  }
0xa7: {  	s6 =	sshll.u32 s26, $0x1;
	_ =	strace $0x80000049;
	[dreg:$0x1] =	wrdreg $0xFFFFFFFF  }
0xa8: {  	s28 =	simm.s32 $_size_execute0_lowered;
	s4 =	sadd.s32 s4, s6;
	[dreg:$0x0] =	wrdreg $0x0  }
0xa9: {  	s6 =	sshll.u32 s28, $0x1;
	[dreg:$0x2] =	wrdreg s4  }
0xaa: {  	[dreg:$0x3] =	wrdreg s6  }
0xab: {  	[dreg:$0x4] =	wrdreg $0xC0  }
0xac: {  	_ =	task [dreg:s8], $0x5FFFF  }
0xad: {  	[dreg:$0x1] =	wrdreg $0xFFFFFFFF  }
0xae: {  	[dreg:$0x0] =	wrdreg $0x60  }
0xaf: {  	[dreg:$0x2] =	wrdreg s2  }
0xb0: {  	[dreg:$0x3] =	wrdreg s18  }
0xb1: {  	[dreg:$0x4] =	wrdreg s24  }
0xb2: {  	[dreg:$0x5] =	wrdreg $0x1D8000  }
0xb3: {  	[dreg:$0x6] =	wrdreg $0x9  }
0xb4: {  	_ =	task.clear_ibuf [dreg:s8], $0x7FFFF;
	_ =	strace $0x90000049  }
0xb5: {  	s29 =	simm.s32 $0x9;
	_ =	strace $0x8000004B  }
0xb6: {  	_ =	swait.ge [sflag:s29], $0x1  }
0xb7: {  	[sflag:s29] =	ssyncadd.s32 $0xFFFFFFFF  }
0xb8: {  	_ =	strace $0x9000004B  }
0xb9: {  	_ =	sfence  }
0xba: {  	s30 =	sld [smem:$0x0];
	_ =	sdelay $0x2  }
0xbb: {  	s31 =	sshll.u32 s1, $0xD;
	s1 =	sshrl.u32 s1, $0x2  }
0xbc: {  	s3 =	sand.u32 $0x4000, s31;
	s1 =	sadd.s32 s1, s30  }
0xbd: {  	s0 =	sor.u32 s3, s0;
	s1 =	sshll.u32 s1, $0x11  }
0xbe: {  	s0 =	sor.u32 s1, s0  }
0xbf: {  	s0 =	sadd.s32 $0x8F2B, s0  }
0xc0: {  	[sflag:s0] =	ssyncadd.remote.s32 $0x1  }
0xc1: {  	_ =	sfence.sel $0xFFFF  }
0xc2: {  	[dreg:$0x0] =	wrdreg $0xFFFFFFFF;
	(pc) =	sbr.abs _section_cstart, $3  }
0xc3: {  	[dreg:$0x1] =	wrdreg $0xFFFFFFFF  }
0xc4: {  	_ =	task.clear_ibuf [dreg:s8], $0x2FFFF;
	_ =	strace $0x9FFFFFFF  }
0xc5: {  	(tm) =	ssettm $0x7FFFFFFF  }
tec
execute0_lowered:
.L_overlay_start_1:
0x0: {  	(tag) =	ssettag $0x1  }
0x1: {  	s0 =	rddreg [dreg:$0x0]  }
0x2: {  	s2 =	rddreg [dreg:$0x1]  }
0x3: {  	s1 =	srdreg.scid;
	s3 =	rddreg [dreg:$0x2]  }
0x4: {  	s12 =	stileid.u32;
	s4 =	rddreg [dreg:$0x3];
	s6 =	simm.s32 $0x0  }
0x5: {  	s28 =	simm.s32 $0x9;
	s29 =	simm.s32 $0x1BF00;
	s30 =	simm.s32 $0x1  }
0x6: {  	s31 =	simm.s32 $0x500;
	s13 =	simm.s32 $0x4;
	s1 =	sand.u32 $0x1, s1  }
0x7: {  	[smem:$0x7FF] =	sst s6;
	s8 =	sshll.u32 s12, $0x7;
	s5 =	sshll.u32 s1, $0x4  }
0x8: {  	s9 =	sadd.s32 $0x1A00, s3;
	s5 =	sor.u32 s12, s5;
	s12 =	smul.u32 $0x6200, s12  }
0x9: {  	_ =	strace $0x8000004A;
	s8 =	sand.u32 $0x380, s8;
	s14 =	smul.u32 $0x140, s5  }
0xa: {  	[dreg:$0x5] =	wrdreg s9;
	s1 =	ssub.s32 $0x2, s1;
	s10 =	smul.u32 $0xA0, s5  }
0xb: {  	s15 =	sshrl.u32 s1, $0x1;
	s7 =	sshrl.u32 s5, $0x3;
	s11 =	smul.u32 $0x500, s5  }
0xc: {  	p0 =	slt.u32 s5, $0x8;
	s1 =	ssub.s32 s1, s15;
	s15 =	simm.s32 $0x6  }
0xd: {  	s7 =	smul.u32 $0xC400, s7;
	s19 =	sshrl.u32 s12, $0x2;
	s1 =	smax.u32 s1, $0x1  }
0xe: {  	s12 =	simm.s32 $0x5;
	s16 =	sadd.s32 s0, s14;
	s17 =	sadd.s32 s2, s10  }
0xf: {  	s18 =	sadd.s32 $0xA000, s11;
	s11 =	sadd.s32 s19, s4;
	[dreg:$0xf] =	wrdreg s1  }
0x10: {  	s10 =	simm.s32 $0x1BA00;
	s14 =	simm.s32 $0x1D300;
	[dreg:$0x6] =	wrdreg s16  }
0x11: {  	s7 =	sor.u32 s8, s7;
	s8 =	simm.s32 $0x9D;
	[dreg:$0x7] =	wrdreg s17  }
0x12: {  	s20 =	sshrl.u32 s18, $0x2;
	s22 =	sadd.s32 $0x620, s11;
	[dreg:$0x8] =	wrdreg s11  }
0x13: {  	s23 =	sadd.s32 $0xC40, s11;
	s24 =	sadd.s32 $0x1260, s11;
	[dreg:$0xb] =	wrdreg s22  }
0x14: {  	s7 =	sshrl.u32 s7, $0x3;
	s8 =	simm.s32 @!p0 $0x9C;
	[dreg:$0xc] =	wrdreg s23  }
0x15: {  	s21 =	sadd.s32 s0, s20;
	[dreg:$0xd] =	wrdreg s24;
	s22 =	sor.u32 $0x60, s5  }
0x16: {  	s24 =	simm.s32 $0x1B000;
	s23 =	simm.s32 $0x2;
	s3 =	sadd.s32 s7, s3  }
0x17: {  	s7 =	sshrl.u32 s18, $0x3;
	[dreg:$0x9] =	wrdreg s21;
	s17 =	sadd.s32 $0xFFFFFFFF, s8  }
.Ltmp0:
0x18: {  	s18 =	sadd.s32 $0xFFFFFFFE, s8;
	s19 =	sadd.s32 $0xFFFFFFFD, s8;
	(pc) =	sbr.rel .LBB2_1-.Ltmp0, $4  }
0x19: {  	s25 =	sadd.s32 $0x1, s8;
	s7 =	sadd.s32 s2, s7;
	s26 =	sand.u32 $0x2, s17  }
0x1a: {  	s3 =	sadd.s32 $0x4C00, s3;
	[dreg:$0xa] =	wrdreg s7;
	s7 =	sand.u32 $0x2, s25  }
0x1b: {  	[dreg:$0xe] =	wrdreg s3;
	p0 =	sne.s32 s26, $0x0;
	s26 =	simm.s32 $0x1B500  }
0x1c: {  	v0 =	vimm.f32 $0.0e+00;
	s3 =	simm.s32 $0x0;
	p1 =	sne.s32 s7, $0x0;
	s7 =	simm.s32 $0x3  }
.LBB2_21:
0x1d: {  	s1 =	simm.s32 @!p0 $0x5  }
0x1e: {  	_ =	swait.ge @!p0 [sflag:s1], $0x500  }
0x1f: {  	[sflag:s1] =	ssyncset.done @!p0 $0x0  }
0x20: {  	[sflag:s1] =	ssyncadd.s32 @!p0 $0xFFFFFB00;
	s1 =	simm.s32 @!p1 $0x7  }
0x21: {  	_ =	swait.ge @!p1 [sflag:s1], $0x500  }
0x22: {  	[sflag:s1] =	ssyncset.done @!p1 $0x0  }
0x23: {  	s16 =	simm.s32 $0x8;
	[sflag:s1] =	ssyncadd.s32 @!p1 $0xFFFFFB00  }
0x24: {  	_ =	swait.ge [sflag:s16], $0x500  }
0x25: {  	[sflag:s16] =	ssyncset.done $0x0  }
0x26: {  	s20 =	stileid.u32;
	[sflag:s16] =	ssyncadd.s32 $0xFFFFFB00  }
0x27: {  	s1 =	sshll.u32 s20, $0x6;
	[bflag:$0x0] =	sbarrier.arrive $0xFFFF  }
0x28: {  	s20 =	simm.s32 $0x10;
	s1 =	sor.u32 $0x1C09, s1;
	s11 =	rddreg [dreg:$0x8]  }
0x29: {  	s16 =	simm.s32 $0x80;
	s9 =	rddreg [dreg:$0xe];
	s3 =	sshrl.u32 s11, $0x3  }
0x2a: {  	[hbm:s9@s16], [sflag:s1] =	dma.strided [spmem:s3@s20], $0x310, s30, $0x10   }
0x2b: {  	_ =	swait.ge [sflag:s28], $0x310  }
0x2c: {  	s21 =	rddreg [dreg:$0x10]  }
0x2d: {  	s25 =	rddreg [dreg:$0xf];
	s3 =	sadd.s32 $0x1, s21  }
0x2e: {  	p2 =	sne.s32 s3, s25  }
.Ltmp1:
0x2f: {  	_ = 	snop;
	(pc) =	sbr.rel @!p2 .LBB2_22-.Ltmp1, $3  }
0x30: {  	_ =	sdelay $0x1  }
0x31: {  	[sflag:s28] =	ssyncset.done $0x0  }
0x32: {  	[sflag:s28] =	ssyncadd.s32 $0xFFFFFCF0  }
.LBB2_1:
0x33: {  	[dreg:$0x10] =	wrdreg s3  }
0x34: {  	s1 =	rddreg [dreg:$0x6];
	s25 =	simm.s32 $0x18800  }
0x35: {  	[tilespmem:s25], [sflag:$0x1] =	stream.linear.gather [hbm4b:s1+s6], $0xA00, $0x38;
	[tilespmem:$0x1F080] =	vst v63  }
0x36: {  	s9 =	rddreg [dreg:$0x7]  }
0x37: {  	[tilespmem:s24], [sflag:$0x1] =	stream.linear.gather [hbm4b:s9+s6], $0x500, $0x38;
	[tilespmem:$0x1F080] =	vst v63  }
0x38: {  	s16 =	rddreg [dreg:$0x9];
	s20 =	simm.s32 $0x19200  }
0x39: {  	[tilespmem:s20], [sflag:$0x2] =	stream.linear.gather [hbm4b:s16+s6], $0xA00, $0x38;
	[tilespmem:$0x1F080] =	vst v63  }
0x3a: {  	s21 =	rddreg [dreg:$0xa]  }
0x3b: {  	[tilespmem:s26], [sflag:$0x2] =	stream.linear.gather [hbm4b:s21+s6], $0x500, $0x38;
	[tilespmem:$0x1F080] =	vst v63  }
0x3c: {  	s25 =	rddreg [dreg:$0x5]  }
0x3d: {  	[tilespmem:s6], [sflag:$0x9] =	stream.linear.gather [hbm4b:s25+s6], $0x18800, $0x38;
	[tilespmem:$0x1F080] =	vst v63  }
0x3e: {  	_ =	swait.ge [sflag:s28], $0x18800  }
0x3f: {  	[sflag:s28] =	ssyncset.done $0x0  }
0x40: {  	s3 =	simm.s32 $0x0;
	s1 =	simm.s32 $0x40;
	[sflag:s28] =	ssyncadd.s32 $0xFFFE7800  }
.LBB2_2:
0x41: {  	p2 =	sne.s32 s1, $0x1840;
	[tilespmem:s3+$0x1BF00] =	vst v0;
	s3 =	smov.u32 s1;
	s1 =	sadd.s32 $0x40, s1  }
.Ltmp2:
0x42: {  	(pc) =	sbr.rel @p2 .LBB2_2-.Ltmp2, $2  }
0x43: {  	_ =	sdelay $0x2  }
0x44: {  	s3 =	sshra.s32 s3, $0x2  }
0x45: {  	[tilespmem:s3+$0x1BF00] =	vst v0  }
0x46: {  	[spmem:s11] =	stream.linear.scatter [tilespmem:s29], [sflag:$0x9], $0x620, $0x38;
	[tilespmem:$0x1F080] =	vst v63  }
0x47: {  	_ =	swait.ge [sflag:s28], $0x620  }
0x48: {  	[sflag:s28] =	ssyncset.done $0x0  }
0x49: {  	s1 =	rddreg [dreg:$0xb];
	[sflag:s28] =	ssyncadd.s32 $0xFFFFF9E0  }
0x4a: {  	[spmem:s1] =	stream.linear.scatter [tilespmem:s29], [sflag:$0x9], $0x620, $0x38;
	[tilespmem:$0x1F080] =	vst v63  }
0x4b: {  	_ =	swait.ge [sflag:s28], $0x620  }
0x4c: {  	[sflag:s28] =	ssyncset.done $0x0  }
0x4d: {  	s21 =	rddreg [dreg:$0xc];
	[sflag:s28] =	ssyncadd.s32 $0xFFFFF9E0  }
0x4e: {  	[spmem:s21] =	stream.linear.scatter [tilespmem:s29], [sflag:$0x9], $0x620, $0x38;
	[tilespmem:$0x1F080] =	vst v63  }
0x4f: {  	_ =	swait.ge [sflag:s28], $0x620  }
0x50: {  	[sflag:s28] =	ssyncset.done $0x0  }
0x51: {  	s25 =	rddreg [dreg:$0xd];
	[sflag:s28] =	ssyncadd.s32 $0xFFFFF9E0  }
0x52: {  	[spmem:s25] =	stream.linear.scatter [tilespmem:s29], [sflag:$0x9], $0x620, $0x38;
	[tilespmem:$0x1F080] =	vst v63  }
.Ltmp3:
0x53: {  	_ =	swait.ge [sflag:s28], $0x620;
	(pc) =	sbr.rel .LBB2_4-.Ltmp3, $4  }
0x54: {  	[sflag:s28] =	ssyncset.done $0x0  }
0x55: {  	[sflag:s28] =	ssyncadd.s32 $0xFFFFF9E0  }
0x56: {  	[bflag:$0x0] =	sbarrier.arrive $0xFFFF  }
0x57: {  	s21 =	simm.s32 $0x0  }
.LBB2_20:
0x58: {  	s21 =	sadd.s32 $0x1, s21  }
0x59: {  	p2 =	sne.s32 s21, $0x28  }
.Ltmp4:
0x5a: {  	_ = 	snop;
	(pc) =	sbr.rel @!p2 .LBB2_21-.Ltmp4, $1  }
0x5b: {  	_ =	sdelay $0x3  }
.LBB2_4:
0x5c: {  	s16 =	sshll.u32 s21, $0x2  }
0x5d: {  	p2 =	sge.u32 s16, s8  }
.Ltmp5:
0x5e: {  	_ = 	snop;
	(pc) =	sbr.rel @p2 .LBB2_8-.Ltmp5, $1  }
0x5f: {  	_ =	sdelay $0x3  }
0x60: {  	_ =	swait.ge [sflag:s30], $0xA00  }
0x61: {  	[sflag:s30] =	ssyncset.done $0x0  }
0x62: {  	[sflag:s30] =	ssyncadd.s32 $0xFFFFF600  }
0x63: {  	_ =	swait.ge [sflag:s30], $0x500  }
0x64: {  	[sflag:s30] =	ssyncset.done $0x0  }
0x65: {  	s1 =	simm.s32 $0x18880;
	[sflag:s30] =	ssyncadd.s32 $0xFFFFFB00  }
0x66: {  	v1 =	vld [tilespmem:s1+$0xFFFFFFF0]  }
0x67: {  	v2 =	vld [tilespmem:s1+$0xFFFFFF90]  }
0x68: {  	v3 =	vld [tilespmem:s1+$0xFFFFFFA0]  }
0x69: {  	v4 =	vld [tilespmem:s1+$0xFFFFFFB0]  }
0x6a: {  	v5 =	vld [tilespmem:s1+$0xFFFFFFC0]  }
0x6b: {  	v6 =	vld [tilespmem:s1+$0xFFFFFFD0]  }
0x6c: {  	v7 =	vld [tilespmem:s1+$0xFFFFFFE0]  }
0x6d: {  	s9 =	simm.s32 $0x1B040;
	v8 =	vld [tilespmem:s1+$0xFFFFFF80]  }
0x6e: {  	v9 =	vld [tilespmem:s9+$0x30]  }
0x6f: {  	v10 =	vld [tilespmem:s9+$0xFFFFFFC0]  }
0x70: {  	v11 =	vld [tilespmem:s9+$0xFFFFFFD0]  }
0x71: {  	v12 =	vld [tilespmem:s9+$0xFFFFFFE0]  }
0x72: {  	v54 =	vld [tilespmem:s9+$0xFFFFFFF0]  }
0x73: {  	v13 =	vld [tilespmem:s9+$0x0]  }
0x74: {  	s11 =	simm.s32 $0x18980;
	v56 =	vld [tilespmem:s9+$0x20]  }
0x75: {  	v57 =	vld [tilespmem:s11+$0xFFFFFF90]  }
0x76: {  	v58 =	vld [tilespmem:s11+$0xFFFFFFA0]  }
0x77: {  	v59 =	vld [tilespmem:s11+$0xFFFFFFB0]  }
0x78: {  	v14 =	vld [tilespmem:s11+$0xFFFFFFC0]  }
0x79: {  	v15 =	vld [tilespmem:s11+$0xFFFFFFD0]  }
0x7a: {  	v16 =	vld [tilespmem:s11+$0xFFFFFFE0]  }
0x7b: {  	v17 =	vld [tilespmem:s11+$0xFFFFFF80]  }
0x7c: {  	s3 =	simm.s32 $0x1B0C0;
	v1 =	vld.idx.msk [tilespmem:v1+s6+$0x0], $0xffff  }
0x7d: {  	v18 =	vld [tilespmem:s3+$0x30]  }
0x7e: {  	v8 =	vld.idx.msk [tilespmem:v8+s6+$0x0], $0xffff  }
0x7f: {  	v2 =	vld.idx.msk [tilespmem:v2+s6+$0x0], $0xffff  }
0x80: {  	v61 =	vld [tilespmem:s3+$0x0]  }
0x81: {  	v4 =	vld.idx.msk [tilespmem:v4+s6+$0x0], $0xffff;
	v1 =	vmul.f32 v9, v1  }
0x82: {  	v6 =	vld.idx.msk [tilespmem:v6+s6+$0x0], $0xffff  }
0x83: {  	[tilespmem:s9+$0x30] =	vst v1;
	v1 =	vmul.f32 v10, v8;
	v8 =	vld [tilespmem:s9+$0x10]  }
0x84: {  	v62 =	vld [tilespmem:s3+$0x10];
	v2 =	vmul.f32 v11, v2  }
0x85: {  	v3 =	vld.idx.msk [tilespmem:v3+s6+$0x0], $0xffff  }
0x86: {  	v5 =	vld.idx.msk [tilespmem:v5+s6+$0x0], $0xffff;
	[tilespmem:s9+$0xFFFFFFD0] =	vst v2;
	v2 =	vmul.f32 v54, v4  }
0x87: {  	v7 =	vld.idx.msk [tilespmem:v7+s6+$0x0], $0xffff  }
0x88: {  	[tilespmem:s9+$0xFFFFFFF0] =	vst v2;
	v2 =	vmul.f32 v8, v6;
	v8 =	vld [tilespmem:s11+$0xFFFFFFF0]  }
0x89: {  	v14 =	vld.idx.msk [tilespmem:v14+s6+$0x0], $0xffff  }
0x8a: {  	v15 =	vld.idx.msk [tilespmem:v15+s6+$0x0], $0xffff  }
0x8b: {  	v60 =	vld.idx.msk [tilespmem:v17+s6+$0x0], $0xffff  }
0x8c: {  	v9 =	vld.idx.msk [tilespmem:v57+s6+$0x0], $0xffff  }
0x8d: {  	v4 =	vld [tilespmem:s1+$0x10]  }
0x8e: {  	[tilespmem:s9+$0xFFFFFFC0] =	vst v1;
	v1 =	vmul.f32 v12, v3;
	v12 =	vld.idx.msk [tilespmem:v58+s6+$0x0], $0xffff  }
0x8f: {  	v3 =	vld [tilespmem:s1+$0x0]  }
0x90: {  	v7 =	vmul.f32 v56, v7;
	v8 =	vld.idx.msk [tilespmem:v8+s6+$0x0], $0xffff  }
0x91: {  	[tilespmem:s9+$0xFFFFFFE0] =	vst v1;
	v1 =	vmul.f32 v13, v5;
	v13 =	vld.idx.msk [tilespmem:v59+s6+$0x0], $0xffff  }
0x92: {  	[tilespmem:s9+$0x20] =	vst v7;
	v5 =	vld [tilespmem:s1+$0x20]  }
0x93: {  	s20 =	simm.s32 $0x1C440;
	v6 =	vld [tilespmem:s1+$0x30];
	[tilespmem:s9+$0x0] =	vst v1  }
0x94: {  	[tilespmem:s20+$0xFFFFFFD0] =	vst v4;
	v4 =	vld [tilespmem:s3+$0xFFFFFFD0]  }
0x95: {  	v1 =	vld [tilespmem:s1+$0x40];
	[tilespmem:s9+$0x10] =	vst v2;
	v8 =	vmul.f32 v18, v8  }
0x96: {  	v63 =	vmul.f32 v62, v15;
	v2 =	vld [tilespmem:s1+$0x50];
	[tilespmem:s20+$0xFFFFFFC0] =	vst v3  }
0x97: {  	v3 =	vld [tilespmem:s3+$0xFFFFFFC0];
	[tilespmem:s3+$0x30] =	vst v8  }
0x98: {  	[tilespmem:s3+$0x10] =	vst v63;
	v7 =	vld [tilespmem:s11+$0x70]  }
0x99: {  	[tilespmem:s20+$0xFFFFFFE0] =	vst v5;
	v5 =	vld [tilespmem:s3+$0xFFFFFFE0]  }
0x9a: {  	[tilespmem:s20+$0xFFFFFFF0] =	vst v6;
	v6 =	vld [tilespmem:s3+$0xFFFFFFF0]  }
0x9b: {  	v55 =	vld [tilespmem:s1+$0x70];
	[tilespmem:s20+$0x0] =	vst v1  }
0x9c: {  	s25 =	simm.s32 $0x1C4C0;
	[tilespmem:s20+$0x10] =	vst v2;
	v1 =	vmul.f32 v3, v60;
	v8 =	vld.idx.msk [tilespmem:v16+s6+$0x0], $0xffff  }
0x9d: {  	v3 =	vmul.f32 v4, v9;
	[tilespmem:s25+$0x30] =	vst v7;
	v7 =	vld [tilespmem:s3+$0x20]  }
0x9e: {  	[tilespmem:s3+$0xFFFFFFC0] =	vst v1;
	v4 =	vmul.f32 v5, v12;
	v1 =	vld [tilespmem:s1+$0x60]  }
0x9f: {  	[tilespmem:s3+$0xFFFFFFD0] =	vst v3;
	v5 =	vmul.f32 v6, v13;
	v2 =	vld [tilespmem:s11+$0x0]  }
0xa0: {  	v6 =	vmul.f32 v61, v14;
	v3 =	vld [tilespmem:s11+$0x10];
	[tilespmem:s3+$0xFFFFFFE0] =	vst v4  }
0xa1: {  	[tilespmem:s3+$0xFFFFFFF0] =	vst v5;
	v4 =	vld [tilespmem:s11+$0x20]  }
0xa2: {  	[tilespmem:s3+$0x0] =	vst v6;
	v5 =	vld [tilespmem:s11+$0x30];
	v8 =	vmul.f32 v7, v8  }
0xa3: {  	[tilespmem:s20+$0x30] =	vst v55;
	v6 =	vld [tilespmem:s11+$0x40]  }
0xa4: {  	s9 =	simm.s32 $0x18A80;
	s1 =	simm.s32 $0x8;
	v7 =	vld [tilespmem:s11+$0x50];
	[tilespmem:s3+$0x20] =	vst v8  }
.LBB2_6:
0xa5: {  	v8 =	vld [tilespmem:s9+$0xFFFFFFF0];
	s1 =	sadd.s32 $0x8, s1;
	[tilespmem:s25+$0xFFFFFFC0] =	vst v2  }
0xa6: {  	v2 =	vld [tilespmem:s9+$0xFFFFFF90];
	p2 =	slt.u32 s1, $0x48;
	[tilespmem:s25+$0xFFFFFFD0] =	vst v3  }
0xa7: {  	v3 =	vld [tilespmem:s9+$0xFFFFFFA0];
	[tilespmem:s25+$0xFFFFFFE0] =	vst v4  }
0xa8: {  	v4 =	vld [tilespmem:s9+$0xFFFFFFB0];
	[tilespmem:s25+$0xFFFFFFF0] =	vst v5  }
0xa9: {  	v5 =	vld [tilespmem:s9+$0xFFFFFFC0];
	[tilespmem:s25+$0x0] =	vst v6  }
0xaa: {  	v6 =	vld [tilespmem:s9+$0xFFFFFFD0];
	[tilespmem:s25+$0x10] =	vst v7  }
0xab: {  	v7 =	vld [tilespmem:s9+$0xFFFFFFE0];
	[tilespmem:s20+$0x20] =	vst v1;
	s20 =	smov.u32 s25  }
0xac: {  	v1 =	vld [tilespmem:s9+$0xFFFFFF80]  }
0xad: {  	s3 =	sadd.s32 $0x80, s3;
	v8 =	vld.idx.msk [tilespmem:v8+s6+$0x0], $0xffff  }
0xae: {  	v9 =	vld [tilespmem:s3+$0x30]  }
0xaf: {  	v2 =	vld.idx.msk [tilespmem:v2+s6+$0x0], $0xffff  }
0xb0: {  	v3 =	vld.idx.msk [tilespmem:v3+s6+$0x0], $0xffff  }
0xb1: {  	v4 =	vld.idx.msk [tilespmem:v4+s6+$0x0], $0xffff  }
0xb2: {  	v5 =	vld.idx.msk [tilespmem:v5+s6+$0x0], $0xffff  }
0xb3: {  	v6 =	vld.idx.msk [tilespmem:v6+s6+$0x0], $0xffff;
	v8 =	vmul.f32 v9, v8  }
0xb4: {  	v1 =	vld.idx.msk [tilespmem:v1+s6+$0x0], $0xffff  }
0xb5: {  	v7 =	vld.idx.msk [tilespmem:v7+s6+$0x0], $0xffff;
	[tilespmem:s3+$0x30] =	vst v8  }
0xb6: {  	v8 =	vld [tilespmem:s9+$0x70]  }
0xb7: {  	v9 =	vld [tilespmem:s3+$0xFFFFFFC0]  }
0xb8: {  	v10 =	vld [tilespmem:s3+$0xFFFFFFD0]  }
0xb9: {  	v11 =	vld [tilespmem:s3+$0xFFFFFFE0]  }
0xba: {  	s25 =	sadd.s32 $0x80, s25;
	v12 =	vld [tilespmem:s3+$0xFFFFFFF0]  }
0xbb: {  	v13 =	vld [tilespmem:s3+$0x0];
	[tilespmem:s25+$0x30] =	vst v8  }
0xbc: {  	v1 =	vmul.f32 v9, v1;
	v8 =	vld [tilespmem:s3+$0x10]  }
0xbd: {  	v9 =	vmul.f32 v10, v2;
	v10 =	vld [tilespmem:s3+$0x20]  }
0xbe: {  	[tilespmem:s3+$0xFFFFFFC0] =	vst v1;
	v11 =	vmul.f32 v11, v3;
	v1 =	vld [tilespmem:s11+$0x60];
	s11 =	smov.u32 s9  }
0xbf: {  	v2 =	vld [tilespmem:s9+$0x0];
	[tilespmem:s3+$0xFFFFFFD0] =	vst v9;
	v9 =	vmul.f32 v12, v4  }
.Ltmp6:
0xc0: {  	v3 =	vld [tilespmem:s9+$0x10];
	[tilespmem:s3+$0xFFFFFFE0] =	vst v11;
	v11 =	vmul.f32 v13, v5;
	(pc) =	sbr.rel @p2 .LBB2_6-.Ltmp6, $4  }
0xc1: {  	v4 =	vld [tilespmem:s9+$0x20];
	[tilespmem:s3+$0xFFFFFFF0] =	vst v9;
	v8 =	vmul.f32 v8, v6  }
0xc2: {  	v5 =	vld [tilespmem:s9+$0x30];
	[tilespmem:s3+$0x0] =	vst v11;
	v9 =	vmul.f32 v10, v7  }
0xc3: {  	v6 =	vld [tilespmem:s9+$0x40];
	[tilespmem:s3+$0x10] =	vst v8  }
0xc4: {  	s9 =	sadd.s32 $0x100, s9;
	v7 =	vld [tilespmem:s11+$0x50];
	[tilespmem:s3+$0x20] =	vst v9  }
0xc5: {  	[tilespmem:s25+$0xFFFFFFC0] =	vst v2  }
0xc6: {  	[tilespmem:s25+$0xFFFFFFD0] =	vst v3  }
0xc7: {  	v2 =	vld [tilespmem:s11+$0x60];
	[tilespmem:s20+$0x20] =	vst v1  }
0xc8: {  	[tilespmem:s25+$0xFFFFFFE0] =	vst v4  }
0xc9: {  	[tilespmem:s25+$0xFFFFFFF0] =	vst v5  }
0xca: {  	[tilespmem:s25+$0x0] =	vst v6  }
0xcb: {  	[tilespmem:s25+$0x10] =	vst v7  }
0xcc: {  	s1 =	simm.s32 $0x1C400;
	[tilespmem:s25+$0x20] =	vst v2  }
0xcd: {  	[spmem:s4] =	stream.indirect.scatter.add.f32 [tilespmem:s24], [sflag:$0x5], $0x1, s1, s31, $0xb8;
	[tilespmem:$0x1F080] =	vst v63  }
0xce: {  	s1 =	sor.u32 $0x2, s16  }
0xcf: {  	p3 =	seq.s32 s21, $0x0;
	p2 =	sge.u32 s1, s8  }
0xd0: {  	s3 =	simm.s32 @!p3 $0x7;
	s1 =	sshll.u32 @!p2 s1, $0x5  }
0xd1: {  	_ =	swait.ge @!p3 [sflag:s3], $0x500;
	s1 =	sor.u32 @!p2 s5, s1  }
0xd2: {  	[sflag:s3] =	ssyncset.done @!p3 $0x0;
	s9 =	smul.u32 @!p2 $0x140, s1  }
0xd3: {  	s11 =	simm.s32 @!p2 $0x19C00;
	[sflag:s3] =	ssyncadd.s32 @!p3 $0xFFFFFB00  }
0xd4: {  	s1 =	smul.u32 @!p2 $0xA0, s1;
	s3 =	sadd.s32 @!p2 s0, s9;
	s9 =	simm.s32 @!p2 $0x0  }
0xd5: {  	[tilespmem:s11], [sflag:$0x3] =	stream.linear.gather @!p2 [hbm4b:s3+s9], $0xA00, $0x38;
	[tilespmem:$0x1F080] =	vst v63  }
0xd6: {  	s1 =	sadd.s32 @!p2 s2, s1;
	s3 =	simm.s32 @!p2 $0x1BA00  }
0xd7: {  	[tilespmem:s3], [sflag:$0x3] =	stream.linear.gather @!p2 [hbm4b:s1+s9], $0x500, $0x38;
	[tilespmem:$0x1F080] =	vst v63  }
.LBB2_8:
0xd8: {  	p2 =	sge.u32 s16, s17  }
.Ltmp7:
0xd9: {  	_ = 	snop;
	(pc) =	sbr.rel @p2 .LBB2_12-.Ltmp7, $1  }
0xda: {  	_ =	sdelay $0x3  }
0xdb: {  	_ =	swait.ge [sflag:s23], $0xA00  }
0xdc: {  	[sflag:s23] =	ssyncset.done $0x0  }
0xdd: {  	[sflag:s23] =	ssyncadd.s32 $0xFFFFF600  }
0xde: {  	_ =	swait.ge [sflag:s23], $0x500  }
0xdf: {  	[sflag:s23] =	ssyncset.done $0x0  }
0xe0: {  	s1 =	simm.s32 $0x19280;
	[sflag:s23] =	ssyncadd.s32 $0xFFFFFB00  }
0xe1: {  	v1 =	vld [tilespmem:s1+$0xFFFFFFF0]  }
0xe2: {  	v2 =	vld [tilespmem:s1+$0xFFFFFF90]  }
0xe3: {  	v3 =	vld [tilespmem:s1+$0xFFFFFFA0]  }
0xe4: {  	v4 =	vld [tilespmem:s1+$0xFFFFFFB0]  }
0xe5: {  	v5 =	vld [tilespmem:s1+$0xFFFFFFC0]  }
0xe6: {  	v6 =	vld [tilespmem:s1+$0xFFFFFFD0]  }
0xe7: {  	v7 =	vld [tilespmem:s1+$0xFFFFFFE0]  }
0xe8: {  	s9 =	simm.s32 $0x1B540;
	v8 =	vld [tilespmem:s1+$0xFFFFFF80]  }
0xe9: {  	v9 =	vld [tilespmem:s9+$0x30]  }
0xea: {  	v10 =	vld [tilespmem:s9+$0xFFFFFFC0]  }
0xeb: {  	v11 =	vld [tilespmem:s9+$0xFFFFFFD0]  }
0xec: {  	v12 =	vld [tilespmem:s9+$0xFFFFFFE0]  }
0xed: {  	v54 =	vld [tilespmem:s9+$0xFFFFFFF0]  }
0xee: {  	v13 =	vld [tilespmem:s9+$0x0]  }
0xef: {  	s11 =	simm.s32 $0x19380;
	v56 =	vld [tilespmem:s9+$0x20]  }
0xf0: {  	v57 =	vld [tilespmem:s11+$0xFFFFFF90]  }
0xf1: {  	v58 =	vld [tilespmem:s11+$0xFFFFFFA0]  }
0xf2: {  	v59 =	vld [tilespmem:s11+$0xFFFFFFB0]  }
0xf3: {  	v14 =	vld [tilespmem:s11+$0xFFFFFFC0]  }
0xf4: {  	v15 =	vld [tilespmem:s11+$0xFFFFFFD0]  }
0xf5: {  	v16 =	vld [tilespmem:s11+$0xFFFFFFE0]  }
0xf6: {  	v17 =	vld [tilespmem:s11+$0xFFFFFF80]  }
0xf7: {  	s3 =	simm.s32 $0x1B5C0;
	v1 =	vld.idx.msk [tilespmem:v1+s6+$0x0], $0xffff  }
0xf8: {  	v18 =	vld [tilespmem:s3+$0x30]  }
0xf9: {  	v8 =	vld.idx.msk [tilespmem:v8+s6+$0x0], $0xffff  }
0xfa: {  	v2 =	vld.idx.msk [tilespmem:v2+s6+$0x0], $0xffff  }
0xfb: {  	v61 =	vld [tilespmem:s3+$0x0]  }
0xfc: {  	v4 =	vld.idx.msk [tilespmem:v4+s6+$0x0], $0xffff;
	v1 =	vmul.f32 v9, v1  }
0xfd: {  	v6 =	vld.idx.msk [tilespmem:v6+s6+$0x0], $0xffff  }
0xfe: {  	[tilespmem:s9+$0x30] =	vst v1;
	v1 =	vmul.f32 v10, v8;
	v8 =	vld [tilespmem:s9+$0x10]  }
0xff: {  	v62 =	vld [tilespmem:s3+$0x10];
	v2 =	vmul.f32 v11, v2  }
0x100: {  	v3 =	vld.idx.msk [tilespmem:v3+s6+$0x0], $0xffff  }
0x101: {  	v5 =	vld.idx.msk [tilespmem:v5+s6+$0x0], $0xffff;
	[tilespmem:s9+$0xFFFFFFD0] =	vst v2;
	v2 =	vmul.f32 v54, v4  }
0x102: {  	v7 =	vld.idx.msk [tilespmem:v7+s6+$0x0], $0xffff  }
0x103: {  	[tilespmem:s9+$0xFFFFFFF0] =	vst v2;
	v2 =	vmul.f32 v8, v6;
	v8 =	vld [tilespmem:s11+$0xFFFFFFF0]  }
0x104: {  	v14 =	vld.idx.msk [tilespmem:v14+s6+$0x0], $0xffff  }
0x105: {  	v15 =	vld.idx.msk [tilespmem:v15+s6+$0x0], $0xffff  }
0x106: {  	v60 =	vld.idx.msk [tilespmem:v17+s6+$0x0], $0xffff  }
0x107: {  	v9 =	vld.idx.msk [tilespmem:v57+s6+$0x0], $0xffff  }
0x108: {  	v4 =	vld [tilespmem:s1+$0x10]  }
0x109: {  	[tilespmem:s9+$0xFFFFFFC0] =	vst v1;
	v1 =	vmul.f32 v12, v3;
	v12 =	vld.idx.msk [tilespmem:v58+s6+$0x0], $0xffff  }
0x10a: {  	v3 =	vld [tilespmem:s1+$0x0]  }
0x10b: {  	v7 =	vmul.f32 v56, v7;
	v8 =	vld.idx.msk [tilespmem:v8+s6+$0x0], $0xffff  }
0x10c: {  	[tilespmem:s9+$0xFFFFFFE0] =	vst v1;
	v1 =	vmul.f32 v13, v5;
	v13 =	vld.idx.msk [tilespmem:v59+s6+$0x0], $0xffff  }
0x10d: {  	[tilespmem:s9+$0x20] =	vst v7;
	v5 =	vld [tilespmem:s1+$0x20]  }
0x10e: {  	s20 =	simm.s32 $0x1C940;
	v6 =	vld [tilespmem:s1+$0x30];
	[tilespmem:s9+$0x0] =	vst v1  }
0x10f: {  	[tilespmem:s20+$0xFFFFFFD0] =	vst v4;
	v4 =	vld [tilespmem:s3+$0xFFFFFFD0]  }
0x110: {  	v1 =	vld [tilespmem:s1+$0x40];
	[tilespmem:s9+$0x10] =	vst v2;
	v8 =	vmul.f32 v18, v8  }
0x111: {  	v63 =	vmul.f32 v62, v15;
	v2 =	vld [tilespmem:s1+$0x50];
	[tilespmem:s20+$0xFFFFFFC0] =	vst v3  }
0x112: {  	v3 =	vld [tilespmem:s3+$0xFFFFFFC0];
	[tilespmem:s3+$0x30] =	vst v8  }
0x113: {  	[tilespmem:s3+$0x10] =	vst v63;
	v7 =	vld [tilespmem:s11+$0x70]  }
0x114: {  	[tilespmem:s20+$0xFFFFFFE0] =	vst v5;
	v5 =	vld [tilespmem:s3+$0xFFFFFFE0]  }
0x115: {  	[tilespmem:s20+$0xFFFFFFF0] =	vst v6;
	v6 =	vld [tilespmem:s3+$0xFFFFFFF0]  }
0x116: {  	v55 =	vld [tilespmem:s1+$0x70];
	[tilespmem:s20+$0x0] =	vst v1  }
0x117: {  	s25 =	simm.s32 $0x1C9C0;
	[tilespmem:s20+$0x10] =	vst v2;
	v1 =	vmul.f32 v3, v60;
	v8 =	vld.idx.msk [tilespmem:v16+s6+$0x0], $0xffff  }
0x118: {  	v3 =	vmul.f32 v4, v9;
	[tilespmem:s25+$0x30] =	vst v7;
	v7 =	vld [tilespmem:s3+$0x20]  }
0x119: {  	[tilespmem:s3+$0xFFFFFFC0] =	vst v1;
	v4 =	vmul.f32 v5, v12;
	v1 =	vld [tilespmem:s1+$0x60]  }
0x11a: {  	[tilespmem:s3+$0xFFFFFFD0] =	vst v3;
	v5 =	vmul.f32 v6, v13;
	v2 =	vld [tilespmem:s11+$0x0]  }
0x11b: {  	v6 =	vmul.f32 v61, v14;
	v3 =	vld [tilespmem:s11+$0x10];
	[tilespmem:s3+$0xFFFFFFE0] =	vst v4  }
0x11c: {  	[tilespmem:s3+$0xFFFFFFF0] =	vst v5;
	v4 =	vld [tilespmem:s11+$0x20]  }
0x11d: {  	[tilespmem:s3+$0x0] =	vst v6;
	v5 =	vld [tilespmem:s11+$0x30];
	v8 =	vmul.f32 v7, v8  }
0x11e: {  	[tilespmem:s20+$0x30] =	vst v55;
	v6 =	vld [tilespmem:s11+$0x40]  }
0x11f: {  	s9 =	simm.s32 $0x19480;
	s1 =	simm.s32 $0x8;
	v7 =	vld [tilespmem:s11+$0x50];
	[tilespmem:s3+$0x20] =	vst v8  }
.LBB2_10:
0x120: {  	v8 =	vld [tilespmem:s9+$0xFFFFFFF0];
	s1 =	sadd.s32 $0x8, s1;
	[tilespmem:s25+$0xFFFFFFC0] =	vst v2  }
0x121: {  	v2 =	vld [tilespmem:s9+$0xFFFFFF90];
	p2 =	slt.u32 s1, $0x48;
	[tilespmem:s25+$0xFFFFFFD0] =	vst v3  }
0x122: {  	v3 =	vld [tilespmem:s9+$0xFFFFFFA0];
	[tilespmem:s25+$0xFFFFFFE0] =	vst v4  }
0x123: {  	v4 =	vld [tilespmem:s9+$0xFFFFFFB0];
	[tilespmem:s25+$0xFFFFFFF0] =	vst v5  }
0x124: {  	v5 =	vld [tilespmem:s9+$0xFFFFFFC0];
	[tilespmem:s25+$0x0] =	vst v6  }
0x125: {  	v6 =	vld [tilespmem:s9+$0xFFFFFFD0];
	[tilespmem:s25+$0x10] =	vst v7  }
0x126: {  	v7 =	vld [tilespmem:s9+$0xFFFFFFE0];
	[tilespmem:s20+$0x20] =	vst v1;
	s20 =	smov.u32 s25  }
0x127: {  	v1 =	vld [tilespmem:s9+$0xFFFFFF80]  }
0x128: {  	s3 =	sadd.s32 $0x80, s3;
	v8 =	vld.idx.msk [tilespmem:v8+s6+$0x0], $0xffff  }
0x129: {  	v9 =	vld [tilespmem:s3+$0x30]  }
0x12a: {  	v2 =	vld.idx.msk [tilespmem:v2+s6+$0x0], $0xffff  }
0x12b: {  	v3 =	vld.idx.msk [tilespmem:v3+s6+$0x0], $0xffff  }
0x12c: {  	v4 =	vld.idx.msk [tilespmem:v4+s6+$0x0], $0xffff  }
0x12d: {  	v5 =	vld.idx.msk [tilespmem:v5+s6+$0x0], $0xffff  }
0x12e: {  	v6 =	vld.idx.msk [tilespmem:v6+s6+$0x0], $0xffff;
	v8 =	vmul.f32 v9, v8  }
0x12f: {  	v1 =	vld.idx.msk [tilespmem:v1+s6+$0x0], $0xffff  }
0x130: {  	v7 =	vld.idx.msk [tilespmem:v7+s6+$0x0], $0xffff;
	[tilespmem:s3+$0x30] =	vst v8  }
0x131: {  	v8 =	vld [tilespmem:s9+$0x70]  }
0x132: {  	v9 =	vld [tilespmem:s3+$0xFFFFFFC0]  }
0x133: {  	v10 =	vld [tilespmem:s3+$0xFFFFFFD0]  }
0x134: {  	v11 =	vld [tilespmem:s3+$0xFFFFFFE0]  }
0x135: {  	s25 =	sadd.s32 $0x80, s25;
	v12 =	vld [tilespmem:s3+$0xFFFFFFF0]  }
0x136: {  	v13 =	vld [tilespmem:s3+$0x0];
	[tilespmem:s25+$0x30] =	vst v8  }
0x137: {  	v1 =	vmul.f32 v9, v1;
	v8 =	vld [tilespmem:s3+$0x10]  }
0x138: {  	v9 =	vmul.f32 v10, v2;
	v10 =	vld [tilespmem:s3+$0x20]  }
0x139: {  	[tilespmem:s3+$0xFFFFFFC0] =	vst v1;
	v11 =	vmul.f32 v11, v3;
	v1 =	vld [tilespmem:s11+$0x60];
	s11 =	smov.u32 s9  }
0x13a: {  	v2 =	vld [tilespmem:s9+$0x0];
	[tilespmem:s3+$0xFFFFFFD0] =	vst v9;
	v9 =	vmul.f32 v12, v4  }
.Ltmp8:
0x13b: {  	v3 =	vld [tilespmem:s9+$0x10];
	[tilespmem:s3+$0xFFFFFFE0] =	vst v11;
	v11 =	vmul.f32 v13, v5;
	(pc) =	sbr.rel @p2 .LBB2_10-.Ltmp8, $4  }
0x13c: {  	v4 =	vld [tilespmem:s9+$0x20];
	[tilespmem:s3+$0xFFFFFFF0] =	vst v9;
	v8 =	vmul.f32 v8, v6  }
0x13d: {  	v5 =	vld [tilespmem:s9+$0x30];
	[tilespmem:s3+$0x0] =	vst v11;
	v9 =	vmul.f32 v10, v7  }
0x13e: {  	v6 =	vld [tilespmem:s9+$0x40];
	[tilespmem:s3+$0x10] =	vst v8  }
0x13f: {  	s9 =	sadd.s32 $0x100, s9;
	v7 =	vld [tilespmem:s11+$0x50];
	[tilespmem:s3+$0x20] =	vst v9  }
0x140: {  	[tilespmem:s25+$0xFFFFFFC0] =	vst v2  }
0x141: {  	[tilespmem:s25+$0xFFFFFFD0] =	vst v3  }
0x142: {  	v2 =	vld [tilespmem:s11+$0x60];
	[tilespmem:s20+$0x20] =	vst v1  }
0x143: {  	[tilespmem:s25+$0xFFFFFFE0] =	vst v4  }
0x144: {  	[tilespmem:s25+$0xFFFFFFF0] =	vst v5  }
0x145: {  	[tilespmem:s25+$0x0] =	vst v6  }
0x146: {  	[tilespmem:s25+$0x10] =	vst v7  }
0x147: {  	s1 =	simm.s32 $0x1C900;
	p2 =	seq.s32 s21, $0x0;
	s11 =	sshll.u32 s21, $0x7;
	[tilespmem:s25+$0x20] =	vst v2  }
0x148: {  	[spmem:s4] =	stream.indirect.scatter.add.f32 [tilespmem:s26], [sflag:$0x6], $0x1, s1, s31, $0xb8;
	[tilespmem:$0x1F080] =	vst v63  }
0x149: {  	s3 =	simm.s32 @!p2 $0x8;
	s1 =	sor.u32 s22, s11  }
0x14a: {  	_ =	swait.ge @!p2 [sflag:s3], $0x500;
	s9 =	smul.u32 $0x140, s1  }
0x14b: {  	s25 =	simm.s32 $0x1A600;
	[sflag:s3] =	ssyncset.done @!p2 $0x0  }
0x14c: {  	s1 =	smul.u32 $0xA0, s1;
	[sflag:s3] =	ssyncadd.s32 @!p2 $0xFFFFFB00;
	s20 =	sadd.s32 s0, s9  }
0x14d: {  	[tilespmem:s25], [sflag:$0x4] =	stream.linear.gather [hbm4b:s20+s6], $0xA00, $0x38;
	[tilespmem:$0x1F080] =	vst v63  }
0x14e: {  	s1 =	sadd.s32 s2, s1  }
0x14f: {  	[tilespmem:s29], [sflag:$0x4] =	stream.linear.gather [hbm4b:s1+s6], $0x500, $0x38;
	[tilespmem:$0x1F080] =	vst v63  }
.LBB2_12:
0x150: {  	p2 =	sge.u32 s16, s18  }
.Ltmp9:
0x151: {  	_ = 	snop;
	(pc) =	sbr.rel @p2 .LBB2_16-.Ltmp9, $1  }
0x152: {  	_ =	sdelay $0x3  }
0x153: {  	_ =	swait.ge [sflag:s7], $0xA00  }
0x154: {  	[sflag:s7] =	ssyncset.done $0x0  }
0x155: {  	[sflag:s7] =	ssyncadd.s32 $0xFFFFF600  }
0x156: {  	_ =	swait.ge [sflag:s7], $0x500  }
0x157: {  	[sflag:s7] =	ssyncset.done $0x0  }
0x158: {  	s1 =	simm.s32 $0x19C80;
	[sflag:s7] =	ssyncadd.s32 $0xFFFFFB00  }
0x159: {  	v1 =	vld [tilespmem:s1+$0xFFFFFFF0]  }
0x15a: {  	v2 =	vld [tilespmem:s1+$0xFFFFFF90]  }
0x15b: {  	v3 =	vld [tilespmem:s1+$0xFFFFFFA0]  }
0x15c: {  	v4 =	vld [tilespmem:s1+$0xFFFFFFB0]  }
0x15d: {  	v5 =	vld [tilespmem:s1+$0xFFFFFFC0]  }
0x15e: {  	v6 =	vld [tilespmem:s1+$0xFFFFFFD0]  }
0x15f: {  	v7 =	vld [tilespmem:s1+$0xFFFFFFE0]  }
0x160: {  	s9 =	simm.s32 $0x1BA40;
	v8 =	vld [tilespmem:s1+$0xFFFFFF80]  }
0x161: {  	v9 =	vld [tilespmem:s9+$0x30]  }
0x162: {  	v10 =	vld [tilespmem:s9+$0xFFFFFFC0]  }
0x163: {  	v11 =	vld [tilespmem:s9+$0xFFFFFFD0]  }
0x164: {  	v12 =	vld [tilespmem:s9+$0xFFFFFFE0]  }
0x165: {  	v54 =	vld [tilespmem:s9+$0xFFFFFFF0]  }
0x166: {  	v13 =	vld [tilespmem:s9+$0x0]  }
0x167: {  	s11 =	simm.s32 $0x19D80;
	v56 =	vld [tilespmem:s9+$0x20]  }
0x168: {  	v57 =	vld [tilespmem:s11+$0xFFFFFF90]  }
0x169: {  	v58 =	vld [tilespmem:s11+$0xFFFFFFA0]  }
0x16a: {  	v59 =	vld [tilespmem:s11+$0xFFFFFFB0]  }
0x16b: {  	v14 =	vld [tilespmem:s11+$0xFFFFFFC0]  }
0x16c: {  	v15 =	vld [tilespmem:s11+$0xFFFFFFD0]  }
0x16d: {  	v16 =	vld [tilespmem:s11+$0xFFFFFFE0]  }
0x16e: {  	v17 =	vld [tilespmem:s11+$0xFFFFFF80]  }
0x16f: {  	s3 =	simm.s32 $0x1BAC0;
	v1 =	vld.idx.msk [tilespmem:v1+s6+$0x0], $0xffff  }
0x170: {  	v18 =	vld [tilespmem:s3+$0x30]  }
0x171: {  	v8 =	vld.idx.msk [tilespmem:v8+s6+$0x0], $0xffff  }
0x172: {  	v2 =	vld.idx.msk [tilespmem:v2+s6+$0x0], $0xffff  }
0x173: {  	v61 =	vld [tilespmem:s3+$0x0]  }
0x174: {  	v4 =	vld.idx.msk [tilespmem:v4+s6+$0x0], $0xffff;
	v1 =	vmul.f32 v9, v1  }
0x175: {  	v6 =	vld.idx.msk [tilespmem:v6+s6+$0x0], $0xffff  }
0x176: {  	[tilespmem:s9+$0x30] =	vst v1;
	v1 =	vmul.f32 v10, v8;
	v8 =	vld [tilespmem:s9+$0x10]  }
0x177: {  	v62 =	vld [tilespmem:s3+$0x10];
	v2 =	vmul.f32 v11, v2  }
0x178: {  	v3 =	vld.idx.msk [tilespmem:v3+s6+$0x0], $0xffff  }
0x179: {  	v5 =	vld.idx.msk [tilespmem:v5+s6+$0x0], $0xffff;
	[tilespmem:s9+$0xFFFFFFD0] =	vst v2;
	v2 =	vmul.f32 v54, v4  }
0x17a: {  	v7 =	vld.idx.msk [tilespmem:v7+s6+$0x0], $0xffff  }
0x17b: {  	[tilespmem:s9+$0xFFFFFFF0] =	vst v2;
	v2 =	vmul.f32 v8, v6;
	v8 =	vld [tilespmem:s11+$0xFFFFFFF0]  }
0x17c: {  	v14 =	vld.idx.msk [tilespmem:v14+s6+$0x0], $0xffff  }
0x17d: {  	v15 =	vld.idx.msk [tilespmem:v15+s6+$0x0], $0xffff  }
0x17e: {  	v60 =	vld.idx.msk [tilespmem:v17+s6+$0x0], $0xffff  }
0x17f: {  	v9 =	vld.idx.msk [tilespmem:v57+s6+$0x0], $0xffff  }
0x180: {  	v4 =	vld [tilespmem:s1+$0x10]  }
0x181: {  	[tilespmem:s9+$0xFFFFFFC0] =	vst v1;
	v1 =	vmul.f32 v12, v3;
	v12 =	vld.idx.msk [tilespmem:v58+s6+$0x0], $0xffff  }
0x182: {  	v3 =	vld [tilespmem:s1+$0x0]  }
0x183: {  	v7 =	vmul.f32 v56, v7;
	v8 =	vld.idx.msk [tilespmem:v8+s6+$0x0], $0xffff  }
0x184: {  	[tilespmem:s9+$0xFFFFFFE0] =	vst v1;
	v1 =	vmul.f32 v13, v5;
	v13 =	vld.idx.msk [tilespmem:v59+s6+$0x0], $0xffff  }
0x185: {  	[tilespmem:s9+$0x20] =	vst v7;
	v5 =	vld [tilespmem:s1+$0x20]  }
0x186: {  	s20 =	simm.s32 $0x1CE40;
	v6 =	vld [tilespmem:s1+$0x30];
	[tilespmem:s9+$0x0] =	vst v1  }
0x187: {  	[tilespmem:s20+$0xFFFFFFD0] =	vst v4;
	v4 =	vld [tilespmem:s3+$0xFFFFFFD0]  }
0x188: {  	v1 =	vld [tilespmem:s1+$0x40];
	[tilespmem:s9+$0x10] =	vst v2;
	v8 =	vmul.f32 v18, v8  }
0x189: {  	v63 =	vmul.f32 v62, v15;
	v2 =	vld [tilespmem:s1+$0x50];
	[tilespmem:s20+$0xFFFFFFC0] =	vst v3  }
0x18a: {  	v3 =	vld [tilespmem:s3+$0xFFFFFFC0];
	[tilespmem:s3+$0x30] =	vst v8  }
0x18b: {  	[tilespmem:s3+$0x10] =	vst v63;
	v7 =	vld [tilespmem:s11+$0x70]  }
0x18c: {  	[tilespmem:s20+$0xFFFFFFE0] =	vst v5;
	v5 =	vld [tilespmem:s3+$0xFFFFFFE0]  }
0x18d: {  	[tilespmem:s20+$0xFFFFFFF0] =	vst v6;
	v6 =	vld [tilespmem:s3+$0xFFFFFFF0]  }
0x18e: {  	v55 =	vld [tilespmem:s1+$0x70];
	[tilespmem:s20+$0x0] =	vst v1  }
0x18f: {  	s25 =	simm.s32 $0x1CEC0;
	[tilespmem:s20+$0x10] =	vst v2;
	v1 =	vmul.f32 v3, v60;
	v8 =	vld.idx.msk [tilespmem:v16+s6+$0x0], $0xffff  }
0x190: {  	v3 =	vmul.f32 v4, v9;
	[tilespmem:s25+$0x30] =	vst v7;
	v7 =	vld [tilespmem:s3+$0x20]  }
0x191: {  	[tilespmem:s3+$0xFFFFFFC0] =	vst v1;
	v4 =	vmul.f32 v5, v12;
	v1 =	vld [tilespmem:s1+$0x60]  }
0x192: {  	[tilespmem:s3+$0xFFFFFFD0] =	vst v3;
	v5 =	vmul.f32 v6, v13;
	v2 =	vld [tilespmem:s11+$0x0]  }
0x193: {  	v6 =	vmul.f32 v61, v14;
	v3 =	vld [tilespmem:s11+$0x10];
	[tilespmem:s3+$0xFFFFFFE0] =	vst v4  }
0x194: {  	[tilespmem:s3+$0xFFFFFFF0] =	vst v5;
	v4 =	vld [tilespmem:s11+$0x20]  }
0x195: {  	[tilespmem:s3+$0x0] =	vst v6;
	v5 =	vld [tilespmem:s11+$0x30];
	v8 =	vmul.f32 v7, v8  }
0x196: {  	[tilespmem:s20+$0x30] =	vst v55;
	v6 =	vld [tilespmem:s11+$0x40]  }
0x197: {  	s9 =	simm.s32 $0x19E80;
	s1 =	simm.s32 $0x8;
	v7 =	vld [tilespmem:s11+$0x50];
	[tilespmem:s3+$0x20] =	vst v8  }
.LBB2_14:
0x198: {  	v8 =	vld [tilespmem:s9+$0xFFFFFFF0];
	s1 =	sadd.s32 $0x8, s1;
	[tilespmem:s25+$0xFFFFFFC0] =	vst v2  }
0x199: {  	v2 =	vld [tilespmem:s9+$0xFFFFFF90];
	p2 =	slt.u32 s1, $0x48;
	[tilespmem:s25+$0xFFFFFFD0] =	vst v3  }
0x19a: {  	v3 =	vld [tilespmem:s9+$0xFFFFFFA0];
	[tilespmem:s25+$0xFFFFFFE0] =	vst v4  }
0x19b: {  	v4 =	vld [tilespmem:s9+$0xFFFFFFB0];
	[tilespmem:s25+$0xFFFFFFF0] =	vst v5  }
0x19c: {  	v5 =	vld [tilespmem:s9+$0xFFFFFFC0];
	[tilespmem:s25+$0x0] =	vst v6  }
0x19d: {  	v6 =	vld [tilespmem:s9+$0xFFFFFFD0];
	[tilespmem:s25+$0x10] =	vst v7  }
0x19e: {  	v7 =	vld [tilespmem:s9+$0xFFFFFFE0];
	[tilespmem:s20+$0x20] =	vst v1;
	s20 =	smov.u32 s25  }
0x19f: {  	v1 =	vld [tilespmem:s9+$0xFFFFFF80]  }
0x1a0: {  	s3 =	sadd.s32 $0x80, s3;
	v8 =	vld.idx.msk [tilespmem:v8+s6+$0x0], $0xffff  }
0x1a1: {  	v9 =	vld [tilespmem:s3+$0x30]  }
0x1a2: {  	v2 =	vld.idx.msk [tilespmem:v2+s6+$0x0], $0xffff  }
0x1a3: {  	v3 =	vld.idx.msk [tilespmem:v3+s6+$0x0], $0xffff  }
0x1a4: {  	v4 =	vld.idx.msk [tilespmem:v4+s6+$0x0], $0xffff  }
0x1a5: {  	v5 =	vld.idx.msk [tilespmem:v5+s6+$0x0], $0xffff  }
0x1a6: {  	v6 =	vld.idx.msk [tilespmem:v6+s6+$0x0], $0xffff;
	v8 =	vmul.f32 v9, v8  }
0x1a7: {  	v1 =	vld.idx.msk [tilespmem:v1+s6+$0x0], $0xffff  }
0x1a8: {  	v7 =	vld.idx.msk [tilespmem:v7+s6+$0x0], $0xffff;
	[tilespmem:s3+$0x30] =	vst v8  }
0x1a9: {  	v8 =	vld [tilespmem:s9+$0x70]  }
0x1aa: {  	v9 =	vld [tilespmem:s3+$0xFFFFFFC0]  }
0x1ab: {  	v10 =	vld [tilespmem:s3+$0xFFFFFFD0]  }
0x1ac: {  	v11 =	vld [tilespmem:s3+$0xFFFFFFE0]  }
0x1ad: {  	s25 =	sadd.s32 $0x80, s25;
	v12 =	vld [tilespmem:s3+$0xFFFFFFF0]  }
0x1ae: {  	v13 =	vld [tilespmem:s3+$0x0];
	[tilespmem:s25+$0x30] =	vst v8  }
0x1af: {  	v1 =	vmul.f32 v9, v1;
	v8 =	vld [tilespmem:s3+$0x10]  }
0x1b0: {  	v9 =	vmul.f32 v10, v2;
	v10 =	vld [tilespmem:s3+$0x20]  }
0x1b1: {  	[tilespmem:s3+$0xFFFFFFC0] =	vst v1;
	v11 =	vmul.f32 v11, v3;
	v1 =	vld [tilespmem:s11+$0x60];
	s11 =	smov.u32 s9  }
0x1b2: {  	v2 =	vld [tilespmem:s9+$0x0];
	[tilespmem:s3+$0xFFFFFFD0] =	vst v9;
	v9 =	vmul.f32 v12, v4  }
.Ltmp10:
0x1b3: {  	v3 =	vld [tilespmem:s9+$0x10];
	[tilespmem:s3+$0xFFFFFFE0] =	vst v11;
	v11 =	vmul.f32 v13, v5;
	(pc) =	sbr.rel @p2 .LBB2_14-.Ltmp10, $4  }
0x1b4: {  	v4 =	vld [tilespmem:s9+$0x20];
	[tilespmem:s3+$0xFFFFFFF0] =	vst v9;
	v8 =	vmul.f32 v8, v6  }
0x1b5: {  	v5 =	vld [tilespmem:s9+$0x30];
	[tilespmem:s3+$0x0] =	vst v11;
	v9 =	vmul.f32 v10, v7  }
0x1b6: {  	v6 =	vld [tilespmem:s9+$0x40];
	[tilespmem:s3+$0x10] =	vst v8  }
0x1b7: {  	s9 =	sadd.s32 $0x100, s9;
	v7 =	vld [tilespmem:s11+$0x50];
	[tilespmem:s3+$0x20] =	vst v9  }
0x1b8: {  	[tilespmem:s25+$0xFFFFFFC0] =	vst v2  }
0x1b9: {  	[tilespmem:s25+$0xFFFFFFD0] =	vst v3  }
0x1ba: {  	v2 =	vld [tilespmem:s11+$0x60];
	[tilespmem:s20+$0x20] =	vst v1  }
0x1bb: {  	[tilespmem:s25+$0xFFFFFFE0] =	vst v4  }
0x1bc: {  	[tilespmem:s25+$0xFFFFFFF0] =	vst v5  }
0x1bd: {  	[tilespmem:s25+$0x0] =	vst v6  }
0x1be: {  	[tilespmem:s25+$0x10] =	vst v7  }
0x1bf: {  	s1 =	simm.s32 $0x1CE00;
	[tilespmem:s25+$0x20] =	vst v2  }
0x1c0: {  	[spmem:s4] =	stream.indirect.scatter.add.f32 [tilespmem:s10], [sflag:$0x7], $0x1, s1, s31, $0xb8;
	[tilespmem:$0x1F080] =	vst v63  }
0x1c1: {  	s1 =	sadd.s32 $0x4, s16  }
0x1c2: {  	p2 =	sge.u32 s1, s8  }
0x1c3: {  	s1 =	sshll.u32 @!p2 s1, $0x5  }
0x1c4: {  	s1 =	sor.u32 @!p2 s5, s1  }
0x1c5: {  	_ =	swait.ge [sflag:s12], $0x500;
	s3 =	smul.u32 @!p2 $0x140, s1  }
0x1c6: {  	[sflag:s12] =	ssyncset.done $0x0;
	s9 =	simm.s32 @!p2 $0x0;
	s11 =	simm.s32 @!p2 $0x18800  }
0x1c7: {  	[sflag:s12] =	ssyncadd.s32 $0xFFFFFB00;
	s1 =	smul.u32 @!p2 $0xA0, s1;
	s3 =	sadd.s32 @!p2 s0, s3  }
0x1c8: {  	[tilespmem:s11], [sflag:$0x1] =	stream.linear.gather @!p2 [hbm4b:s3+s9], $0xA00, $0x38;
	[tilespmem:$0x1F080] =	vst v63  }
0x1c9: {  	s1 =	sadd.s32 @!p2 s2, s1;
	s3 =	simm.s32 @!p2 $0x1B000  }
0x1ca: {  	[tilespmem:s3], [sflag:$0x1] =	stream.linear.gather @!p2 [hbm4b:s1+s9], $0x500, $0x38;
	[tilespmem:$0x1F080] =	vst v63  }
.LBB2_16:
0x1cb: {  	p2 =	sge.u32 s16, s19  }
.Ltmp11:
0x1cc: {  	_ = 	snop;
	(pc) =	sbr.rel @p2 .LBB2_20-.Ltmp11, $1  }
0x1cd: {  	_ =	sdelay $0x3  }
0x1ce: {  	_ =	swait.ge [sflag:s13], $0xA00  }
0x1cf: {  	[sflag:s13] =	ssyncset.done $0x0  }
0x1d0: {  	[sflag:s13] =	ssyncadd.s32 $0xFFFFF600  }
0x1d1: {  	_ =	swait.ge [sflag:s13], $0x500  }
0x1d2: {  	[sflag:s13] =	ssyncset.done $0x0  }
0x1d3: {  	s1 =	simm.s32 $0x1A680;
	[sflag:s13] =	ssyncadd.s32 $0xFFFFFB00  }
0x1d4: {  	v1 =	vld [tilespmem:s1+$0xFFFFFFF0]  }
0x1d5: {  	v2 =	vld [tilespmem:s1+$0xFFFFFF90]  }
0x1d6: {  	v3 =	vld [tilespmem:s1+$0xFFFFFFA0]  }
0x1d7: {  	v4 =	vld [tilespmem:s1+$0xFFFFFFB0]  }
0x1d8: {  	v5 =	vld [tilespmem:s1+$0xFFFFFFC0]  }
0x1d9: {  	v6 =	vld [tilespmem:s1+$0xFFFFFFD0]  }
0x1da: {  	v7 =	vld [tilespmem:s1+$0xFFFFFFE0]  }
0x1db: {  	s9 =	simm.s32 $0x1BF40;
	v8 =	vld [tilespmem:s1+$0xFFFFFF80]  }
0x1dc: {  	v9 =	vld [tilespmem:s9+$0x30]  }
0x1dd: {  	v10 =	vld [tilespmem:s9+$0xFFFFFFC0]  }
0x1de: {  	v11 =	vld [tilespmem:s9+$0xFFFFFFD0]  }
0x1df: {  	v12 =	vld [tilespmem:s9+$0xFFFFFFE0]  }
0x1e0: {  	v54 =	vld [tilespmem:s9+$0xFFFFFFF0]  }
0x1e1: {  	v13 =	vld [tilespmem:s9+$0x0]  }
0x1e2: {  	s11 =	simm.s32 $0x1A780;
	v56 =	vld [tilespmem:s9+$0x20]  }
0x1e3: {  	v57 =	vld [tilespmem:s11+$0xFFFFFF90]  }
0x1e4: {  	v58 =	vld [tilespmem:s11+$0xFFFFFFA0]  }
0x1e5: {  	v59 =	vld [tilespmem:s11+$0xFFFFFFB0]  }
0x1e6: {  	v14 =	vld [tilespmem:s11+$0xFFFFFFC0]  }
0x1e7: {  	v15 =	vld [tilespmem:s11+$0xFFFFFFD0]  }
0x1e8: {  	v16 =	vld [tilespmem:s11+$0xFFFFFFE0]  }
0x1e9: {  	v17 =	vld [tilespmem:s11+$0xFFFFFF80]  }
0x1ea: {  	s3 =	simm.s32 $0x1BFC0;
	v1 =	vld.idx.msk [tilespmem:v1+s6+$0x0], $0xffff  }
0x1eb: {  	v18 =	vld [tilespmem:s3+$0x30]  }
0x1ec: {  	v8 =	vld.idx.msk [tilespmem:v8+s6+$0x0], $0xffff  }
0x1ed: {  	v2 =	vld.idx.msk [tilespmem:v2+s6+$0x0], $0xffff  }
0x1ee: {  	v61 =	vld [tilespmem:s3+$0x0]  }
0x1ef: {  	v4 =	vld.idx.msk [tilespmem:v4+s6+$0x0], $0xffff;
	v1 =	vmul.f32 v9, v1  }
0x1f0: {  	v6 =	vld.idx.msk [tilespmem:v6+s6+$0x0], $0xffff  }
0x1f1: {  	[tilespmem:s9+$0x30] =	vst v1;
	v1 =	vmul.f32 v10, v8;
	v8 =	vld [tilespmem:s9+$0x10]  }
0x1f2: {  	v62 =	vld [tilespmem:s3+$0x10];
	v2 =	vmul.f32 v11, v2  }
0x1f3: {  	v3 =	vld.idx.msk [tilespmem:v3+s6+$0x0], $0xffff  }
0x1f4: {  	v5 =	vld.idx.msk [tilespmem:v5+s6+$0x0], $0xffff;
	[tilespmem:s9+$0xFFFFFFD0] =	vst v2;
	v2 =	vmul.f32 v54, v4  }
0x1f5: {  	v7 =	vld.idx.msk [tilespmem:v7+s6+$0x0], $0xffff  }
0x1f6: {  	[tilespmem:s9+$0xFFFFFFF0] =	vst v2;
	v2 =	vmul.f32 v8, v6;
	v8 =	vld [tilespmem:s11+$0xFFFFFFF0]  }
0x1f7: {  	v14 =	vld.idx.msk [tilespmem:v14+s6+$0x0], $0xffff  }
0x1f8: {  	v15 =	vld.idx.msk [tilespmem:v15+s6+$0x0], $0xffff  }
0x1f9: {  	v60 =	vld.idx.msk [tilespmem:v17+s6+$0x0], $0xffff  }
0x1fa: {  	v9 =	vld.idx.msk [tilespmem:v57+s6+$0x0], $0xffff  }
0x1fb: {  	v4 =	vld [tilespmem:s1+$0x10]  }
0x1fc: {  	[tilespmem:s9+$0xFFFFFFC0] =	vst v1;
	v1 =	vmul.f32 v12, v3;
	v12 =	vld.idx.msk [tilespmem:v58+s6+$0x0], $0xffff  }
0x1fd: {  	v3 =	vld [tilespmem:s1+$0x0]  }
0x1fe: {  	v7 =	vmul.f32 v56, v7;
	v8 =	vld.idx.msk [tilespmem:v8+s6+$0x0], $0xffff  }
0x1ff: {  	[tilespmem:s9+$0xFFFFFFE0] =	vst v1;
	v1 =	vmul.f32 v13, v5;
	v13 =	vld.idx.msk [tilespmem:v59+s6+$0x0], $0xffff  }
0x200: {  	[tilespmem:s9+$0x20] =	vst v7;
	v5 =	vld [tilespmem:s1+$0x20]  }
0x201: {  	s20 =	simm.s32 $0x1D340;
	v6 =	vld [tilespmem:s1+$0x30];
	[tilespmem:s9+$0x0] =	vst v1  }
0x202: {  	[tilespmem:s20+$0xFFFFFFD0] =	vst v4;
	v4 =	vld [tilespmem:s3+$0xFFFFFFD0]  }
0x203: {  	v1 =	vld [tilespmem:s1+$0x40];
	[tilespmem:s9+$0x10] =	vst v2;
	v8 =	vmul.f32 v18, v8  }
0x204: {  	v63 =	vmul.f32 v62, v15;
	v2 =	vld [tilespmem:s1+$0x50];
	[tilespmem:s20+$0xFFFFFFC0] =	vst v3  }
0x205: {  	v3 =	vld [tilespmem:s3+$0xFFFFFFC0];
	[tilespmem:s3+$0x30] =	vst v8  }
0x206: {  	[tilespmem:s3+$0x10] =	vst v63;
	v7 =	vld [tilespmem:s11+$0x70]  }
0x207: {  	[tilespmem:s20+$0xFFFFFFE0] =	vst v5;
	v5 =	vld [tilespmem:s3+$0xFFFFFFE0]  }
0x208: {  	[tilespmem:s20+$0xFFFFFFF0] =	vst v6;
	v6 =	vld [tilespmem:s3+$0xFFFFFFF0]  }
0x209: {  	v55 =	vld [tilespmem:s1+$0x70];
	[tilespmem:s20+$0x0] =	vst v1  }
0x20a: {  	s25 =	simm.s32 $0x1D3C0;
	[tilespmem:s20+$0x10] =	vst v2;
	v1 =	vmul.f32 v3, v60;
	v8 =	vld.idx.msk [tilespmem:v16+s6+$0x0], $0xffff  }
0x20b: {  	v3 =	vmul.f32 v4, v9;
	[tilespmem:s25+$0x30] =	vst v7;
	v7 =	vld [tilespmem:s3+$0x20]  }
0x20c: {  	[tilespmem:s3+$0xFFFFFFC0] =	vst v1;
	v4 =	vmul.f32 v5, v12;
	v1 =	vld [tilespmem:s1+$0x60]  }
0x20d: {  	[tilespmem:s3+$0xFFFFFFD0] =	vst v3;
	v5 =	vmul.f32 v6, v13;
	v2 =	vld [tilespmem:s11+$0x0]  }
0x20e: {  	v6 =	vmul.f32 v61, v14;
	v3 =	vld [tilespmem:s11+$0x10];
	[tilespmem:s3+$0xFFFFFFE0] =	vst v4  }
0x20f: {  	[tilespmem:s3+$0xFFFFFFF0] =	vst v5;
	v4 =	vld [tilespmem:s11+$0x20]  }
0x210: {  	[tilespmem:s3+$0x0] =	vst v6;
	v5 =	vld [tilespmem:s11+$0x30];
	v8 =	vmul.f32 v7, v8  }
0x211: {  	[tilespmem:s20+$0x30] =	vst v55;
	v6 =	vld [tilespmem:s11+$0x40]  }
0x212: {  	s9 =	simm.s32 $0x1A880;
	s1 =	simm.s32 $0x8;
	v7 =	vld [tilespmem:s11+$0x50];
	[tilespmem:s3+$0x20] =	vst v8  }
.LBB2_18:
0x213: {  	v8 =	vld [tilespmem:s9+$0xFFFFFFF0];
	s1 =	sadd.s32 $0x8, s1;
	[tilespmem:s25+$0xFFFFFFC0] =	vst v2  }
0x214: {  	v2 =	vld [tilespmem:s9+$0xFFFFFF90];
	p2 =	slt.u32 s1, $0x48;
	[tilespmem:s25+$0xFFFFFFD0] =	vst v3  }
0x215: {  	v3 =	vld [tilespmem:s9+$0xFFFFFFA0];
	[tilespmem:s25+$0xFFFFFFE0] =	vst v4  }
0x216: {  	v4 =	vld [tilespmem:s9+$0xFFFFFFB0];
	[tilespmem:s25+$0xFFFFFFF0] =	vst v5  }
0x217: {  	v5 =	vld [tilespmem:s9+$0xFFFFFFC0];
	[tilespmem:s25+$0x0] =	vst v6  }
0x218: {  	v6 =	vld [tilespmem:s9+$0xFFFFFFD0];
	[tilespmem:s25+$0x10] =	vst v7  }
0x219: {  	v7 =	vld [tilespmem:s9+$0xFFFFFFE0];
	[tilespmem:s20+$0x20] =	vst v1;
	s20 =	smov.u32 s25  }
0x21a: {  	v1 =	vld [tilespmem:s9+$0xFFFFFF80]  }
0x21b: {  	s3 =	sadd.s32 $0x80, s3;
	v8 =	vld.idx.msk [tilespmem:v8+s6+$0x0], $0xffff  }
0x21c: {  	v9 =	vld [tilespmem:s3+$0x30]  }
0x21d: {  	v2 =	vld.idx.msk [tilespmem:v2+s6+$0x0], $0xffff  }
0x21e: {  	v3 =	vld.idx.msk [tilespmem:v3+s6+$0x0], $0xffff  }
0x21f: {  	v4 =	vld.idx.msk [tilespmem:v4+s6+$0x0], $0xffff  }
0x220: {  	v5 =	vld.idx.msk [tilespmem:v5+s6+$0x0], $0xffff  }
0x221: {  	v6 =	vld.idx.msk [tilespmem:v6+s6+$0x0], $0xffff;
	v8 =	vmul.f32 v9, v8  }
0x222: {  	v1 =	vld.idx.msk [tilespmem:v1+s6+$0x0], $0xffff  }
0x223: {  	v7 =	vld.idx.msk [tilespmem:v7+s6+$0x0], $0xffff;
	[tilespmem:s3+$0x30] =	vst v8  }
0x224: {  	v8 =	vld [tilespmem:s9+$0x70]  }
0x225: {  	v9 =	vld [tilespmem:s3+$0xFFFFFFC0]  }
0x226: {  	v10 =	vld [tilespmem:s3+$0xFFFFFFD0]  }
0x227: {  	v11 =	vld [tilespmem:s3+$0xFFFFFFE0]  }
0x228: {  	s25 =	sadd.s32 $0x80, s25;
	v12 =	vld [tilespmem:s3+$0xFFFFFFF0]  }
0x229: {  	v13 =	vld [tilespmem:s3+$0x0];
	[tilespmem:s25+$0x30] =	vst v8  }
0x22a: {  	v1 =	vmul.f32 v9, v1;
	v8 =	vld [tilespmem:s3+$0x10]  }
0x22b: {  	v9 =	vmul.f32 v10, v2;
	v10 =	vld [tilespmem:s3+$0x20]  }
0x22c: {  	[tilespmem:s3+$0xFFFFFFC0] =	vst v1;
	v11 =	vmul.f32 v11, v3;
	v1 =	vld [tilespmem:s11+$0x60];
	s11 =	smov.u32 s9  }
0x22d: {  	v2 =	vld [tilespmem:s9+$0x0];
	[tilespmem:s3+$0xFFFFFFD0] =	vst v9;
	v9 =	vmul.f32 v12, v4  }
.Ltmp12:
0x22e: {  	v3 =	vld [tilespmem:s9+$0x10];
	[tilespmem:s3+$0xFFFFFFE0] =	vst v11;
	v11 =	vmul.f32 v13, v5;
	(pc) =	sbr.rel @p2 .LBB2_18-.Ltmp12, $4  }
0x22f: {  	v4 =	vld [tilespmem:s9+$0x20];
	[tilespmem:s3+$0xFFFFFFF0] =	vst v9;
	v8 =	vmul.f32 v8, v6  }
0x230: {  	v5 =	vld [tilespmem:s9+$0x30];
	[tilespmem:s3+$0x0] =	vst v11;
	v9 =	vmul.f32 v10, v7  }
0x231: {  	v6 =	vld [tilespmem:s9+$0x40];
	[tilespmem:s3+$0x10] =	vst v8  }
0x232: {  	s9 =	sadd.s32 $0x100, s9;
	v7 =	vld [tilespmem:s11+$0x50];
	[tilespmem:s3+$0x20] =	vst v9  }
0x233: {  	[tilespmem:s25+$0xFFFFFFC0] =	vst v2  }
0x234: {  	[tilespmem:s25+$0xFFFFFFD0] =	vst v3  }
0x235: {  	v2 =	vld [tilespmem:s11+$0x60];
	[tilespmem:s20+$0x20] =	vst v1  }
0x236: {  	[tilespmem:s25+$0xFFFFFFE0] =	vst v4  }
0x237: {  	s1 =	sadd.s32 $0x5, s16;
	[tilespmem:s25+$0xFFFFFFF0] =	vst v5  }
0x238: {  	p2 =	sge.u32 s1, s8;
	[tilespmem:s25+$0x0] =	vst v6  }
0x239: {  	s1 =	sshll.u32 @!p2 s1, $0x5;
	[tilespmem:s25+$0x10] =	vst v7  }
0x23a: {  	s1 =	sor.u32 @!p2 s5, s1;
	[tilespmem:s25+$0x20] =	vst v2  }
0x23b: {  	[spmem:s4] =	stream.indirect.scatter.add.f32 [tilespmem:s29], [sflag:$0x8], $0x1, s14, s31, $0xb8;
	[tilespmem:$0x1F080] =	vst v63  }
0x23c: {  	s9 =	simm.s32 @!p2 $0x0;
	s3 =	smul.u32 @!p2 $0x140, s1;
	_ =	swait.ge [sflag:s15], $0x500  }
.Ltmp13:
0x23d: {  	s11 =	simm.s32 @!p2 $0x19200;
	[sflag:s15] =	ssyncset.done $0x0;
	(pc) =	sbr.rel .LBB2_20-.Ltmp13, $4  }
0x23e: {  	s1 =	smul.u32 @!p2 $0xA0, s1;
	s3 =	sadd.s32 @!p2 s0, s3;
	[sflag:s15] =	ssyncadd.s32 $0xFFFFFB00  }
0x23f: {  	[tilespmem:s11], [sflag:$0x2] =	stream.linear.gather @!p2 [hbm4b:s3+s9], $0xA00, $0x38;
	[tilespmem:$0x1F080] =	vst v63  }
0x240: {  	s1 =	sadd.s32 @!p2 s2, s1;
	s3 =	simm.s32 @!p2 $0x1B500  }
0x241: {  	[tilespmem:s3], [sflag:$0x2] =	stream.linear.gather @!p2 [hbm4b:s1+s9], $0x500, $0x38;
	[tilespmem:$0x1F080] =	vst v63  }
.LBB2_22:
0x242: {  	_ =	sfence.sel $0x180000  }
0x243: {  	[bflag:$0x0] =	sbarrier.arrive $0xFFFF  }
0x244: {  	_ =	strace $0x9000004A  }
0x245: {  	s0 =	stileid.u32;
	[bflag:$0x2] =	sbarrier.arrive $0xFFFF  }
0x246: {  	p0 =	sne.s32 s0, $0x0;
	s0 =	rddreg [dreg:$0x4]  }
0x247: {  	s0 =	sadd.s32 @!p0 $0x100000, s0  }
0x248: {  	[sflag:s0] =	ssyncadd.tile.s32 @!p0 $0x1;
	_ =	shalt  }
.Lfunc_end2:
_tile_overlayer_lowered:
.L_overlay_start_2:
0x249: {  	(tag) =	ssettag $0x2  }
0x24a: {  	s0 =	rddreg [dreg:$0x0];
	s2 =	stileid.u32  }
0x24b: {  	s1 =	rddreg [dreg:$0x1];
	p0 =	sne.s32 s2, $0x0  }
0x24c: {  	s3 =	rddreg [dreg:$0x2];
	[bflag:$0x3] =	sbarrier.arrive $0xFFFF;
	s2 =	simm.s32 @!p0 $0x1C09  }
0x24d: {  	[timem:s3], [sflag:s2] =	dma.local @!p0 [hbm:s0], s1  }
0x24e: {  	s0 =	simm.s32 @!p0 $0x9  }
0x24f: {  	_ =	swait.ge @!p0 [sflag:s0], s1  }
0x250: {  	s1 =	ssub.s32 @!p0 $0x0, s1;
	[sflag:s0] =	ssyncset.done @!p0 $0x0  }
0x251: {  	[sflag:s0] =	ssyncadd.s32 @!p0 s1  }
0x252: {  	[bflag:$0x3] =	sbarrier.arrive $0xFFFF  }
0x253: {  	_ =	shalt  }

// kernel: kernel.14.cloned.1.call-start
scs
__scs_entry_jumppad:
0x0: {  	(pc) =	sbr.rel $0x88, $3  }
0x1: {  	(tag) =	ssettag $0x0;
	lr =	simm.s32 $0x1  }
0x2: {  	[smem:$0x3F9A] =	sst lr;
	_ =	strace $0xD0000000  }
0x3: {  	_ = 	snop  }
0x4: {  	_ = 	snop  }
0x5: {  	_ = 	snop  }
0x6: {  	_ = 	snop  }
0x7: {  	_ = 	snop  }
__scs_overlays_trampoline_lowered:
0x8: {  	[smem:$0x3FA9] =	sst s0  }
0x9: {  	[smem:$0x3FAA] =	sst s1  }
0xa: {  	[smem:$0x3FAB] =	sst s2  }
0xb: {  	[smem:$0x3FAC] =	sst s3  }
0xc: {  	[smem:$0x3FAD] =	sst s4  }
0xd: {  	[smem:$0x3FAE] =	sst s5  }
0xe: {  	[smem:$0x3FAF] =	sst s6  }
0xf: {  	[smem:$0x3FB0] =	sst s7  }
0x10: {  	[smem:$0x3FB1] =	sst s8  }
0x11: {  	[smem:$0x3FB2] =	sst s9;
	s0 =	simm.s32 @!p0 $0x0  }
0x12: {  	s1 =	sld [smem:$0x3F98];
	s0 =	simm.s32 @p0 $0x1  }
0x13: {  	[smem:$0x3FB3] =	sst s0;
	s0 =	simm.s32 @!p1 $0x0  }
0x14: {  	s2 =	sld [smem:$0x3F97];
	s0 =	simm.s32 @p1 $0x1  }
0x15: {  	[smem:$0x3FB4] =	sst s0;
	s0 =	simm.s32 @!p2 $0x0  }
0x16: {  	s3 =	sld [smem:$0x3FDB];
	s0 =	simm.s32 @p2 $0x1  }
0x17: {  	s4 =	simm.s32 $0x1BF5;
	[smem:$0x3FB6] =	sst s0  }
0x18: {  	s0 =	sld [smem:$0x3F99];
	_ =	swait.ge [sflag:s4], $0x0  }
0x19: {  	s7 =	sld [smem:$0x3F9A]  }
0x1a: {  	s8 =	sadd.s32 $0xFFFFE003, lr  }
0x1b: {  	s9 =	sadd.s32 $0xFFFFFEF7, lr;
	s5 =	simm.s32 $0xFFFFFFFF;
	p2 =	slt.u32 s8, $0xFFFFF086  }
0x1c: {  	p1 =	slt.u32 s9, $0xF7A;
	s5 =	simm.s32 @!p2 $0x0  }
0x1d: {  	s5 =	simm.s32 @p1 $0x1;
	p0 =	seq.s32 s7, s2  }
0x1e: {  	s7 =	smul.u32 @!p0 $0xF7A, s2;
	p2 =	seq.s32 @!p0 s5, $0x0  }
0x1f: {  	s9 =	smul.u32 $0xF7A, s1;
	s8 =	simm.s32 @!p0 $0x1BF5;
	p2 =	por !p2, p0  }
0x20: {  	[sflag:s8] =	ssyncset.s32 @!p0 $0xFFFFF086;
	s6 =	sadd.s32 @!p0 s3, s7;
	s7 =	simm.s32 @!p0 $0x108  }
0x21: {  	s3 =	sadd.s32 s3, s9;
	s6 =	sadd.s32 @!p0 $0x88, s6;
	s7 =	simm.s32 @p2 $0x1082  }
0x22: {  	[simem:s7], [sflag:s8] =	dma.local @!p0 [hbm:s6], $0xF7A  }
0x23: {  	s9 =	sor.u32 $0xD0000000, s2;
	s6 =	simm.s32 $0x108;
	_ =	swait.ge @!p0 [sflag:s8], $0x0  }
0x24: {  	s3 =	sadd.s32 $0x88, s3;
	s6 =	simm.s32 @!p1 $0x1082;
	[sflag:s4] =	ssyncset.s32 $0xFFFFF086  }
0x25: {  	[simem:s6], [sflag:s4] =	dma.local [hbm:s3], $0xF7A  }
0x26: {  	[smem:$0x3F9A] =	sst s1;
	(tag) =	ssettag s2;
	_ =	strace s9  }
0x27: {  	s1 =	sld [smem:$0x3FAA]  }
0x28: {  	s2 =	sld [smem:$0x3FAB]  }
0x29: {  	s4 =	sld [smem:$0x3FAD]  }
0x2a: {  	p0 =	seq.s32 s5, $0x0;
	s5 =	sld [smem:$0x3FAE]  }
0x2b: {  	s6 =	sld [smem:$0x3FAF]  }
0x2c: {  	s7 =	sld [smem:$0x3FB0]  }
0x2d: {  	s3 =	simm.s32 $0x108;
	s8 =	sld [smem:$0x3FB1]  }
0x2e: {  	s3 =	simm.s32 @!p0 $0x1082;
	s9 =	sld [smem:$0x3FB2]  }
0x2f: {  	lr =	sadd.s32 s0, s3;
	s0 =	sld [smem:$0x3FA9]  }
0x30: {  	s3 =	sld [smem:$0x3FAC]  }
0x31: {  	[smem:$0x3FB5] =	sst s10  }
0x32: {  	s10 =	sld [smem:$0x3FB3];
	_ =	sdelay $0x3  }
0x33: {  	p0 =	seq.s32 s10, $0x1;
	s10 =	sld [smem:$0x3FB5];
	_ =	sdelay $0x3  }
0x34: {  	[smem:$0x3FB5] =	sst s10  }
0x35: {  	s10 =	sld [smem:$0x3FB4];
	_ =	sdelay $0x3  }
0x36: {  	p1 =	seq.s32 s10, $0x1;
	s10 =	sld [smem:$0x3FB5];
	_ =	sdelay $0x3  }
0x37: {  	[smem:$0x3FB5] =	sst s10  }
0x38: {  	s10 =	sld [smem:$0x3FB6]  }
0x39: {  	_ = 	snop;
	(pc) =	sbr.ind lr, $3  }
0x3a: {  	_ = 	snop  }
0x3b: {  	_ = 	snop  }
0x3c: {  	p2 =	seq.s32 s10, $0x1;
	s10 =	sld [smem:$0x3FB5]  }
0x3d: {  	_ =	shalt  }
0x3e: {  	_ =	shalt  }
0x3f: {  	_ =	shalt  }
0x40: {  	_ =	shalt  }
0x41: {  	_ =	shalt  }
0x42: {  	_ =	shalt  }
0x43: {  	_ =	shalt  }
0x44: {  	_ =	shalt  }
0x45: {  	_ =	shalt  }
0x46: {  	_ =	shalt  }
0x47: {  	_ =	shalt  }
0x48: {  	_ =	shalt  }
0x49: {  	_ =	shalt  }
0x4a: {  	_ =	shalt  }
0x4b: {  	_ =	shalt  }
0x4c: {  	_ =	shalt  }
0x4d: {  	_ =	shalt  }
0x4e: {  	_ =	shalt  }
0x4f: {  	_ =	shalt  }
0x50: {  	_ =	shalt  }
0x51: {  	_ =	shalt  }
0x52: {  	_ =	shalt  }
0x53: {  	_ =	shalt  }
0x54: {  	_ =	shalt  }
0x55: {  	_ =	shalt  }
0x56: {  	_ =	shalt  }
0x57: {  	_ =	shalt  }
0x58: {  	_ =	shalt  }
0x59: {  	_ =	shalt  }
0x5a: {  	_ =	shalt  }
0x5b: {  	_ =	shalt  }
0x5c: {  	_ =	shalt  }
0x5d: {  	_ =	shalt  }
0x5e: {  	_ =	shalt  }
0x5f: {  	_ =	shalt  }
0x60: {  	_ =	shalt  }
0x61: {  	_ =	shalt  }
0x62: {  	_ =	shalt  }
0x63: {  	_ =	shalt  }
0x64: {  	_ =	shalt  }
0x65: {  	_ =	shalt  }
0x66: {  	_ =	shalt  }
0x67: {  	_ =	shalt  }
0x68: {  	_ =	shalt  }
0x69: {  	_ =	shalt  }
0x6a: {  	_ =	shalt  }
0x6b: {  	_ =	shalt  }
0x6c: {  	_ =	shalt  }
0x6d: {  	_ =	shalt  }
0x6e: {  	_ =	shalt  }
0x6f: {  	_ =	shalt  }
0x70: {  	_ =	shalt  }
0x71: {  	_ =	shalt  }
0x72: {  	_ =	shalt  }
0x73: {  	_ =	shalt  }
0x74: {  	_ =	shalt  }
0x75: {  	_ =	shalt  }
0x76: {  	_ =	shalt  }
0x77: {  	_ =	shalt  }
0x78: {  	_ =	shalt  }
0x79: {  	_ =	shalt  }
0x7a: {  	_ =	shalt  }
0x7b: {  	_ =	shalt  }
0x7c: {  	_ =	shalt  }
0x7d: {  	_ =	shalt  }
0x7e: {  	_ =	shalt  }
0x7f: {  	_ =	shalt  }
0x80: {  	_ =	shalt  }
0x81: {  	_ =	shalt  }
0x82: {  	_ =	shalt  }
0x83: {  	_ =	shalt  }
0x84: {  	_ =	shalt  }
0x85: {  	_ =	shalt  }
0x86: {  	_ =	shalt  }
0x87: {  	_ =	shalt  }
.Lfunc_end0:
.L_simem_size_0:
called_computation.2_lowered:
.L_overlay_start_0:
0x88: {  	s2 =	sld [smem:$0x3FD9]  }
0x89: {  	s3 =	sld [smem:$0x3FFE];
	_ =	sdelay $0x1  }
0x8a: {  	s1 =	srdreg.scid  }
0x8b: {  	s0 =	sand.u32 $0x1, s1  }
0x8c: {  	s17 =	sshll.u32 s0, $0xA;
	s2 =	sadd.s32 s3, s2  }
0x8d: {  	s2 =	sadd.s32 s2, s17  }
0x8e: {  	[smem:$0x3FC1] =	sst s2  }
0x8f: {  	_ = 	snop  }
0x90: {  	s2 =	sld [smem:$0x3FC8]  }
0x91: {  	s18 =	sld [smem:$0x3FC7];
	(tm) =	ssettm $0x1  }
0x92: {  	s4 =	sld [smem:$0x3FFB];
	_ =	sdelay $0x3  }
0x93: {  	_ =	strace s4  }
0x94: {  	s4 =	sld [smem:$0x3FFC];
	_ =	sdelay $0x3  }
0x95: {  	_ =	strace s4  }
0x96: {  	s4 =	sld [smem:$0x3FFD];
	_ =	sdelay $0x3  }
0x97: {  	_ =	strace s4  }
0x98: {  	_ =	strace $0x8FFFFFFF  }
0x99: {  	s19 =	sld [smem:$0x3FDB];
	_ =	sdelay $0x1  }
0x9a: {  	s5 =	simm.s32 $_scs_section_size  }
0x9b: {  	s6 =	simm.s32 $_size__tile_overlayer_lowered;
	s7 =	simm.s32 $_tile_overlayer_lowered  }
0x9c: {  	s22 =	simm.s32 $0x1BFF;
	s21 =	sshll.u32 s7, $0x1;
	s4 =	sadd.s32 s5, s19  }
0x9d: {  	s8 =	simm.s32 $0x0;
	s20 =	sshll.u32 s6, $0x1;
	s6 =	sadd.s32 s21, s4  }
0x9e: {  	[timem:s8], [sflag:s22] =	dma.local [hbm:s6], s20  }
0x9f: {  	_ =	swait.ge [sflag:s22], s20  }
0xa0: {  	s5 =	ssub.s32 $0x0, s20;
	[sflag:s22] =	ssyncset.done $0x0  }
0xa1: {  	[sflag:s22] =	ssyncadd.s32 s5;
	_ =	sdelay $0x1  }
0xa2: {  	s23 =	simm.s32 $0x1B8B  }
0xa3: {  	_ =	swait.ge [sflag:s23], $0x1  }
0xa4: {  	[sflag:s23] =	ssyncset.done $0x0  }
0xa5: {  	s25 =	simm.s32 $0x1B8E;
	s24 =	sld [smem:$0x3FFE];
	[sflag:s23] =	ssyncadd.s32 $0xFFFFFFFF  }
0xa6: {  	s26 =	simm.s32 $execute0_lowered;
	[smem:$0x3FD2] =	sst s25  }
0xa7: {  	s6 =	sshll.u32 s26, $0x1;
	_ =	strace $0x8000004C;
	[dreg:$0x1] =	wrdreg $0xFFFFFFFF  }
0xa8: {  	s28 =	simm.s32 $_size_execute0_lowered;
	s4 =	sadd.s32 s4, s6;
	[dreg:$0x0] =	wrdreg $0x0  }
0xa9: {  	s6 =	sshll.u32 s28, $0x1;
	[dreg:$0x2] =	wrdreg s4  }
0xaa: {  	[dreg:$0x3] =	wrdreg s6  }
0xab: {  	[dreg:$0x4] =	wrdreg $0xC0  }
0xac: {  	_ =	task [dreg:s8], $0x5FFFF  }
0xad: {  	[dreg:$0x1] =	wrdreg $0xFFFFFFFF  }
0xae: {  	[dreg:$0x0] =	wrdreg $0x60  }
0xaf: {  	[dreg:$0x2] =	wrdreg s2  }
0xb0: {  	[dreg:$0x3] =	wrdreg s18  }
0xb1: {  	[dreg:$0x4] =	wrdreg s24  }
0xb2: {  	[dreg:$0x5] =	wrdreg $0x1D8000  }
0xb3: {  	[dreg:$0x6] =	wrdreg $0x9  }
0xb4: {  	_ =	task.clear_ibuf [dreg:s8], $0x7FFFF;
	_ =	strace $0x9000004C  }
0xb5: {  	s29 =	simm.s32 $0x9;
	_ =	strace $0x8000004E  }
0xb6: {  	_ =	swait.ge [sflag:s29], $0x1  }
0xb7: {  	[sflag:s29] =	ssyncadd.s32 $0xFFFFFFFF  }
0xb8: {  	_ =	strace $0x9000004E  }
0xb9: {  	_ =	sfence  }
0xba: {  	s30 =	sld [smem:$0x0];
	_ =	sdelay $0x2  }
0xbb: {  	s31 =	sshll.u32 s1, $0xD;
	s1 =	sshrl.u32 s1, $0x2  }
0xbc: {  	s3 =	sand.u32 $0x4000, s31;
	s1 =	sadd.s32 s1, s30  }
0xbd: {  	s0 =	sor.u32 s3, s0;
	s1 =	sshll.u32 s1, $0x11  }
0xbe: {  	s0 =	sor.u32 s1, s0  }
0xbf: {  	s0 =	sadd.s32 $0x8F2B, s0  }
0xc0: {  	[sflag:s0] =	ssyncadd.remote.s32 $0x1  }
0xc1: {  	_ =	sfence.sel $0xFFFF  }
0xc2: {  	[dreg:$0x0] =	wrdreg $0xFFFFFFFF;
	(pc) =	sbr.abs _section_cstart, $3  }
0xc3: {  	[dreg:$0x1] =	wrdreg $0xFFFFFFFF  }
0xc4: {  	_ =	task.clear_ibuf [dreg:s8], $0x2FFFF;
	_ =	strace $0x9FFFFFFF  }
0xc5: {  	(tm) =	ssettm $0x7FFFFFFF  }
tec
execute0_lowered:
.L_overlay_start_1:
0x0: {  	(tag) =	ssettag $0x1  }
0x1: {  	s0 =	rddreg [dreg:$0x0]  }
0x2: {  	s2 =	rddreg [dreg:$0x1]  }
0x3: {  	s1 =	srdreg.scid;
	s3 =	rddreg [dreg:$0x2]  }
0x4: {  	s12 =	stileid.u32;
	s4 =	rddreg [dreg:$0x3];
	s6 =	simm.s32 $0x0  }
0x5: {  	s28 =	simm.s32 $0x9;
	s29 =	simm.s32 $0x1BF00;
	s30 =	simm.s32 $0x1  }
0x6: {  	s31 =	simm.s32 $0x500;
	s13 =	simm.s32 $0x4;
	s1 =	sand.u32 $0x1, s1  }
0x7: {  	[smem:$0x7FF] =	sst s6;
	s8 =	sshll.u32 s12, $0x7;
	s5 =	sshll.u32 s1, $0x4  }
0x8: {  	s9 =	sadd.s32 $0x1A00, s3;
	s5 =	sor.u32 s12, s5;
	s12 =	smul.u32 $0x6200, s12  }
0x9: {  	_ =	strace $0x8000004D;
	s8 =	sand.u32 $0x380, s8;
	s14 =	smul.u32 $0x140, s5  }
0xa: {  	[dreg:$0x5] =	wrdreg s9;
	s1 =	ssub.s32 $0x2, s1;
	s10 =	smul.u32 $0xA0, s5  }
0xb: {  	s15 =	sshrl.u32 s1, $0x1;
	s7 =	sshrl.u32 s5, $0x3;
	s11 =	smul.u32 $0x500, s5  }
0xc: {  	p0 =	slt.u32 s5, $0x8;
	s1 =	ssub.s32 s1, s15;
	s15 =	simm.s32 $0x6  }
0xd: {  	s7 =	smul.u32 $0xC400, s7;
	s19 =	sshrl.u32 s12, $0x2;
	s1 =	smax.u32 s1, $0x1  }
0xe: {  	s12 =	simm.s32 $0x5;
	s16 =	sadd.s32 s0, s14;
	s17 =	sadd.s32 s2, s10  }
0xf: {  	s18 =	sadd.s32 $0xA000, s11;
	s11 =	sadd.s32 s19, s4;
	[dreg:$0xf] =	wrdreg s1  }
0x10: {  	s10 =	simm.s32 $0x1BA00;
	s14 =	simm.s32 $0x1D300;
	[dreg:$0x6] =	wrdreg s16  }
0x11: {  	s7 =	sor.u32 s8, s7;
	s8 =	simm.s32 $0x9D;
	[dreg:$0x7] =	wrdreg s17  }
0x12: {  	s20 =	sshrl.u32 s18, $0x2;
	s22 =	sadd.s32 $0x620, s11;
	[dreg:$0x8] =	wrdreg s11  }
0x13: {  	s23 =	sadd.s32 $0xC40, s11;
	s24 =	sadd.s32 $0x1260, s11;
	[dreg:$0xb] =	wrdreg s22  }
0x14: {  	s7 =	sshrl.u32 s7, $0x3;
	s8 =	simm.s32 @!p0 $0x9C;
	[dreg:$0xc] =	wrdreg s23  }
0x15: {  	s21 =	sadd.s32 s0, s20;
	[dreg:$0xd] =	wrdreg s24;
	s22 =	sor.u32 $0x60, s5  }
0x16: {  	s24 =	simm.s32 $0x1B000;
	s23 =	simm.s32 $0x2;
	s3 =	sadd.s32 s7, s3  }
0x17: {  	s7 =	sshrl.u32 s18, $0x3;
	[dreg:$0x9] =	wrdreg s21;
	s17 =	sadd.s32 $0xFFFFFFFF, s8  }
.Ltmp0:
0x18: {  	s18 =	sadd.s32 $0xFFFFFFFE, s8;
	s19 =	sadd.s32 $0xFFFFFFFD, s8;
	(pc) =	sbr.rel .LBB2_1-.Ltmp0, $4  }
0x19: {  	s25 =	sadd.s32 $0x1, s8;
	s7 =	sadd.s32 s2, s7;
	s26 =	sand.u32 $0x2, s17  }
0x1a: {  	s3 =	sadd.s32 $0x4C00, s3;
	[dreg:$0xa] =	wrdreg s7;
	s7 =	sand.u32 $0x2, s25  }
0x1b: {  	[dreg:$0xe] =	wrdreg s3;
	p0 =	sne.s32 s26, $0x0;
	s26 =	simm.s32 $0x1B500  }
0x1c: {  	v0 =	vimm.f32 $0.0e+00;
	s3 =	simm.s32 $0x0;
	p1 =	sne.s32 s7, $0x0;
	s7 =	simm.s32 $0x3  }
.LBB2_21:
0x1d: {  	s1 =	simm.s32 @!p0 $0x5  }
0x1e: {  	_ =	swait.ge @!p0 [sflag:s1], $0x500  }
0x1f: {  	[sflag:s1] =	ssyncset.done @!p0 $0x0  }
0x20: {  	[sflag:s1] =	ssyncadd.s32 @!p0 $0xFFFFFB00;
	s1 =	simm.s32 @!p1 $0x7  }
0x21: {  	_ =	swait.ge @!p1 [sflag:s1], $0x500  }
0x22: {  	[sflag:s1] =	ssyncset.done @!p1 $0x0  }
0x23: {  	s16 =	simm.s32 $0x8;
	[sflag:s1] =	ssyncadd.s32 @!p1 $0xFFFFFB00  }
0x24: {  	_ =	swait.ge [sflag:s16], $0x500  }
0x25: {  	[sflag:s16] =	ssyncset.done $0x0  }
0x26: {  	s20 =	stileid.u32;
	[sflag:s16] =	ssyncadd.s32 $0xFFFFFB00  }
0x27: {  	s1 =	sshll.u32 s20, $0x6;
	[bflag:$0x0] =	sbarrier.arrive $0xFFFF  }
0x28: {  	s20 =	simm.s32 $0x10;
	s1 =	sor.u32 $0x1C09, s1;
	s11 =	rddreg [dreg:$0x8]  }
0x29: {  	s16 =	simm.s32 $0x80;
	s9 =	rddreg [dreg:$0xe];
	s3 =	sshrl.u32 s11, $0x3  }
0x2a: {  	[hbm:s9@s16], [sflag:s1] =	dma.strided [spmem:s3@s20], $0x310, s30, $0x10   }
0x2b: {  	_ =	swait.ge [sflag:s28], $0x310  }
0x2c: {  	s21 =	rddreg [dreg:$0x10]  }
0x2d: {  	s25 =	rddreg [dreg:$0xf];
	s3 =	sadd.s32 $0x1, s21  }
0x2e: {  	p2 =	sne.s32 s3, s25  }
.Ltmp1:
0x2f: {  	_ = 	snop;
	(pc) =	sbr.rel @!p2 .LBB2_22-.Ltmp1, $3  }
0x30: {  	_ =	sdelay $0x1  }
0x31: {  	[sflag:s28] =	ssyncset.done $0x0  }
0x32: {  	[sflag:s28] =	ssyncadd.s32 $0xFFFFFCF0  }
.LBB2_1:
0x33: {  	[dreg:$0x10] =	wrdreg s3  }
0x34: {  	s1 =	rddreg [dreg:$0x6];
	s25 =	simm.s32 $0x18800  }
0x35: {  	[tilespmem:s25], [sflag:$0x1] =	stream.linear.gather [hbm4b:s1+s6], $0xA00, $0x38;
	[tilespmem:$0x1F080] =	vst v63  }
0x36: {  	s9 =	rddreg [dreg:$0x7]  }
0x37: {  	[tilespmem:s24], [sflag:$0x1] =	stream.linear.gather [hbm4b:s9+s6], $0x500, $0x38;
	[tilespmem:$0x1F080] =	vst v63  }
0x38: {  	s16 =	rddreg [dreg:$0x9];
	s20 =	simm.s32 $0x19200  }
0x39: {  	[tilespmem:s20], [sflag:$0x2] =	stream.linear.gather [hbm4b:s16+s6], $0xA00, $0x38;
	[tilespmem:$0x1F080] =	vst v63  }
0x3a: {  	s21 =	rddreg [dreg:$0xa]  }
0x3b: {  	[tilespmem:s26], [sflag:$0x2] =	stream.linear.gather [hbm4b:s21+s6], $0x500, $0x38;
	[tilespmem:$0x1F080] =	vst v63  }
0x3c: {  	s25 =	rddreg [dreg:$0x5]  }
0x3d: {  	[tilespmem:s6], [sflag:$0x9] =	stream.linear.gather [hbm4b:s25+s6], $0x18800, $0x38;
	[tilespmem:$0x1F080] =	vst v63  }
0x3e: {  	_ =	swait.ge [sflag:s28], $0x18800  }
0x3f: {  	[sflag:s28] =	ssyncset.done $0x0  }
0x40: {  	s3 =	simm.s32 $0x0;
	s1 =	simm.s32 $0x40;
	[sflag:s28] =	ssyncadd.s32 $0xFFFE7800  }
.LBB2_2:
0x41: {  	p2 =	sne.s32 s1, $0x1840;
	[tilespmem:s3+$0x1BF00] =	vst v0;
	s3 =	smov.u32 s1;
	s1 =	sadd.s32 $0x40, s1  }
.Ltmp2:
0x42: {  	(pc) =	sbr.rel @p2 .LBB2_2-.Ltmp2, $2  }
0x43: {  	_ =	sdelay $0x2  }
0x44: {  	s3 =	sshra.s32 s3, $0x2  }
0x45: {  	[tilespmem:s3+$0x1BF00] =	vst v0  }
0x46: {  	[spmem:s11] =	stream.linear.scatter [tilespmem:s29], [sflag:$0x9], $0x620, $0x38;
	[tilespmem:$0x1F080] =	vst v63  }
0x47: {  	_ =	swait.ge [sflag:s28], $0x620  }
0x48: {  	[sflag:s28] =	ssyncset.done $0x0  }
0x49: {  	s1 =	rddreg [dreg:$0xb];
	[sflag:s28] =	ssyncadd.s32 $0xFFFFF9E0  }
0x4a: {  	[spmem:s1] =	stream.linear.scatter [tilespmem:s29], [sflag:$0x9], $0x620, $0x38;
	[tilespmem:$0x1F080] =	vst v63  }
0x4b: {  	_ =	swait.ge [sflag:s28], $0x620  }
0x4c: {  	[sflag:s28] =	ssyncset.done $0x0  }
0x4d: {  	s21 =	rddreg [dreg:$0xc];
	[sflag:s28] =	ssyncadd.s32 $0xFFFFF9E0  }
0x4e: {  	[spmem:s21] =	stream.linear.scatter [tilespmem:s29], [sflag:$0x9], $0x620, $0x38;
	[tilespmem:$0x1F080] =	vst v63  }
0x4f: {  	_ =	swait.ge [sflag:s28], $0x620  }
0x50: {  	[sflag:s28] =	ssyncset.done $0x0  }
0x51: {  	s25 =	rddreg [dreg:$0xd];
	[sflag:s28] =	ssyncadd.s32 $0xFFFFF9E0  }
0x52: {  	[spmem:s25] =	stream.linear.scatter [tilespmem:s29], [sflag:$0x9], $0x620, $0x38;
	[tilespmem:$0x1F080] =	vst v63  }
.Ltmp3:
0x53: {  	_ =	swait.ge [sflag:s28], $0x620;
	(pc) =	sbr.rel .LBB2_4-.Ltmp3, $4  }
0x54: {  	[sflag:s28] =	ssyncset.done $0x0  }
0x55: {  	[sflag:s28] =	ssyncadd.s32 $0xFFFFF9E0  }
0x56: {  	[bflag:$0x0] =	sbarrier.arrive $0xFFFF  }
0x57: {  	s21 =	simm.s32 $0x0  }
.LBB2_20:
0x58: {  	s21 =	sadd.s32 $0x1, s21  }
0x59: {  	p2 =	sne.s32 s21, $0x28  }
.Ltmp4:
0x5a: {  	_ = 	snop;
	(pc) =	sbr.rel @!p2 .LBB2_21-.Ltmp4, $1  }
0x5b: {  	_ =	sdelay $0x3  }
.LBB2_4:
0x5c: {  	s16 =	sshll.u32 s21, $0x2  }
0x5d: {  	p2 =	sge.u32 s16, s8  }
.Ltmp5:
0x5e: {  	_ = 	snop;
	(pc) =	sbr.rel @p2 .LBB2_8-.Ltmp5, $1  }
0x5f: {  	_ =	sdelay $0x3  }
0x60: {  	_ =	swait.ge [sflag:s30], $0xA00  }
0x61: {  	[sflag:s30] =	ssyncset.done $0x0  }
0x62: {  	[sflag:s30] =	ssyncadd.s32 $0xFFFFF600  }
0x63: {  	_ =	swait.ge [sflag:s30], $0x500  }
0x64: {  	[sflag:s30] =	ssyncset.done $0x0  }
0x65: {  	s1 =	simm.s32 $0x18880;
	[sflag:s30] =	ssyncadd.s32 $0xFFFFFB00  }
0x66: {  	v1 =	vld [tilespmem:s1+$0xFFFFFFF0]  }
0x67: {  	v2 =	vld [tilespmem:s1+$0xFFFFFF90]  }
0x68: {  	v3 =	vld [tilespmem:s1+$0xFFFFFFA0]  }
0x69: {  	v4 =	vld [tilespmem:s1+$0xFFFFFFB0]  }
0x6a: {  	v5 =	vld [tilespmem:s1+$0xFFFFFFC0]  }
0x6b: {  	v6 =	vld [tilespmem:s1+$0xFFFFFFD0]  }
0x6c: {  	v7 =	vld [tilespmem:s1+$0xFFFFFFE0]  }
0x6d: {  	s9 =	simm.s32 $0x1B040;
	v8 =	vld [tilespmem:s1+$0xFFFFFF80]  }
0x6e: {  	v9 =	vld [tilespmem:s9+$0x30]  }
0x6f: {  	v10 =	vld [tilespmem:s9+$0xFFFFFFC0]  }
0x70: {  	v11 =	vld [tilespmem:s9+$0xFFFFFFD0]  }
0x71: {  	v12 =	vld [tilespmem:s9+$0xFFFFFFE0]  }
0x72: {  	v54 =	vld [tilespmem:s9+$0xFFFFFFF0]  }
0x73: {  	v13 =	vld [tilespmem:s9+$0x0]  }
0x74: {  	s11 =	simm.s32 $0x18980;
	v56 =	vld [tilespmem:s9+$0x20]  }
0x75: {  	v57 =	vld [tilespmem:s11+$0xFFFFFF90]  }
0x76: {  	v58 =	vld [tilespmem:s11+$0xFFFFFFA0]  }
0x77: {  	v59 =	vld [tilespmem:s11+$0xFFFFFFB0]  }
0x78: {  	v14 =	vld [tilespmem:s11+$0xFFFFFFC0]  }
0x79: {  	v15 =	vld [tilespmem:s11+$0xFFFFFFD0]  }
0x7a: {  	v16 =	vld [tilespmem:s11+$0xFFFFFFE0]  }
0x7b: {  	v17 =	vld [tilespmem:s11+$0xFFFFFF80]  }
0x7c: {  	s3 =	simm.s32 $0x1B0C0;
	v1 =	vld.idx.msk [tilespmem:v1+s6+$0x0], $0xffff  }
0x7d: {  	v18 =	vld [tilespmem:s3+$0x30]  }
0x7e: {  	v8 =	vld.idx.msk [tilespmem:v8+s6+$0x0], $0xffff  }
0x7f: {  	v2 =	vld.idx.msk [tilespmem:v2+s6+$0x0], $0xffff  }
0x80: {  	v61 =	vld [tilespmem:s3+$0x0]  }
0x81: {  	v4 =	vld.idx.msk [tilespmem:v4+s6+$0x0], $0xffff;
	v1 =	vmul.f32 v9, v1  }
0x82: {  	v6 =	vld.idx.msk [tilespmem:v6+s6+$0x0], $0xffff  }
0x83: {  	[tilespmem:s9+$0x30] =	vst v1;
	v1 =	vmul.f32 v10, v8;
	v8 =	vld [tilespmem:s9+$0x10]  }
0x84: {  	v62 =	vld [tilespmem:s3+$0x10];
	v2 =	vmul.f32 v11, v2  }
0x85: {  	v3 =	vld.idx.msk [tilespmem:v3+s6+$0x0], $0xffff  }
0x86: {  	v5 =	vld.idx.msk [tilespmem:v5+s6+$0x0], $0xffff;
	[tilespmem:s9+$0xFFFFFFD0] =	vst v2;
	v2 =	vmul.f32 v54, v4  }
0x87: {  	v7 =	vld.idx.msk [tilespmem:v7+s6+$0x0], $0xffff  }
0x88: {  	[tilespmem:s9+$0xFFFFFFF0] =	vst v2;
	v2 =	vmul.f32 v8, v6;
	v8 =	vld [tilespmem:s11+$0xFFFFFFF0]  }
0x89: {  	v14 =	vld.idx.msk [tilespmem:v14+s6+$0x0], $0xffff  }
0x8a: {  	v15 =	vld.idx.msk [tilespmem:v15+s6+$0x0], $0xffff  }
0x8b: {  	v60 =	vld.idx.msk [tilespmem:v17+s6+$0x0], $0xffff  }
0x8c: {  	v9 =	vld.idx.msk [tilespmem:v57+s6+$0x0], $0xffff  }
0x8d: {  	v4 =	vld [tilespmem:s1+$0x10]  }
0x8e: {  	[tilespmem:s9+$0xFFFFFFC0] =	vst v1;
	v1 =	vmul.f32 v12, v3;
	v12 =	vld.idx.msk [tilespmem:v58+s6+$0x0], $0xffff  }
0x8f: {  	v3 =	vld [tilespmem:s1+$0x0]  }
0x90: {  	v7 =	vmul.f32 v56, v7;
	v8 =	vld.idx.msk [tilespmem:v8+s6+$0x0], $0xffff  }
0x91: {  	[tilespmem:s9+$0xFFFFFFE0] =	vst v1;
	v1 =	vmul.f32 v13, v5;
	v13 =	vld.idx.msk [tilespmem:v59+s6+$0x0], $0xffff  }
0x92: {  	[tilespmem:s9+$0x20] =	vst v7;
	v5 =	vld [tilespmem:s1+$0x20]  }
0x93: {  	s20 =	simm.s32 $0x1C440;
	v6 =	vld [tilespmem:s1+$0x30];
	[tilespmem:s9+$0x0] =	vst v1  }
0x94: {  	[tilespmem:s20+$0xFFFFFFD0] =	vst v4;
	v4 =	vld [tilespmem:s3+$0xFFFFFFD0]  }
0x95: {  	v1 =	vld [tilespmem:s1+$0x40];
	[tilespmem:s9+$0x10] =	vst v2;
	v8 =	vmul.f32 v18, v8  }
0x96: {  	v63 =	vmul.f32 v62, v15;
	v2 =	vld [tilespmem:s1+$0x50];
	[tilespmem:s20+$0xFFFFFFC0] =	vst v3  }
0x97: {  	v3 =	vld [tilespmem:s3+$0xFFFFFFC0];
	[tilespmem:s3+$0x30] =	vst v8  }
0x98: {  	[tilespmem:s3+$0x10] =	vst v63;
	v7 =	vld [tilespmem:s11+$0x70]  }
0x99: {  	[tilespmem:s20+$0xFFFFFFE0] =	vst v5;
	v5 =	vld [tilespmem:s3+$0xFFFFFFE0]  }
0x9a: {  	[tilespmem:s20+$0xFFFFFFF0] =	vst v6;
	v6 =	vld [tilespmem:s3+$0xFFFFFFF0]  }
0x9b: {  	v55 =	vld [tilespmem:s1+$0x70];
	[tilespmem:s20+$0x0] =	vst v1  }
0x9c: {  	s25 =	simm.s32 $0x1C4C0;
	[tilespmem:s20+$0x10] =	vst v2;
	v1 =	vmul.f32 v3, v60;
	v8 =	vld.idx.msk [tilespmem:v16+s6+$0x0], $0xffff  }
0x9d: {  	v3 =	vmul.f32 v4, v9;
	[tilespmem:s25+$0x30] =	vst v7;
	v7 =	vld [tilespmem:s3+$0x20]  }
0x9e: {  	[tilespmem:s3+$0xFFFFFFC0] =	vst v1;
	v4 =	vmul.f32 v5, v12;
	v1 =	vld [tilespmem:s1+$0x60]  }
0x9f: {  	[tilespmem:s3+$0xFFFFFFD0] =	vst v3;
	v5 =	vmul.f32 v6, v13;
	v2 =	vld [tilespmem:s11+$0x0]  }
0xa0: {  	v6 =	vmul.f32 v61, v14;
	v3 =	vld [tilespmem:s11+$0x10];
	[tilespmem:s3+$0xFFFFFFE0] =	vst v4  }
0xa1: {  	[tilespmem:s3+$0xFFFFFFF0] =	vst v5;
	v4 =	vld [tilespmem:s11+$0x20]  }
0xa2: {  	[tilespmem:s3+$0x0] =	vst v6;
	v5 =	vld [tilespmem:s11+$0x30];
	v8 =	vmul.f32 v7, v8  }
0xa3: {  	[tilespmem:s20+$0x30] =	vst v55;
	v6 =	vld [tilespmem:s11+$0x40]  }
0xa4: {  	s9 =	simm.s32 $0x18A80;
	s1 =	simm.s32 $0x8;
	v7 =	vld [tilespmem:s11+$0x50];
	[tilespmem:s3+$0x20] =	vst v8  }
.LBB2_6:
0xa5: {  	v8 =	vld [tilespmem:s9+$0xFFFFFFF0];
	s1 =	sadd.s32 $0x8, s1;
	[tilespmem:s25+$0xFFFFFFC0] =	vst v2  }
0xa6: {  	v2 =	vld [tilespmem:s9+$0xFFFFFF90];
	p2 =	slt.u32 s1, $0x48;
	[tilespmem:s25+$0xFFFFFFD0] =	vst v3  }
0xa7: {  	v3 =	vld [tilespmem:s9+$0xFFFFFFA0];
	[tilespmem:s25+$0xFFFFFFE0] =	vst v4  }
0xa8: {  	v4 =	vld [tilespmem:s9+$0xFFFFFFB0];
	[tilespmem:s25+$0xFFFFFFF0] =	vst v5  }
0xa9: {  	v5 =	vld [tilespmem:s9+$0xFFFFFFC0];
	[tilespmem:s25+$0x0] =	vst v6  }
0xaa: {  	v6 =	vld [tilespmem:s9+$0xFFFFFFD0];
	[tilespmem:s25+$0x10] =	vst v7  }
0xab: {  	v7 =	vld [tilespmem:s9+$0xFFFFFFE0];
	[tilespmem:s20+$0x20] =	vst v1;
	s20 =	smov.u32 s25  }
0xac: {  	v1 =	vld [tilespmem:s9+$0xFFFFFF80]  }
0xad: {  	s3 =	sadd.s32 $0x80, s3;
	v8 =	vld.idx.msk [tilespmem:v8+s6+$0x0], $0xffff  }
0xae: {  	v9 =	vld [tilespmem:s3+$0x30]  }
0xaf: {  	v2 =	vld.idx.msk [tilespmem:v2+s6+$0x0], $0xffff  }
0xb0: {  	v3 =	vld.idx.msk [tilespmem:v3+s6+$0x0], $0xffff  }
0xb1: {  	v4 =	vld.idx.msk [tilespmem:v4+s6+$0x0], $0xffff  }
0xb2: {  	v5 =	vld.idx.msk [tilespmem:v5+s6+$0x0], $0xffff  }
0xb3: {  	v6 =	vld.idx.msk [tilespmem:v6+s6+$0x0], $0xffff;
	v8 =	vmul.f32 v9, v8  }
0xb4: {  	v1 =	vld.idx.msk [tilespmem:v1+s6+$0x0], $0xffff  }
0xb5: {  	v7 =	vld.idx.msk [tilespmem:v7+s6+$0x0], $0xffff;
	[tilespmem:s3+$0x30] =	vst v8  }
0xb6: {  	v8 =	vld [tilespmem:s9+$0x70]  }
0xb7: {  	v9 =	vld [tilespmem:s3+$0xFFFFFFC0]  }
0xb8: {  	v10 =	vld [tilespmem:s3+$0xFFFFFFD0]  }
0xb9: {  	v11 =	vld [tilespmem:s3+$0xFFFFFFE0]  }
0xba: {  	s25 =	sadd.s32 $0x80, s25;
	v12 =	vld [tilespmem:s3+$0xFFFFFFF0]  }
0xbb: {  	v13 =	vld [tilespmem:s3+$0x0];
	[tilespmem:s25+$0x30] =	vst v8  }
0xbc: {  	v1 =	vmul.f32 v9, v1;
	v8 =	vld [tilespmem:s3+$0x10]  }
0xbd: {  	v9 =	vmul.f32 v10, v2;
	v10 =	vld [tilespmem:s3+$0x20]  }
0xbe: {  	[tilespmem:s3+$0xFFFFFFC0] =	vst v1;
	v11 =	vmul.f32 v11, v3;
	v1 =	vld [tilespmem:s11+$0x60];
	s11 =	smov.u32 s9  }
0xbf: {  	v2 =	vld [tilespmem:s9+$0x0];
	[tilespmem:s3+$0xFFFFFFD0] =	vst v9;
	v9 =	vmul.f32 v12, v4  }
.Ltmp6:
0xc0: {  	v3 =	vld [tilespmem:s9+$0x10];
	[tilespmem:s3+$0xFFFFFFE0] =	vst v11;
	v11 =	vmul.f32 v13, v5;
	(pc) =	sbr.rel @p2 .LBB2_6-.Ltmp6, $4  }
0xc1: {  	v4 =	vld [tilespmem:s9+$0x20];
	[tilespmem:s3+$0xFFFFFFF0] =	vst v9;
	v8 =	vmul.f32 v8, v6  }
0xc2: {  	v5 =	vld [tilespmem:s9+$0x30];
	[tilespmem:s3+$0x0] =	vst v11;
	v9 =	vmul.f32 v10, v7  }
0xc3: {  	v6 =	vld [tilespmem:s9+$0x40];
	[tilespmem:s3+$0x10] =	vst v8  }
0xc4: {  	s9 =	sadd.s32 $0x100, s9;
	v7 =	vld [tilespmem:s11+$0x50];
	[tilespmem:s3+$0x20] =	vst v9  }
0xc5: {  	[tilespmem:s25+$0xFFFFFFC0] =	vst v2  }
0xc6: {  	[tilespmem:s25+$0xFFFFFFD0] =	vst v3  }
0xc7: {  	v2 =	vld [tilespmem:s11+$0x60];
	[tilespmem:s20+$0x20] =	vst v1  }
0xc8: {  	[tilespmem:s25+$0xFFFFFFE0] =	vst v4  }
0xc9: {  	[tilespmem:s25+$0xFFFFFFF0] =	vst v5  }
0xca: {  	[tilespmem:s25+$0x0] =	vst v6  }
0xcb: {  	[tilespmem:s25+$0x10] =	vst v7  }
0xcc: {  	s1 =	simm.s32 $0x1C400;
	[tilespmem:s25+$0x20] =	vst v2  }
0xcd: {  	[spmem:s4] =	stream.indirect.scatter.add.f32 [tilespmem:s24], [sflag:$0x5], $0x1, s1, s31, $0xb8;
	[tilespmem:$0x1F080] =	vst v63  }
0xce: {  	s1 =	sor.u32 $0x2, s16  }
0xcf: {  	p3 =	seq.s32 s21, $0x0;
	p2 =	sge.u32 s1, s8  }
0xd0: {  	s3 =	simm.s32 @!p3 $0x7;
	s1 =	sshll.u32 @!p2 s1, $0x5  }
0xd1: {  	_ =	swait.ge @!p3 [sflag:s3], $0x500;
	s1 =	sor.u32 @!p2 s5, s1  }
0xd2: {  	[sflag:s3] =	ssyncset.done @!p3 $0x0;
	s9 =	smul.u32 @!p2 $0x140, s1  }
0xd3: {  	s11 =	simm.s32 @!p2 $0x19C00;
	[sflag:s3] =	ssyncadd.s32 @!p3 $0xFFFFFB00  }
0xd4: {  	s1 =	smul.u32 @!p2 $0xA0, s1;
	s3 =	sadd.s32 @!p2 s0, s9;
	s9 =	simm.s32 @!p2 $0x0  }
0xd5: {  	[tilespmem:s11], [sflag:$0x3] =	stream.linear.gather @!p2 [hbm4b:s3+s9], $0xA00, $0x38;
	[tilespmem:$0x1F080] =	vst v63  }
0xd6: {  	s1 =	sadd.s32 @!p2 s2, s1;
	s3 =	simm.s32 @!p2 $0x1BA00  }
0xd7: {  	[tilespmem:s3], [sflag:$0x3] =	stream.linear.gather @!p2 [hbm4b:s1+s9], $0x500, $0x38;
	[tilespmem:$0x1F080] =	vst v63  }
.LBB2_8:
0xd8: {  	p2 =	sge.u32 s16, s17  }
.Ltmp7:
0xd9: {  	_ = 	snop;
	(pc) =	sbr.rel @p2 .LBB2_12-.Ltmp7, $1  }
0xda: {  	_ =	sdelay $0x3  }
0xdb: {  	_ =	swait.ge [sflag:s23], $0xA00  }
0xdc: {  	[sflag:s23] =	ssyncset.done $0x0  }
0xdd: {  	[sflag:s23] =	ssyncadd.s32 $0xFFFFF600  }
0xde: {  	_ =	swait.ge [sflag:s23], $0x500  }
0xdf: {  	[sflag:s23] =	ssyncset.done $0x0  }
0xe0: {  	s1 =	simm.s32 $0x19280;
	[sflag:s23] =	ssyncadd.s32 $0xFFFFFB00  }
0xe1: {  	v1 =	vld [tilespmem:s1+$0xFFFFFFF0]  }
0xe2: {  	v2 =	vld [tilespmem:s1+$0xFFFFFF90]  }
0xe3: {  	v3 =	vld [tilespmem:s1+$0xFFFFFFA0]  }
0xe4: {  	v4 =	vld [tilespmem:s1+$0xFFFFFFB0]  }
0xe5: {  	v5 =	vld [tilespmem:s1+$0xFFFFFFC0]  }
0xe6: {  	v6 =	vld [tilespmem:s1+$0xFFFFFFD0]  }
0xe7: {  	v7 =	vld [tilespmem:s1+$0xFFFFFFE0]  }
0xe8: {  	s9 =	simm.s32 $0x1B540;
	v8 =	vld [tilespmem:s1+$0xFFFFFF80]  }
0xe9: {  	v9 =	vld [tilespmem:s9+$0x30]  }
0xea: {  	v10 =	vld [tilespmem:s9+$0xFFFFFFC0]  }
0xeb: {  	v11 =	vld [tilespmem:s9+$0xFFFFFFD0]  }
0xec: {  	v12 =	vld [tilespmem:s9+$0xFFFFFFE0]  }
0xed: {  	v54 =	vld [tilespmem:s9+$0xFFFFFFF0]  }
0xee: {  	v13 =	vld [tilespmem:s9+$0x0]  }
0xef: {  	s11 =	simm.s32 $0x19380;
	v56 =	vld [tilespmem:s9+$0x20]  }
0xf0: {  	v57 =	vld [tilespmem:s11+$0xFFFFFF90]  }
0xf1: {  	v58 =	vld [tilespmem:s11+$0xFFFFFFA0]  }
0xf2: {  	v59 =	vld [tilespmem:s11+$0xFFFFFFB0]  }
0xf3: {  	v14 =	vld [tilespmem:s11+$0xFFFFFFC0]  }
0xf4: {  	v15 =	vld [tilespmem:s11+$0xFFFFFFD0]  }
0xf5: {  	v16 =	vld [tilespmem:s11+$0xFFFFFFE0]  }
0xf6: {  	v17 =	vld [tilespmem:s11+$0xFFFFFF80]  }
0xf7: {  	s3 =	simm.s32 $0x1B5C0;
	v1 =	vld.idx.msk [tilespmem:v1+s6+$0x0], $0xffff  }
0xf8: {  	v18 =	vld [tilespmem:s3+$0x30]  }
0xf9: {  	v8 =	vld.idx.msk [tilespmem:v8+s6+$0x0], $0xffff  }
0xfa: {  	v2 =	vld.idx.msk [tilespmem:v2+s6+$0x0], $0xffff  }
0xfb: {  	v61 =	vld [tilespmem:s3+$0x0]  }
0xfc: {  	v4 =	vld.idx.msk [tilespmem:v4+s6+$0x0], $0xffff;
	v1 =	vmul.f32 v9, v1  }
0xfd: {  	v6 =	vld.idx.msk [tilespmem:v6+s6+$0x0], $0xffff  }
0xfe: {  	[tilespmem:s9+$0x30] =	vst v1;
	v1 =	vmul.f32 v10, v8;
	v8 =	vld [tilespmem:s9+$0x10]  }
0xff: {  	v62 =	vld [tilespmem:s3+$0x10];
	v2 =	vmul.f32 v11, v2  }
0x100: {  	v3 =	vld.idx.msk [tilespmem:v3+s6+$0x0], $0xffff  }
0x101: {  	v5 =	vld.idx.msk [tilespmem:v5+s6+$0x0], $0xffff;
	[tilespmem:s9+$0xFFFFFFD0] =	vst v2;
	v2 =	vmul.f32 v54, v4  }
0x102: {  	v7 =	vld.idx.msk [tilespmem:v7+s6+$0x0], $0xffff  }
0x103: {  	[tilespmem:s9+$0xFFFFFFF0] =	vst v2;
	v2 =	vmul.f32 v8, v6;
	v8 =	vld [tilespmem:s11+$0xFFFFFFF0]  }
0x104: {  	v14 =	vld.idx.msk [tilespmem:v14+s6+$0x0], $0xffff  }
0x105: {  	v15 =	vld.idx.msk [tilespmem:v15+s6+$0x0], $0xffff  }
0x106: {  	v60 =	vld.idx.msk [tilespmem:v17+s6+$0x0], $0xffff  }
0x107: {  	v9 =	vld.idx.msk [tilespmem:v57+s6+$0x0], $0xffff  }
0x108: {  	v4 =	vld [tilespmem:s1+$0x10]  }
0x109: {  	[tilespmem:s9+$0xFFFFFFC0] =	vst v1;
	v1 =	vmul.f32 v12, v3;
	v12 =	vld.idx.msk [tilespmem:v58+s6+$0x0], $0xffff  }
0x10a: {  	v3 =	vld [tilespmem:s1+$0x0]  }
0x10b: {  	v7 =	vmul.f32 v56, v7;
	v8 =	vld.idx.msk [tilespmem:v8+s6+$0x0], $0xffff  }
0x10c: {  	[tilespmem:s9+$0xFFFFFFE0] =	vst v1;
	v1 =	vmul.f32 v13, v5;
	v13 =	vld.idx.msk [tilespmem:v59+s6+$0x0], $0xffff  }
0x10d: {  	[tilespmem:s9+$0x20] =	vst v7;
	v5 =	vld [tilespmem:s1+$0x20]  }
0x10e: {  	s20 =	simm.s32 $0x1C940;
	v6 =	vld [tilespmem:s1+$0x30];
	[tilespmem:s9+$0x0] =	vst v1  }
0x10f: {  	[tilespmem:s20+$0xFFFFFFD0] =	vst v4;
	v4 =	vld [tilespmem:s3+$0xFFFFFFD0]  }
0x110: {  	v1 =	vld [tilespmem:s1+$0x40];
	[tilespmem:s9+$0x10] =	vst v2;
	v8 =	vmul.f32 v18, v8  }
0x111: {  	v63 =	vmul.f32 v62, v15;
	v2 =	vld [tilespmem:s1+$0x50];
	[tilespmem:s20+$0xFFFFFFC0] =	vst v3  }
0x112: {  	v3 =	vld [tilespmem:s3+$0xFFFFFFC0];
	[tilespmem:s3+$0x30] =	vst v8  }
0x113: {  	[tilespmem:s3+$0x10] =	vst v63;
	v7 =	vld [tilespmem:s11+$0x70]  }
0x114: {  	[tilespmem:s20+$0xFFFFFFE0] =	vst v5;
	v5 =	vld [tilespmem:s3+$0xFFFFFFE0]  }
0x115: {  	[tilespmem:s20+$0xFFFFFFF0] =	vst v6;
	v6 =	vld [tilespmem:s3+$0xFFFFFFF0]  }
0x116: {  	v55 =	vld [tilespmem:s1+$0x70];
	[tilespmem:s20+$0x0] =	vst v1  }
0x117: {  	s25 =	simm.s32 $0x1C9C0;
	[tilespmem:s20+$0x10] =	vst v2;
	v1 =	vmul.f32 v3, v60;
	v8 =	vld.idx.msk [tilespmem:v16+s6+$0x0], $0xffff  }
0x118: {  	v3 =	vmul.f32 v4, v9;
	[tilespmem:s25+$0x30] =	vst v7;
	v7 =	vld [tilespmem:s3+$0x20]  }
0x119: {  	[tilespmem:s3+$0xFFFFFFC0] =	vst v1;
	v4 =	vmul.f32 v5, v12;
	v1 =	vld [tilespmem:s1+$0x60]  }
0x11a: {  	[tilespmem:s3+$0xFFFFFFD0] =	vst v3;
	v5 =	vmul.f32 v6, v13;
	v2 =	vld [tilespmem:s11+$0x0]  }
0x11b: {  	v6 =	vmul.f32 v61, v14;
	v3 =	vld [tilespmem:s11+$0x10];
	[tilespmem:s3+$0xFFFFFFE0] =	vst v4  }
0x11c: {  	[tilespmem:s3+$0xFFFFFFF0] =	vst v5;
	v4 =	vld [tilespmem:s11+$0x20]  }
0x11d: {  	[tilespmem:s3+$0x0] =	vst v6;
	v5 =	vld [tilespmem:s11+$0x30];
	v8 =	vmul.f32 v7, v8  }
0x11e: {  	[tilespmem:s20+$0x30] =	vst v55;
	v6 =	vld [tilespmem:s11+$0x40]  }
0x11f: {  	s9 =	simm.s32 $0x19480;
	s1 =	simm.s32 $0x8;
	v7 =	vld [tilespmem:s11+$0x50];
	[tilespmem:s3+$0x20] =	vst v8  }
.LBB2_10:
0x120: {  	v8 =	vld [tilespmem:s9+$0xFFFFFFF0];
	s1 =	sadd.s32 $0x8, s1;
	[tilespmem:s25+$0xFFFFFFC0] =	vst v2  }
0x121: {  	v2 =	vld [tilespmem:s9+$0xFFFFFF90];
	p2 =	slt.u32 s1, $0x48;
	[tilespmem:s25+$0xFFFFFFD0] =	vst v3  }
0x122: {  	v3 =	vld [tilespmem:s9+$0xFFFFFFA0];
	[tilespmem:s25+$0xFFFFFFE0] =	vst v4  }
0x123: {  	v4 =	vld [tilespmem:s9+$0xFFFFFFB0];
	[tilespmem:s25+$0xFFFFFFF0] =	vst v5  }
0x124: {  	v5 =	vld [tilespmem:s9+$0xFFFFFFC0];
	[tilespmem:s25+$0x0] =	vst v6  }
0x125: {  	v6 =	vld [tilespmem:s9+$0xFFFFFFD0];
	[tilespmem:s25+$0x10] =	vst v7  }
0x126: {  	v7 =	vld [tilespmem:s9+$0xFFFFFFE0];
	[tilespmem:s20+$0x20] =	vst v1;
	s20 =	smov.u32 s25  }
0x127: {  	v1 =	vld [tilespmem:s9+$0xFFFFFF80]  }
0x128: {  	s3 =	sadd.s32 $0x80, s3;
	v8 =	vld.idx.msk [tilespmem:v8+s6+$0x0], $0xffff  }
0x129: {  	v9 =	vld [tilespmem:s3+$0x30]  }
0x12a: {  	v2 =	vld.idx.msk [tilespmem:v2+s6+$0x0], $0xffff  }
0x12b: {  	v3 =	vld.idx.msk [tilespmem:v3+s6+$0x0], $0xffff  }
0x12c: {  	v4 =	vld.idx.msk [tilespmem:v4+s6+$0x0], $0xffff  }
0x12d: {  	v5 =	vld.idx.msk [tilespmem:v5+s6+$0x0], $0xffff  }
0x12e: {  	v6 =	vld.idx.msk [tilespmem:v6+s6+$0x0], $0xffff;
	v8 =	vmul.f32 v9, v8  }
0x12f: {  	v1 =	vld.idx.msk [tilespmem:v1+s6+$0x0], $0xffff  }
0x130: {  	v7 =	vld.idx.msk [tilespmem:v7+s6+$0x0], $0xffff;
	[tilespmem:s3+$0x30] =	vst v8  }
0x131: {  	v8 =	vld [tilespmem:s9+$0x70]  }
0x132: {  	v9 =	vld [tilespmem:s3+$0xFFFFFFC0]  }
0x133: {  	v10 =	vld [tilespmem:s3+$0xFFFFFFD0]  }
0x134: {  	v11 =	vld [tilespmem:s3+$0xFFFFFFE0]  }
0x135: {  	s25 =	sadd.s32 $0x80, s25;
	v12 =	vld [tilespmem:s3+$0xFFFFFFF0]  }
0x136: {  	v13 =	vld [tilespmem:s3+$0x0];
	[tilespmem:s25+$0x30] =	vst v8  }
0x137: {  	v1 =	vmul.f32 v9, v1;
	v8 =	vld [tilespmem:s3+$0x10]  }
0x138: {  	v9 =	vmul.f32 v10, v2;
	v10 =	vld [tilespmem:s3+$0x20]  }
0x139: {  	[tilespmem:s3+$0xFFFFFFC0] =	vst v1;
	v11 =	vmul.f32 v11, v3;
	v1 =	vld [tilespmem:s11+$0x60];
	s11 =	smov.u32 s9  }
0x13a: {  	v2 =	vld [tilespmem:s9+$0x0];
	[tilespmem:s3+$0xFFFFFFD0] =	vst v9;
	v9 =	vmul.f32 v12, v4  }
.Ltmp8:
0x13b: {  	v3 =	vld [tilespmem:s9+$0x10];
	[tilespmem:s3+$0xFFFFFFE0] =	vst v11;
	v11 =	vmul.f32 v13, v5;
	(pc) =	sbr.rel @p2 .LBB2_10-.Ltmp8, $4  }
0x13c: {  	v4 =	vld [tilespmem:s9+$0x20];
	[tilespmem:s3+$0xFFFFFFF0] =	vst v9;
	v8 =	vmul.f32 v8, v6  }
0x13d: {  	v5 =	vld [tilespmem:s9+$0x30];
	[tilespmem:s3+$0x0] =	vst v11;
	v9 =	vmul.f32 v10, v7  }
0x13e: {  	v6 =	vld [tilespmem:s9+$0x40];
	[tilespmem:s3+$0x10] =	vst v8  }
0x13f: {  	s9 =	sadd.s32 $0x100, s9;
	v7 =	vld [tilespmem:s11+$0x50];
	[tilespmem:s3+$0x20] =	vst v9  }
0x140: {  	[tilespmem:s25+$0xFFFFFFC0] =	vst v2  }
0x141: {  	[tilespmem:s25+$0xFFFFFFD0] =	vst v3  }
0x142: {  	v2 =	vld [tilespmem:s11+$0x60];
	[tilespmem:s20+$0x20] =	vst v1  }
0x143: {  	[tilespmem:s25+$0xFFFFFFE0] =	vst v4  }
0x144: {  	[tilespmem:s25+$0xFFFFFFF0] =	vst v5  }
0x145: {  	[tilespmem:s25+$0x0] =	vst v6  }
0x146: {  	[tilespmem:s25+$0x10] =	vst v7  }
0x147: {  	s1 =	simm.s32 $0x1C900;
	p2 =	seq.s32 s21, $0x0;
	s11 =	sshll.u32 s21, $0x7;
	[tilespmem:s25+$0x20] =	vst v2  }
0x148: {  	[spmem:s4] =	stream.indirect.scatter.add.f32 [tilespmem:s26], [sflag:$0x6], $0x1, s1, s31, $0xb8;
	[tilespmem:$0x1F080] =	vst v63  }
0x149: {  	s3 =	simm.s32 @!p2 $0x8;
	s1 =	sor.u32 s22, s11  }
0x14a: {  	_ =	swait.ge @!p2 [sflag:s3], $0x500;
	s9 =	smul.u32 $0x140, s1  }
0x14b: {  	s25 =	simm.s32 $0x1A600;
	[sflag:s3] =	ssyncset.done @!p2 $0x0  }
0x14c: {  	s1 =	smul.u32 $0xA0, s1;
	[sflag:s3] =	ssyncadd.s32 @!p2 $0xFFFFFB00;
	s20 =	sadd.s32 s0, s9  }
0x14d: {  	[tilespmem:s25], [sflag:$0x4] =	stream.linear.gather [hbm4b:s20+s6], $0xA00, $0x38;
	[tilespmem:$0x1F080] =	vst v63  }
0x14e: {  	s1 =	sadd.s32 s2, s1  }
0x14f: {  	[tilespmem:s29], [sflag:$0x4] =	stream.linear.gather [hbm4b:s1+s6], $0x500, $0x38;
	[tilespmem:$0x1F080] =	vst v63  }
.LBB2_12:
0x150: {  	p2 =	sge.u32 s16, s18  }
.Ltmp9:
0x151: {  	_ = 	snop;
	(pc) =	sbr.rel @p2 .LBB2_16-.Ltmp9, $1  }
0x152: {  	_ =	sdelay $0x3  }
0x153: {  	_ =	swait.ge [sflag:s7], $0xA00  }
0x154: {  	[sflag:s7] =	ssyncset.done $0x0  }
0x155: {  	[sflag:s7] =	ssyncadd.s32 $0xFFFFF600  }
0x156: {  	_ =	swait.ge [sflag:s7], $0x500  }
0x157: {  	[sflag:s7] =	ssyncset.done $0x0  }
0x158: {  	s1 =	simm.s32 $0x19C80;
	[sflag:s7] =	ssyncadd.s32 $0xFFFFFB00  }
0x159: {  	v1 =	vld [tilespmem:s1+$0xFFFFFFF0]  }
0x15a: {  	v2 =	vld [tilespmem:s1+$0xFFFFFF90]  }
0x15b: {  	v3 =	vld [tilespmem:s1+$0xFFFFFFA0]  }
0x15c: {  	v4 =	vld [tilespmem:s1+$0xFFFFFFB0]  }
0x15d: {  	v5 =	vld [tilespmem:s1+$0xFFFFFFC0]  }
0x15e: {  	v6 =	vld [tilespmem:s1+$0xFFFFFFD0]  }
0x15f: {  	v7 =	vld [tilespmem:s1+$0xFFFFFFE0]  }
0x160: {  	s9 =	simm.s32 $0x1BA40;
	v8 =	vld [tilespmem:s1+$0xFFFFFF80]  }
0x161: {  	v9 =	vld [tilespmem:s9+$0x30]  }
0x162: {  	v10 =	vld [tilespmem:s9+$0xFFFFFFC0]  }
0x163: {  	v11 =	vld [tilespmem:s9+$0xFFFFFFD0]  }
0x164: {  	v12 =	vld [tilespmem:s9+$0xFFFFFFE0]  }
0x165: {  	v54 =	vld [tilespmem:s9+$0xFFFFFFF0]  }
0x166: {  	v13 =	vld [tilespmem:s9+$0x0]  }
0x167: {  	s11 =	simm.s32 $0x19D80;
	v56 =	vld [tilespmem:s9+$0x20]  }
0x168: {  	v57 =	vld [tilespmem:s11+$0xFFFFFF90]  }
0x169: {  	v58 =	vld [tilespmem:s11+$0xFFFFFFA0]  }
0x16a: {  	v59 =	vld [tilespmem:s11+$0xFFFFFFB0]  }
0x16b: {  	v14 =	vld [tilespmem:s11+$0xFFFFFFC0]  }
0x16c: {  	v15 =	vld [tilespmem:s11+$0xFFFFFFD0]  }
0x16d: {  	v16 =	vld [tilespmem:s11+$0xFFFFFFE0]  }
0x16e: {  	v17 =	vld [tilespmem:s11+$0xFFFFFF80]  }
0x16f: {  	s3 =	simm.s32 $0x1BAC0;
	v1 =	vld.idx.msk [tilespmem:v1+s6+$0x0], $0xffff  }
0x170: {  	v18 =	vld [tilespmem:s3+$0x30]  }
0x171: {  	v8 =	vld.idx.msk [tilespmem:v8+s6+$0x0], $0xffff  }
0x172: {  	v2 =	vld.idx.msk [tilespmem:v2+s6+$0x0], $0xffff  }
0x173: {  	v61 =	vld [tilespmem:s3+$0x0]  }
0x174: {  	v4 =	vld.idx.msk [tilespmem:v4+s6+$0x0], $0xffff;
	v1 =	vmul.f32 v9, v1  }
0x175: {  	v6 =	vld.idx.msk [tilespmem:v6+s6+$0x0], $0xffff  }
0x176: {  	[tilespmem:s9+$0x30] =	vst v1;
	v1 =	vmul.f32 v10, v8;
	v8 =	vld [tilespmem:s9+$0x10]  }
0x177: {  	v62 =	vld [tilespmem:s3+$0x10];
	v2 =	vmul.f32 v11, v2  }
0x178: {  	v3 =	vld.idx.msk [tilespmem:v3+s6+$0x0], $0xffff  }
0x179: {  	v5 =	vld.idx.msk [tilespmem:v5+s6+$0x0], $0xffff;
	[tilespmem:s9+$0xFFFFFFD0] =	vst v2;
	v2 =	vmul.f32 v54, v4  }
0x17a: {  	v7 =	vld.idx.msk [tilespmem:v7+s6+$0x0], $0xffff  }
0x17b: {  	[tilespmem:s9+$0xFFFFFFF0] =	vst v2;
	v2 =	vmul.f32 v8, v6;
	v8 =	vld [tilespmem:s11+$0xFFFFFFF0]  }
0x17c: {  	v14 =	vld.idx.msk [tilespmem:v14+s6+$0x0], $0xffff  }
0x17d: {  	v15 =	vld.idx.msk [tilespmem:v15+s6+$0x0], $0xffff  }
0x17e: {  	v60 =	vld.idx.msk [tilespmem:v17+s6+$0x0], $0xffff  }
0x17f: {  	v9 =	vld.idx.msk [tilespmem:v57+s6+$0x0], $0xffff  }
0x180: {  	v4 =	vld [tilespmem:s1+$0x10]  }
0x181: {  	[tilespmem:s9+$0xFFFFFFC0] =	vst v1;
	v1 =	vmul.f32 v12, v3;
	v12 =	vld.idx.msk [tilespmem:v58+s6+$0x0], $0xffff  }
0x182: {  	v3 =	vld [tilespmem:s1+$0x0]  }
0x183: {  	v7 =	vmul.f32 v56, v7;
	v8 =	vld.idx.msk [tilespmem:v8+s6+$0x0], $0xffff  }
0x184: {  	[tilespmem:s9+$0xFFFFFFE0] =	vst v1;
	v1 =	vmul.f32 v13, v5;
	v13 =	vld.idx.msk [tilespmem:v59+s6+$0x0], $0xffff  }
0x185: {  	[tilespmem:s9+$0x20] =	vst v7;
	v5 =	vld [tilespmem:s1+$0x20]  }
0x186: {  	s20 =	simm.s32 $0x1CE40;
	v6 =	vld [tilespmem:s1+$0x30];
	[tilespmem:s9+$0x0] =	vst v1  }
0x187: {  	[tilespmem:s20+$0xFFFFFFD0] =	vst v4;
	v4 =	vld [tilespmem:s3+$0xFFFFFFD0]  }
0x188: {  	v1 =	vld [tilespmem:s1+$0x40];
	[tilespmem:s9+$0x10] =	vst v2;
	v8 =	vmul.f32 v18, v8  }
0x189: {  	v63 =	vmul.f32 v62, v15;
	v2 =	vld [tilespmem:s1+$0x50];
	[tilespmem:s20+$0xFFFFFFC0] =	vst v3  }
0x18a: {  	v3 =	vld [tilespmem:s3+$0xFFFFFFC0];
	[tilespmem:s3+$0x30] =	vst v8  }
0x18b: {  	[tilespmem:s3+$0x10] =	vst v63;
	v7 =	vld [tilespmem:s11+$0x70]  }
0x18c: {  	[tilespmem:s20+$0xFFFFFFE0] =	vst v5;
	v5 =	vld [tilespmem:s3+$0xFFFFFFE0]  }
0x18d: {  	[tilespmem:s20+$0xFFFFFFF0] =	vst v6;
	v6 =	vld [tilespmem:s3+$0xFFFFFFF0]  }
0x18e: {  	v55 =	vld [tilespmem:s1+$0x70];
	[tilespmem:s20+$0x0] =	vst v1  }
0x18f: {  	s25 =	simm.s32 $0x1CEC0;
	[tilespmem:s20+$0x10] =	vst v2;
	v1 =	vmul.f32 v3, v60;
	v8 =	vld.idx.msk [tilespmem:v16+s6+$0x0], $0xffff  }
0x190: {  	v3 =	vmul.f32 v4, v9;
	[tilespmem:s25+$0x30] =	vst v7;
	v7 =	vld [tilespmem:s3+$0x20]  }
0x191: {  	[tilespmem:s3+$0xFFFFFFC0] =	vst v1;
	v4 =	vmul.f32 v5, v12;
	v1 =	vld [tilespmem:s1+$0x60]  }
0x192: {  	[tilespmem:s3+$0xFFFFFFD0] =	vst v3;
	v5 =	vmul.f32 v6, v13;
	v2 =	vld [tilespmem:s11+$0x0]  }
0x193: {  	v6 =	vmul.f32 v61, v14;
	v3 =	vld [tilespmem:s11+$0x10];
	[tilespmem:s3+$0xFFFFFFE0] =	vst v4  }
0x194: {  	[tilespmem:s3+$0xFFFFFFF0] =	vst v5;
	v4 =	vld [tilespmem:s11+$0x20]  }
0x195: {  	[tilespmem:s3+$0x0] =	vst v6;
	v5 =	vld [tilespmem:s11+$0x30];
	v8 =	vmul.f32 v7, v8  }
0x196: {  	[tilespmem:s20+$0x30] =	vst v55;
	v6 =	vld [tilespmem:s11+$0x40]  }
0x197: {  	s9 =	simm.s32 $0x19E80;
	s1 =	simm.s32 $0x8;
	v7 =	vld [tilespmem:s11+$0x50];
	[tilespmem:s3+$0x20] =	vst v8  }
.LBB2_14:
0x198: {  	v8 =	vld [tilespmem:s9+$0xFFFFFFF0];
	s1 =	sadd.s32 $0x8, s1;
	[tilespmem:s25+$0xFFFFFFC0] =	vst v2  }
0x199: {  	v2 =	vld [tilespmem:s9+$0xFFFFFF90];
	p2 =	slt.u32 s1, $0x48;
	[tilespmem:s25+$0xFFFFFFD0] =	vst v3  }
0x19a: {  	v3 =	vld [tilespmem:s9+$0xFFFFFFA0];
	[tilespmem:s25+$0xFFFFFFE0] =	vst v4  }
0x19b: {  	v4 =	vld [tilespmem:s9+$0xFFFFFFB0];
	[tilespmem:s25+$0xFFFFFFF0] =	vst v5  }
0x19c: {  	v5 =	vld [tilespmem:s9+$0xFFFFFFC0];
	[tilespmem:s25+$0x0] =	vst v6  }
0x19d: {  	v6 =	vld [tilespmem:s9+$0xFFFFFFD0];
	[tilespmem:s25+$0x10] =	vst v7  }
0x19e: {  	v7 =	vld [tilespmem:s9+$0xFFFFFFE0];
	[tilespmem:s20+$0x20] =	vst v1;
	s20 =	smov.u32 s25  }
0x19f: {  	v1 =	vld [tilespmem:s9+$0xFFFFFF80]  }
0x1a0: {  	s3 =	sadd.s32 $0x80, s3;
	v8 =	vld.idx.msk [tilespmem:v8+s6+$0x0], $0xffff  }
0x1a1: {  	v9 =	vld [tilespmem:s3+$0x30]  }
0x1a2: {  	v2 =	vld.idx.msk [tilespmem:v2+s6+$0x0], $0xffff  }
0x1a3: {  	v3 =	vld.idx.msk [tilespmem:v3+s6+$0x0], $0xffff  }
0x1a4: {  	v4 =	vld.idx.msk [tilespmem:v4+s6+$0x0], $0xffff  }
0x1a5: {  	v5 =	vld.idx.msk [tilespmem:v5+s6+$0x0], $0xffff  }
0x1a6: {  	v6 =	vld.idx.msk [tilespmem:v6+s6+$0x0], $0xffff;
	v8 =	vmul.f32 v9, v8  }
0x1a7: {  	v1 =	vld.idx.msk [tilespmem:v1+s6+$0x0], $0xffff  }
0x1a8: {  	v7 =	vld.idx.msk [tilespmem:v7+s6+$0x0], $0xffff;
	[tilespmem:s3+$0x30] =	vst v8  }
0x1a9: {  	v8 =	vld [tilespmem:s9+$0x70]  }
0x1aa: {  	v9 =	vld [tilespmem:s3+$0xFFFFFFC0]  }
0x1ab: {  	v10 =	vld [tilespmem:s3+$0xFFFFFFD0]  }
0x1ac: {  	v11 =	vld [tilespmem:s3+$0xFFFFFFE0]  }
0x1ad: {  	s25 =	sadd.s32 $0x80, s25;
	v12 =	vld [tilespmem:s3+$0xFFFFFFF0]  }
0x1ae: {  	v13 =	vld [tilespmem:s3+$0x0];
	[tilespmem:s25+$0x30] =	vst v8  }
0x1af: {  	v1 =	vmul.f32 v9, v1;
	v8 =	vld [tilespmem:s3+$0x10]  }
0x1b0: {  	v9 =	vmul.f32 v10, v2;
	v10 =	vld [tilespmem:s3+$0x20]  }
0x1b1: {  	[tilespmem:s3+$0xFFFFFFC0] =	vst v1;
	v11 =	vmul.f32 v11, v3;
	v1 =	vld [tilespmem:s11+$0x60];
	s11 =	smov.u32 s9  }
0x1b2: {  	v2 =	vld [tilespmem:s9+$0x0];
	[tilespmem:s3+$0xFFFFFFD0] =	vst v9;
	v9 =	vmul.f32 v12, v4  }
.Ltmp10:
0x1b3: {  	v3 =	vld [tilespmem:s9+$0x10];
	[tilespmem:s3+$0xFFFFFFE0] =	vst v11;
	v11 =	vmul.f32 v13, v5;
	(pc) =	sbr.rel @p2 .LBB2_14-.Ltmp10, $4  }
0x1b4: {  	v4 =	vld [tilespmem:s9+$0x20];
	[tilespmem:s3+$0xFFFFFFF0] =	vst v9;
	v8 =	vmul.f32 v8, v6  }
0x1b5: {  	v5 =	vld [tilespmem:s9+$0x30];
	[tilespmem:s3+$0x0] =	vst v11;
	v9 =	vmul.f32 v10, v7  }
0x1b6: {  	v6 =	vld [tilespmem:s9+$0x40];
	[tilespmem:s3+$0x10] =	vst v8  }
0x1b7: {  	s9 =	sadd.s32 $0x100, s9;
	v7 =	vld [tilespmem:s11+$0x50];
	[tilespmem:s3+$0x20] =	vst v9  }
0x1b8: {  	[tilespmem:s25+$0xFFFFFFC0] =	vst v2  }
0x1b9: {  	[tilespmem:s25+$0xFFFFFFD0] =	vst v3  }
0x1ba: {  	v2 =	vld [tilespmem:s11+$0x60];
	[tilespmem:s20+$0x20] =	vst v1  }
0x1bb: {  	[tilespmem:s25+$0xFFFFFFE0] =	vst v4  }
0x1bc: {  	[tilespmem:s25+$0xFFFFFFF0] =	vst v5  }
0x1bd: {  	[tilespmem:s25+$0x0] =	vst v6  }
0x1be: {  	[tilespmem:s25+$0x10] =	vst v7  }
0x1bf: {  	s1 =	simm.s32 $0x1CE00;
	[tilespmem:s25+$0x20] =	vst v2  }
0x1c0: {  	[spmem:s4] =	stream.indirect.scatter.add.f32 [tilespmem:s10], [sflag:$0x7], $0x1, s1, s31, $0xb8;
	[tilespmem:$0x1F080] =	vst v63  }
0x1c1: {  	s1 =	sadd.s32 $0x4, s16  }
0x1c2: {  	p2 =	sge.u32 s1, s8  }
0x1c3: {  	s1 =	sshll.u32 @!p2 s1, $0x5  }
0x1c4: {  	s1 =	sor.u32 @!p2 s5, s1  }
0x1c5: {  	_ =	swait.ge [sflag:s12], $0x500;
	s3 =	smul.u32 @!p2 $0x140, s1  }
0x1c6: {  	[sflag:s12] =	ssyncset.done $0x0;
	s9 =	simm.s32 @!p2 $0x0;
	s11 =	simm.s32 @!p2 $0x18800  }
0x1c7: {  	[sflag:s12] =	ssyncadd.s32 $0xFFFFFB00;
	s1 =	smul.u32 @!p2 $0xA0, s1;
	s3 =	sadd.s32 @!p2 s0, s3  }
0x1c8: {  	[tilespmem:s11], [sflag:$0x1] =	stream.linear.gather @!p2 [hbm4b:s3+s9], $0xA00, $0x38;
	[tilespmem:$0x1F080] =	vst v63  }
0x1c9: {  	s1 =	sadd.s32 @!p2 s2, s1;
	s3 =	simm.s32 @!p2 $0x1B000  }
0x1ca: {  	[tilespmem:s3], [sflag:$0x1] =	stream.linear.gather @!p2 [hbm4b:s1+s9], $0x500, $0x38;
	[tilespmem:$0x1F080] =	vst v63  }
.LBB2_16:
0x1cb: {  	p2 =	sge.u32 s16, s19  }
.Ltmp11:
0x1cc: {  	_ = 	snop;
	(pc) =	sbr.rel @p2 .LBB2_20-.Ltmp11, $1  }
0x1cd: {  	_ =	sdelay $0x3  }
0x1ce: {  	_ =	swait.ge [sflag:s13], $0xA00  }
0x1cf: {  	[sflag:s13] =	ssyncset.done $0x0  }
0x1d0: {  	[sflag:s13] =	ssyncadd.s32 $0xFFFFF600  }
0x1d1: {  	_ =	swait.ge [sflag:s13], $0x500  }
0x1d2: {  	[sflag:s13] =	ssyncset.done $0x0  }
0x1d3: {  	s1 =	simm.s32 $0x1A680;
	[sflag:s13] =	ssyncadd.s32 $0xFFFFFB00  }
0x1d4: {  	v1 =	vld [tilespmem:s1+$0xFFFFFFF0]  }
0x1d5: {  	v2 =	vld [tilespmem:s1+$0xFFFFFF90]  }
0x1d6: {  	v3 =	vld [tilespmem:s1+$0xFFFFFFA0]  }
0x1d7: {  	v4 =	vld [tilespmem:s1+$0xFFFFFFB0]  }
0x1d8: {  	v5 =	vld [tilespmem:s1+$0xFFFFFFC0]  }
0x1d9: {  	v6 =	vld [tilespmem:s1+$0xFFFFFFD0]  }
0x1da: {  	v7 =	vld [tilespmem:s1+$0xFFFFFFE0]  }
0x1db: {  	s9 =	simm.s32 $0x1BF40;
	v8 =	vld [tilespmem:s1+$0xFFFFFF80]  }
0x1dc: {  	v9 =	vld [tilespmem:s9+$0x30]  }
0x1dd: {  	v10 =	vld [tilespmem:s9+$0xFFFFFFC0]  }
0x1de: {  	v11 =	vld [tilespmem:s9+$0xFFFFFFD0]  }
0x1df: {  	v12 =	vld [tilespmem:s9+$0xFFFFFFE0]  }
0x1e0: {  	v54 =	vld [tilespmem:s9+$0xFFFFFFF0]  }
0x1e1: {  	v13 =	vld [tilespmem:s9+$0x0]  }
0x1e2: {  	s11 =	simm.s32 $0x1A780;
	v56 =	vld [tilespmem:s9+$0x20]  }
0x1e3: {  	v57 =	vld [tilespmem:s11+$0xFFFFFF90]  }
0x1e4: {  	v58 =	vld [tilespmem:s11+$0xFFFFFFA0]  }
0x1e5: {  	v59 =	vld [tilespmem:s11+$0xFFFFFFB0]  }
0x1e6: {  	v14 =	vld [tilespmem:s11+$0xFFFFFFC0]  }
0x1e7: {  	v15 =	vld [tilespmem:s11+$0xFFFFFFD0]  }
0x1e8: {  	v16 =	vld [tilespmem:s11+$0xFFFFFFE0]  }
0x1e9: {  	v17 =	vld [tilespmem:s11+$0xFFFFFF80]  }
0x1ea: {  	s3 =	simm.s32 $0x1BFC0;
	v1 =	vld.idx.msk [tilespmem:v1+s6+$0x0], $0xffff  }
0x1eb: {  	v18 =	vld [tilespmem:s3+$0x30]  }
0x1ec: {  	v8 =	vld.idx.msk [tilespmem:v8+s6+$0x0], $0xffff  }
0x1ed: {  	v2 =	vld.idx.msk [tilespmem:v2+s6+$0x0], $0xffff  }
0x1ee: {  	v61 =	vld [tilespmem:s3+$0x0]  }
0x1ef: {  	v4 =	vld.idx.msk [tilespmem:v4+s6+$0x0], $0xffff;
	v1 =	vmul.f32 v9, v1  }
0x1f0: {  	v6 =	vld.idx.msk [tilespmem:v6+s6+$0x0], $0xffff  }
0x1f1: {  	[tilespmem:s9+$0x30] =	vst v1;
	v1 =	vmul.f32 v10, v8;
	v8 =	vld [tilespmem:s9+$0x10]  }
0x1f2: {  	v62 =	vld [tilespmem:s3+$0x10];
	v2 =	vmul.f32 v11, v2  }
0x1f3: {  	v3 =	vld.idx.msk [tilespmem:v3+s6+$0x0], $0xffff  }
0x1f4: {  	v5 =	vld.idx.msk [tilespmem:v5+s6+$0x0], $0xffff;
	[tilespmem:s9+$0xFFFFFFD0] =	vst v2;
	v2 =	vmul.f32 v54, v4  }
0x1f5: {  	v7 =	vld.idx.msk [tilespmem:v7+s6+$0x0], $0xffff  }
0x1f6: {  	[tilespmem:s9+$0xFFFFFFF0] =	vst v2;
	v2 =	vmul.f32 v8, v6;
	v8 =	vld [tilespmem:s11+$0xFFFFFFF0]  }
0x1f7: {  	v14 =	vld.idx.msk [tilespmem:v14+s6+$0x0], $0xffff  }
0x1f8: {  	v15 =	vld.idx.msk [tilespmem:v15+s6+$0x0], $0xffff  }
0x1f9: {  	v60 =	vld.idx.msk [tilespmem:v17+s6+$0x0], $0xffff  }
0x1fa: {  	v9 =	vld.idx.msk [tilespmem:v57+s6+$0x0], $0xffff  }
0x1fb: {  	v4 =	vld [tilespmem:s1+$0x10]  }
0x1fc: {  	[tilespmem:s9+$0xFFFFFFC0] =	vst v1;
	v1 =	vmul.f32 v12, v3;
	v12 =	vld.idx.msk [tilespmem:v58+s6+$0x0], $0xffff  }
0x1fd: {  	v3 =	vld [tilespmem:s1+$0x0]  }
0x1fe: {  	v7 =	vmul.f32 v56, v7;
	v8 =	vld.idx.msk [tilespmem:v8+s6+$0x0], $0xffff  }
0x1ff: {  	[tilespmem:s9+$0xFFFFFFE0] =	vst v1;
	v1 =	vmul.f32 v13, v5;
	v13 =	vld.idx.msk [tilespmem:v59+s6+$0x0], $0xffff  }
0x200: {  	[tilespmem:s9+$0x20] =	vst v7;
	v5 =	vld [tilespmem:s1+$0x20]  }
0x201: {  	s20 =	simm.s32 $0x1D340;
	v6 =	vld [tilespmem:s1+$0x30];
	[tilespmem:s9+$0x0] =	vst v1  }
0x202: {  	[tilespmem:s20+$0xFFFFFFD0] =	vst v4;
	v4 =	vld [tilespmem:s3+$0xFFFFFFD0]  }
0x203: {  	v1 =	vld [tilespmem:s1+$0x40];
	[tilespmem:s9+$0x10] =	vst v2;
	v8 =	vmul.f32 v18, v8  }
0x204: {  	v63 =	vmul.f32 v62, v15;
	v2 =	vld [tilespmem:s1+$0x50];
	[tilespmem:s20+$0xFFFFFFC0] =	vst v3  }
0x205: {  	v3 =	vld [tilespmem:s3+$0xFFFFFFC0];
	[tilespmem:s3+$0x30] =	vst v8  }
0x206: {  	[tilespmem:s3+$0x10] =	vst v63;
	v7 =	vld [tilespmem:s11+$0x70]  }
0x207: {  	[tilespmem:s20+$0xFFFFFFE0] =	vst v5;
	v5 =	vld [tilespmem:s3+$0xFFFFFFE0]  }
0x208: {  	[tilespmem:s20+$0xFFFFFFF0] =	vst v6;
	v6 =	vld [tilespmem:s3+$0xFFFFFFF0]  }
0x209: {  	v55 =	vld [tilespmem:s1+$0x70];
	[tilespmem:s20+$0x0] =	vst v1  }
0x20a: {  	s25 =	simm.s32 $0x1D3C0;
	[tilespmem:s20+$0x10] =	vst v2;
	v1 =	vmul.f32 v3, v60;
	v8 =	vld.idx.msk [tilespmem:v16+s6+$0x0], $0xffff  }
0x20b: {  	v3 =	vmul.f32 v4, v9;
	[tilespmem:s25+$0x30] =	vst v7;
	v7 =	vld [tilespmem:s3+$0x20]  }
0x20c: {  	[tilespmem:s3+$0xFFFFFFC0] =	vst v1;
	v4 =	vmul.f32 v5, v12;
	v1 =	vld [tilespmem:s1+$0x60]  }
0x20d: {  	[tilespmem:s3+$0xFFFFFFD0] =	vst v3;
	v5 =	vmul.f32 v6, v13;
	v2 =	vld [tilespmem:s11+$0x0]  }
0x20e: {  	v6 =	vmul.f32 v61, v14;
	v3 =	vld [tilespmem:s11+$0x10];
	[tilespmem:s3+$0xFFFFFFE0] =	vst v4  }
0x20f: {  	[tilespmem:s3+$0xFFFFFFF0] =	vst v5;
	v4 =	vld [tilespmem:s11+$0x20]  }
0x210: {  	[tilespmem:s3+$0x0] =	vst v6;
	v5 =	vld [tilespmem:s11+$0x30];
	v8 =	vmul.f32 v7, v8  }
0x211: {  	[tilespmem:s20+$0x30] =	vst v55;
	v6 =	vld [tilespmem:s11+$0x40]  }
0x212: {  	s9 =	simm.s32 $0x1A880;
	s1 =	simm.s32 $0x8;
	v7 =	vld [tilespmem:s11+$0x50];
	[tilespmem:s3+$0x20] =	vst v8  }
.LBB2_18:
0x213: {  	v8 =	vld [tilespmem:s9+$0xFFFFFFF0];
	s1 =	sadd.s32 $0x8, s1;
	[tilespmem:s25+$0xFFFFFFC0] =	vst v2  }
0x214: {  	v2 =	vld [tilespmem:s9+$0xFFFFFF90];
	p2 =	slt.u32 s1, $0x48;
	[tilespmem:s25+$0xFFFFFFD0] =	vst v3  }
0x215: {  	v3 =	vld [tilespmem:s9+$0xFFFFFFA0];
	[tilespmem:s25+$0xFFFFFFE0] =	vst v4  }
0x216: {  	v4 =	vld [tilespmem:s9+$0xFFFFFFB0];
	[tilespmem:s25+$0xFFFFFFF0] =	vst v5  }
0x217: {  	v5 =	vld [tilespmem:s9+$0xFFFFFFC0];
	[tilespmem:s25+$0x0] =	vst v6  }
0x218: {  	v6 =	vld [tilespmem:s9+$0xFFFFFFD0];
	[tilespmem:s25+$0x10] =	vst v7  }
0x219: {  	v7 =	vld [tilespmem:s9+$0xFFFFFFE0];
	[tilespmem:s20+$0x20] =	vst v1;
	s20 =	smov.u32 s25  }
0x21a: {  	v1 =	vld [tilespmem:s9+$0xFFFFFF80]  }
0x21b: {  	s3 =	sadd.s32 $0x80, s3;
	v8 =	vld.idx.msk [tilespmem:v8+s6+$0x0], $0xffff  }
0x21c: {  	v9 =	vld [tilespmem:s3+$0x30]  }
0x21d: {  	v2 =	vld.idx.msk [tilespmem:v2+s6+$0x0], $0xffff  }
0x21e: {  	v3 =	vld.idx.msk [tilespmem:v3+s6+$0x0], $0xffff  }
0x21f: {  	v4 =	vld.idx.msk [tilespmem:v4+s6+$0x0], $0xffff  }
0x220: {  	v5 =	vld.idx.msk [tilespmem:v5+s6+$0x0], $0xffff  }
0x221: {  	v6 =	vld.idx.msk [tilespmem:v6+s6+$0x0], $0xffff;
	v8 =	vmul.f32 v9, v8  }
0x222: {  	v1 =	vld.idx.msk [tilespmem:v1+s6+$0x0], $0xffff  }
0x223: {  	v7 =	vld.idx.msk [tilespmem:v7+s6+$0x0], $0xffff;
	[tilespmem:s3+$0x30] =	vst v8  }
0x224: {  	v8 =	vld [tilespmem:s9+$0x70]  }
0x225: {  	v9 =	vld [tilespmem:s3+$0xFFFFFFC0]  }
0x226: {  	v10 =	vld [tilespmem:s3+$0xFFFFFFD0]  }
0x227: {  	v11 =	vld [tilespmem:s3+$0xFFFFFFE0]  }
0x228: {  	s25 =	sadd.s32 $0x80, s25;
	v12 =	vld [tilespmem:s3+$0xFFFFFFF0]  }
0x229: {  	v13 =	vld [tilespmem:s3+$0x0];
	[tilespmem:s25+$0x30] =	vst v8  }
0x22a: {  	v1 =	vmul.f32 v9, v1;
	v8 =	vld [tilespmem:s3+$0x10]  }
0x22b: {  	v9 =	vmul.f32 v10, v2;
	v10 =	vld [tilespmem:s3+$0x20]  }
0x22c: {  	[tilespmem:s3+$0xFFFFFFC0] =	vst v1;
	v11 =	vmul.f32 v11, v3;
	v1 =	vld [tilespmem:s11+$0x60];
	s11 =	smov.u32 s9  }
0x22d: {  	v2 =	vld [tilespmem:s9+$0x0];
	[tilespmem:s3+$0xFFFFFFD0] =	vst v9;
	v9 =	vmul.f32 v12, v4  }
.Ltmp12:
0x22e: {  	v3 =	vld [tilespmem:s9+$0x10];
	[tilespmem:s3+$0xFFFFFFE0] =	vst v11;
	v11 =	vmul.f32 v13, v5;
	(pc) =	sbr.rel @p2 .LBB2_18-.Ltmp12, $4  }
0x22f: {  	v4 =	vld [tilespmem:s9+$0x20];
	[tilespmem:s3+$0xFFFFFFF0] =	vst v9;
	v8 =	vmul.f32 v8, v6  }
0x230: {  	v5 =	vld [tilespmem:s9+$0x30];
	[tilespmem:s3+$0x0] =	vst v11;
	v9 =	vmul.f32 v10, v7  }
0x231: {  	v6 =	vld [tilespmem:s9+$0x40];
	[tilespmem:s3+$0x10] =	vst v8  }
0x232: {  	s9 =	sadd.s32 $0x100, s9;
	v7 =	vld [tilespmem:s11+$0x50];
	[tilespmem:s3+$0x20] =	vst v9  }
0x233: {  	[tilespmem:s25+$0xFFFFFFC0] =	vst v2  }
0x234: {  	[tilespmem:s25+$0xFFFFFFD0] =	vst v3  }
0x235: {  	v2 =	vld [tilespmem:s11+$0x60];
	[tilespmem:s20+$0x20] =	vst v1  }
0x236: {  	[tilespmem:s25+$0xFFFFFFE0] =	vst v4  }
0x237: {  	s1 =	sadd.s32 $0x5, s16;
	[tilespmem:s25+$0xFFFFFFF0] =	vst v5  }
0x238: {  	p2 =	sge.u32 s1, s8;
	[tilespmem:s25+$0x0] =	vst v6  }
0x239: {  	s1 =	sshll.u32 @!p2 s1, $0x5;
	[tilespmem:s25+$0x10] =	vst v7  }
0x23a: {  	s1 =	sor.u32 @!p2 s5, s1;
	[tilespmem:s25+$0x20] =	vst v2  }
0x23b: {  	[spmem:s4] =	stream.indirect.scatter.add.f32 [tilespmem:s29], [sflag:$0x8], $0x1, s14, s31, $0xb8;
	[tilespmem:$0x1F080] =	vst v63  }
0x23c: {  	s9 =	simm.s32 @!p2 $0x0;
	s3 =	smul.u32 @!p2 $0x140, s1;
	_ =	swait.ge [sflag:s15], $0x500  }
.Ltmp13:
0x23d: {  	s11 =	simm.s32 @!p2 $0x19200;
	[sflag:s15] =	ssyncset.done $0x0;
	(pc) =	sbr.rel .LBB2_20-.Ltmp13, $4  }
0x23e: {  	s1 =	smul.u32 @!p2 $0xA0, s1;
	s3 =	sadd.s32 @!p2 s0, s3;
	[sflag:s15] =	ssyncadd.s32 $0xFFFFFB00  }
0x23f: {  	[tilespmem:s11], [sflag:$0x2] =	stream.linear.gather @!p2 [hbm4b:s3+s9], $0xA00, $0x38;
	[tilespmem:$0x1F080] =	vst v63  }
0x240: {  	s1 =	sadd.s32 @!p2 s2, s1;
	s3 =	simm.s32 @!p2 $0x1B500  }
0x241: {  	[tilespmem:s3], [sflag:$0x2] =	stream.linear.gather @!p2 [hbm4b:s1+s9], $0x500, $0x38;
	[tilespmem:$0x1F080] =	vst v63  }
.LBB2_22:
0x242: {  	_ =	sfence.sel $0x180000  }
0x243: {  	[bflag:$0x0] =	sbarrier.arrive $0xFFFF  }
0x244: {  	_ =	strace $0x9000004D  }
0x245: {  	s0 =	stileid.u32;
	[bflag:$0x2] =	sbarrier.arrive $0xFFFF  }
0x246: {  	p0 =	sne.s32 s0, $0x0;
	s0 =	rddreg [dreg:$0x4]  }
0x247: {  	s0 =	sadd.s32 @!p0 $0x100000, s0  }
0x248: {  	[sflag:s0] =	ssyncadd.tile.s32 @!p0 $0x1;
	_ =	shalt  }
.Lfunc_end2:
_tile_overlayer_lowered:
.L_overlay_start_2:
0x249: {  	(tag) =	ssettag $0x2  }
0x24a: {  	s0 =	rddreg [dreg:$0x0];
	s2 =	stileid.u32  }
0x24b: {  	s1 =	rddreg [dreg:$0x1];
	p0 =	sne.s32 s2, $0x0  }
0x24c: {  	s3 =	rddreg [dreg:$0x2];
	[bflag:$0x3] =	sbarrier.arrive $0xFFFF;
	s2 =	simm.s32 @!p0 $0x1C09  }
0x24d: {  	[timem:s3], [sflag:s2] =	dma.local @!p0 [hbm:s0], s1  }
0x24e: {  	s0 =	simm.s32 @!p0 $0x9  }
0x24f: {  	_ =	swait.ge @!p0 [sflag:s0], s1  }
0x250: {  	s1 =	ssub.s32 @!p0 $0x0, s1;
	[sflag:s0] =	ssyncset.done @!p0 $0x0  }
0x251: {  	[sflag:s0] =	ssyncadd.s32 @!p0 s1  }
0x252: {  	[bflag:$0x3] =	sbarrier.arrive $0xFFFF  }
0x253: {  	_ =	shalt  }

// kernel: kernel.8.cloned.1.call-start
scs
__scs_entry_jumppad:
0x0: {  	(pc) =	sbr.rel $0x88, $3  }
0x1: {  	(tag) =	ssettag $0x0;
	lr =	simm.s32 $0x1  }
0x2: {  	[smem:$0x3F9A] =	sst lr;
	_ =	strace $0xD0000000  }
0x3: {  	_ = 	snop  }
0x4: {  	_ = 	snop  }
0x5: {  	_ = 	snop  }
0x6: {  	_ = 	snop  }
0x7: {  	_ = 	snop  }
__scs_overlays_trampoline_lowered:
0x8: {  	[smem:$0x3FA9] =	sst s0  }
0x9: {  	[smem:$0x3FAA] =	sst s1  }
0xa: {  	[smem:$0x3FAB] =	sst s2  }
0xb: {  	[smem:$0x3FAC] =	sst s3  }
0xc: {  	[smem:$0x3FAD] =	sst s4  }
0xd: {  	[smem:$0x3FAE] =	sst s5  }
0xe: {  	[smem:$0x3FAF] =	sst s6  }
0xf: {  	[smem:$0x3FB0] =	sst s7  }
0x10: {  	[smem:$0x3FB1] =	sst s8  }
0x11: {  	[smem:$0x3FB2] =	sst s9;
	s0 =	simm.s32 @!p0 $0x0  }
0x12: {  	s1 =	sld [smem:$0x3F98];
	s0 =	simm.s32 @p0 $0x1  }
0x13: {  	[smem:$0x3FB3] =	sst s0;
	s0 =	simm.s32 @!p1 $0x0  }
0x14: {  	s2 =	sld [smem:$0x3F97];
	s0 =	simm.s32 @p1 $0x1  }
0x15: {  	[smem:$0x3FB4] =	sst s0;
	s0 =	simm.s32 @!p2 $0x0  }
0x16: {  	s3 =	sld [smem:$0x3FDB];
	s0 =	simm.s32 @p2 $0x1  }
0x17: {  	s4 =	simm.s32 $0x1BF5;
	[smem:$0x3FB6] =	sst s0  }
0x18: {  	s0 =	sld [smem:$0x3F99];
	_ =	swait.ge [sflag:s4], $0x0  }
0x19: {  	s7 =	sld [smem:$0x3F9A]  }
0x1a: {  	s8 =	sadd.s32 $0xFFFFE003, lr  }
0x1b: {  	s9 =	sadd.s32 $0xFFFFFEF7, lr;
	s5 =	simm.s32 $0xFFFFFFFF;
	p2 =	slt.u32 s8, $0xFFFFF086  }
0x1c: {  	p1 =	slt.u32 s9, $0xF7A;
	s5 =	simm.s32 @!p2 $0x0  }
0x1d: {  	s5 =	simm.s32 @p1 $0x1;
	p0 =	seq.s32 s7, s2  }
0x1e: {  	s7 =	smul.u32 @!p0 $0xF7A, s2;
	p2 =	seq.s32 @!p0 s5, $0x0  }
0x1f: {  	s9 =	smul.u32 $0xF7A, s1;
	s8 =	simm.s32 @!p0 $0x1BF5;
	p2 =	por !p2, p0  }
0x20: {  	[sflag:s8] =	ssyncset.s32 @!p0 $0xFFFFF086;
	s6 =	sadd.s32 @!p0 s3, s7;
	s7 =	simm.s32 @!p0 $0x108  }
0x21: {  	s3 =	sadd.s32 s3, s9;
	s6 =	sadd.s32 @!p0 $0x88, s6;
	s7 =	simm.s32 @p2 $0x1082  }
0x22: {  	[simem:s7], [sflag:s8] =	dma.local @!p0 [hbm:s6], $0xF7A  }
0x23: {  	s9 =	sor.u32 $0xD0000000, s2;
	s6 =	simm.s32 $0x108;
	_ =	swait.ge @!p0 [sflag:s8], $0x0  }
0x24: {  	s3 =	sadd.s32 $0x88, s3;
	s6 =	simm.s32 @!p1 $0x1082;
	[sflag:s4] =	ssyncset.s32 $0xFFFFF086  }
0x25: {  	[simem:s6], [sflag:s4] =	dma.local [hbm:s3], $0xF7A  }
0x26: {  	[smem:$0x3F9A] =	sst s1;
	(tag) =	ssettag s2;
	_ =	strace s9  }
0x27: {  	s1 =	sld [smem:$0x3FAA]  }
0x28: {  	s2 =	sld [smem:$0x3FAB]  }
0x29: {  	s4 =	sld [smem:$0x3FAD]  }
0x2a: {  	p0 =	seq.s32 s5, $0x0;
	s5 =	sld [smem:$0x3FAE]  }
0x2b: {  	s6 =	sld [smem:$0x3FAF]  }
0x2c: {  	s7 =	sld [smem:$0x3FB0]  }
0x2d: {  	s3 =	simm.s32 $0x108;
	s8 =	sld [smem:$0x3FB1]  }
0x2e: {  	s3 =	simm.s32 @!p0 $0x1082;
	s9 =	sld [smem:$0x3FB2]  }
0x2f: {  	lr =	sadd.s32 s0, s3;
	s0 =	sld [smem:$0x3FA9]  }
0x30: {  	s3 =	sld [smem:$0x3FAC]  }
0x31: {  	[smem:$0x3FB5] =	sst s10  }
0x32: {  	s10 =	sld [smem:$0x3FB3];
	_ =	sdelay $0x3  }
0x33: {  	p0 =	seq.s32 s10, $0x1;
	s10 =	sld [smem:$0x3FB5];
	_ =	sdelay $0x3  }
0x34: {  	[smem:$0x3FB5] =	sst s10  }
0x35: {  	s10 =	sld [smem:$0x3FB4];
	_ =	sdelay $0x3  }
0x36: {  	p1 =	seq.s32 s10, $0x1;
	s10 =	sld [smem:$0x3FB5];
	_ =	sdelay $0x3  }
0x37: {  	[smem:$0x3FB5] =	sst s10  }
0x38: {  	s10 =	sld [smem:$0x3FB6]  }
0x39: {  	_ = 	snop;
	(pc) =	sbr.ind lr, $3  }
0x3a: {  	_ = 	snop  }
0x3b: {  	_ = 	snop  }
0x3c: {  	p2 =	seq.s32 s10, $0x1;
	s10 =	sld [smem:$0x3FB5]  }
0x3d: {  	_ =	shalt  }
0x3e: {  	_ =	shalt  }
0x3f: {  	_ =	shalt  }
0x40: {  	_ =	shalt  }
0x41: {  	_ =	shalt  }
0x42: {  	_ =	shalt  }
0x43: {  	_ =	shalt  }
0x44: {  	_ =	shalt  }
0x45: {  	_ =	shalt  }
0x46: {  	_ =	shalt  }
0x47: {  	_ =	shalt  }
0x48: {  	_ =	shalt  }
0x49: {  	_ =	shalt  }
0x4a: {  	_ =	shalt  }
0x4b: {  	_ =	shalt  }
0x4c: {  	_ =	shalt  }
0x4d: {  	_ =	shalt  }
0x4e: {  	_ =	shalt  }
0x4f: {  	_ =	shalt  }
0x50: {  	_ =	shalt  }
0x51: {  	_ =	shalt  }
0x52: {  	_ =	shalt  }
0x53: {  	_ =	shalt  }
0x54: {  	_ =	shalt  }
0x55: {  	_ =	shalt  }
0x56: {  	_ =	shalt  }
0x57: {  	_ =	shalt  }
0x58: {  	_ =	shalt  }
0x59: {  	_ =	shalt  }
0x5a: {  	_ =	shalt  }
0x5b: {  	_ =	shalt  }
0x5c: {  	_ =	shalt  }
0x5d: {  	_ =	shalt  }
0x5e: {  	_ =	shalt  }
0x5f: {  	_ =	shalt  }
0x60: {  	_ =	shalt  }
0x61: {  	_ =	shalt  }
0x62: {  	_ =	shalt  }
0x63: {  	_ =	shalt  }
0x64: {  	_ =	shalt  }
0x65: {  	_ =	shalt  }
0x66: {  	_ =	shalt  }
0x67: {  	_ =	shalt  }
0x68: {  	_ =	shalt  }
0x69: {  	_ =	shalt  }
0x6a: {  	_ =	shalt  }
0x6b: {  	_ =	shalt  }
0x6c: {  	_ =	shalt  }
0x6d: {  	_ =	shalt  }
0x6e: {  	_ =	shalt  }
0x6f: {  	_ =	shalt  }
0x70: {  	_ =	shalt  }
0x71: {  	_ =	shalt  }
0x72: {  	_ =	shalt  }
0x73: {  	_ =	shalt  }
0x74: {  	_ =	shalt  }
0x75: {  	_ =	shalt  }
0x76: {  	_ =	shalt  }
0x77: {  	_ =	shalt  }
0x78: {  	_ =	shalt  }
0x79: {  	_ =	shalt  }
0x7a: {  	_ =	shalt  }
0x7b: {  	_ =	shalt  }
0x7c: {  	_ =	shalt  }
0x7d: {  	_ =	shalt  }
0x7e: {  	_ =	shalt  }
0x7f: {  	_ =	shalt  }
0x80: {  	_ =	shalt  }
0x81: {  	_ =	shalt  }
0x82: {  	_ =	shalt  }
0x83: {  	_ =	shalt  }
0x84: {  	_ =	shalt  }
0x85: {  	_ =	shalt  }
0x86: {  	_ =	shalt  }
0x87: {  	_ =	shalt  }
.Lfunc_end0:
.L_simem_size_0:
called_computation_lowered:
.L_overlay_start_0:
0x88: {  	s2 =	sld [smem:$0x3FD9]  }
0x89: {  	s3 =	sld [smem:$0x3FFE];
	_ =	sdelay $0x1  }
0x8a: {  	s1 =	srdreg.scid  }
0x8b: {  	s0 =	sand.u32 $0x1, s1  }
0x8c: {  	s17 =	sshll.u32 s0, $0xA;
	s2 =	sadd.s32 s3, s2  }
0x8d: {  	s2 =	sadd.s32 s2, s17  }
0x8e: {  	[smem:$0x3FC1] =	sst s2  }
0x8f: {  	_ = 	snop  }
0x90: {  	s2 =	sld [smem:$0x3FC8]  }
0x91: {  	s18 =	sld [smem:$0x3FC7];
	(tm) =	ssettm $0x1  }
0x92: {  	s4 =	sld [smem:$0x3FFB];
	_ =	sdelay $0x3  }
0x93: {  	_ =	strace s4  }
0x94: {  	s4 =	sld [smem:$0x3FFC];
	_ =	sdelay $0x3  }
0x95: {  	_ =	strace s4  }
0x96: {  	s4 =	sld [smem:$0x3FFD];
	_ =	sdelay $0x3  }
0x97: {  	_ =	strace s4  }
0x98: {  	_ =	strace $0x8FFFFFFF  }
0x99: {  	s19 =	sld [smem:$0x3FDB];
	_ =	sdelay $0x1  }
0x9a: {  	s5 =	simm.s32 $_scs_section_size  }
0x9b: {  	s6 =	simm.s32 $_size__tile_overlayer_lowered;
	s7 =	simm.s32 $_tile_overlayer_lowered  }
0x9c: {  	s22 =	simm.s32 $0x1BFF;
	s21 =	sshll.u32 s7, $0x1;
	s4 =	sadd.s32 s5, s19  }
0x9d: {  	s8 =	simm.s32 $0x0;
	s20 =	sshll.u32 s6, $0x1;
	s6 =	sadd.s32 s21, s4  }
0x9e: {  	[timem:s8], [sflag:s22] =	dma.local [hbm:s6], s20  }
0x9f: {  	_ =	swait.ge [sflag:s22], s20  }
0xa0: {  	s5 =	ssub.s32 $0x0, s20;
	[sflag:s22] =	ssyncset.done $0x0  }
0xa1: {  	[sflag:s22] =	ssyncadd.s32 s5;
	_ =	sdelay $0x1  }
0xa2: {  	s23 =	simm.s32 $0x1B8B  }
0xa3: {  	_ =	swait.ge [sflag:s23], $0x1  }
0xa4: {  	[sflag:s23] =	ssyncset.done $0x0  }
0xa5: {  	s25 =	simm.s32 $0x1B8E;
	s24 =	sld [smem:$0x3FFE];
	[sflag:s23] =	ssyncadd.s32 $0xFFFFFFFF  }
0xa6: {  	s26 =	simm.s32 $execute0_lowered;
	[smem:$0x3FD2] =	sst s25  }
0xa7: {  	s6 =	sshll.u32 s26, $0x1;
	_ =	strace $0x80000046;
	[dreg:$0x1] =	wrdreg $0xFFFFFFFF  }
0xa8: {  	s28 =	simm.s32 $_size_execute0_lowered;
	s4 =	sadd.s32 s4, s6;
	[dreg:$0x0] =	wrdreg $0x0  }
0xa9: {  	s6 =	sshll.u32 s28, $0x1;
	[dreg:$0x2] =	wrdreg s4  }
0xaa: {  	[dreg:$0x3] =	wrdreg s6  }
0xab: {  	[dreg:$0x4] =	wrdreg $0xC0  }
0xac: {  	_ =	task [dreg:s8], $0x5FFFF  }
0xad: {  	[dreg:$0x1] =	wrdreg $0xFFFFFFFF  }
0xae: {  	[dreg:$0x0] =	wrdreg $0x60  }
0xaf: {  	[dreg:$0x2] =	wrdreg s2  }
0xb0: {  	[dreg:$0x3] =	wrdreg s18  }
0xb1: {  	[dreg:$0x4] =	wrdreg s24  }
0xb2: {  	[dreg:$0x5] =	wrdreg $0x140000  }
0xb3: {  	[dreg:$0x6] =	wrdreg $0x9  }
0xb4: {  	_ =	task.clear_ibuf [dreg:s8], $0x7FFFF;
	_ =	strace $0x90000046  }
0xb5: {  	s29 =	simm.s32 $0x9;
	_ =	strace $0x80000048  }
0xb6: {  	_ =	swait.ge [sflag:s29], $0x1  }
0xb7: {  	[sflag:s29] =	ssyncadd.s32 $0xFFFFFFFF  }
0xb8: {  	_ =	strace $0x90000048  }
0xb9: {  	_ =	sfence  }
0xba: {  	s30 =	sld [smem:$0x0];
	_ =	sdelay $0x2  }
0xbb: {  	s31 =	sshll.u32 s1, $0xD;
	s1 =	sshrl.u32 s1, $0x2  }
0xbc: {  	s3 =	sand.u32 $0x4000, s31;
	s1 =	sadd.s32 s1, s30  }
0xbd: {  	s0 =	sor.u32 s3, s0;
	s1 =	sshll.u32 s1, $0x11  }
0xbe: {  	s0 =	sor.u32 s1, s0  }
0xbf: {  	s0 =	sadd.s32 $0x8F2B, s0  }
0xc0: {  	[sflag:s0] =	ssyncadd.remote.s32 $0x1  }
0xc1: {  	_ =	sfence.sel $0xFFFF  }
0xc2: {  	[dreg:$0x0] =	wrdreg $0xFFFFFFFF;
	(pc) =	sbr.abs _section_cstart, $3  }
0xc3: {  	[dreg:$0x1] =	wrdreg $0xFFFFFFFF  }
0xc4: {  	_ =	task.clear_ibuf [dreg:s8], $0x2FFFF;
	_ =	strace $0x9FFFFFFF  }
0xc5: {  	(tm) =	ssettm $0x7FFFFFFF  }
tec
execute0_lowered:
.L_overlay_start_1:
0x0: {  	(tag) =	ssettag $0x1  }
0x1: {  	s0 =	rddreg [dreg:$0x0]  }
0x2: {  	s2 =	rddreg [dreg:$0x1]  }
0x3: {  	s1 =	srdreg.scid;
	s3 =	rddreg [dreg:$0x2]  }
0x4: {  	s11 =	stileid.u32;
	s4 =	rddreg [dreg:$0x3];
	s8 =	simm.s32 $0x0  }
0x5: {  	s28 =	simm.s32 $0x9;
	s29 =	simm.s32 $0x1;
	s30 =	simm.s32 $0x1400  }
0x6: {  	s31 =	simm.s32 $0xF000;
	s12 =	simm.s32 $0x4;
	s13 =	simm.s32 $0x12C00  }
0x7: {  	s14 =	simm.s32 $0x6;
	s1 =	sand.u32 $0x1, s1;
	s7 =	sshll.u32 s11, $0x7  }
0x8: {  	[smem:$0x7FF] =	sst s8;
	s8 =	simm.s32 $0x11800;
	s5 =	sshll.u32 s1, $0x4  }
0x9: {  	s7 =	sand.u32 $0x380, s7;
	s5 =	sor.u32 s11, s5;
	s11 =	smul.u32 $0x6200, s11  }
0xa: {  	_ =	strace $0x80000047;
	s1 =	ssub.s32 $0x2, s1;
	s15 =	smul.u32 $0x500, s5  }
0xb: {  	s16 =	sshrl.u32 s1, $0x1;
	s6 =	sshrl.u32 s5, $0x3;
	s9 =	smul.u32 $0x280, s5  }
0xc: {  	s10 =	smul.u32 $0x1400, s5;
	p0 =	slt.u32 s5, $0x2;
	s1 =	ssub.s32 s1, s16  }
0xd: {  	s6 =	smul.u32 $0xC400, s6;
	s20 =	sshrl.u32 s11, $0x2;
	s1 =	smax.u32 s1, $0x1  }
0xe: {  	s11 =	simm.s32 $0x5;
	s17 =	sadd.s32 s0, s15;
	s18 =	sadd.s32 s2, s9  }
0xf: {  	s19 =	sadd.s32 $0x28000, s10;
	[dreg:$0xf] =	wrdreg s1;
	s1 =	simm.s32 $0x8  }
0x10: {  	s9 =	simm.s32 $0xC800;
	s15 =	simm.s32 $0x0;
	[dreg:$0x5] =	wrdreg s17  }
0x11: {  	s6 =	sor.u32 s7, s6;
	s7 =	simm.s32 $0x28;
	[dreg:$0x6] =	wrdreg s18  }
0x12: {  	s21 =	sshrl.u32 s19, $0x2;
	s6 =	sshrl.u32 s6, $0x3;
	s7 =	simm.s32 @!p0 $0x27  }
0x13: {  	s22 =	sadd.s32 s0, s21;
	s3 =	sadd.s32 s6, s3;
	s6 =	sshrl.u32 s19, $0x3  }
0x14: {  	s19 =	sadd.s32 s20, s4;
	[dreg:$0x8] =	wrdreg s22;
	s16 =	sadd.s32 $0xFFFFFFFF, s7  }
0x15: {  	s17 =	sadd.s32 $0xFFFFFFFE, s7;
	s6 =	sadd.s32 s2, s6;
	[dreg:$0x7] =	wrdreg s19  }
0x16: {  	s18 =	sadd.s32 $0xFFFFFFFD, s7;
	s23 =	sadd.s32 $0x620, s19;
	[dreg:$0x9] =	wrdreg s6  }
0x17: {  	s26 =	sand.u32 $0x2, s7;
	s24 =	sadd.s32 $0xC40, s19;
	[dreg:$0xa] =	wrdreg s23  }
0x18: {  	s25 =	sadd.s32 $0x1260, s19;
	p0 =	seq.s32 s26, $0x0;
	[dreg:$0xb] =	wrdreg s24  }
.Ltmp0:
0x19: {  	s3 =	sadd.s32 $0x1A00, s3;
	[dreg:$0xc] =	wrdreg s25;
	(pc) =	sbr.rel .LBB2_1-.Ltmp0, $4  }
0x1a: {  	s26 =	simm.s32 $0xDC00;
	[dreg:$0xd] =	wrdreg s3;
	s3 =	simm.s32 $0x7  }
0x1b: {  	s1 =	simm.s32 @!p0 $0x7;
	s23 =	simm.s32 $0xA000;
	s25 =	simm.s32 $0xB400  }
0x1c: {  	s24 =	simm.s32 $0x3;
	s3 =	simm.s32 @!p0 $0x6;
	[dreg:$0x10] =	wrdreg s1  }
0x1d: {  	v0 =	vimm.f32 $0.0e+00;
	s1 =	simm.s32 $0x10400;
	[dreg:$0xe] =	wrdreg s3;
	s3 =	simm.s32 $0x2  }
.LBB2_21:
0x1e: {  	s6 =	rddreg [dreg:$0xe]  }
0x1f: {  	_ =	swait.ge [sflag:s6], $0x1400  }
0x20: {  	[sflag:s6] =	ssyncset.done $0x0  }
0x21: {  	s20 =	rddreg [dreg:$0x10];
	[sflag:s6] =	ssyncadd.s32 $0xFFFFEC00  }
0x22: {  	_ =	swait.ge [sflag:s20], $0x1400  }
0x23: {  	[sflag:s20] =	ssyncset.done $0x0  }
0x24: {  	[sflag:s20] =	ssyncadd.s32 $0xFFFFEC00  }
0x25: {  	s21 =	stileid.u32;
	s22 =	simm.s32 $0x10;
	[bflag:$0x0] =	sbarrier.arrive $0xFFFF  }
0x26: {  	s6 =	sshll.u32 s21, $0x6;
	s21 =	simm.s32 $0x80;
	s19 =	rddreg [dreg:$0x7]  }
0x27: {  	s6 =	sor.u32 $0x1C09, s6;
	s20 =	rddreg [dreg:$0xd];
	s10 =	sshrl.u32 s19, $0x3  }
0x28: {  	[hbm:s20@s21], [sflag:s6] =	dma.strided [spmem:s10@s22], $0x310, s29, $0x10   }
0x29: {  	_ =	swait.ge [sflag:s28], $0x310  }
0x2a: {  	s15 =	sadd.s32 $0x1, s15;
	s22 =	rddreg [dreg:$0xf]  }
0x2b: {  	p0 =	sne.s32 s15, s22  }
.Ltmp1:
0x2c: {  	_ = 	snop;
	(pc) =	sbr.rel @!p0 .LBB2_22-.Ltmp1, $3  }
0x2d: {  	_ =	sdelay $0x1  }
0x2e: {  	[sflag:s28] =	ssyncset.done $0x0  }
0x2f: {  	[sflag:s28] =	ssyncadd.s32 $0xFFFFFCF0  }
.LBB2_1:
0x30: {  	s6 =	simm.s32 $0x0;
	s10 =	rddreg [dreg:$0x5]  }
0x31: {  	[tilespmem:s6], [sflag:$0x1] =	stream.linear.gather [hbm4b:s10+s6], $0x2800, $0x38;
	[tilespmem:$0x15880] =	vst v63  }
0x32: {  	s20 =	rddreg [dreg:$0x6]  }
0x33: {  	[tilespmem:s23], [sflag:$0x1] =	stream.linear.gather [hbm4b:s20+s6], $0x1400, $0x38;
	[tilespmem:$0x15880] =	vst v63  }
0x34: {  	s21 =	rddreg [dreg:$0x8];
	s20 =	simm.s32 $0x2800  }
0x35: {  	[tilespmem:s20], [sflag:$0x2] =	stream.linear.gather [hbm4b:s21+s6], $0x2800, $0x38;
	[tilespmem:$0x15880] =	vst v63  }
0x36: {  	s22 =	rddreg [dreg:$0x9]  }
0x37: {  	[tilespmem:s25], [sflag:$0x2] =	stream.linear.gather [hbm4b:s22+s6], $0x1400, $0x38;
	[tilespmem:$0x15880] =	vst v63  }
0x38: {  	s10 =	simm.s32 $0x0;
	s6 =	simm.s32 $0x40  }
.LBB2_2:
0x39: {  	p0 =	sne.s32 s6, $0x1840;
	[tilespmem:s10+$0xDC00] =	vst v0;
	s10 =	smov.u32 s6;
	s6 =	sadd.s32 $0x40, s6  }
.Ltmp2:
0x3a: {  	(pc) =	sbr.rel @p0 .LBB2_2-.Ltmp2, $2  }
0x3b: {  	_ =	sdelay $0x2  }
0x3c: {  	s10 =	sshra.s32 s10, $0x2  }
0x3d: {  	[tilespmem:s10+$0xDC00] =	vst v0  }
0x3e: {  	[spmem:s19] =	stream.linear.scatter [tilespmem:s26], [sflag:$0x9], $0x620, $0x38;
	[tilespmem:$0x15880] =	vst v63  }
0x3f: {  	_ =	swait.ge [sflag:s28], $0x620  }
0x40: {  	[sflag:s28] =	ssyncset.done $0x0  }
0x41: {  	s6 =	rddreg [dreg:$0xa];
	[sflag:s28] =	ssyncadd.s32 $0xFFFFF9E0  }
0x42: {  	[spmem:s6] =	stream.linear.scatter [tilespmem:s26], [sflag:$0x9], $0x620, $0x38;
	[tilespmem:$0x15880] =	vst v63  }
0x43: {  	_ =	swait.ge [sflag:s28], $0x620  }
0x44: {  	[sflag:s28] =	ssyncset.done $0x0  }
0x45: {  	s21 =	rddreg [dreg:$0xb];
	[sflag:s28] =	ssyncadd.s32 $0xFFFFF9E0  }
0x46: {  	[spmem:s21] =	stream.linear.scatter [tilespmem:s26], [sflag:$0x9], $0x620, $0x38;
	[tilespmem:$0x15880] =	vst v63  }
0x47: {  	_ =	swait.ge [sflag:s28], $0x620  }
0x48: {  	[sflag:s28] =	ssyncset.done $0x0  }
0x49: {  	s22 =	rddreg [dreg:$0xc];
	[sflag:s28] =	ssyncadd.s32 $0xFFFFF9E0  }
0x4a: {  	[spmem:s22] =	stream.linear.scatter [tilespmem:s26], [sflag:$0x9], $0x620, $0x38;
	[tilespmem:$0x15880] =	vst v63  }
.Ltmp3:
0x4b: {  	_ =	swait.ge [sflag:s28], $0x620;
	(pc) =	sbr.rel .LBB2_4-.Ltmp3, $4  }
0x4c: {  	[sflag:s28] =	ssyncset.done $0x0  }
0x4d: {  	[sflag:s28] =	ssyncadd.s32 $0xFFFFF9E0  }
0x4e: {  	[bflag:$0x0] =	sbarrier.arrive $0xFFFF  }
0x4f: {  	s19 =	simm.s32 $0x0  }
.LBB2_20:
0x50: {  	s19 =	sadd.s32 $0x1, s19  }
0x51: {  	p0 =	sne.s32 s19, $0xA  }
.Ltmp4:
0x52: {  	_ = 	snop;
	(pc) =	sbr.rel @!p0 .LBB2_21-.Ltmp4, $1  }
0x53: {  	_ =	sdelay $0x3  }
.LBB2_4:
0x54: {  	s21 =	sshll.u32 s19, $0x2  }
0x55: {  	p0 =	sge.u32 s21, s7  }
.Ltmp5:
0x56: {  	_ = 	snop;
	(pc) =	sbr.rel @p0 .LBB2_8-.Ltmp5, $1  }
0x57: {  	_ =	sdelay $0x3  }
0x58: {  	_ =	swait.ge [sflag:s29], $0x2800  }
0x59: {  	[sflag:s29] =	ssyncset.done $0x0  }
0x5a: {  	[sflag:s29] =	ssyncadd.s32 $0xFFFFD800  }
0x5b: {  	_ =	swait.ge [sflag:s29], $0x1400  }
0x5c: {  	[sflag:s29] =	ssyncset.done $0x0  }
0x5d: {  	s20 =	simm.s32 $0xF0;
	[sflag:s29] =	ssyncadd.s32 $0xFFFFEC00  }
0x5e: {  	v4 =	vld [tilespmem:s20+$0x0]  }
0x5f: {  	v5 =	vld [tilespmem:s20+$0xFFFFFFA0]  }
0x60: {  	v6 =	vld [tilespmem:s20+$0xFFFFFFB0]  }
0x61: {  	v1 =	vld [tilespmem:s20+$0xFFFFFFC0]  }
0x62: {  	s6 =	simm.s32 $0xF040;
	v2 =	vld [tilespmem:s20+$0xFFFFFFD0]  }
0x63: {  	v3 =	vld [tilespmem:s20+$0xFFFFFFE0];
	[tilespmem:s6+$0x30] =	vst v4  }
0x64: {  	[tilespmem:s6+$0xFFFFFFD0] =	vst v5;
	v4 =	vld [tilespmem:s20+$0xFFFFFFF0]  }
0x65: {  	s10 =	simm.s32 $0x0;
	v5 =	vld [tilespmem:s20+$0xFFFFFF90];
	[tilespmem:s6+$0xFFFFFFE0] =	vst v6;
	s20 =	simm.s32 $0x1F0  }
.LBB2_6:
0x66: {  	v6 =	vld [tilespmem:s20+$0x0];
	s10 =	sadd.s32 $0x8, s10;
	[tilespmem:s6+$0xFFFFFFF0] =	vst v1  }
0x67: {  	v7 =	vld [tilespmem:s20+$0xFFFFFFA0];
	p0 =	slt.u32 s10, $0x138;
	[tilespmem:s6+$0x0] =	vst v2  }
0x68: {  	v8 =	vld [tilespmem:s20+$0xFFFFFFB0];
	[tilespmem:s6+$0x10] =	vst v3  }
.Ltmp6:
0x69: {  	v1 =	vld [tilespmem:s20+$0xFFFFFFC0];
	[tilespmem:s6+$0x20] =	vst v4;
	(pc) =	sbr.rel @p0 .LBB2_6-.Ltmp6, $4  }
0x6a: {  	v2 =	vld [tilespmem:s20+$0xFFFFFFD0];
	[tilespmem:s6+$0xFFFFFFC0] =	vst v5;
	s6 =	sadd.s32 $0x80, s6  }
0x6b: {  	v3 =	vld [tilespmem:s20+$0xFFFFFFE0];
	[tilespmem:s6+$0x30] =	vst v6  }
0x6c: {  	[tilespmem:s6+$0xFFFFFFD0] =	vst v7;
	v4 =	vld [tilespmem:s20+$0xFFFFFFF0]  }
0x6d: {  	v5 =	vld [tilespmem:s20+$0xFFFFFF90];
	[tilespmem:s6+$0xFFFFFFE0] =	vst v8;
	s20 =	sadd.s32 $0x100, s20  }
0x6e: {  	[tilespmem:s6+$0xFFFFFFF0] =	vst v1  }
0x6f: {  	[tilespmem:s6+$0x0] =	vst v2  }
0x70: {  	[tilespmem:s6+$0x10] =	vst v3  }
0x71: {  	[tilespmem:s6+$0x20] =	vst v4  }
0x72: {  	[tilespmem:s6+$0xFFFFFFC0] =	vst v5;
	s6 =	sor.u32 $0x2, s21  }
0x73: {  	[spmem:s4] =	stream.indirect.scatter.add.f32 [tilespmem:s23], [sflag:$0x5], $0x1, s31, s30, $0xb8;
	[tilespmem:$0x15880] =	vst v63  }
0x74: {  	p1 =	seq.s32 s19, $0x0;
	p0 =	sge.u32 s6, s7  }
0x75: {  	s10 =	simm.s32 @!p1 $0x7;
	s6 =	sshll.u32 @!p0 s6, $0x5  }
0x76: {  	_ =	swait.ge @!p1 [sflag:s10], $0x1400;
	s6 =	sor.u32 @!p0 s5, s6  }
0x77: {  	[sflag:s10] =	ssyncset.done @!p1 $0x0;
	s20 =	smul.u32 @!p0 $0x500, s6  }
0x78: {  	s22 =	simm.s32 @!p0 $0x5000;
	[sflag:s10] =	ssyncadd.s32 @!p1 $0xFFFFEC00  }
0x79: {  	s6 =	smul.u32 @!p0 $0x280, s6;
	s10 =	sadd.s32 @!p0 s0, s20;
	s20 =	simm.s32 @!p0 $0x0  }
0x7a: {  	[tilespmem:s22], [sflag:$0x3] =	stream.linear.gather @!p0 [hbm4b:s10+s20], $0x2800, $0x38;
	[tilespmem:$0x15880] =	vst v63  }
0x7b: {  	s6 =	sadd.s32 @!p0 s2, s6;
	s10 =	simm.s32 @!p0 $0xC800  }
0x7c: {  	[tilespmem:s10], [sflag:$0x3] =	stream.linear.gather @!p0 [hbm4b:s6+s20], $0x1400, $0x38;
	[tilespmem:$0x15880] =	vst v63  }
.LBB2_8:
0x7d: {  	p0 =	sge.u32 s21, s16  }
.Ltmp7:
0x7e: {  	_ = 	snop;
	(pc) =	sbr.rel @p0 .LBB2_12-.Ltmp7, $1  }
0x7f: {  	_ =	sdelay $0x3  }
0x80: {  	_ =	swait.ge [sflag:s3], $0x2800  }
0x81: {  	[sflag:s3] =	ssyncset.done $0x0  }
0x82: {  	[sflag:s3] =	ssyncadd.s32 $0xFFFFD800  }
0x83: {  	_ =	swait.ge [sflag:s3], $0x1400  }
0x84: {  	[sflag:s3] =	ssyncset.done $0x0  }
0x85: {  	s20 =	simm.s32 $0x28F0;
	[sflag:s3] =	ssyncadd.s32 $0xFFFFEC00  }
0x86: {  	v4 =	vld [tilespmem:s20+$0x0]  }
0x87: {  	v5 =	vld [tilespmem:s20+$0xFFFFFFA0]  }
0x88: {  	v6 =	vld [tilespmem:s20+$0xFFFFFFB0]  }
0x89: {  	v1 =	vld [tilespmem:s20+$0xFFFFFFC0]  }
0x8a: {  	s6 =	simm.s32 $0x10440;
	v2 =	vld [tilespmem:s20+$0xFFFFFFD0]  }
0x8b: {  	v3 =	vld [tilespmem:s20+$0xFFFFFFE0];
	[tilespmem:s6+$0x30] =	vst v4  }
0x8c: {  	[tilespmem:s6+$0xFFFFFFD0] =	vst v5;
	v4 =	vld [tilespmem:s20+$0xFFFFFFF0]  }
0x8d: {  	s10 =	simm.s32 $0x0;
	v5 =	vld [tilespmem:s20+$0xFFFFFF90];
	[tilespmem:s6+$0xFFFFFFE0] =	vst v6;
	s20 =	simm.s32 $0x29F0  }
.LBB2_10:
0x8e: {  	v6 =	vld [tilespmem:s20+$0x0];
	s10 =	sadd.s32 $0x8, s10;
	[tilespmem:s6+$0xFFFFFFF0] =	vst v1  }
0x8f: {  	v7 =	vld [tilespmem:s20+$0xFFFFFFA0];
	p0 =	slt.u32 s10, $0x138;
	[tilespmem:s6+$0x0] =	vst v2  }
0x90: {  	v8 =	vld [tilespmem:s20+$0xFFFFFFB0];
	[tilespmem:s6+$0x10] =	vst v3  }
.Ltmp8:
0x91: {  	v1 =	vld [tilespmem:s20+$0xFFFFFFC0];
	[tilespmem:s6+$0x20] =	vst v4;
	(pc) =	sbr.rel @p0 .LBB2_10-.Ltmp8, $4  }
0x92: {  	v2 =	vld [tilespmem:s20+$0xFFFFFFD0];
	[tilespmem:s6+$0xFFFFFFC0] =	vst v5;
	s6 =	sadd.s32 $0x80, s6  }
0x93: {  	v3 =	vld [tilespmem:s20+$0xFFFFFFE0];
	[tilespmem:s6+$0x30] =	vst v6  }
0x94: {  	[tilespmem:s6+$0xFFFFFFD0] =	vst v7;
	v4 =	vld [tilespmem:s20+$0xFFFFFFF0]  }
0x95: {  	v5 =	vld [tilespmem:s20+$0xFFFFFF90];
	[tilespmem:s6+$0xFFFFFFE0] =	vst v8;
	s20 =	sadd.s32 $0x100, s20  }
0x96: {  	[tilespmem:s6+$0xFFFFFFF0] =	vst v1  }
0x97: {  	[tilespmem:s6+$0x0] =	vst v2  }
0x98: {  	[tilespmem:s6+$0x10] =	vst v3  }
0x99: {  	[tilespmem:s6+$0x20] =	vst v4  }
0x9a: {  	[tilespmem:s6+$0xFFFFFFC0] =	vst v5;
	s6 =	sor.u32 $0x3, s21  }
0x9b: {  	[spmem:s4] =	stream.indirect.scatter.add.f32 [tilespmem:s25], [sflag:$0x6], $0x1, s1, s30, $0xb8;
	[tilespmem:$0x15880] =	vst v63  }
0x9c: {  	p1 =	seq.s32 s19, $0x0;
	p0 =	sge.u32 s6, s7  }
0x9d: {  	s10 =	simm.s32 @!p1 $0x8;
	s6 =	sshll.u32 @!p0 s6, $0x5  }
0x9e: {  	_ =	swait.ge @!p1 [sflag:s10], $0x1400;
	s6 =	sor.u32 @!p0 s5, s6  }
0x9f: {  	[sflag:s10] =	ssyncset.done @!p1 $0x0;
	s20 =	smul.u32 @!p0 $0x500, s6  }
0xa0: {  	s22 =	simm.s32 @!p0 $0x7800;
	[sflag:s10] =	ssyncadd.s32 @!p1 $0xFFFFEC00  }
0xa1: {  	s6 =	smul.u32 @!p0 $0x280, s6;
	s10 =	sadd.s32 @!p0 s0, s20;
	s20 =	simm.s32 @!p0 $0x0  }
0xa2: {  	[tilespmem:s22], [sflag:$0x4] =	stream.linear.gather @!p0 [hbm4b:s10+s20], $0x2800, $0x38;
	[tilespmem:$0x15880] =	vst v63  }
0xa3: {  	s6 =	sadd.s32 @!p0 s2, s6;
	s10 =	simm.s32 @!p0 $0xDC00  }
0xa4: {  	[tilespmem:s10], [sflag:$0x4] =	stream.linear.gather @!p0 [hbm4b:s6+s20], $0x1400, $0x38;
	[tilespmem:$0x15880] =	vst v63  }
.LBB2_12:
0xa5: {  	p0 =	sge.u32 s21, s17  }
.Ltmp9:
0xa6: {  	_ = 	snop;
	(pc) =	sbr.rel @p0 .LBB2_16-.Ltmp9, $1  }
0xa7: {  	_ =	sdelay $0x3  }
0xa8: {  	_ =	swait.ge [sflag:s24], $0x2800  }
0xa9: {  	[sflag:s24] =	ssyncset.done $0x0  }
0xaa: {  	[sflag:s24] =	ssyncadd.s32 $0xFFFFD800  }
0xab: {  	_ =	swait.ge [sflag:s24], $0x1400  }
0xac: {  	[sflag:s24] =	ssyncset.done $0x0  }
0xad: {  	s20 =	simm.s32 $0x50F0;
	[sflag:s24] =	ssyncadd.s32 $0xFFFFEC00  }
0xae: {  	v4 =	vld [tilespmem:s20+$0x0]  }
0xaf: {  	v5 =	vld [tilespmem:s20+$0xFFFFFFA0]  }
0xb0: {  	v6 =	vld [tilespmem:s20+$0xFFFFFFB0]  }
0xb1: {  	v1 =	vld [tilespmem:s20+$0xFFFFFFC0]  }
0xb2: {  	s6 =	simm.s32 $0x11840;
	v2 =	vld [tilespmem:s20+$0xFFFFFFD0]  }
0xb3: {  	v3 =	vld [tilespmem:s20+$0xFFFFFFE0];
	[tilespmem:s6+$0x30] =	vst v4  }
0xb4: {  	[tilespmem:s6+$0xFFFFFFD0] =	vst v5;
	v4 =	vld [tilespmem:s20+$0xFFFFFFF0]  }
0xb5: {  	s10 =	simm.s32 $0x0;
	v5 =	vld [tilespmem:s20+$0xFFFFFF90];
	[tilespmem:s6+$0xFFFFFFE0] =	vst v6;
	s20 =	simm.s32 $0x51F0  }
.LBB2_14:
0xb6: {  	v6 =	vld [tilespmem:s20+$0x0];
	s10 =	sadd.s32 $0x8, s10;
	[tilespmem:s6+$0xFFFFFFF0] =	vst v1  }
0xb7: {  	v7 =	vld [tilespmem:s20+$0xFFFFFFA0];
	p0 =	slt.u32 s10, $0x138;
	[tilespmem:s6+$0x0] =	vst v2  }
0xb8: {  	v8 =	vld [tilespmem:s20+$0xFFFFFFB0];
	[tilespmem:s6+$0x10] =	vst v3  }
.Ltmp10:
0xb9: {  	v1 =	vld [tilespmem:s20+$0xFFFFFFC0];
	[tilespmem:s6+$0x20] =	vst v4;
	(pc) =	sbr.rel @p0 .LBB2_14-.Ltmp10, $4  }
0xba: {  	v2 =	vld [tilespmem:s20+$0xFFFFFFD0];
	[tilespmem:s6+$0xFFFFFFC0] =	vst v5;
	s6 =	sadd.s32 $0x80, s6  }
0xbb: {  	v3 =	vld [tilespmem:s20+$0xFFFFFFE0];
	[tilespmem:s6+$0x30] =	vst v6  }
0xbc: {  	[tilespmem:s6+$0xFFFFFFD0] =	vst v7;
	v4 =	vld [tilespmem:s20+$0xFFFFFFF0]  }
0xbd: {  	v5 =	vld [tilespmem:s20+$0xFFFFFF90];
	[tilespmem:s6+$0xFFFFFFE0] =	vst v8;
	s20 =	sadd.s32 $0x100, s20  }
0xbe: {  	[tilespmem:s6+$0xFFFFFFF0] =	vst v1  }
0xbf: {  	[tilespmem:s6+$0x0] =	vst v2  }
0xc0: {  	[tilespmem:s6+$0x10] =	vst v3  }
0xc1: {  	[tilespmem:s6+$0x20] =	vst v4  }
0xc2: {  	[tilespmem:s6+$0xFFFFFFC0] =	vst v5;
	s6 =	sadd.s32 $0x4, s21  }
0xc3: {  	[spmem:s4] =	stream.indirect.scatter.add.f32 [tilespmem:s9], [sflag:$0x7], $0x1, s8, s30, $0xb8;
	[tilespmem:$0x15880] =	vst v63  }
0xc4: {  	p0 =	sge.u32 s6, s7  }
0xc5: {  	s6 =	sshll.u32 @!p0 s6, $0x5  }
0xc6: {  	s6 =	sor.u32 @!p0 s5, s6  }
0xc7: {  	_ =	swait.ge [sflag:s11], $0x1400;
	s10 =	smul.u32 @!p0 $0x500, s6  }
0xc8: {  	s20 =	simm.s32 @!p0 $0x0;
	[sflag:s11] =	ssyncset.done $0x0  }
0xc9: {  	[sflag:s11] =	ssyncadd.s32 $0xFFFFEC00;
	s6 =	smul.u32 @!p0 $0x280, s6;
	s10 =	sadd.s32 @!p0 s0, s10  }
0xca: {  	[tilespmem:s20], [sflag:$0x1] =	stream.linear.gather @!p0 [hbm4b:s10+s20], $0x2800, $0x38;
	[tilespmem:$0x15880] =	vst v63  }
0xcb: {  	s6 =	sadd.s32 @!p0 s2, s6;
	s10 =	simm.s32 @!p0 $0xA000  }
0xcc: {  	[tilespmem:s10], [sflag:$0x1] =	stream.linear.gather @!p0 [hbm4b:s6+s20], $0x1400, $0x38;
	[tilespmem:$0x15880] =	vst v63  }
.LBB2_16:
0xcd: {  	p0 =	sge.u32 s21, s18  }
.Ltmp11:
0xce: {  	_ = 	snop;
	(pc) =	sbr.rel @p0 .LBB2_20-.Ltmp11, $1  }
0xcf: {  	_ =	sdelay $0x3  }
0xd0: {  	_ =	swait.ge [sflag:s12], $0x2800  }
0xd1: {  	[sflag:s12] =	ssyncset.done $0x0  }
0xd2: {  	[sflag:s12] =	ssyncadd.s32 $0xFFFFD800  }
0xd3: {  	_ =	swait.ge [sflag:s12], $0x1400  }
0xd4: {  	[sflag:s12] =	ssyncset.done $0x0  }
0xd5: {  	s20 =	simm.s32 $0x78F0;
	[sflag:s12] =	ssyncadd.s32 $0xFFFFEC00  }
0xd6: {  	v4 =	vld [tilespmem:s20+$0x0]  }
0xd7: {  	v5 =	vld [tilespmem:s20+$0xFFFFFFA0]  }
0xd8: {  	v6 =	vld [tilespmem:s20+$0xFFFFFFB0]  }
0xd9: {  	v1 =	vld [tilespmem:s20+$0xFFFFFFC0]  }
0xda: {  	s6 =	simm.s32 $0x12C40;
	v2 =	vld [tilespmem:s20+$0xFFFFFFD0]  }
0xdb: {  	v3 =	vld [tilespmem:s20+$0xFFFFFFE0];
	[tilespmem:s6+$0x30] =	vst v4  }
0xdc: {  	[tilespmem:s6+$0xFFFFFFD0] =	vst v5;
	v4 =	vld [tilespmem:s20+$0xFFFFFFF0]  }
0xdd: {  	s10 =	simm.s32 $0x0;
	v5 =	vld [tilespmem:s20+$0xFFFFFF90];
	[tilespmem:s6+$0xFFFFFFE0] =	vst v6;
	s20 =	simm.s32 $0x79F0  }
.LBB2_18:
0xde: {  	v6 =	vld [tilespmem:s20+$0x0];
	s10 =	sadd.s32 $0x8, s10;
	[tilespmem:s6+$0xFFFFFFF0] =	vst v1  }
0xdf: {  	v7 =	vld [tilespmem:s20+$0xFFFFFFA0];
	p0 =	slt.u32 s10, $0x138;
	[tilespmem:s6+$0x0] =	vst v2  }
0xe0: {  	v8 =	vld [tilespmem:s20+$0xFFFFFFB0];
	[tilespmem:s6+$0x10] =	vst v3  }
.Ltmp12:
0xe1: {  	v1 =	vld [tilespmem:s20+$0xFFFFFFC0];
	[tilespmem:s6+$0x20] =	vst v4;
	(pc) =	sbr.rel @p0 .LBB2_18-.Ltmp12, $4  }
0xe2: {  	v2 =	vld [tilespmem:s20+$0xFFFFFFD0];
	[tilespmem:s6+$0xFFFFFFC0] =	vst v5;
	s6 =	sadd.s32 $0x80, s6  }
0xe3: {  	v3 =	vld [tilespmem:s20+$0xFFFFFFE0];
	[tilespmem:s6+$0x30] =	vst v6  }
0xe4: {  	[tilespmem:s6+$0xFFFFFFD0] =	vst v7;
	v4 =	vld [tilespmem:s20+$0xFFFFFFF0]  }
0xe5: {  	v5 =	vld [tilespmem:s20+$0xFFFFFF90];
	[tilespmem:s6+$0xFFFFFFE0] =	vst v8;
	s20 =	sadd.s32 $0x100, s20  }
0xe6: {  	[tilespmem:s6+$0xFFFFFFF0] =	vst v1  }
0xe7: {  	[tilespmem:s6+$0x0] =	vst v2  }
0xe8: {  	[tilespmem:s6+$0x10] =	vst v3  }
0xe9: {  	[tilespmem:s6+$0x20] =	vst v4  }
0xea: {  	[tilespmem:s6+$0xFFFFFFC0] =	vst v5;
	s6 =	sadd.s32 $0x5, s21  }
0xeb: {  	[spmem:s4] =	stream.indirect.scatter.add.f32 [tilespmem:s26], [sflag:$0x8], $0x1, s13, s30, $0xb8;
	[tilespmem:$0x15880] =	vst v63  }
0xec: {  	p0 =	sge.u32 s6, s7  }
0xed: {  	s6 =	sshll.u32 @!p0 s6, $0x5  }
0xee: {  	s6 =	sor.u32 @!p0 s5, s6  }
0xef: {  	_ =	swait.ge [sflag:s14], $0x1400;
	s20 =	simm.s32 @!p0 $0x0;
	s10 =	smul.u32 @!p0 $0x500, s6  }
.Ltmp13:
0xf0: {  	s21 =	simm.s32 @!p0 $0x2800;
	[sflag:s14] =	ssyncset.done $0x0;
	(pc) =	sbr.rel .LBB2_20-.Ltmp13, $4  }
0xf1: {  	[sflag:s14] =	ssyncadd.s32 $0xFFFFEC00;
	s6 =	smul.u32 @!p0 $0x280, s6;
	s10 =	sadd.s32 @!p0 s0, s10  }
0xf2: {  	[tilespmem:s21], [sflag:$0x2] =	stream.linear.gather @!p0 [hbm4b:s10+s20], $0x2800, $0x38;
	[tilespmem:$0x15880] =	vst v63  }
0xf3: {  	s6 =	sadd.s32 @!p0 s2, s6;
	s10 =	simm.s32 @!p0 $0xB400  }
0xf4: {  	[tilespmem:s10], [sflag:$0x2] =	stream.linear.gather @!p0 [hbm4b:s6+s20], $0x1400, $0x38;
	[tilespmem:$0x15880] =	vst v63  }
.LBB2_22:
0xf5: {  	_ =	sfence.sel $0x180000  }
0xf6: {  	[bflag:$0x0] =	sbarrier.arrive $0xFFFF  }
0xf7: {  	_ =	strace $0x90000047  }
0xf8: {  	s0 =	stileid.u32;
	[bflag:$0x2] =	sbarrier.arrive $0xFFFF  }
0xf9: {  	p0 =	sne.s32 s0, $0x0;
	s0 =	rddreg [dreg:$0x4]  }
0xfa: {  	s0 =	sadd.s32 @!p0 $0x100000, s0  }
0xfb: {  	[sflag:s0] =	ssyncadd.tile.s32 @!p0 $0x1;
	_ =	shalt  }
.Lfunc_end2:
_tile_overlayer_lowered:
.L_overlay_start_2:
0xfc: {  	(tag) =	ssettag $0x2  }
0xfd: {  	s0 =	rddreg [dreg:$0x0];
	s2 =	stileid.u32  }
0xfe: {  	s1 =	rddreg [dreg:$0x1];
	p0 =	sne.s32 s2, $0x0  }
0xff: {  	s3 =	rddreg [dreg:$0x2];
	[bflag:$0x3] =	sbarrier.arrive $0xFFFF;
	s2 =	simm.s32 @!p0 $0x1C09  }
0x100: {  	[timem:s3], [sflag:s2] =	dma.local @!p0 [hbm:s0], s1  }
0x101: {  	s0 =	simm.s32 @!p0 $0x9  }
0x102: {  	_ =	swait.ge @!p0 [sflag:s0], s1  }
0x103: {  	s1 =	ssub.s32 @!p0 $0x0, s1;
	[sflag:s0] =	ssyncset.done @!p0 $0x0  }
0x104: {  	[sflag:s0] =	ssyncadd.s32 @!p0 s1  }
0x105: {  	[bflag:$0x3] =	sbarrier.arrive $0xFFFF  }
0x106: {  	_ =	shalt  }

</sc_bundles>
